<compile_context>
chip_gen: v7x
topology: tpu7x:2x2x1
jax: 0.10.2.dev20260603
libtpu: 0.0.44.dev20260713+nightly
codegen_flags: <defaults>
</compile_context>

<pallas_src>
import functools

import jax
import jax.numpy as jnp
from jax import lax
from jax.experimental import pallas as pl
from jax.experimental.pallas import tpu as pltpu
from jax.experimental.pallas import tpu_sc as plsc

N = 10000
E = 320000
H = 128
NF6 = 6
OUT_D = 264

NC = 2
NS = 16
NW = NC * NS
EPW = E // NW
B = 80
NCHUNK = EPW // B
L = 16


def _rsqrt(x):
    xi = lax.bitcast_convert_type(x, jnp.int32)
    yi = jnp.int32(0x5F3759DF) - lax.shift_right_logical(xi, 1)
    y = lax.bitcast_convert_type(yi, jnp.float32)
    xh = x * 0.5
    for _ in range(3):
        y = y * (1.5 - xh * y * y)
    return y


def _edge_body(row_hbm, col_hbm, weight_hbm, emb_hbm, feat6_hbm, out_hbm,
               ir0, ir1, ic0, ic1, wv0, wv1, feat6, pack0, pack1,
               sem_emb0, sem_emb1, sem_out0, sem_out1, sem_i0, sem_i1):
    wid = lax.axis_index("s") * NC + lax.axis_index("c")
    base0 = wid * EPW
    pltpu.sync_copy(feat6_hbm, feat6)

    idx = [(ir0, ic0, wv0, sem_i0), (ir1, ic1, wv1, sem_i1)]
    packs = [(pack0, sem_emb0, sem_out0), (pack1, sem_emb1, sem_out1)]

    def prefetch(g, s):
        ir, ic, wv, sem = idx[s]
        b = jnp.minimum(base0 + g * B, base0 + EPW - B)
        pltpu.async_copy(row_hbm.at[pl.ds(b, B)], ir, sem)
        pltpu.async_copy(col_hbm.at[pl.ds(b, B)], ic, sem)
        pltpu.async_copy(weight_hbm.at[pl.ds(b, B)], wv, sem)

    def drain_prefetch(s):
        ir, ic, wv, sem = idx[s]
        pltpu.make_async_copy(row_hbm.at[pl.ds(0, B)], ir, sem).wait()
        pltpu.make_async_copy(col_hbm.at[pl.ds(0, B)], ic, sem).wait()
        pltpu.make_async_copy(weight_hbm.at[pl.ds(0, B)], wv, sem).wait()

    def gather(s):
        ir, ic, _, _ = idx[s]
        pack, sem_emb, _ = packs[s]
        pltpu.async_copy(emb_hbm.at[ir], pack.at[:, pl.ds(0, H)], sem_emb)
        pltpu.async_copy(emb_hbm.at[ic], pack.at[:, pl.ds(H, H)], sem_emb)

    def wait_gather(s):
        ir, ic, _, _ = idx[s]
        pack, sem_emb, _ = packs[s]
        pltpu.make_async_copy(
            emb_hbm.at[ir], pack.at[:, pl.ds(0, H)], sem_emb).wait()
        pltpu.make_async_copy(
            emb_hbm.at[ic], pack.at[:, pl.ds(H, H)], sem_emb).wait()

    def drain_out(s):
        pack, _, sem_out = packs[s]
        pltpu.make_async_copy(out_hbm.at[pl.ds(0, B)], pack, sem_out).wait()

    def chunk(g, s, drain):
        pack, _, sem_out = packs[s]
        ir, ic, wv, _ = idx[s]
        base = base0 + g * B

        for grp in range(B // L):
            e0 = grp * L
            ni = ir[pl.ds(e0, L)] * NF6
            nj = ic[pl.ds(e0, L)] * NF6

            def gcol(nidx, c):
                return plsc.load_gather(feat6, [nidx + c])

            fa = [gcol(ni, c) for c in range(6)]
            fb = [gcol(nj, c) for c in range(6)]
            dot = fa[0] * fb[0] + fa[1] * fb[1] + fa[2] * fb[2] + fa[3] * fb[3]
            si = fa[0] * fa[0] + fa[1] * fa[1] + fa[2] * fa[2] + fa[3] * fa[3]
            sj = fb[0] * fb[0] + fb[1] * fb[1] + fb[2] * fb[2] + fb[3] * fb[3]
            sim = dot * _rsqrt(jnp.maximum(si, 1e-16)) * _rsqrt(jnp.maximum(sj, 1e-16))
            dx = fa[4] - fb[4]
            dy = fa[5] - fb[5]
            r = _rsqrt(dx * dx + dy * dy + 1e-12)
            w = jnp.abs(wv[pl.ds(e0, L)])
            vals = [w, sim, dx, dy, jnp.abs(dx), jnp.abs(dy), dx * r, dy * r]
            ei = lax.iota(jnp.int32, L) + e0
            for k, v in enumerate(vals):
                kk = jnp.full((L,), 2 * H + k, jnp.int32)
                plsc.store_scatter(pack, [ei, kk], v)

        if drain:
            drain_out(1 - s)
        drain_prefetch(1 - s)
        gather(1 - s)
        wait_gather(s)
        prefetch(g + 2, s)
        pltpu.async_copy(pack, out_hbm.at[pl.ds(base, B)], sem_out)

    prefetch(0, 0)
    drain_prefetch(0)
    gather(0)
    prefetch(1, 1)

    chunk(0, 0, drain=False)

    def pair(p, carry):
        chunk(2 * p + 1, 1, drain=True)
        chunk(2 * p + 2, 0, drain=True)
        return carry

    lax.fori_loop(0, (NCHUNK - 1) // 2, pair, 0)

    drain_out(0)
    wait_gather(1)
    drain_prefetch(0)


@jax.jit
def _encode(node_embeddings, row, col, edge_weight, feat6):
    mesh = plsc.VectorSubcoreMesh(core_axis_name="c", subcore_axis_name="s")
    k = pl.kernel(
        _edge_body,
        out_type=jax.ShapeDtypeStruct((E, OUT_D), jnp.float32),
        mesh=mesh,
        scratch_types=[
            pltpu.VMEM((B,), jnp.int32),
            pltpu.VMEM((B,), jnp.int32),
            pltpu.VMEM((B,), jnp.int32),
            pltpu.VMEM((B,), jnp.int32),
            pltpu.VMEM((B,), jnp.float32),
            pltpu.VMEM((B,), jnp.float32),
            pltpu.VMEM((N * NF6,), jnp.float32),
            pltpu.VMEM((B, OUT_D), jnp.float32),
            pltpu.VMEM((B, OUT_D), jnp.float32),
            pltpu.SemaphoreType.DMA,
            pltpu.SemaphoreType.DMA,
            pltpu.SemaphoreType.DMA,
            pltpu.SemaphoreType.DMA,
            pltpu.SemaphoreType.DMA,
            pltpu.SemaphoreType.DMA,
        ],
        compiler_params=pltpu.CompilerParams(needs_layout_passes=False),
    )
    return k(row, col, edge_weight, node_embeddings, feat6)


def kernel(node_embeddings, edge_index, edge_weight, node_features):
    row = edge_index[0]
    col = edge_index[1]
    feat6 = node_features[:, :NF6].reshape(-1)
    return _encode(node_embeddings, row, col, edge_weight, feat6)

# --- scband reference (transcript-rebuilt; emitter-appended) ---
"""Pipeline reference for scband-edge-feature-encoder-82343112998935 (READ-ONLY COPY).

The authoritative reference and input builder live on the scoring server;
editing this copy changes nothing except your own understanding.
"""

import jax, jax.numpy as jnp
import numpy as np


def setup_inputs(seed: int = 0) -> dict:
    key = jax.random.key(seed)
    k1, k2, k3, k4 = jax.random.split(key, 4)
    N, E, H, F = 10000, 320000, 128, 16
    node_embeddings = jax.random.normal(k1, (N, H), dtype=jnp.float32)
    edge_index = jax.random.randint(k2, (2, E), 0, N, dtype=jnp.int32)
    edge_weight = jax.random.normal(k3, (E,), dtype=jnp.float32)
    node_features = jax.random.normal(k4, (N, F), dtype=jnp.float32)
    return {
        "node_embeddings": node_embeddings,
        "edge_index": edge_index,
        "edge_weight": edge_weight,
        "node_features": node_features,
    }


def reference(node_embeddings, edge_index, edge_weight, node_features):
    row = edge_index[0]
    col = edge_index[1]
    # gather source / target node embeddings
    node_i = jnp.take(node_embeddings, row, axis=0)
    node_j = jnp.take(node_embeddings, col, axis=0)
    features = [node_i, node_j]
    # edge weight feature
    w = jnp.abs(edge_weight)[:, None]
    features.append(w)
    # physical similarity (cosine similarity over first 4 feature channels)
    phys_i = jnp.take(node_features, row, axis=0)[:, :4]
    phys_j = jnp.take(node_features, col, axis=0)[:, :4]
    dot = jnp.sum(phys_i * phys_j, axis=1)
    ni = jnp.maximum(jnp.sqrt(jnp.sum(phys_i * phys_i, axis=1)), 1e-8)
    nj = jnp.maximum(jnp.sqrt(jnp.sum(phys_j * phys_j, axis=1)), 1e-8)
    sim = (dot / (ni * nj))[:, None]
    features.append(sim)
    # direction features (from coordinate channels 4:6)
    ci = jnp.take(node_features, row, axis=0)[:, 4:6]
    cj = jnp.take(node_features, col, axis=0)[:, 4:6]
    dxy = ci - cj
    dx = dxy[:, 0:1]
    dy = dxy[:, 1:2]
    adx = jnp.abs(dx)
    ady = jnp.abs(dy)
    dn = jnp.sqrt(dx * dx + dy * dy + 1e-12)
    udx = dx / dn
    udy = dy / dn
    dir_feat = jnp.concatenate([dx, dy, adx, ady, udx, udy], axis=1)
    features.append(dir_feat)
    return jnp.concatenate(features, axis=1)

if __name__ == "__main__":
    import jax
    _d = setup_inputs()
    print(jax.jit(kernel)(*tuple(_d.values())))

</pallas_src>

<mosaic_0001>
#map = affine_map<(d0, d1) -> (0)>
#map1 = affine_map<(d0, d1) -> (0, 0)>
module attributes {stable_mosaic.version = 14 : i64} {
  func.func @_edge_body(%arg0: i32, %arg1: i32, %arg2: memref<320000xi32, #tpu.memory_space<hbm>>, %arg3: memref<320000xi32, #tpu.memory_space<hbm>>, %arg4: memref<320000xf32, #tpu.memory_space<hbm>>, %arg5: memref<10000x128xf32, #tpu.memory_space<hbm>>, %arg6: memref<60000xf32, #tpu.memory_space<hbm>>, %arg7: memref<320000x264xf32, #tpu.memory_space<hbm>>, %arg8: memref<80xi32, #tpu.memory_space<vmem>>, %arg9: memref<80xi32, #tpu.memory_space<vmem>>, %arg10: memref<80xi32, #tpu.memory_space<vmem>>, %arg11: memref<80xi32, #tpu.memory_space<vmem>>, %arg12: memref<80xf32, #tpu.memory_space<vmem>>, %arg13: memref<80xf32, #tpu.memory_space<vmem>>, %arg14: memref<60000xf32, #tpu.memory_space<vmem>>, %arg15: memref<80x264xf32, #tpu.memory_space<vmem>>, %arg16: memref<80x264xf32, #tpu.memory_space<vmem>>, %arg17: memref<!tpu.dma_semaphore, #tpu.memory_space<semaphore_mem>>, %arg18: memref<!tpu.dma_semaphore, #tpu.memory_space<semaphore_mem>>, %arg19: memref<!tpu.dma_semaphore, #tpu.memory_space<semaphore_mem>>, %arg20: memref<!tpu.dma_semaphore, #tpu.memory_space<semaphore_mem>>, %arg21: memref<!tpu.dma_semaphore, #tpu.memory_space<semaphore_mem>>, %arg22: memref<!tpu.dma_semaphore, #tpu.memory_space<semaphore_mem>>) attributes {dimension_semantics = [#tpu.dimension_semantics<core_parallel>, #tpu.dimension_semantics<subcore_parallel>], iteration_bounds = array<i64: 2, 16>, scalar_prefetch = 0 : i64, scratch_operands = 15 : i64, tpu.core_type = #tpu.core_type<sc_vector_subcore>, window_params = [{transform_indices = #map}, {transform_indices = #map}, {transform_indices = #map}, {transform_indices = #map1}, {transform_indices = #map}, {transform_indices = #map1}]} {
    %mul3A = arith.constant 2 : i32
    %mul3A_0 = arith.muli %arg1, %mul3A : i32
    %add3A = arith.addi %mul3A_0, %arg0 : i32
    %mul3A_1 = arith.constant 10000 : i32
    %mul3A_2 = arith.muli %add3A, %mul3A_1 : i32
    "tpu.region"() ({
      %run_scoped3A = tpu.sem_alloc : memref<!tpu.dma_semaphore, #tpu.memory_space<semaphore_mem>>
      tpu.enqueue_dma source(%arg6 : memref<60000xf32, #tpu.memory_space<hbm>>) target(%arg14 : memref<60000xf32, #tpu.memory_space<vmem>>) target_semaphore(%run_scoped3A : memref<!tpu.dma_semaphore, #tpu.memory_space<semaphore_mem>>)
      tpu.wait_dma2 semaphore(%run_scoped3A : memref<!tpu.dma_semaphore, #tpu.memory_space<semaphore_mem>>) src(%arg6 : memref<60000xf32, #tpu.memory_space<hbm>>) dst(%arg14 : memref<60000xf32, #tpu.memory_space<vmem>>)
      tpu.yield
    }) : () -> ()
    %add3A_3 = arith.constant 0 : i32
    %add3A_4 = arith.addi %mul3A_2, %add3A_3 : i32
    %add3A_5 = arith.constant 10000 : i32
    %add3A_6 = arith.addi %mul3A_2, %add3A_5 : i32
    %sub3A = arith.constant 80 : i32
    %sub3A_7 = arith.subi %add3A_6, %sub3A : i32
    %min3A = arith.minsi %add3A_4, %sub3A_7 : i32
    %dma_start3A = tpu.memref_slice %arg2[%min3A] : memref<320000xi32, #tpu.memory_space<hbm>> -> memref<80xi32, #tpu.memory_space<hbm>>
    %dma_start3A_8 = tpu.memref_slice %arg2[%min3A] : memref<320000xi32, #tpu.memory_space<hbm>> -> memref<80xi32, #tpu.memory_space<hbm>>
    tpu.enqueue_dma source(%dma_start3A_8 : memref<80xi32, #tpu.memory_space<hbm>>) target(%arg8 : memref<80xi32, #tpu.memory_space<vmem>>) target_semaphore(%arg21 : memref<!tpu.dma_semaphore, #tpu.memory_space<semaphore_mem>>)
    %dma_start3A_9 = tpu.memref_slice %arg3[%min3A] : memref<320000xi32, #tpu.memory_space<hbm>> -> memref<80xi32, #tpu.memory_space<hbm>>
    %dma_start3A_10 = tpu.memref_slice %arg3[%min3A] : memref<320000xi32, #tpu.memory_space<hbm>> -> memref<80xi32, #tpu.memory_space<hbm>>
    tpu.enqueue_dma source(%dma_start3A_10 : memref<80xi32, #tpu.memory_space<hbm>>) target(%arg10 : memref<80xi32, #tpu.memory_space<vmem>>) target_semaphore(%arg21 : memref<!tpu.dma_semaphore, #tpu.memory_space<semaphore_mem>>)
    %dma_start3A_11 = tpu.memref_slice %arg4[%min3A] : memref<320000xf32, #tpu.memory_space<hbm>> -> memref<80xf32, #tpu.memory_space<hbm>>
    %dma_start3A_12 = tpu.memref_slice %arg4[%min3A] : memref<320000xf32, #tpu.memory_space<hbm>> -> memref<80xf32, #tpu.memory_space<hbm>>
    tpu.enqueue_dma source(%dma_start3A_12 : memref<80xf32, #tpu.memory_space<hbm>>) target(%arg12 : memref<80xf32, #tpu.memory_space<vmem>>) target_semaphore(%arg21 : memref<!tpu.dma_semaphore, #tpu.memory_space<semaphore_mem>>)
    %dma_wait3A = arith.constant 0 : i32
    %dma_wait3A_13 = tpu.memref_slice %arg2[%dma_wait3A] : memref<320000xi32, #tpu.memory_space<hbm>> -> memref<80xi32, #tpu.memory_space<hbm>>
    %dma_wait3A_14 = arith.constant 0 : i32
    %dma_wait3A_15 = tpu.memref_slice %arg2[%dma_wait3A_14] : memref<320000xi32, #tpu.memory_space<hbm>> -> memref<80xi32, #tpu.memory_space<hbm>>
    tpu.wait_dma2 semaphore(%arg21 : memref<!tpu.dma_semaphore, #tpu.memory_space<semaphore_mem>>) src(%dma_wait3A_15 : memref<80xi32, #tpu.memory_space<hbm>>) dst(%arg8 : memref<80xi32, #tpu.memory_space<vmem>>)
    %dma_wait3A_16 = arith.constant 0 : i32
    %dma_wait3A_17 = tpu.memref_slice %arg3[%dma_wait3A_16] : memref<320000xi32, #tpu.memory_space<hbm>> -> memref<80xi32, #tpu.memory_space<hbm>>
    %dma_wait3A_18 = arith.constant 0 : i32
    %dma_wait3A_19 = tpu.memref_slice %arg3[%dma_wait3A_18] : memref<320000xi32, #tpu.memory_space<hbm>> -> memref<80xi32, #tpu.memory_space<hbm>>
    tpu.wait_dma2 semaphore(%arg21 : memref<!tpu.dma_semaphore, #tpu.memory_space<semaphore_mem>>) src(%dma_wait3A_19 : memref<80xi32, #tpu.memory_space<hbm>>) dst(%arg10 : memref<80xi32, #tpu.memory_space<vmem>>)
    %dma_wait3A_20 = arith.constant 0 : i32
    %dma_wait3A_21 = tpu.memref_slice %arg4[%dma_wait3A_20] : memref<320000xf32, #tpu.memory_space<hbm>> -> memref<80xf32, #tpu.memory_space<hbm>>
    %dma_wait3A_22 = arith.constant 0 : i32
    %dma_wait3A_23 = tpu.memref_slice %arg4[%dma_wait3A_22] : memref<320000xf32, #tpu.memory_space<hbm>> -> memref<80xf32, #tpu.memory_space<hbm>>
    tpu.wait_dma2 semaphore(%arg21 : memref<!tpu.dma_semaphore, #tpu.memory_space<semaphore_mem>>) src(%dma_wait3A_23 : memref<80xf32, #tpu.memory_space<hbm>>) dst(%arg12 : memref<80xf32, #tpu.memory_space<vmem>>)
    %dma_start3A_24 = arith.constant 0 : i32
    %dma_start3A_25 = arith.constant 0 : i32
    %dma_start3A_26 = tpu.memref_slice %arg15[%dma_start3A_24, %dma_start3A_25] : memref<80x264xf32, #tpu.memory_space<vmem>> -> memref<80x128xf32, #tpu.memory_space<vmem>>
    %dma_start3A_27 = arith.constant 0 : i32
    %dma_start3A_28 = arith.constant 0 : i32
    %dma_start3A_29 = tpu.memref_slice %arg5[%dma_start3A_27, %dma_start3A_28] : memref<10000x128xf32, #tpu.memory_space<hbm>> -> memref<10000x128xf32, #tpu.memory_space<hbm>>
    tpu.enqueue_indirect_dma source(%dma_start3A_29 : memref<10000x128xf32, #tpu.memory_space<hbm>>) target(%dma_start3A_26 : memref<80x128xf32, #tpu.memory_space<vmem>>) offsets(%arg8 : memref<80xi32, #tpu.memory_space<vmem>>) semaphore(%arg17 : memref<!tpu.dma_semaphore, #tpu.memory_space<semaphore_mem>>)
    %dma_start3A_30 = arith.constant 0 : i32
    %dma_start3A_31 = arith.constant 128 : i32
    %dma_start3A_32 = tpu.memref_slice %arg15[%dma_start3A_30, %dma_start3A_31] : memref<80x264xf32, #tpu.memory_space<vmem>> -> memref<80x128xf32, #tpu.memory_space<vmem>>
    %dma_start3A_33 = arith.constant 0 : i32
    %dma_start3A_34 = arith.constant 0 : i32
    %dma_start3A_35 = tpu.memref_slice %arg5[%dma_start3A_33, %dma_start3A_34] : memref<10000x128xf32, #tpu.memory_space<hbm>> -> memref<10000x128xf32, #tpu.memory_space<hbm>>
    tpu.enqueue_indirect_dma source(%dma_start3A_35 : memref<10000x128xf32, #tpu.memory_space<hbm>>) target(%dma_start3A_32 : memref<80x128xf32, #tpu.memory_space<vmem>>) offsets(%arg10 : memref<80xi32, #tpu.memory_space<vmem>>) semaphore(%arg17 : memref<!tpu.dma_semaphore, #tpu.memory_space<semaphore_mem>>)
    %add3A_36 = arith.constant 80 : i32
    %add3A_37 = arith.addi %mul3A_2, %add3A_36 : i32
    %add3A_38 = arith.constant 10000 : i32
    %add3A_39 = arith.addi %mul3A_2, %add3A_38 : i32
    %sub3A_40 = arith.constant 80 : i32
    %sub3A_41 = arith.subi %add3A_39, %sub3A_40 : i32
    %min3A_42 = arith.minsi %add3A_37, %sub3A_41 : i32
    %dma_start3A_43 = tpu.memref_slice %arg2[%min3A_42] : memref<320000xi32, #tpu.memory_space<hbm>> -> memref<80xi32, #tpu.memory_space<hbm>>
    %dma_start3A_44 = tpu.memref_slice %arg2[%min3A_42] : memref<320000xi32, #tpu.memory_space<hbm>> -> memref<80xi32, #tpu.memory_space<hbm>>
    tpu.enqueue_dma source(%dma_start3A_44 : memref<80xi32, #tpu.memory_space<hbm>>) target(%arg9 : memref<80xi32, #tpu.memory_space<vmem>>) target_semaphore(%arg22 : memref<!tpu.dma_semaphore, #tpu.memory_space<semaphore_mem>>)
    %dma_start3A_45 = tpu.memref_slice %arg3[%min3A_42] : memref<320000xi32, #tpu.memory_space<hbm>> -> memref<80xi32, #tpu.memory_space<hbm>>
    %dma_start3A_46 = tpu.memref_slice %arg3[%min3A_42] : memref<320000xi32, #tpu.memory_space<hbm>> -> memref<80xi32, #tpu.memory_space<hbm>>
    tpu.enqueue_dma source(%dma_start3A_46 : memref<80xi32, #tpu.memory_space<hbm>>) target(%arg11 : memref<80xi32, #tpu.memory_space<vmem>>) target_semaphore(%arg22 : memref<!tpu.dma_semaphore, #tpu.memory_space<semaphore_mem>>)
    %dma_start3A_47 = tpu.memref_slice %arg4[%min3A_42] : memref<320000xf32, #tpu.memory_space<hbm>> -> memref<80xf32, #tpu.memory_space<hbm>>
    %dma_start3A_48 = tpu.memref_slice %arg4[%min3A_42] : memref<320000xf32, #tpu.memory_space<hbm>> -> memref<80xf32, #tpu.memory_space<hbm>>
    tpu.enqueue_dma source(%dma_start3A_48 : memref<80xf32, #tpu.memory_space<hbm>>) target(%arg13 : memref<80xf32, #tpu.memory_space<vmem>>) target_semaphore(%arg22 : memref<!tpu.dma_semaphore, #tpu.memory_space<semaphore_mem>>)
    %add3A_49 = arith.constant 0 : i32
    %add3A_50 = arith.addi %mul3A_2, %add3A_49 : i32
    %get3A = arith.constant 0 : index
    %get3A_51 = tpu.vector_load %arg8[%get3A] {strides = array<i32>} : memref<80xi32, #tpu.memory_space<vmem>>, vector<16xi32>,
    %mul3A_52 = arith.constant 6 : i32
    %mul3A_53 = vector.broadcast %mul3A_52 : i32 to vector<16xi32>
    %mul3A_54 = arith.muli %get3A_51, %mul3A_53 : vector<16xi32>
    %get3A_55 = arith.constant 0 : index
    %get3A_56 = tpu.vector_load %arg10[%get3A_55] {strides = array<i32>} : memref<80xi32, #tpu.memory_space<vmem>>, vector<16xi32>,
    %mul3A_57 = arith.constant 6 : i32
    %mul3A_58 = vector.broadcast %mul3A_57 : i32 to vector<16xi32>
    %mul3A_59 = arith.muli %get3A_56, %mul3A_58 : vector<16xi32>
    %add3A_60 = arith.constant 0 : i32
    %add3A_61 = vector.broadcast %add3A_60 : i32 to vector<16xi32>
    %add3A_62 = arith.addi %mul3A_54, %add3A_61 : vector<16xi32>
    %gather3A = tpu.vector_load_idx %arg14[%add3A_62] : memref<60000xf32, #tpu.memory_space<vmem>>[vector<16xi32>], vector<16xf32>,
    %add3A_63 = arith.constant 1 : i32
    %add3A_64 = vector.broadcast %add3A_63 : i32 to vector<16xi32>
    %add3A_65 = arith.addi %mul3A_54, %add3A_64 : vector<16xi32>
    %gather3A_66 = tpu.vector_load_idx %arg14[%add3A_65] : memref<60000xf32, #tpu.memory_space<vmem>>[vector<16xi32>], vector<16xf32>,
    %add3A_67 = arith.constant 2 : i32
    %add3A_68 = vector.broadcast %add3A_67 : i32 to vector<16xi32>
    %add3A_69 = arith.addi %mul3A_54, %add3A_68 : vector<16xi32>
    %gather3A_70 = tpu.vector_load_idx %arg14[%add3A_69] : memref<60000xf32, #tpu.memory_space<vmem>>[vector<16xi32>], vector<16xf32>,
    %add3A_71 = arith.constant 3 : i32
    %add3A_72 = vector.broadcast %add3A_71 : i32 to vector<16xi32>
    %add3A_73 = arith.addi %mul3A_54, %add3A_72 : vector<16xi32>
    %gather3A_74 = tpu.vector_load_idx %arg14[%add3A_73] : memref<60000xf32, #tpu.memory_space<vmem>>[vector<16xi32>], vector<16xf32>,
    %add3A_75 = arith.constant 4 : i32
    %add3A_76 = vector.broadcast %add3A_75 : i32 to vector<16xi32>
    %add3A_77 = arith.addi %mul3A_54, %add3A_76 : vector<16xi32>
    %gather3A_78 = tpu.vector_load_idx %arg14[%add3A_77] : memref<60000xf32, #tpu.memory_space<vmem>>[vector<16xi32>], vector<16xf32>,
    %add3A_79 = arith.constant 5 : i32
    %add3A_80 = vector.broadcast %add3A_79 : i32 to vector<16xi32>
    %add3A_81 = arith.addi %mul3A_54, %add3A_80 : vector<16xi32>
    %gather3A_82 = tpu.vector_load_idx %arg14[%add3A_81] : memref<60000xf32, #tpu.memory_space<vmem>>[vector<16xi32>], vector<16xf32>,
    %add3A_83 = arith.constant 0 : i32
    %add3A_84 = vector.broadcast %add3A_83 : i32 to vector<16xi32>
    %add3A_85 = arith.addi %mul3A_59, %add3A_84 : vector<16xi32>
    %gather3A_86 = tpu.vector_load_idx %arg14[%add3A_85] : memref<60000xf32, #tpu.memory_space<vmem>>[vector<16xi32>], vector<16xf32>,
    %add3A_87 = arith.constant 1 : i32
    %add3A_88 = vector.broadcast %add3A_87 : i32 to vector<16xi32>
    %add3A_89 = arith.addi %mul3A_59, %add3A_88 : vector<16xi32>
    %gather3A_90 = tpu.vector_load_idx %arg14[%add3A_89] : memref<60000xf32, #tpu.memory_space<vmem>>[vector<16xi32>], vector<16xf32>,
    %add3A_91 = arith.constant 2 : i32
    %add3A_92 = vector.broadcast %add3A_91 : i32 to vector<16xi32>
    %add3A_93 = arith.addi %mul3A_59, %add3A_92 : vector<16xi32>
    %gather3A_94 = tpu.vector_load_idx %arg14[%add3A_93] : memref<60000xf32, #tpu.memory_space<vmem>>[vector<16xi32>], vector<16xf32>,
    %add3A_95 = arith.constant 3 : i32
    %add3A_96 = vector.broadcast %add3A_95 : i32 to vector<16xi32>
    %add3A_97 = arith.addi %mul3A_59, %add3A_96 : vector<16xi32>
    %gather3A_98 = tpu.vector_load_idx %arg14[%add3A_97] : memref<60000xf32, #tpu.memory_space<vmem>>[vector<16xi32>], vector<16xf32>,
    %add3A_99 = arith.constant 4 : i32
    %add3A_100 = vector.broadcast %add3A_99 : i32 to vector<16xi32>
    %add3A_101 = arith.addi %mul3A_59, %add3A_100 : vector<16xi32>
    %gather3A_102 = tpu.vector_load_idx %arg14[%add3A_101] : memref<60000xf32, #tpu.memory_space<vmem>>[vector<16xi32>], vector<16xf32>,
    %add3A_103 = arith.constant 5 : i32
    %add3A_104 = vector.broadcast %add3A_103 : i32 to vector<16xi32>
    %add3A_105 = arith.addi %mul3A_59, %add3A_104 : vector<16xi32>
    %gather3A_106 = tpu.vector_load_idx %arg14[%add3A_105] : memref<60000xf32, #tpu.memory_space<vmem>>[vector<16xi32>], vector<16xf32>,
    %mul3A_107 = arith.mulf %gather3A, %gather3A_86 : vector<16xf32>
    %mul3A_108 = arith.mulf %gather3A_66, %gather3A_90 : vector<16xf32>
    %add3A_109 = arith.addf %mul3A_107, %mul3A_108 : vector<16xf32>
    %mul3A_110 = arith.mulf %gather3A_70, %gather3A_94 : vector<16xf32>
    %add3A_111 = arith.addf %add3A_109, %mul3A_110 : vector<16xf32>
    %mul3A_112 = arith.mulf %gather3A_74, %gather3A_98 : vector<16xf32>
    %add3A_113 = arith.addf %add3A_111, %mul3A_112 : vector<16xf32>
    %mul3A_114 = arith.mulf %gather3A, %gather3A : vector<16xf32>
    %mul3A_115 = arith.mulf %gather3A_66, %gather3A_66 : vector<16xf32>
    %add3A_116 = arith.addf %mul3A_114, %mul3A_115 : vector<16xf32>
    %mul3A_117 = arith.mulf %gather3A_70, %gather3A_70 : vector<16xf32>
    %add3A_118 = arith.addf %add3A_116, %mul3A_117 : vector<16xf32>
    %mul3A_119 = arith.mulf %gather3A_74, %gather3A_74 : vector<16xf32>
    %add3A_120 = arith.addf %add3A_118, %mul3A_119 : vector<16xf32>
    %mul3A_121 = arith.mulf %gather3A_86, %gather3A_86 : vector<16xf32>
    %mul3A_122 = arith.mulf %gather3A_90, %gather3A_90 : vector<16xf32>
    %add3A_123 = arith.addf %mul3A_121, %mul3A_122 : vector<16xf32>
    %mul3A_124 = arith.mulf %gather3A_94, %gather3A_94 : vector<16xf32>
    %add3A_125 = arith.addf %add3A_123, %mul3A_124 : vector<16xf32>
    %mul3A_126 = arith.mulf %gather3A_98, %gather3A_98 : vector<16xf32>
    %add3A_127 = arith.addf %add3A_125, %mul3A_126 : vector<16xf32>
    %max3A = arith.constant 1.000000e-16 : f32
    %max3A_128 = vector.broadcast %max3A : f32 to vector<16xf32>
    %max3A_129 = arith.maximumf %add3A_120, %max3A_128 : vector<16xf32>
    %bitcast_convert_type3A = tpu.bitcast %max3A_129 : vector<16xf32> -> vector<16xi32>
    %shift_right_logical3A = arith.constant 1 : i32
    %shift_right_logical3A_130 = vector.broadcast %shift_right_logical3A : i32 to vector<16xi32>
    %shift_right_logical3A_131 = arith.shrui %bitcast_convert_type3A, %shift_right_logical3A_130 : vector<16xi32>
    %sub3A_132 = arith.constant 1597463007 : i32
    %sub3A_133 = vector.broadcast %sub3A_132 : i32 to vector<16xi32>
    %sub3A_134 = arith.subi %sub3A_133, %shift_right_logical3A_131 : vector<16xi32>
    %bitcast_convert_type3A_135 = tpu.bitcast %sub3A_134 : vector<16xi32> -> vector<16xf32>
    %mul3A_136 = arith.constant 5.000000e-01 : f32
    %mul3A_137 = vector.broadcast %mul3A_136 : f32 to vector<16xf32>
    %mul3A_138 = arith.mulf %max3A_129, %mul3A_137 : vector<16xf32>
    %mul3A_139 = arith.mulf %mul3A_138, %bitcast_convert_type3A_135 : vector<16xf32>
    %mul3A_140 = arith.mulf %mul3A_139, %bitcast_convert_type3A_135 : vector<16xf32>
    %sub3A_141 = arith.constant 1.500000e+00 : f32
    %sub3A_142 = vector.broadcast %sub3A_141 : f32 to vector<16xf32>
    %sub3A_143 = arith.subf %sub3A_142, %mul3A_140 : vector<16xf32>
    %mul3A_144 = arith.mulf %bitcast_convert_type3A_135, %sub3A_143 : vector<16xf32>
    %mul3A_145 = arith.mulf %mul3A_138, %mul3A_144 : vector<16xf32>
    %mul3A_146 = arith.mulf %mul3A_145, %mul3A_144 : vector<16xf32>
    %sub3A_147 = arith.constant 1.500000e+00 : f32
    %sub3A_148 = vector.broadcast %sub3A_147 : f32 to vector<16xf32>
    %sub3A_149 = arith.subf %sub3A_148, %mul3A_146 : vector<16xf32>
    %mul3A_150 = arith.mulf %mul3A_144, %sub3A_149 : vector<16xf32>
    %mul3A_151 = arith.mulf %mul3A_138, %mul3A_150 : vector<16xf32>
    %mul3A_152 = arith.mulf %mul3A_151, %mul3A_150 : vector<16xf32>
    %sub3A_153 = arith.constant 1.500000e+00 : f32
    %sub3A_154 = vector.broadcast %sub3A_153 : f32 to vector<16xf32>
    %sub3A_155 = arith.subf %sub3A_154, %mul3A_152 : vector<16xf32>
    %mul3A_156 = arith.mulf %mul3A_150, %sub3A_155 : vector<16xf32>
    %mul3A_157 = arith.mulf %add3A_113, %mul3A_156 : vector<16xf32>
    %max3A_158 = arith.constant 1.000000e-16 : f32
    %max3A_159 = vector.broadcast %max3A_158 : f32 to vector<16xf32>
    %max3A_160 = arith.maximumf %add3A_127, %max3A_159 : vector<16xf32>
    %bitcast_convert_type3A_161 = tpu.bitcast %max3A_160 : vector<16xf32> -> vector<16xi32>
    %shift_right_logical3A_162 = arith.constant 1 : i32
    %shift_right_logical3A_163 = vector.broadcast %shift_right_logical3A_162 : i32 to vector<16xi32>
    %shift_right_logical3A_164 = arith.shrui %bitcast_convert_type3A_161, %shift_right_logical3A_163 : vector<16xi32>
    %sub3A_165 = arith.constant 1597463007 : i32
    %sub3A_166 = vector.broadcast %sub3A_165 : i32 to vector<16xi32>
    %sub3A_167 = arith.subi %sub3A_166, %shift_right_logical3A_164 : vector<16xi32>
    %bitcast_convert_type3A_168 = tpu.bitcast %sub3A_167 : vector<16xi32> -> vector<16xf32>
    %mul3A_169 = arith.constant 5.000000e-01 : f32
    %mul3A_170 = vector.broadcast %mul3A_169 : f32 to vector<16xf32>
    %mul3A_171 = arith.mulf %max3A_160, %mul3A_170 : vector<16xf32>
    %mul3A_172 = arith.mulf %mul3A_171, %bitcast_convert_type3A_168 : vector<16xf32>
    %mul3A_173 = arith.mulf %mul3A_172, %bitcast_convert_type3A_168 : vector<16xf32>
    %sub3A_174 = arith.constant 1.500000e+00 : f32
    %sub3A_175 = vector.broadcast %sub3A_174 : f32 to vector<16xf32>
    %sub3A_176 = arith.subf %sub3A_175, %mul3A_173 : vector<16xf32>
    %mul3A_177 = arith.mulf %bitcast_convert_type3A_168, %sub3A_176 : vector<16xf32>
    %mul3A_178 = arith.mulf %mul3A_171, %mul3A_177 : vector<16xf32>
    %mul3A_179 = arith.mulf %mul3A_178, %mul3A_177 : vector<16xf32>
    %sub3A_180 = arith.constant 1.500000e+00 : f32
    %sub3A_181 = vector.broadcast %sub3A_180 : f32 to vector<16xf32>
    %sub3A_182 = arith.subf %sub3A_181, %mul3A_179 : vector<16xf32>
    %mul3A_183 = arith.mulf %mul3A_177, %sub3A_182 : vector<16xf32>
    %mul3A_184 = arith.mulf %mul3A_171, %mul3A_183 : vector<16xf32>
    %mul3A_185 = arith.mulf %mul3A_184, %mul3A_183 : vector<16xf32>
    %sub3A_186 = arith.constant 1.500000e+00 : f32
    %sub3A_187 = vector.broadcast %sub3A_186 : f32 to vector<16xf32>
    %sub3A_188 = arith.subf %sub3A_187, %mul3A_185 : vector<16xf32>
    %mul3A_189 = arith.mulf %mul3A_183, %sub3A_188 : vector<16xf32>
    %mul3A_190 = arith.mulf %mul3A_157, %mul3A_189 : vector<16xf32>
    %sub3A_191 = arith.subf %gather3A_78, %gather3A_102 : vector<16xf32>
    %sub3A_192 = arith.subf %gather3A_82, %gather3A_106 : vector<16xf32>
    %mul3A_193 = arith.mulf %sub3A_191, %sub3A_191 : vector<16xf32>
    %mul3A_194 = arith.mulf %sub3A_192, %sub3A_192 : vector<16xf32>
    %add3A_195 = arith.addf %mul3A_193, %mul3A_194 : vector<16xf32>
    %add3A_196 = arith.constant 9.99999996E-13 : f32
    %add3A_197 = vector.broadcast %add3A_196 : f32 to vector<16xf32>
    %add3A_198 = arith.addf %add3A_195, %add3A_197 : vector<16xf32>
    %bitcast_convert_type3A_199 = tpu.bitcast %add3A_198 : vector<16xf32> -> vector<16xi32>
    %shift_right_logical3A_200 = arith.constant 1 : i32
    %shift_right_logical3A_201 = vector.broadcast %shift_right_logical3A_200 : i32 to vector<16xi32>
    %shift_right_logical3A_202 = arith.shrui %bitcast_convert_type3A_199, %shift_right_logical3A_201 : vector<16xi32>
    %sub3A_203 = arith.constant 1597463007 : i32
    %sub3A_204 = vector.broadcast %sub3A_203 : i32 to vector<16xi32>
    %sub3A_205 = arith.subi %sub3A_204, %shift_right_logical3A_202 : vector<16xi32>
    %bitcast_convert_type3A_206 = tpu.bitcast %sub3A_205 : vector<16xi32> -> vector<16xf32>
    %mul3A_207 = arith.constant 5.000000e-01 : f32
    %mul3A_208 = vector.broadcast %mul3A_207 : f32 to vector<16xf32>
    %mul3A_209 = arith.mulf %add3A_198, %mul3A_208 : vector<16xf32>
    %mul3A_210 = arith.mulf %mul3A_209, %bitcast_convert_type3A_206 : vector<16xf32>
    %mul3A_211 = arith.mulf %mul3A_210, %bitcast_convert_type3A_206 : vector<16xf32>
    %sub3A_212 = arith.constant 1.500000e+00 : f32
    %sub3A_213 = vector.broadcast %sub3A_212 : f32 to vector<16xf32>
    %sub3A_214 = arith.subf %sub3A_213, %mul3A_211 : vector<16xf32>
    %mul3A_215 = arith.mulf %bitcast_convert_type3A_206, %sub3A_214 : vector<16xf32>
    %mul3A_216 = arith.mulf %mul3A_209, %mul3A_215 : vector<16xf32>
    %mul3A_217 = arith.mulf %mul3A_216, %mul3A_215 : vector<16xf32>
    %sub3A_218 = arith.constant 1.500000e+00 : f32
    %sub3A_219 = vector.broadcast %sub3A_218 : f32 to vector<16xf32>
    %sub3A_220 = arith.subf %sub3A_219, %mul3A_217 : vector<16xf32>
    %mul3A_221 = arith.mulf %mul3A_215, %sub3A_220 : vector<16xf32>
    %mul3A_222 = arith.mulf %mul3A_209, %mul3A_221 : vector<16xf32>
    %mul3A_223 = arith.mulf %mul3A_222, %mul3A_221 : vector<16xf32>
    %sub3A_224 = arith.constant 1.500000e+00 : f32
    %sub3A_225 = vector.broadcast %sub3A_224 : f32 to vector<16xf32>
    %sub3A_226 = arith.subf %sub3A_225, %mul3A_223 : vector<16xf32>
    %mul3A_227 = arith.mulf %mul3A_221, %sub3A_226 : vector<16xf32>
    %get3A_228 = arith.constant 0 : index
    %get3A_229 = tpu.vector_load %arg12[%get3A_228] {strides = array<i32>} : memref<80xf32, #tpu.memory_space<vmem>>, vector<16xf32>,
    %abs3A = math.absf %get3A_229 : vector<16xf32>
    %abs3A_230 = math.absf %sub3A_191 : vector<16xf32>
    %abs3A_231 = math.absf %sub3A_192 : vector<16xf32>
    %mul3A_232 = arith.mulf %sub3A_191, %mul3A_227 : vector<16xf32>
    %mul3A_233 = arith.mulf %sub3A_192, %mul3A_227 : vector<16xf32>
    %iota3A = tpu.iota {dimensions = array<i32: 0>} : vector<16xi32>
    %add3A_234 = arith.constant 0 : i32
    %add3A_235 = vector.broadcast %add3A_234 : i32 to vector<16xi32>
    %add3A_236 = arith.addi %iota3A, %add3A_235 : vector<16xi32>
    %broadcast_in_dim3A = arith.constant 256 : i32
    %broadcast_in_dim3A_237 = vector.broadcast %broadcast_in_dim3A : i32 to vector<16xi32>
    tpu.vector_store_idx %arg15[%add3A_236, %broadcast_in_dim3A_237], %abs3A : memref<80x264xf32, #tpu.memory_space<vmem>>[vector<16xi32>, vector<16xi32>], vector<16xf32>,
    %broadcast_in_dim3A_238 = arith.constant 257 : i32
    %broadcast_in_dim3A_239 = vector.broadcast %broadcast_in_dim3A_238 : i32 to vector<16xi32>
    tpu.vector_store_idx %arg15[%add3A_236, %broadcast_in_dim3A_239], %mul3A_190 : memref<80x264xf32, #tpu.memory_space<vmem>>[vector<16xi32>, vector<16xi32>], vector<16xf32>,
    %broadcast_in_dim3A_240 = arith.constant 258 : i32
    %broadcast_in_dim3A_241 = vector.broadcast %broadcast_in_dim3A_240 : i32 to vector<16xi32>
    tpu.vector_store_idx %arg15[%add3A_236, %broadcast_in_dim3A_241], %sub3A_191 : memref<80x264xf32, #tpu.memory_space<vmem>>[vector<16xi32>, vector<16xi32>], vector<16xf32>,
    %broadcast_in_dim3A_242 = arith.constant 259 : i32
    %broadcast_in_dim3A_243 = vector.broadcast %broadcast_in_dim3A_242 : i32 to vector<16xi32>
    tpu.vector_store_idx %arg15[%add3A_236, %broadcast_in_dim3A_243], %sub3A_192 : memref<80x264xf32, #tpu.memory_space<vmem>>[vector<16xi32>, vector<16xi32>], vector<16xf32>,
    %broadcast_in_dim3A_244 = arith.constant 260 : i32
    %broadcast_in_dim3A_245 = vector.broadcast %broadcast_in_dim3A_244 : i32 to vector<16xi32>
    tpu.vector_store_idx %arg15[%add3A_236, %broadcast_in_dim3A_245], %abs3A_230 : memref<80x264xf32, #tpu.memory_space<vmem>>[vector<16xi32>, vector<16xi32>], vector<16xf32>,
    %broadcast_in_dim3A_246 = arith.constant 261 : i32
    %broadcast_in_dim3A_247 = vector.broadcast %broadcast_in_dim3A_246 : i32 to vector<16xi32>
    tpu.vector_store_idx %arg15[%add3A_236, %broadcast_in_dim3A_247], %abs3A_231 : memref<80x264xf32, #tpu.memory_space<vmem>>[vector<16xi32>, vector<16xi32>], vector<16xf32>,
    %broadcast_in_dim3A_248 = arith.constant 262 : i32
    %broadcast_in_dim3A_249 = vector.broadcast %broadcast_in_dim3A_248 : i32 to vector<16xi32>
    tpu.vector_store_idx %arg15[%add3A_236, %broadcast_in_dim3A_249], %mul3A_232 : memref<80x264xf32, #tpu.memory_space<vmem>>[vector<16xi32>, vector<16xi32>], vector<16xf32>,
    %broadcast_in_dim3A_250 = arith.constant 263 : i32
    %broadcast_in_dim3A_251 = vector.broadcast %broadcast_in_dim3A_250 : i32 to vector<16xi32>
    tpu.vector_store_idx %arg15[%add3A_236, %broadcast_in_dim3A_251], %mul3A_233 : memref<80x264xf32, #tpu.memory_space<vmem>>[vector<16xi32>, vector<16xi32>], vector<16xf32>,
    %get3A_252 = arith.constant 16 : index
    %get3A_253 = tpu.vector_load %arg8[%get3A_252] {strides = array<i32>} : memref<80xi32, #tpu.memory_space<vmem>>, vector<16xi32>,
    %mul3A_254 = arith.constant 6 : i32
    %mul3A_255 = vector.broadcast %mul3A_254 : i32 to vector<16xi32>
    %mul3A_256 = arith.muli %get3A_253, %mul3A_255 : vector<16xi32>
    %get3A_257 = arith.constant 16 : index
    %get3A_258 = tpu.vector_load %arg10[%get3A_257] {strides = array<i32>} : memref<80xi32, #tpu.memory_space<vmem>>, vector<16xi32>,
    %mul3A_259 = arith.constant 6 : i32
    %mul3A_260 = vector.broadcast %mul3A_259 : i32 to vector<16xi32>
    %mul3A_261 = arith.muli %get3A_258, %mul3A_260 : vector<16xi32>
    %add3A_262 = arith.constant 0 : i32
    %add3A_263 = vector.broadcast %add3A_262 : i32 to vector<16xi32>
    %add3A_264 = arith.addi %mul3A_256, %add3A_263 : vector<16xi32>
    %gather3A_265 = tpu.vector_load_idx %arg14[%add3A_264] : memref<60000xf32, #tpu.memory_space<vmem>>[vector<16xi32>], vector<16xf32>,
    %add3A_266 = arith.constant 1 : i32
    %add3A_267 = vector.broadcast %add3A_266 : i32 to vector<16xi32>
    %add3A_268 = arith.addi %mul3A_256, %add3A_267 : vector<16xi32>
    %gather3A_269 = tpu.vector_load_idx %arg14[%add3A_268] : memref<60000xf32, #tpu.memory_space<vmem>>[vector<16xi32>], vector<16xf32>,
    %add3A_270 = arith.constant 2 : i32
    %add3A_271 = vector.broadcast %add3A_270 : i32 to vector<16xi32>
    %add3A_272 = arith.addi %mul3A_256, %add3A_271 : vector<16xi32>
    %gather3A_273 = tpu.vector_load_idx %arg14[%add3A_272] : memref<60000xf32, #tpu.memory_space<vmem>>[vector<16xi32>], vector<16xf32>,
    %add3A_274 = arith.constant 3 : i32
    %add3A_275 = vector.broadcast %add3A_274 : i32 to vector<16xi32>
    %add3A_276 = arith.addi %mul3A_256, %add3A_275 : vector<16xi32>
    %gather3A_277 = tpu.vector_load_idx %arg14[%add3A_276] : memref<60000xf32, #tpu.memory_space<vmem>>[vector<16xi32>], vector<16xf32>,
    %add3A_278 = arith.constant 4 : i32
    %add3A_279 = vector.broadcast %add3A_278 : i32 to vector<16xi32>
    %add3A_280 = arith.addi %mul3A_256, %add3A_279 : vector<16xi32>
    %gather3A_281 = tpu.vector_load_idx %arg14[%add3A_280] : memref<60000xf32, #tpu.memory_space<vmem>>[vector<16xi32>], vector<16xf32>,
    %add3A_282 = arith.constant 5 : i32
    %add3A_283 = vector.broadcast %add3A_282 : i32 to vector<16xi32>
    %add3A_284 = arith.addi %mul3A_256, %add3A_283 : vector<16xi32>
    %gather3A_285 = tpu.vector_load_idx %arg14[%add3A_284] : memref<60000xf32, #tpu.memory_space<vmem>>[vector<16xi32>], vector<16xf32>,
    %add3A_286 = arith.constant 0 : i32
    %add3A_287 = vector.broadcast %add3A_286 : i32 to vector<16xi32>
    %add3A_288 = arith.addi %mul3A_261, %add3A_287 : vector<16xi32>
    %gather3A_289 = tpu.vector_load_idx %arg14[%add3A_288] : memref<60000xf32, #tpu.memory_space<vmem>>[vector<16xi32>], vector<16xf32>,
    %add3A_290 = arith.constant 1 : i32
    %add3A_291 = vector.broadcast %add3A_290 : i32 to vector<16xi32>
    %add3A_292 = arith.addi %mul3A_261, %add3A_291 : vector<16xi32>
    %gather3A_293 = tpu.vector_load_idx %arg14[%add3A_292] : memref<60000xf32, #tpu.memory_space<vmem>>[vector<16xi32>], vector<16xf32>,
    %add3A_294 = arith.constant 2 : i32
    %add3A_295 = vector.broadcast %add3A_294 : i32 to vector<16xi32>
    %add3A_296 = arith.addi %mul3A_261, %add3A_295 : vector<16xi32>
    %gather3A_297 = tpu.vector_load_idx %arg14[%add3A_296] : memref<60000xf32, #tpu.memory_space<vmem>>[vector<16xi32>], vector<16xf32>,
    %add3A_298 = arith.constant 3 : i32
    %add3A_299 = vector.broadcast %add3A_298 : i32 to vector<16xi32>
    %add3A_300 = arith.addi %mul3A_261, %add3A_299 : vector<16xi32>
    %gather3A_301 = tpu.vector_load_idx %arg14[%add3A_300] : memref<60000xf32, #tpu.memory_space<vmem>>[vector<16xi32>], vector<16xf32>,
    %add3A_302 = arith.constant 4 : i32
    %add3A_303 = vector.broadcast %add3A_302 : i32 to vector<16xi32>
    %add3A_304 = arith.addi %mul3A_261, %add3A_303 : vector<16xi32>
    %gather3A_305 = tpu.vector_load_idx %arg14[%add3A_304] : memref<60000xf32, #tpu.memory_space<vmem>>[vector<16xi32>], vector<16xf32>,
    %add3A_306 = arith.constant 5 : i32
    %add3A_307 = vector.broadcast %add3A_306 : i32 to vector<16xi32>
    %add3A_308 = arith.addi %mul3A_261, %add3A_307 : vector<16xi32>
    %gather3A_309 = tpu.vector_load_idx %arg14[%add3A_308] : memref<60000xf32, #tpu.memory_space<vmem>>[vector<16xi32>], vector<16xf32>,
    %mul3A_310 = arith.mulf %gather3A_265, %gather3A_289 : vector<16xf32>
    %mul3A_311 = arith.mulf %gather3A_269, %gather3A_293 : vector<16xf32>
    %add3A_312 = arith.addf %mul3A_310, %mul3A_311 : vector<16xf32>
    %mul3A_313 = arith.mulf %gather3A_273, %gather3A_297 : vector<16xf32>
    %add3A_314 = arith.addf %add3A_312, %mul3A_313 : vector<16xf32>
    %mul3A_315 = arith.mulf %gather3A_277, %gather3A_301 : vector<16xf32>
    %add3A_316 = arith.addf %add3A_314, %mul3A_315 : vector<16xf32>
    %mul3A_317 = arith.mulf %gather3A_265, %gather3A_265 : vector<16xf32>
    %mul3A_318 = arith.mulf %gather3A_269, %gather3A_269 : vector<16xf32>
    %add3A_319 = arith.addf %mul3A_317, %mul3A_318 : vector<16xf32>
    %mul3A_320 = arith.mulf %gather3A_273, %gather3A_273 : vector<16xf32>
    %add3A_321 = arith.addf %add3A_319, %mul3A_320 : vector<16xf32>
    %mul3A_322 = arith.mulf %gather3A_277, %gather3A_277 : vector<16xf32>
    %add3A_323 = arith.addf %add3A_321, %mul3A_322 : vector<16xf32>
    %mul3A_324 = arith.mulf %gather3A_289, %gather3A_289 : vector<16xf32>
    %mul3A_325 = arith.mulf %gather3A_293, %gather3A_293 : vector<16xf32>
    %add3A_326 = arith.addf %mul3A_324, %mul3A_325 : vector<16xf32>
    %mul3A_327 = arith.mulf %gather3A_297, %gather3A_297 : vector<16xf32>
    %add3A_328 = arith.addf %add3A_326, %mul3A_327 : vector<16xf32>
    %mul3A_329 = arith.mulf %gather3A_301, %gather3A_301 : vector<16xf32>
    %add3A_330 = arith.addf %add3A_328, %mul3A_329 : vector<16xf32>
    %max3A_331 = arith.constant 1.000000e-16 : f32
    %max3A_332 = vector.broadcast %max3A_331 : f32 to vector<16xf32>
    %max3A_333 = arith.maximumf %add3A_323, %max3A_332 : vector<16xf32>
    %bitcast_convert_type3A_334 = tpu.bitcast %max3A_333 : vector<16xf32> -> vector<16xi32>
    %shift_right_logical3A_335 = arith.constant 1 : i32
    %shift_right_logical3A_336 = vector.broadcast %shift_right_logical3A_335 : i32 to vector<16xi32>
    %shift_right_logical3A_337 = arith.shrui %bitcast_convert_type3A_334, %shift_right_logical3A_336 : vector<16xi32>
    %sub3A_338 = arith.constant 1597463007 : i32
    %sub3A_339 = vector.broadcast %sub3A_338 : i32 to vector<16xi32>
    %sub3A_340 = arith.subi %sub3A_339, %shift_right_logical3A_337 : vector<16xi32>
    %bitcast_convert_type3A_341 = tpu.bitcast %sub3A_340 : vector<16xi32> -> vector<16xf32>
    %mul3A_342 = arith.constant 5.000000e-01 : f32
    %mul3A_343 = vector.broadcast %mul3A_342 : f32 to vector<16xf32>
    %mul3A_344 = arith.mulf %max3A_333, %mul3A_343 : vector<16xf32>
    %mul3A_345 = arith.mulf %mul3A_344, %bitcast_convert_type3A_341 : vector<16xf32>
    %mul3A_346 = arith.mulf %mul3A_345, %bitcast_convert_type3A_341 : vector<16xf32>
    %sub3A_347 = arith.constant 1.500000e+00 : f32
    %sub3A_348 = vector.broadcast %sub3A_347 : f32 to vector<16xf32>
    %sub3A_349 = arith.subf %sub3A_348, %mul3A_346 : vector<16xf32>
    %mul3A_350 = arith.mulf %bitcast_convert_type3A_341, %sub3A_349 : vector<16xf32>
    %mul3A_351 = arith.mulf %mul3A_344, %mul3A_350 : vector<16xf32>
    %mul3A_352 = arith.mulf %mul3A_351, %mul3A_350 : vector<16xf32>
    %sub3A_353 = arith.constant 1.500000e+00 : f32
    %sub3A_354 = vector.broadcast %sub3A_353 : f32 to vector<16xf32>
    %sub3A_355 = arith.subf %sub3A_354, %mul3A_352 : vector<16xf32>
    %mul3A_356 = arith.mulf %mul3A_350, %sub3A_355 : vector<16xf32>
    %mul3A_357 = arith.mulf %mul3A_344, %mul3A_356 : vector<16xf32>
    %mul3A_358 = arith.mulf %mul3A_357, %mul3A_356 : vector<16xf32>
    %sub3A_359 = arith.constant 1.500000e+00 : f32
    %sub3A_360 = vector.broadcast %sub3A_359 : f32 to vector<16xf32>
    %sub3A_361 = arith.subf %sub3A_360, %mul3A_358 : vector<16xf32>
    %mul3A_362 = arith.mulf %mul3A_356, %sub3A_361 : vector<16xf32>
    %mul3A_363 = arith.mulf %add3A_316, %mul3A_362 : vector<16xf32>
    %max3A_364 = arith.constant 1.000000e-16 : f32
    %max3A_365 = vector.broadcast %max3A_364 : f32 to vector<16xf32>
    %max3A_366 = arith.maximumf %add3A_330, %max3A_365 : vector<16xf32>
    %bitcast_convert_type3A_367 = tpu.bitcast %max3A_366 : vector<16xf32> -> vector<16xi32>
    %shift_right_logical3A_368 = arith.constant 1 : i32
    %shift_right_logical3A_369 = vector.broadcast %shift_right_logical3A_368 : i32 to vector<16xi32>
    %shift_right_logical3A_370 = arith.shrui %bitcast_convert_type3A_367, %shift_right_logical3A_369 : vector<16xi32>
    %sub3A_371 = arith.constant 1597463007 : i32
    %sub3A_372 = vector.broadcast %sub3A_371 : i32 to vector<16xi32>
    %sub3A_373 = arith.subi %sub3A_372, %shift_right_logical3A_370 : vector<16xi32>
    %bitcast_convert_type3A_374 = tpu.bitcast %sub3A_373 : vector<16xi32> -> vector<16xf32>
    %mul3A_375 = arith.constant 5.000000e-01 : f32
    %mul3A_376 = vector.broadcast %mul3A_375 : f32 to vector<16xf32>
    %mul3A_377 = arith.mulf %max3A_366, %mul3A_376 : vector<16xf32>
    %mul3A_378 = arith.mulf %mul3A_377, %bitcast_convert_type3A_374 : vector<16xf32>
    %mul3A_379 = arith.mulf %mul3A_378, %bitcast_convert_type3A_374 : vector<16xf32>
    %sub3A_380 = arith.constant 1.500000e+00 : f32
    %sub3A_381 = vector.broadcast %sub3A_380 : f32 to vector<16xf32>
    %sub3A_382 = arith.subf %sub3A_381, %mul3A_379 : vector<16xf32>
    %mul3A_383 = arith.mulf %bitcast_convert_type3A_374, %sub3A_382 : vector<16xf32>
    %mul3A_384 = arith.mulf %mul3A_377, %mul3A_383 : vector<16xf32>
    %mul3A_385 = arith.mulf %mul3A_384, %mul3A_383 : vector<16xf32>
    %sub3A_386 = arith.constant 1.500000e+00 : f32
    %sub3A_387 = vector.broadcast %sub3A_386 : f32 to vector<16xf32>
    %sub3A_388 = arith.subf %sub3A_387, %mul3A_385 : vector<16xf32>
    %mul3A_389 = arith.mulf %mul3A_383, %sub3A_388 : vector<16xf32>
    %mul3A_390 = arith.mulf %mul3A_377, %mul3A_389 : vector<16xf32>
    %mul3A_391 = arith.mulf %mul3A_390, %mul3A_389 : vector<16xf32>
    %sub3A_392 = arith.constant 1.500000e+00 : f32
    %sub3A_393 = vector.broadcast %sub3A_392 : f32 to vector<16xf32>
    %sub3A_394 = arith.subf %sub3A_393, %mul3A_391 : vector<16xf32>
    %mul3A_395 = arith.mulf %mul3A_389, %sub3A_394 : vector<16xf32>
    %mul3A_396 = arith.mulf %mul3A_363, %mul3A_395 : vector<16xf32>
    %sub3A_397 = arith.subf %gather3A_281, %gather3A_305 : vector<16xf32>
    %sub3A_398 = arith.subf %gather3A_285, %gather3A_309 : vector<16xf32>
    %mul3A_399 = arith.mulf %sub3A_397, %sub3A_397 : vector<16xf32>
    %mul3A_400 = arith.mulf %sub3A_398, %sub3A_398 : vector<16xf32>
    %add3A_401 = arith.addf %mul3A_399, %mul3A_400 : vector<16xf32>
    %add3A_402 = arith.constant 9.99999996E-13 : f32
    %add3A_403 = vector.broadcast %add3A_402 : f32 to vector<16xf32>
    %add3A_404 = arith.addf %add3A_401, %add3A_403 : vector<16xf32>
    %bitcast_convert_type3A_405 = tpu.bitcast %add3A_404 : vector<16xf32> -> vector<16xi32>
    %shift_right_logical3A_406 = arith.constant 1 : i32
    %shift_right_logical3A_407 = vector.broadcast %shift_right_logical3A_406 : i32 to vector<16xi32>
    %shift_right_logical3A_408 = arith.shrui %bitcast_convert_type3A_405, %shift_right_logical3A_407 : vector<16xi32>
    %sub3A_409 = arith.constant 1597463007 : i32
    %sub3A_410 = vector.broadcast %sub3A_409 : i32 to vector<16xi32>
    %sub3A_411 = arith.subi %sub3A_410, %shift_right_logical3A_408 : vector<16xi32>
    %bitcast_convert_type3A_412 = tpu.bitcast %sub3A_411 : vector<16xi32> -> vector<16xf32>
    %mul3A_413 = arith.constant 5.000000e-01 : f32
    %mul3A_414 = vector.broadcast %mul3A_413 : f32 to vector<16xf32>
    %mul3A_415 = arith.mulf %add3A_404, %mul3A_414 : vector<16xf32>
    %mul3A_416 = arith.mulf %mul3A_415, %bitcast_convert_type3A_412 : vector<16xf32>
    %mul3A_417 = arith.mulf %mul3A_416, %bitcast_convert_type3A_412 : vector<16xf32>
    %sub3A_418 = arith.constant 1.500000e+00 : f32
    %sub3A_419 = vector.broadcast %sub3A_418 : f32 to vector<16xf32>
    %sub3A_420 = arith.subf %sub3A_419, %mul3A_417 : vector<16xf32>
    %mul3A_421 = arith.mulf %bitcast_convert_type3A_412, %sub3A_420 : vector<16xf32>
    %mul3A_422 = arith.mulf %mul3A_415, %mul3A_421 : vector<16xf32>
    %mul3A_423 = arith.mulf %mul3A_422, %mul3A_421 : vector<16xf32>
    %sub3A_424 = arith.constant 1.500000e+00 : f32
    %sub3A_425 = vector.broadcast %sub3A_424 : f32 to vector<16xf32>
    %sub3A_426 = arith.subf %sub3A_425, %mul3A_423 : vector<16xf32>
    %mul3A_427 = arith.mulf %mul3A_421, %sub3A_426 : vector<16xf32>
    %mul3A_428 = arith.mulf %mul3A_415, %mul3A_427 : vector<16xf32>
    %mul3A_429 = arith.mulf %mul3A_428, %mul3A_427 : vector<16xf32>
    %sub3A_430 = arith.constant 1.500000e+00 : f32
    %sub3A_431 = vector.broadcast %sub3A_430 : f32 to vector<16xf32>
    %sub3A_432 = arith.subf %sub3A_431, %mul3A_429 : vector<16xf32>
    %mul3A_433 = arith.mulf %mul3A_427, %sub3A_432 : vector<16xf32>
    %get3A_434 = arith.constant 16 : index
    %get3A_435 = tpu.vector_load %arg12[%get3A_434] {strides = array<i32>} : memref<80xf32, #tpu.memory_space<vmem>>, vector<16xf32>,
    %abs3A_436 = math.absf %get3A_435 : vector<16xf32>
    %abs3A_437 = math.absf %sub3A_397 : vector<16xf32>
    %abs3A_438 = math.absf %sub3A_398 : vector<16xf32>
    %mul3A_439 = arith.mulf %sub3A_397, %mul3A_433 : vector<16xf32>
    %mul3A_440 = arith.mulf %sub3A_398, %mul3A_433 : vector<16xf32>
    %iota3A_441 = tpu.iota {dimensions = array<i32: 0>} : vector<16xi32>
    %add3A_442 = arith.constant 16 : i32
    %add3A_443 = vector.broadcast %add3A_442 : i32 to vector<16xi32>
    %add3A_444 = arith.addi %iota3A_441, %add3A_443 : vector<16xi32>
    %broadcast_in_dim3A_445 = arith.constant 256 : i32
    %broadcast_in_dim3A_446 = vector.broadcast %broadcast_in_dim3A_445 : i32 to vector<16xi32>
    tpu.vector_store_idx %arg15[%add3A_444, %broadcast_in_dim3A_446], %abs3A_436 : memref<80x264xf32, #tpu.memory_space<vmem>>[vector<16xi32>, vector<16xi32>], vector<16xf32>,
    %broadcast_in_dim3A_447 = arith.constant 257 : i32
    %broadcast_in_dim3A_448 = vector.broadcast %broadcast_in_dim3A_447 : i32 to vector<16xi32>
    tpu.vector_store_idx %arg15[%add3A_444, %broadcast_in_dim3A_448], %mul3A_396 : memref<80x264xf32, #tpu.memory_space<vmem>>[vector<16xi32>, vector<16xi32>], vector<16xf32>,
    %broadcast_in_dim3A_449 = arith.constant 258 : i32
    %broadcast_in_dim3A_450 = vector.broadcast %broadcast_in_dim3A_449 : i32 to vector<16xi32>
    tpu.vector_store_idx %arg15[%add3A_444, %broadcast_in_dim3A_450], %sub3A_397 : memref<80x264xf32, #tpu.memory_space<vmem>>[vector<16xi32>, vector<16xi32>], vector<16xf32>,
    %broadcast_in_dim3A_451 = arith.constant 259 : i32
    %broadcast_in_dim3A_452 = vector.broadcast %broadcast_in_dim3A_451 : i32 to vector<16xi32>
    tpu.vector_store_idx %arg15[%add3A_444, %broadcast_in_dim3A_452], %sub3A_398 : memref<80x264xf32, #tpu.memory_space<vmem>>[vector<16xi32>, vector<16xi32>], vector<16xf32>,
    %broadcast_in_dim3A_453 = arith.constant 260 : i32
    %broadcast_in_dim3A_454 = vector.broadcast %broadcast_in_dim3A_453 : i32 to vector<16xi32>
    tpu.vector_store_idx %arg15[%add3A_444, %broadcast_in_dim3A_454], %abs3A_437 : memref<80x264xf32, #tpu.memory_space<vmem>>[vector<16xi32>, vector<16xi32>], vector<16xf32>,
    %broadcast_in_dim3A_455 = arith.constant 261 : i32
    %broadcast_in_dim3A_456 = vector.broadcast %broadcast_in_dim3A_455 : i32 to vector<16xi32>
    tpu.vector_store_idx %arg15[%add3A_444, %broadcast_in_dim3A_456], %abs3A_438 : memref<80x264xf32, #tpu.memory_space<vmem>>[vector<16xi32>, vector<16xi32>], vector<16xf32>,
    %broadcast_in_dim3A_457 = arith.constant 262 : i32
    %broadcast_in_dim3A_458 = vector.broadcast %broadcast_in_dim3A_457 : i32 to vector<16xi32>
    tpu.vector_store_idx %arg15[%add3A_444, %broadcast_in_dim3A_458], %mul3A_439 : memref<80x264xf32, #tpu.memory_space<vmem>>[vector<16xi32>, vector<16xi32>], vector<16xf32>,
    %broadcast_in_dim3A_459 = arith.constant 263 : i32
    %broadcast_in_dim3A_460 = vector.broadcast %broadcast_in_dim3A_459 : i32 to vector<16xi32>
    tpu.vector_store_idx %arg15[%add3A_444, %broadcast_in_dim3A_460], %mul3A_440 : memref<80x264xf32, #tpu.memory_space<vmem>>[vector<16xi32>, vector<16xi32>], vector<16xf32>,
    %get3A_461 = arith.constant 32 : index
    %get3A_462 = tpu.vector_load %arg8[%get3A_461] {strides = array<i32>} : memref<80xi32, #tpu.memory_space<vmem>>, vector<16xi32>,
    %mul3A_463 = arith.constant 6 : i32
    %mul3A_464 = vector.broadcast %mul3A_463 : i32 to vector<16xi32>
    %mul3A_465 = arith.muli %get3A_462, %mul3A_464 : vector<16xi32>
    %get3A_466 = arith.constant 32 : index
    %get3A_467 = tpu.vector_load %arg10[%get3A_466] {strides = array<i32>} : memref<80xi32, #tpu.memory_space<vmem>>, vector<16xi32>,
    %mul3A_468 = arith.constant 6 : i32
    %mul3A_469 = vector.broadcast %mul3A_468 : i32 to vector<16xi32>
    %mul3A_470 = arith.muli %get3A_467, %mul3A_469 : vector<16xi32>
    %add3A_471 = arith.constant 0 : i32
    %add3A_472 = vector.broadcast %add3A_471 : i32 to vector<16xi32>
    %add3A_473 = arith.addi %mul3A_465, %add3A_472 : vector<16xi32>
    %gather3A_474 = tpu.vector_load_idx %arg14[%add3A_473] : memref<60000xf32, #tpu.memory_space<vmem>>[vector<16xi32>], vector<16xf32>,
    %add3A_475 = arith.constant 1 : i32
    %add3A_476 = vector.broadcast %add3A_475 : i32 to vector<16xi32>
    %add3A_477 = arith.addi %mul3A_465, %add3A_476 : vector<16xi32>
    %gather3A_478 = tpu.vector_load_idx %arg14[%add3A_477] : memref<60000xf32, #tpu.memory_space<vmem>>[vector<16xi32>], vector<16xf32>,
    %add3A_479 = arith.constant 2 : i32
    %add3A_480 = vector.broadcast %add3A_479 : i32 to vector<16xi32>
    %add3A_481 = arith.addi %mul3A_465, %add3A_480 : vector<16xi32>
    %gather3A_482 = tpu.vector_load_idx %arg14[%add3A_481] : memref<60000xf32, #tpu.memory_space<vmem>>[vector<16xi32>], vector<16xf32>,
    %add3A_483 = arith.constant 3 : i32
    %add3A_484 = vector.broadcast %add3A_483 : i32 to vector<16xi32>
    %add3A_485 = arith.addi %mul3A_465, %add3A_484 : vector<16xi32>
    %gather3A_486 = tpu.vector_load_idx %arg14[%add3A_485] : memref<60000xf32, #tpu.memory_space<vmem>>[vector<16xi32>], vector<16xf32>,
    %add3A_487 = arith.constant 4 : i32
    %add3A_488 = vector.broadcast %add3A_487 : i32 to vector<16xi32>
    %add3A_489 = arith.addi %mul3A_465, %add3A_488 : vector<16xi32>
    %gather3A_490 = tpu.vector_load_idx %arg14[%add3A_489] : memref<60000xf32, #tpu.memory_space<vmem>>[vector<16xi32>], vector<16xf32>,
    %add3A_491 = arith.constant 5 : i32
    %add3A_492 = vector.broadcast %add3A_491 : i32 to vector<16xi32>
    %add3A_493 = arith.addi %mul3A_465, %add3A_492 : vector<16xi32>
    %gather3A_494 = tpu.vector_load_idx %arg14[%add3A_493] : memref<60000xf32, #tpu.memory_space<vmem>>[vector<16xi32>], vector<16xf32>,
    %add3A_495 = arith.constant 0 : i32
    %add3A_496 = vector.broadcast %add3A_495 : i32 to vector<16xi32>
    %add3A_497 = arith.addi %mul3A_470, %add3A_496 : vector<16xi32>
    %gather3A_498 = tpu.vector_load_idx %arg14[%add3A_497] : memref<60000xf32, #tpu.memory_space<vmem>>[vector<16xi32>], vector<16xf32>,
    %add3A_499 = arith.constant 1 : i32
    %add3A_500 = vector.broadcast %add3A_499 : i32 to vector<16xi32>
    %add3A_501 = arith.addi %mul3A_470, %add3A_500 : vector<16xi32>
    %gather3A_502 = tpu.vector_load_idx %arg14[%add3A_501] : memref<60000xf32, #tpu.memory_space<vmem>>[vector<16xi32>], vector<16xf32>,
    %add3A_503 = arith.constant 2 : i32
    %add3A_504 = vector.broadcast %add3A_503 : i32 to vector<16xi32>
    %add3A_505 = arith.addi %mul3A_470, %add3A_504 : vector<16xi32>
    %gather3A_506 = tpu.vector_load_idx %arg14[%add3A_505] : memref<60000xf32, #tpu.memory_space<vmem>>[vector<16xi32>], vector<16xf32>,
    %add3A_507 = arith.constant 3 : i32
    %add3A_508 = vector.broadcast %add3A_507 : i32 to vector<16xi32>
    %add3A_509 = arith.addi %mul3A_470, %add3A_508 : vector<16xi32>
    %gather3A_510 = tpu.vector_load_idx %arg14[%add3A_509] : memref<60000xf32, #tpu.memory_space<vmem>>[vector<16xi32>], vector<16xf32>,
    %add3A_511 = arith.constant 4 : i32
    %add3A_512 = vector.broadcast %add3A_511 : i32 to vector<16xi32>
    %add3A_513 = arith.addi %mul3A_470, %add3A_512 : vector<16xi32>
    %gather3A_514 = tpu.vector_load_idx %arg14[%add3A_513] : memref<60000xf32, #tpu.memory_space<vmem>>[vector<16xi32>], vector<16xf32>,
    %add3A_515 = arith.constant 5 : i32
    %add3A_516 = vector.broadcast %add3A_515 : i32 to vector<16xi32>
    %add3A_517 = arith.addi %mul3A_470, %add3A_516 : vector<16xi32>
    %gather3A_518 = tpu.vector_load_idx %arg14[%add3A_517] : memref<60000xf32, #tpu.memory_space<vmem>>[vector<16xi32>], vector<16xf32>,
    %mul3A_519 = arith.mulf %gather3A_474, %gather3A_498 : vector<16xf32>
    %mul3A_520 = arith.mulf %gather3A_478, %gather3A_502 : vector<16xf32>
    %add3A_521 = arith.addf %mul3A_519, %mul3A_520 : vector<16xf32>
    %mul3A_522 = arith.mulf %gather3A_482, %gather3A_506 : vector<16xf32>
    %add3A_523 = arith.addf %add3A_521, %mul3A_522 : vector<16xf32>
    %mul3A_524 = arith.mulf %gather3A_486, %gather3A_510 : vector<16xf32>
    %add3A_525 = arith.addf %add3A_523, %mul3A_524 : vector<16xf32>
    %mul3A_526 = arith.mulf %gather3A_474, %gather3A_474 : vector<16xf32>
    %mul3A_527 = arith.mulf %gather3A_478, %gather3A_478 : vector<16xf32>
    %add3A_528 = arith.addf %mul3A_526, %mul3A_527 : vector<16xf32>
    %mul3A_529 = arith.mulf %gather3A_482, %gather3A_482 : vector<16xf32>
    %add3A_530 = arith.addf %add3A_528, %mul3A_529 : vector<16xf32>
    %mul3A_531 = arith.mulf %gather3A_486, %gather3A_486 : vector<16xf32>
    %add3A_532 = arith.addf %add3A_530, %mul3A_531 : vector<16xf32>
    %mul3A_533 = arith.mulf %gather3A_498, %gather3A_498 : vector<16xf32>
    %mul3A_534 = arith.mulf %gather3A_502, %gather3A_502 : vector<16xf32>
    %add3A_535 = arith.addf %mul3A_533, %mul3A_534 : vector<16xf32>
    %mul3A_536 = arith.mulf %gather3A_506, %gather3A_506 : vector<16xf32>
    %add3A_537 = arith.addf %add3A_535, %mul3A_536 : vector<16xf32>
    %mul3A_538 = arith.mulf %gather3A_510, %gather3A_510 : vector<16xf32>
    %add3A_539 = arith.addf %add3A_537, %mul3A_538 : vector<16xf32>
    %max3A_540 = arith.constant 1.000000e-16 : f32
    %max3A_541 = vector.broadcast %max3A_540 : f32 to vector<16xf32>
    %max3A_542 = arith.maximumf %add3A_532, %max3A_541 : vector<16xf32>
    %bitcast_convert_type3A_543 = tpu.bitcast %max3A_542 : vector<16xf32> -> vector<16xi32>
    %shift_right_logical3A_544 = arith.constant 1 : i32
    %shift_right_logical3A_545 = vector.broadcast %shift_right_logical3A_544 : i32 to vector<16xi32>
    %shift_right_logical3A_546 = arith.shrui %bitcast_convert_type3A_543, %shift_right_logical3A_545 : vector<16xi32>
    %sub3A_547 = arith.constant 1597463007 : i32
    %sub3A_548 = vector.broadcast %sub3A_547 : i32 to vector<16xi32>
    %sub3A_549 = arith.subi %sub3A_548, %shift_right_logical3A_546 : vector<16xi32>
    %bitcast_convert_type3A_550 = tpu.bitcast %sub3A_549 : vector<16xi32> -> vector<16xf32>
    %mul3A_551 = arith.constant 5.000000e-01 : f32
    %mul3A_552 = vector.broadcast %mul3A_551 : f32 to vector<16xf32>
    %mul3A_553 = arith.mulf %max3A_542, %mul3A_552 : vector<16xf32>
    %mul3A_554 = arith.mulf %mul3A_553, %bitcast_convert_type3A_550 : vector<16xf32>
    %mul3A_555 = arith.mulf %mul3A_554, %bitcast_convert_type3A_550 : vector<16xf32>
    %sub3A_556 = arith.constant 1.500000e+00 : f32
    %sub3A_557 = vector.broadcast %sub3A_556 : f32 to vector<16xf32>
    %sub3A_558 = arith.subf %sub3A_557, %mul3A_555 : vector<16xf32>
    %mul3A_559 = arith.mulf %bitcast_convert_type3A_550, %sub3A_558 : vector<16xf32>
    %mul3A_560 = arith.mulf %mul3A_553, %mul3A_559 : vector<16xf32>
    %mul3A_561 = arith.mulf %mul3A_560, %mul3A_559 : vector<16xf32>
    %sub3A_562 = arith.constant 1.500000e+00 : f32
    %sub3A_563 = vector.broadcast %sub3A_562 : f32 to vector<16xf32>
    %sub3A_564 = arith.subf %sub3A_563, %mul3A_561 : vector<16xf32>
    %mul3A_565 = arith.mulf %mul3A_559, %sub3A_564 : vector<16xf32>
    %mul3A_566 = arith.mulf %mul3A_553, %mul3A_565 : vector<16xf32>
    %mul3A_567 = arith.mulf %mul3A_566, %mul3A_565 : vector<16xf32>
    %sub3A_568 = arith.constant 1.500000e+00 : f32
    %sub3A_569 = vector.broadcast %sub3A_568 : f32 to vector<16xf32>
    %sub3A_570 = arith.subf %sub3A_569, %mul3A_567 : vector<16xf32>
    %mul3A_571 = arith.mulf %mul3A_565, %sub3A_570 : vector<16xf32>
    %mul3A_572 = arith.mulf %add3A_525, %mul3A_571 : vector<16xf32>
    %max3A_573 = arith.constant 1.000000e-16 : f32
    %max3A_574 = vector.broadcast %max3A_573 : f32 to vector<16xf32>
    %max3A_575 = arith.maximumf %add3A_539, %max3A_574 : vector<16xf32>
    %bitcast_convert_type3A_576 = tpu.bitcast %max3A_575 : vector<16xf32> -> vector<16xi32>
    %shift_right_logical3A_577 = arith.constant 1 : i32
    %shift_right_logical3A_578 = vector.broadcast %shift_right_logical3A_577 : i32 to vector<16xi32>
    %shift_right_logical3A_579 = arith.shrui %bitcast_convert_type3A_576, %shift_right_logical3A_578 : vector<16xi32>
    %sub3A_580 = arith.constant 1597463007 : i32
    %sub3A_581 = vector.broadcast %sub3A_580 : i32 to vector<16xi32>
    %sub3A_582 = arith.subi %sub3A_581, %shift_right_logical3A_579 : vector<16xi32>
    %bitcast_convert_type3A_583 = tpu.bitcast %sub3A_582 : vector<16xi32> -> vector<16xf32>
    %mul3A_584 = arith.constant 5.000000e-01 : f32
    %mul3A_585 = vector.broadcast %mul3A_584 : f32 to vector<16xf32>
    %mul3A_586 = arith.mulf %max3A_575, %mul3A_585 : vector<16xf32>
    %mul3A_587 = arith.mulf %mul3A_586, %bitcast_convert_type3A_583 : vector<16xf32>
    %mul3A_588 = arith.mulf %mul3A_587, %bitcast_convert_type3A_583 : vector<16xf32>
    %sub3A_589 = arith.constant 1.500000e+00 : f32
    %sub3A_590 = vector.broadcast %sub3A_589 : f32 to vector<16xf32>
    %sub3A_591 = arith.subf %sub3A_590, %mul3A_588 : vector<16xf32>
    %mul3A_592 = arith.mulf %bitcast_convert_type3A_583, %sub3A_591 : vector<16xf32>
    %mul3A_593 = arith.mulf %mul3A_586, %mul3A_592 : vector<16xf32>
    %mul3A_594 = arith.mulf %mul3A_593, %mul3A_592 : vector<16xf32>
    %sub3A_595 = arith.constant 1.500000e+00 : f32
    %sub3A_596 = vector.broadcast %sub3A_595 : f32 to vector<16xf32>
    %sub3A_597 = arith.subf %sub3A_596, %mul3A_594 : vector<16xf32>
    %mul3A_598 = arith.mulf %mul3A_592, %sub3A_597 : vector<16xf32>
    %mul3A_599 = arith.mulf %mul3A_586, %mul3A_598 : vector<16xf32>
    %mul3A_600 = arith.mulf %mul3A_599, %mul3A_598 : vector<16xf32>
    %sub3A_601 = arith.constant 1.500000e+00 : f32
    %sub3A_602 = vector.broadcast %sub3A_601 : f32 to vector<16xf32>
    %sub3A_603 = arith.subf %sub3A_602, %mul3A_600 : vector<16xf32>
    %mul3A_604 = arith.mulf %mul3A_598, %sub3A_603 : vector<16xf32>
    %mul3A_605 = arith.mulf %mul3A_572, %mul3A_604 : vector<16xf32>
    %sub3A_606 = arith.subf %gather3A_490, %gather3A_514 : vector<16xf32>
    %sub3A_607 = arith.subf %gather3A_494, %gather3A_518 : vector<16xf32>
    %mul3A_608 = arith.mulf %sub3A_606, %sub3A_606 : vector<16xf32>
    %mul3A_609 = arith.mulf %sub3A_607, %sub3A_607 : vector<16xf32>
    %add3A_610 = arith.addf %mul3A_608, %mul3A_609 : vector<16xf32>
    %add3A_611 = arith.constant 9.99999996E-13 : f32
    %add3A_612 = vector.broadcast %add3A_611 : f32 to vector<16xf32>
    %add3A_613 = arith.addf %add3A_610, %add3A_612 : vector<16xf32>
    %bitcast_convert_type3A_614 = tpu.bitcast %add3A_613 : vector<16xf32> -> vector<16xi32>
    %shift_right_logical3A_615 = arith.constant 1 : i32
    %shift_right_logical3A_616 = vector.broadcast %shift_right_logical3A_615 : i32 to vector<16xi32>
    %shift_right_logical3A_617 = arith.shrui %bitcast_convert_type3A_614, %shift_right_logical3A_616 : vector<16xi32>
    %sub3A_618 = arith.constant 1597463007 : i32
    %sub3A_619 = vector.broadcast %sub3A_618 : i32 to vector<16xi32>
    %sub3A_620 = arith.subi %sub3A_619, %shift_right_logical3A_617 : vector<16xi32>
    %bitcast_convert_type3A_621 = tpu.bitcast %sub3A_620 : vector<16xi32> -> vector<16xf32>
    %mul3A_622 = arith.constant 5.000000e-01 : f32
    %mul3A_623 = vector.broadcast %mul3A_622 : f32 to vector<16xf32>
    %mul3A_624 = arith.mulf %add3A_613, %mul3A_623 : vector<16xf32>
    %mul3A_625 = arith.mulf %mul3A_624, %bitcast_convert_type3A_621 : vector<16xf32>
    %mul3A_626 = arith.mulf %mul3A_625, %bitcast_convert_type3A_621 : vector<16xf32>
    %sub3A_627 = arith.constant 1.500000e+00 : f32
    %sub3A_628 = vector.broadcast %sub3A_627 : f32 to vector<16xf32>
    %sub3A_629 = arith.subf %sub3A_628, %mul3A_626 : vector<16xf32>
    %mul3A_630 = arith.mulf %bitcast_convert_type3A_621, %sub3A_629 : vector<16xf32>
    %mul3A_631 = arith.mulf %mul3A_624, %mul3A_630 : vector<16xf32>
    %mul3A_632 = arith.mulf %mul3A_631, %mul3A_630 : vector<16xf32>
    %sub3A_633 = arith.constant 1.500000e+00 : f32
    %sub3A_634 = vector.broadcast %sub3A_633 : f32 to vector<16xf32>
    %sub3A_635 = arith.subf %sub3A_634, %mul3A_632 : vector<16xf32>
    %mul3A_636 = arith.mulf %mul3A_630, %sub3A_635 : vector<16xf32>
    %mul3A_637 = arith.mulf %mul3A_624, %mul3A_636 : vector<16xf32>
    %mul3A_638 = arith.mulf %mul3A_637, %mul3A_636 : vector<16xf32>
    %sub3A_639 = arith.constant 1.500000e+00 : f32
    %sub3A_640 = vector.broadcast %sub3A_639 : f32 to vector<16xf32>
    %sub3A_641 = arith.subf %sub3A_640, %mul3A_638 : vector<16xf32>
    %mul3A_642 = arith.mulf %mul3A_636, %sub3A_641 : vector<16xf32>
    %get3A_643 = arith.constant 32 : index
    %get3A_644 = tpu.vector_load %arg12[%get3A_643] {strides = array<i32>} : memref<80xf32, #tpu.memory_space<vmem>>, vector<16xf32>,
    %abs3A_645 = math.absf %get3A_644 : vector<16xf32>
    %abs3A_646 = math.absf %sub3A_606 : vector<16xf32>
    %abs3A_647 = math.absf %sub3A_607 : vector<16xf32>
    %mul3A_648 = arith.mulf %sub3A_606, %mul3A_642 : vector<16xf32>
    %mul3A_649 = arith.mulf %sub3A_607, %mul3A_642 : vector<16xf32>
    %iota3A_650 = tpu.iota {dimensions = array<i32: 0>} : vector<16xi32>
    %add3A_651 = arith.constant 32 : i32
    %add3A_652 = vector.broadcast %add3A_651 : i32 to vector<16xi32>
    %add3A_653 = arith.addi %iota3A_650, %add3A_652 : vector<16xi32>
    %broadcast_in_dim3A_654 = arith.constant 256 : i32
    %broadcast_in_dim3A_655 = vector.broadcast %broadcast_in_dim3A_654 : i32 to vector<16xi32>
    tpu.vector_store_idx %arg15[%add3A_653, %broadcast_in_dim3A_655], %abs3A_645 : memref<80x264xf32, #tpu.memory_space<vmem>>[vector<16xi32>, vector<16xi32>], vector<16xf32>,
    %broadcast_in_dim3A_656 = arith.constant 257 : i32
    %broadcast_in_dim3A_657 = vector.broadcast %broadcast_in_dim3A_656 : i32 to vector<16xi32>
    tpu.vector_store_idx %arg15[%add3A_653, %broadcast_in_dim3A_657], %mul3A_605 : memref<80x264xf32, #tpu.memory_space<vmem>>[vector<16xi32>, vector<16xi32>], vector<16xf32>,
    %broadcast_in_dim3A_658 = arith.constant 258 : i32
    %broadcast_in_dim3A_659 = vector.broadcast %broadcast_in_dim3A_658 : i32 to vector<16xi32>
    tpu.vector_store_idx %arg15[%add3A_653, %broadcast_in_dim3A_659], %sub3A_606 : memref<80x264xf32, #tpu.memory_space<vmem>>[vector<16xi32>, vector<16xi32>], vector<16xf32>,
    %broadcast_in_dim3A_660 = arith.constant 259 : i32
    %broadcast_in_dim3A_661 = vector.broadcast %broadcast_in_dim3A_660 : i32 to vector<16xi32>
    tpu.vector_store_idx %arg15[%add3A_653, %broadcast_in_dim3A_661], %sub3A_607 : memref<80x264xf32, #tpu.memory_space<vmem>>[vector<16xi32>, vector<16xi32>], vector<16xf32>,
    %broadcast_in_dim3A_662 = arith.constant 260 : i32
    %broadcast_in_dim3A_663 = vector.broadcast %broadcast_in_dim3A_662 : i32 to vector<16xi32>
    tpu.vector_store_idx %arg15[%add3A_653, %broadcast_in_dim3A_663], %abs3A_646 : memref<80x264xf32, #tpu.memory_space<vmem>>[vector<16xi32>, vector<16xi32>], vector<16xf32>,
    %broadcast_in_dim3A_664 = arith.constant 261 : i32
    %broadcast_in_dim3A_665 = vector.broadcast %broadcast_in_dim3A_664 : i32 to vector<16xi32>
    tpu.vector_store_idx %arg15[%add3A_653, %broadcast_in_dim3A_665], %abs3A_647 : memref<80x264xf32, #tpu.memory_space<vmem>>[vector<16xi32>, vector<16xi32>], vector<16xf32>,
    %broadcast_in_dim3A_666 = arith.constant 262 : i32
    %broadcast_in_dim3A_667 = vector.broadcast %broadcast_in_dim3A_666 : i32 to vector<16xi32>
    tpu.vector_store_idx %arg15[%add3A_653, %broadcast_in_dim3A_667], %mul3A_648 : memref<80x264xf32, #tpu.memory_space<vmem>>[vector<16xi32>, vector<16xi32>], vector<16xf32>,
    %broadcast_in_dim3A_668 = arith.constant 263 : i32
    %broadcast_in_dim3A_669 = vector.broadcast %broadcast_in_dim3A_668 : i32 to vector<16xi32>
    tpu.vector_store_idx %arg15[%add3A_653, %broadcast_in_dim3A_669], %mul3A_649 : memref<80x264xf32, #tpu.memory_space<vmem>>[vector<16xi32>, vector<16xi32>], vector<16xf32>,
    %get3A_670 = arith.constant 48 : index
    %get3A_671 = tpu.vector_load %arg8[%get3A_670] {strides = array<i32>} : memref<80xi32, #tpu.memory_space<vmem>>, vector<16xi32>,
    %mul3A_672 = arith.constant 6 : i32
    %mul3A_673 = vector.broadcast %mul3A_672 : i32 to vector<16xi32>
    %mul3A_674 = arith.muli %get3A_671, %mul3A_673 : vector<16xi32>
    %get3A_675 = arith.constant 48 : index
    %get3A_676 = tpu.vector_load %arg10[%get3A_675] {strides = array<i32>} : memref<80xi32, #tpu.memory_space<vmem>>, vector<16xi32>,
    %mul3A_677 = arith.constant 6 : i32
    %mul3A_678 = vector.broadcast %mul3A_677 : i32 to vector<16xi32>
    %mul3A_679 = arith.muli %get3A_676, %mul3A_678 : vector<16xi32>
    %add3A_680 = arith.constant 0 : i32
    %add3A_681 = vector.broadcast %add3A_680 : i32 to vector<16xi32>
    %add3A_682 = arith.addi %mul3A_674, %add3A_681 : vector<16xi32>
    %gather3A_683 = tpu.vector_load_idx %arg14[%add3A_682] : memref<60000xf32, #tpu.memory_space<vmem>>[vector<16xi32>], vector<16xf32>,
    %add3A_684 = arith.constant 1 : i32
    %add3A_685 = vector.broadcast %add3A_684 : i32 to vector<16xi32>
    %add3A_686 = arith.addi %mul3A_674, %add3A_685 : vector<16xi32>
    %gather3A_687 = tpu.vector_load_idx %arg14[%add3A_686] : memref<60000xf32, #tpu.memory_space<vmem>>[vector<16xi32>], vector<16xf32>,
    %add3A_688 = arith.constant 2 : i32
    %add3A_689 = vector.broadcast %add3A_688 : i32 to vector<16xi32>
    %add3A_690 = arith.addi %mul3A_674, %add3A_689 : vector<16xi32>
    %gather3A_691 = tpu.vector_load_idx %arg14[%add3A_690] : memref<60000xf32, #tpu.memory_space<vmem>>[vector<16xi32>], vector<16xf32>,
    %add3A_692 = arith.constant 3 : i32
    %add3A_693 = vector.broadcast %add3A_692 : i32 to vector<16xi32>
    %add3A_694 = arith.addi %mul3A_674, %add3A_693 : vector<16xi32>
    %gather3A_695 = tpu.vector_load_idx %arg14[%add3A_694] : memref<60000xf32, #tpu.memory_space<vmem>>[vector<16xi32>], vector<16xf32>,
    %add3A_696 = arith.constant 4 : i32
    %add3A_697 = vector.broadcast %add3A_696 : i32 to vector<16xi32>
    %add3A_698 = arith.addi %mul3A_674, %add3A_697 : vector<16xi32>
    %gather3A_699 = tpu.vector_load_idx %arg14[%add3A_698] : memref<60000xf32, #tpu.memory_space<vmem>>[vector<16xi32>], vector<16xf32>,
    %add3A_700 = arith.constant 5 : i32
    %add3A_701 = vector.broadcast %add3A_700 : i32 to vector<16xi32>
    %add3A_702 = arith.addi %mul3A_674, %add3A_701 : vector<16xi32>
    %gather3A_703 = tpu.vector_load_idx %arg14[%add3A_702] : memref<60000xf32, #tpu.memory_space<vmem>>[vector<16xi32>], vector<16xf32>,
    %add3A_704 = arith.constant 0 : i32
    %add3A_705 = vector.broadcast %add3A_704 : i32 to vector<16xi32>
    %add3A_706 = arith.addi %mul3A_679, %add3A_705 : vector<16xi32>
    %gather3A_707 = tpu.vector_load_idx %arg14[%add3A_706] : memref<60000xf32, #tpu.memory_space<vmem>>[vector<16xi32>], vector<16xf32>,
    %add3A_708 = arith.constant 1 : i32
    %add3A_709 = vector.broadcast %add3A_708 : i32 to vector<16xi32>
    %add3A_710 = arith.addi %mul3A_679, %add3A_709 : vector<16xi32>
    %gather3A_711 = tpu.vector_load_idx %arg14[%add3A_710] : memref<60000xf32, #tpu.memory_space<vmem>>[vector<16xi32>], vector<16xf32>,
    %add3A_712 = arith.constant 2 : i32
    %add3A_713 = vector.broadcast %add3A_712 : i32 to vector<16xi32>
    %add3A_714 = arith.addi %mul3A_679, %add3A_713 : vector<16xi32>
    %gather3A_715 = tpu.vector_load_idx %arg14[%add3A_714] : memref<60000xf32, #tpu.memory_space<vmem>>[vector<16xi32>], vector<16xf32>,
    %add3A_716 = arith.constant 3 : i32
    %add3A_717 = vector.broadcast %add3A_716 : i32 to vector<16xi32>
    %add3A_718 = arith.addi %mul3A_679, %add3A_717 : vector<16xi32>
    %gather3A_719 = tpu.vector_load_idx %arg14[%add3A_718] : memref<60000xf32, #tpu.memory_space<vmem>>[vector<16xi32>], vector<16xf32>,
    %add3A_720 = arith.constant 4 : i32
    %add3A_721 = vector.broadcast %add3A_720 : i32 to vector<16xi32>
    %add3A_722 = arith.addi %mul3A_679, %add3A_721 : vector<16xi32>
    %gather3A_723 = tpu.vector_load_idx %arg14[%add3A_722] : memref<60000xf32, #tpu.memory_space<vmem>>[vector<16xi32>], vector<16xf32>,
    %add3A_724 = arith.constant 5 : i32
    %add3A_725 = vector.broadcast %add3A_724 : i32 to vector<16xi32>
    %add3A_726 = arith.addi %mul3A_679, %add3A_725 : vector<16xi32>
    %gather3A_727 = tpu.vector_load_idx %arg14[%add3A_726] : memref<60000xf32, #tpu.memory_space<vmem>>[vector<16xi32>], vector<16xf32>,
    %mul3A_728 = arith.mulf %gather3A_683, %gather3A_707 : vector<16xf32>
    %mul3A_729 = arith.mulf %gather3A_687, %gather3A_711 : vector<16xf32>
    %add3A_730 = arith.addf %mul3A_728, %mul3A_729 : vector<16xf32>
    %mul3A_731 = arith.mulf %gather3A_691, %gather3A_715 : vector<16xf32>
    %add3A_732 = arith.addf %add3A_730, %mul3A_731 : vector<16xf32>
    %mul3A_733 = arith.mulf %gather3A_695, %gather3A_719 : vector<16xf32>
    %add3A_734 = arith.addf %add3A_732, %mul3A_733 : vector<16xf32>
    %mul3A_735 = arith.mulf %gather3A_683, %gather3A_683 : vector<16xf32>
    %mul3A_736 = arith.mulf %gather3A_687, %gather3A_687 : vector<16xf32>
    %add3A_737 = arith.addf %mul3A_735, %mul3A_736 : vector<16xf32>
    %mul3A_738 = arith.mulf %gather3A_691, %gather3A_691 : vector<16xf32>
    %add3A_739 = arith.addf %add3A_737, %mul3A_738 : vector<16xf32>
    %mul3A_740 = arith.mulf %gather3A_695, %gather3A_695 : vector<16xf32>
    %add3A_741 = arith.addf %add3A_739, %mul3A_740 : vector<16xf32>
    %mul3A_742 = arith.mulf %gather3A_707, %gather3A_707 : vector<16xf32>
    %mul3A_743 = arith.mulf %gather3A_711, %gather3A_711 : vector<16xf32>
    %add3A_744 = arith.addf %mul3A_742, %mul3A_743 : vector<16xf32>
    %mul3A_745 = arith.mulf %gather3A_715, %gather3A_715 : vector<16xf32>
    %add3A_746 = arith.addf %add3A_744, %mul3A_745 : vector<16xf32>
    %mul3A_747 = arith.mulf %gather3A_719, %gather3A_719 : vector<16xf32>
    %add3A_748 = arith.addf %add3A_746, %mul3A_747 : vector<16xf32>
    %max3A_749 = arith.constant 1.000000e-16 : f32
    %max3A_750 = vector.broadcast %max3A_749 : f32 to vector<16xf32>
    %max3A_751 = arith.maximumf %add3A_741, %max3A_750 : vector<16xf32>
    %bitcast_convert_type3A_752 = tpu.bitcast %max3A_751 : vector<16xf32> -> vector<16xi32>
    %shift_right_logical3A_753 = arith.constant 1 : i32
    %shift_right_logical3A_754 = vector.broadcast %shift_right_logical3A_753 : i32 to vector<16xi32>
    %shift_right_logical3A_755 = arith.shrui %bitcast_convert_type3A_752, %shift_right_logical3A_754 : vector<16xi32>
    %sub3A_756 = arith.constant 1597463007 : i32
    %sub3A_757 = vector.broadcast %sub3A_756 : i32 to vector<16xi32>
    %sub3A_758 = arith.subi %sub3A_757, %shift_right_logical3A_755 : vector<16xi32>
    %bitcast_convert_type3A_759 = tpu.bitcast %sub3A_758 : vector<16xi32> -> vector<16xf32>
    %mul3A_760 = arith.constant 5.000000e-01 : f32
    %mul3A_761 = vector.broadcast %mul3A_760 : f32 to vector<16xf32>
    %mul3A_762 = arith.mulf %max3A_751, %mul3A_761 : vector<16xf32>
    %mul3A_763 = arith.mulf %mul3A_762, %bitcast_convert_type3A_759 : vector<16xf32>
    %mul3A_764 = arith.mulf %mul3A_763, %bitcast_convert_type3A_759 : vector<16xf32>
    %sub3A_765 = arith.constant 1.500000e+00 : f32
    %sub3A_766 = vector.broadcast %sub3A_765 : f32 to vector<16xf32>
    %sub3A_767 = arith.subf %sub3A_766, %mul3A_764 : vector<16xf32>
    %mul3A_768 = arith.mulf %bitcast_convert_type3A_759, %sub3A_767 : vector<16xf32>
    %mul3A_769 = arith.mulf %mul3A_762, %mul3A_768 : vector<16xf32>
    %mul3A_770 = arith.mulf %mul3A_769, %mul3A_768 : vector<16xf32>
    %sub3A_771 = arith.constant 1.500000e+00 : f32
    %sub3A_772 = vector.broadcast %sub3A_771 : f32 to vector<16xf32>
    %sub3A_773 = arith.subf %sub3A_772, %mul3A_770 : vector<16xf32>
    %mul3A_774 = arith.mulf %mul3A_768, %sub3A_773 : vector<16xf32>
    %mul3A_775 = arith.mulf %mul3A_762, %mul3A_774 : vector<16xf32>
    %mul3A_776 = arith.mulf %mul3A_775, %mul3A_774 : vector<16xf32>
    %sub3A_777 = arith.constant 1.500000e+00 : f32
    %sub3A_778 = vector.broadcast %sub3A_777 : f32 to vector<16xf32>
    %sub3A_779 = arith.subf %sub3A_778, %mul3A_776 : vector<16xf32>
    %mul3A_780 = arith.mulf %mul3A_774, %sub3A_779 : vector<16xf32>
    %mul3A_781 = arith.mulf %add3A_734, %mul3A_780 : vector<16xf32>
    %max3A_782 = arith.constant 1.000000e-16 : f32
    %max3A_783 = vector.broadcast %max3A_782 : f32 to vector<16xf32>
    %max3A_784 = arith.maximumf %add3A_748, %max3A_783 : vector<16xf32>
    %bitcast_convert_type3A_785 = tpu.bitcast %max3A_784 : vector<16xf32> -> vector<16xi32>
    %shift_right_logical3A_786 = arith.constant 1 : i32
    %shift_right_logical3A_787 = vector.broadcast %shift_right_logical3A_786 : i32 to vector<16xi32>
    %shift_right_logical3A_788 = arith.shrui %bitcast_convert_type3A_785, %shift_right_logical3A_787 : vector<16xi32>
    %sub3A_789 = arith.constant 1597463007 : i32
    %sub3A_790 = vector.broadcast %sub3A_789 : i32 to vector<16xi32>
    %sub3A_791 = arith.subi %sub3A_790, %shift_right_logical3A_788 : vector<16xi32>
    %bitcast_convert_type3A_792 = tpu.bitcast %sub3A_791 : vector<16xi32> -> vector<16xf32>
    %mul3A_793 = arith.constant 5.000000e-01 : f32
    %mul3A_794 = vector.broadcast %mul3A_793 : f32 to vector<16xf32>
    %mul3A_795 = arith.mulf %max3A_784, %mul3A_794 : vector<16xf32>
    %mul3A_796 = arith.mulf %mul3A_795, %bitcast_convert_type3A_792 : vector<16xf32>
    %mul3A_797 = arith.mulf %mul3A_796, %bitcast_convert_type3A_792 : vector<16xf32>
    %sub3A_798 = arith.constant 1.500000e+00 : f32
    %sub3A_799 = vector.broadcast %sub3A_798 : f32 to vector<16xf32>
    %sub3A_800 = arith.subf %sub3A_799, %mul3A_797 : vector<16xf32>
    %mul3A_801 = arith.mulf %bitcast_convert_type3A_792, %sub3A_800 : vector<16xf32>
    %mul3A_802 = arith.mulf %mul3A_795, %mul3A_801 : vector<16xf32>
    %mul3A_803 = arith.mulf %mul3A_802, %mul3A_801 : vector<16xf32>
    %sub3A_804 = arith.constant 1.500000e+00 : f32
    %sub3A_805 = vector.broadcast %sub3A_804 : f32 to vector<16xf32>
    %sub3A_806 = arith.subf %sub3A_805, %mul3A_803 : vector<16xf32>
    %mul3A_807 = arith.mulf %mul3A_801, %sub3A_806 : vector<16xf32>
    %mul3A_808 = arith.mulf %mul3A_795, %mul3A_807 : vector<16xf32>
    %mul3A_809 = arith.mulf %mul3A_808, %mul3A_807 : vector<16xf32>
    %sub3A_810 = arith.constant 1.500000e+00 : f32
    %sub3A_811 = vector.broadcast %sub3A_810 : f32 to vector<16xf32>
    %sub3A_812 = arith.subf %sub3A_811, %mul3A_809 : vector<16xf32>
    %mul3A_813 = arith.mulf %mul3A_807, %sub3A_812 : vector<16xf32>
    %mul3A_814 = arith.mulf %mul3A_781, %mul3A_813 : vector<16xf32>
    %sub3A_815 = arith.subf %gather3A_699, %gather3A_723 : vector<16xf32>
    %sub3A_816 = arith.subf %gather3A_703, %gather3A_727 : vector<16xf32>
    %mul3A_817 = arith.mulf %sub3A_815, %sub3A_815 : vector<16xf32>
    %mul3A_818 = arith.mulf %sub3A_816, %sub3A_816 : vector<16xf32>
    %add3A_819 = arith.addf %mul3A_817, %mul3A_818 : vector<16xf32>
    %add3A_820 = arith.constant 9.99999996E-13 : f32
    %add3A_821 = vector.broadcast %add3A_820 : f32 to vector<16xf32>
    %add3A_822 = arith.addf %add3A_819, %add3A_821 : vector<16xf32>
    %bitcast_convert_type3A_823 = tpu.bitcast %add3A_822 : vector<16xf32> -> vector<16xi32>
    %shift_right_logical3A_824 = arith.constant 1 : i32
    %shift_right_logical3A_825 = vector.broadcast %shift_right_logical3A_824 : i32 to vector<16xi32>
    %shift_right_logical3A_826 = arith.shrui %bitcast_convert_type3A_823, %shift_right_logical3A_825 : vector<16xi32>
    %sub3A_827 = arith.constant 1597463007 : i32
    %sub3A_828 = vector.broadcast %sub3A_827 : i32 to vector<16xi32>
    %sub3A_829 = arith.subi %sub3A_828, %shift_right_logical3A_826 : vector<16xi32>
    %bitcast_convert_type3A_830 = tpu.bitcast %sub3A_829 : vector<16xi32> -> vector<16xf32>
    %mul3A_831 = arith.constant 5.000000e-01 : f32
    %mul3A_832 = vector.broadcast %mul3A_831 : f32 to vector<16xf32>
    %mul3A_833 = arith.mulf %add3A_822, %mul3A_832 : vector<16xf32>
    %mul3A_834 = arith.mulf %mul3A_833, %bitcast_convert_type3A_830 : vector<16xf32>
    %mul3A_835 = arith.mulf %mul3A_834, %bitcast_convert_type3A_830 : vector<16xf32>
    %sub3A_836 = arith.constant 1.500000e+00 : f32
    %sub3A_837 = vector.broadcast %sub3A_836 : f32 to vector<16xf32>
    %sub3A_838 = arith.subf %sub3A_837, %mul3A_835 : vector<16xf32>
    %mul3A_839 = arith.mulf %bitcast_convert_type3A_830, %sub3A_838 : vector<16xf32>
    %mul3A_840 = arith.mulf %mul3A_833, %mul3A_839 : vector<16xf32>
    %mul3A_841 = arith.mulf %mul3A_840, %mul3A_839 : vector<16xf32>
    %sub3A_842 = arith.constant 1.500000e+00 : f32
    %sub3A_843 = vector.broadcast %sub3A_842 : f32 to vector<16xf32>
    %sub3A_844 = arith.subf %sub3A_843, %mul3A_841 : vector<16xf32>
    %mul3A_845 = arith.mulf %mul3A_839, %sub3A_844 : vector<16xf32>
    %mul3A_846 = arith.mulf %mul3A_833, %mul3A_845 : vector<16xf32>
    %mul3A_847 = arith.mulf %mul3A_846, %mul3A_845 : vector<16xf32>
    %sub3A_848 = arith.constant 1.500000e+00 : f32
    %sub3A_849 = vector.broadcast %sub3A_848 : f32 to vector<16xf32>
    %sub3A_850 = arith.subf %sub3A_849, %mul3A_847 : vector<16xf32>
    %mul3A_851 = arith.mulf %mul3A_845, %sub3A_850 : vector<16xf32>
    %get3A_852 = arith.constant 48 : index
    %get3A_853 = tpu.vector_load %arg12[%get3A_852] {strides = array<i32>} : memref<80xf32, #tpu.memory_space<vmem>>, vector<16xf32>,
    %abs3A_854 = math.absf %get3A_853 : vector<16xf32>
    %abs3A_855 = math.absf %sub3A_815 : vector<16xf32>
    %abs3A_856 = math.absf %sub3A_816 : vector<16xf32>
    %mul3A_857 = arith.mulf %sub3A_815, %mul3A_851 : vector<16xf32>
    %mul3A_858 = arith.mulf %sub3A_816, %mul3A_851 : vector<16xf32>
    %iota3A_859 = tpu.iota {dimensions = array<i32: 0>} : vector<16xi32>
    %add3A_860 = arith.constant 48 : i32
    %add3A_861 = vector.broadcast %add3A_860 : i32 to vector<16xi32>
    %add3A_862 = arith.addi %iota3A_859, %add3A_861 : vector<16xi32>
    %broadcast_in_dim3A_863 = arith.constant 256 : i32
    %broadcast_in_dim3A_864 = vector.broadcast %broadcast_in_dim3A_863 : i32 to vector<16xi32>
    tpu.vector_store_idx %arg15[%add3A_862, %broadcast_in_dim3A_864], %abs3A_854 : memref<80x264xf32, #tpu.memory_space<vmem>>[vector<16xi32>, vector<16xi32>], vector<16xf32>,
    %broadcast_in_dim3A_865 = arith.constant 257 : i32
    %broadcast_in_dim3A_866 = vector.broadcast %broadcast_in_dim3A_865 : i32 to vector<16xi32>
    tpu.vector_store_idx %arg15[%add3A_862, %broadcast_in_dim3A_866], %mul3A_814 : memref<80x264xf32, #tpu.memory_space<vmem>>[vector<16xi32>, vector<16xi32>], vector<16xf32>,
    %broadcast_in_dim3A_867 = arith.constant 258 : i32
    %broadcast_in_dim3A_868 = vector.broadcast %broadcast_in_dim3A_867 : i32 to vector<16xi32>
    tpu.vector_store_idx %arg15[%add3A_862, %broadcast_in_dim3A_868], %sub3A_815 : memref<80x264xf32, #tpu.memory_space<vmem>>[vector<16xi32>, vector<16xi32>], vector<16xf32>,
    %broadcast_in_dim3A_869 = arith.constant 259 : i32
    %broadcast_in_dim3A_870 = vector.broadcast %broadcast_in_dim3A_869 : i32 to vector<16xi32>
    tpu.vector_store_idx %arg15[%add3A_862, %broadcast_in_dim3A_870], %sub3A_816 : memref<80x264xf32, #tpu.memory_space<vmem>>[vector<16xi32>, vector<16xi32>], vector<16xf32>,
    %broadcast_in_dim3A_871 = arith.constant 260 : i32
    %broadcast_in_dim3A_872 = vector.broadcast %broadcast_in_dim3A_871 : i32 to vector<16xi32>
    tpu.vector_store_idx %arg15[%add3A_862, %broadcast_in_dim3A_872], %abs3A_855 : memref<80x264xf32, #tpu.memory_space<vmem>>[vector<16xi32>, vector<16xi32>], vector<16xf32>,
    %broadcast_in_dim3A_873 = arith.constant 261 : i32
    %broadcast_in_dim3A_874 = vector.broadcast %broadcast_in_dim3A_873 : i32 to vector<16xi32>
    tpu.vector_store_idx %arg15[%add3A_862, %broadcast_in_dim3A_874], %abs3A_856 : memref<80x264xf32, #tpu.memory_space<vmem>>[vector<16xi32>, vector<16xi32>], vector<16xf32>,
    %broadcast_in_dim3A_875 = arith.constant 262 : i32
    %broadcast_in_dim3A_876 = vector.broadcast %broadcast_in_dim3A_875 : i32 to vector<16xi32>
    tpu.vector_store_idx %arg15[%add3A_862, %broadcast_in_dim3A_876], %mul3A_857 : memref<80x264xf32, #tpu.memory_space<vmem>>[vector<16xi32>, vector<16xi32>], vector<16xf32>,
    %broadcast_in_dim3A_877 = arith.constant 263 : i32
    %broadcast_in_dim3A_878 = vector.broadcast %broadcast_in_dim3A_877 : i32 to vector<16xi32>
    tpu.vector_store_idx %arg15[%add3A_862, %broadcast_in_dim3A_878], %mul3A_858 : memref<80x264xf32, #tpu.memory_space<vmem>>[vector<16xi32>, vector<16xi32>], vector<16xf32>,
    %get3A_879 = arith.constant 64 : index
    %get3A_880 = tpu.vector_load %arg8[%get3A_879] {strides = array<i32>} : memref<80xi32, #tpu.memory_space<vmem>>, vector<16xi32>,
    %mul3A_881 = arith.constant 6 : i32
    %mul3A_882 = vector.broadcast %mul3A_881 : i32 to vector<16xi32>
    %mul3A_883 = arith.muli %get3A_880, %mul3A_882 : vector<16xi32>
    %get3A_884 = arith.constant 64 : index
    %get3A_885 = tpu.vector_load %arg10[%get3A_884] {strides = array<i32>} : memref<80xi32, #tpu.memory_space<vmem>>, vector<16xi32>,
    %mul3A_886 = arith.constant 6 : i32
    %mul3A_887 = vector.broadcast %mul3A_886 : i32 to vector<16xi32>
    %mul3A_888 = arith.muli %get3A_885, %mul3A_887 : vector<16xi32>
    %add3A_889 = arith.constant 0 : i32
    %add3A_890 = vector.broadcast %add3A_889 : i32 to vector<16xi32>
    %add3A_891 = arith.addi %mul3A_883, %add3A_890 : vector<16xi32>
    %gather3A_892 = tpu.vector_load_idx %arg14[%add3A_891] : memref<60000xf32, #tpu.memory_space<vmem>>[vector<16xi32>], vector<16xf32>,
    %add3A_893 = arith.constant 1 : i32
    %add3A_894 = vector.broadcast %add3A_893 : i32 to vector<16xi32>
    %add3A_895 = arith.addi %mul3A_883, %add3A_894 : vector<16xi32>
    %gather3A_896 = tpu.vector_load_idx %arg14[%add3A_895] : memref<60000xf32, #tpu.memory_space<vmem>>[vector<16xi32>], vector<16xf32>,
    %add3A_897 = arith.constant 2 : i32
    %add3A_898 = vector.broadcast %add3A_897 : i32 to vector<16xi32>
    %add3A_899 = arith.addi %mul3A_883, %add3A_898 : vector<16xi32>
    %gather3A_900 = tpu.vector_load_idx %arg14[%add3A_899] : memref<60000xf32, #tpu.memory_space<vmem>>[vector<16xi32>], vector<16xf32>,
    %add3A_901 = arith.constant 3 : i32
    %add3A_902 = vector.broadcast %add3A_901 : i32 to vector<16xi32>
    %add3A_903 = arith.addi %mul3A_883, %add3A_902 : vector<16xi32>
    %gather3A_904 = tpu.vector_load_idx %arg14[%add3A_903] : memref<60000xf32, #tpu.memory_space<vmem>>[vector<16xi32>], vector<16xf32>,
    %add3A_905 = arith.constant 4 : i32
    %add3A_906 = vector.broadcast %add3A_905 : i32 to vector<16xi32>
    %add3A_907 = arith.addi %mul3A_883, %add3A_906 : vector<16xi32>
    %gather3A_908 = tpu.vector_load_idx %arg14[%add3A_907] : memref<60000xf32, #tpu.memory_space<vmem>>[vector<16xi32>], vector<16xf32>,
    %add3A_909 = arith.constant 5 : i32
    %add3A_910 = vector.broadcast %add3A_909 : i32 to vector<16xi32>
    %add3A_911 = arith.addi %mul3A_883, %add3A_910 : vector<16xi32>
    %gather3A_912 = tpu.vector_load_idx %arg14[%add3A_911] : memref<60000xf32, #tpu.memory_space<vmem>>[vector<16xi32>], vector<16xf32>,
    %add3A_913 = arith.constant 0 : i32
    %add3A_914 = vector.broadcast %add3A_913 : i32 to vector<16xi32>
    %add3A_915 = arith.addi %mul3A_888, %add3A_914 : vector<16xi32>
    %gather3A_916 = tpu.vector_load_idx %arg14[%add3A_915] : memref<60000xf32, #tpu.memory_space<vmem>>[vector<16xi32>], vector<16xf32>,
    %add3A_917 = arith.constant 1 : i32
    %add3A_918 = vector.broadcast %add3A_917 : i32 to vector<16xi32>
    %add3A_919 = arith.addi %mul3A_888, %add3A_918 : vector<16xi32>
    %gather3A_920 = tpu.vector_load_idx %arg14[%add3A_919] : memref<60000xf32, #tpu.memory_space<vmem>>[vector<16xi32>], vector<16xf32>,
    %add3A_921 = arith.constant 2 : i32
    %add3A_922 = vector.broadcast %add3A_921 : i32 to vector<16xi32>
    %add3A_923 = arith.addi %mul3A_888, %add3A_922 : vector<16xi32>
    %gather3A_924 = tpu.vector_load_idx %arg14[%add3A_923] : memref<60000xf32, #tpu.memory_space<vmem>>[vector<16xi32>], vector<16xf32>,
    %add3A_925 = arith.constant 3 : i32
    %add3A_926 = vector.broadcast %add3A_925 : i32 to vector<16xi32>
    %add3A_927 = arith.addi %mul3A_888, %add3A_926 : vector<16xi32>
    %gather3A_928 = tpu.vector_load_idx %arg14[%add3A_927] : memref<60000xf32, #tpu.memory_space<vmem>>[vector<16xi32>], vector<16xf32>,
    %add3A_929 = arith.constant 4 : i32
    %add3A_930 = vector.broadcast %add3A_929 : i32 to vector<16xi32>
    %add3A_931 = arith.addi %mul3A_888, %add3A_930 : vector<16xi32>
    %gather3A_932 = tpu.vector_load_idx %arg14[%add3A_931] : memref<60000xf32, #tpu.memory_space<vmem>>[vector<16xi32>], vector<16xf32>,
    %add3A_933 = arith.constant 5 : i32
    %add3A_934 = vector.broadcast %add3A_933 : i32 to vector<16xi32>
    %add3A_935 = arith.addi %mul3A_888, %add3A_934 : vector<16xi32>
    %gather3A_936 = tpu.vector_load_idx %arg14[%add3A_935] : memref<60000xf32, #tpu.memory_space<vmem>>[vector<16xi32>], vector<16xf32>,
    %mul3A_937 = arith.mulf %gather3A_892, %gather3A_916 : vector<16xf32>
    %mul3A_938 = arith.mulf %gather3A_896, %gather3A_920 : vector<16xf32>
    %add3A_939 = arith.addf %mul3A_937, %mul3A_938 : vector<16xf32>
    %mul3A_940 = arith.mulf %gather3A_900, %gather3A_924 : vector<16xf32>
    %add3A_941 = arith.addf %add3A_939, %mul3A_940 : vector<16xf32>
    %mul3A_942 = arith.mulf %gather3A_904, %gather3A_928 : vector<16xf32>
    %add3A_943 = arith.addf %add3A_941, %mul3A_942 : vector<16xf32>
    %mul3A_944 = arith.mulf %gather3A_892, %gather3A_892 : vector<16xf32>
    %mul3A_945 = arith.mulf %gather3A_896, %gather3A_896 : vector<16xf32>
    %add3A_946 = arith.addf %mul3A_944, %mul3A_945 : vector<16xf32>
    %mul3A_947 = arith.mulf %gather3A_900, %gather3A_900 : vector<16xf32>
    %add3A_948 = arith.addf %add3A_946, %mul3A_947 : vector<16xf32>
    %mul3A_949 = arith.mulf %gather3A_904, %gather3A_904 : vector<16xf32>
    %add3A_950 = arith.addf %add3A_948, %mul3A_949 : vector<16xf32>
    %mul3A_951 = arith.mulf %gather3A_916, %gather3A_916 : vector<16xf32>
    %mul3A_952 = arith.mulf %gather3A_920, %gather3A_920 : vector<16xf32>
    %add3A_953 = arith.addf %mul3A_951, %mul3A_952 : vector<16xf32>
    %mul3A_954 = arith.mulf %gather3A_924, %gather3A_924 : vector<16xf32>
    %add3A_955 = arith.addf %add3A_953, %mul3A_954 : vector<16xf32>
    %mul3A_956 = arith.mulf %gather3A_928, %gather3A_928 : vector<16xf32>
    %add3A_957 = arith.addf %add3A_955, %mul3A_956 : vector<16xf32>
    %max3A_958 = arith.constant 1.000000e-16 : f32
    %max3A_959 = vector.broadcast %max3A_958 : f32 to vector<16xf32>
    %max3A_960 = arith.maximumf %add3A_950, %max3A_959 : vector<16xf32>
    %bitcast_convert_type3A_961 = tpu.bitcast %max3A_960 : vector<16xf32> -> vector<16xi32>
    %shift_right_logical3A_962 = arith.constant 1 : i32
    %shift_right_logical3A_963 = vector.broadcast %shift_right_logical3A_962 : i32 to vector<16xi32>
    %shift_right_logical3A_964 = arith.shrui %bitcast_convert_type3A_961, %shift_right_logical3A_963 : vector<16xi32>
    %sub3A_965 = arith.constant 1597463007 : i32
    %sub3A_966 = vector.broadcast %sub3A_965 : i32 to vector<16xi32>
    %sub3A_967 = arith.subi %sub3A_966, %shift_right_logical3A_964 : vector<16xi32>
    %bitcast_convert_type3A_968 = tpu.bitcast %sub3A_967 : vector<16xi32> -> vector<16xf32>
    %mul3A_969 = arith.constant 5.000000e-01 : f32
    %mul3A_970 = vector.broadcast %mul3A_969 : f32 to vector<16xf32>
    %mul3A_971 = arith.mulf %max3A_960, %mul3A_970 : vector<16xf32>
    %mul3A_972 = arith.mulf %mul3A_971, %bitcast_convert_type3A_968 : vector<16xf32>
    %mul3A_973 = arith.mulf %mul3A_972, %bitcast_convert_type3A_968 : vector<16xf32>
    %sub3A_974 = arith.constant 1.500000e+00 : f32
    %sub3A_975 = vector.broadcast %sub3A_974 : f32 to vector<16xf32>
    %sub3A_976 = arith.subf %sub3A_975, %mul3A_973 : vector<16xf32>
    %mul3A_977 = arith.mulf %bitcast_convert_type3A_968, %sub3A_976 : vector<16xf32>
    %mul3A_978 = arith.mulf %mul3A_971, %mul3A_977 : vector<16xf32>
    %mul3A_979 = arith.mulf %mul3A_978, %mul3A_977 : vector<16xf32>
    %sub3A_980 = arith.constant 1.500000e+00 : f32
    %sub3A_981 = vector.broadcast %sub3A_980 : f32 to vector<16xf32>
    %sub3A_982 = arith.subf %sub3A_981, %mul3A_979 : vector<16xf32>
    %mul3A_983 = arith.mulf %mul3A_977, %sub3A_982 : vector<16xf32>
    %mul3A_984 = arith.mulf %mul3A_971, %mul3A_983 : vector<16xf32>
    %mul3A_985 = arith.mulf %mul3A_984, %mul3A_983 : vector<16xf32>
    %sub3A_986 = arith.constant 1.500000e+00 : f32
    %sub3A_987 = vector.broadcast %sub3A_986 : f32 to vector<16xf32>
    %sub3A_988 = arith.subf %sub3A_987, %mul3A_985 : vector<16xf32>
    %mul3A_989 = arith.mulf %mul3A_983, %sub3A_988 : vector<16xf32>
    %mul3A_990 = arith.mulf %add3A_943, %mul3A_989 : vector<16xf32>
    %max3A_991 = arith.constant 1.000000e-16 : f32
    %max3A_992 = vector.broadcast %max3A_991 : f32 to vector<16xf32>
    %max3A_993 = arith.maximumf %add3A_957, %max3A_992 : vector<16xf32>
    %bitcast_convert_type3A_994 = tpu.bitcast %max3A_993 : vector<16xf32> -> vector<16xi32>
    %shift_right_logical3A_995 = arith.constant 1 : i32
    %shift_right_logical3A_996 = vector.broadcast %shift_right_logical3A_995 : i32 to vector<16xi32>
    %shift_right_logical3A_997 = arith.shrui %bitcast_convert_type3A_994, %shift_right_logical3A_996 : vector<16xi32>
    %sub3A_998 = arith.constant 1597463007 : i32
    %sub3A_999 = vector.broadcast %sub3A_998 : i32 to vector<16xi32>
    %sub3A_1000 = arith.subi %sub3A_999, %shift_right_logical3A_997 : vector<16xi32>
    %bitcast_convert_type3A_1001 = tpu.bitcast %sub3A_1000 : vector<16xi32> -> vector<16xf32>
    %mul3A_1002 = arith.constant 5.000000e-01 : f32
    %mul3A_1003 = vector.broadcast %mul3A_1002 : f32 to vector<16xf32>
    %mul3A_1004 = arith.mulf %max3A_993, %mul3A_1003 : vector<16xf32>
    %mul3A_1005 = arith.mulf %mul3A_1004, %bitcast_convert_type3A_1001 : vector<16xf32>
    %mul3A_1006 = arith.mulf %mul3A_1005, %bitcast_convert_type3A_1001 : vector<16xf32>
    %sub3A_1007 = arith.constant 1.500000e+00 : f32
    %sub3A_1008 = vector.broadcast %sub3A_1007 : f32 to vector<16xf32>
    %sub3A_1009 = arith.subf %sub3A_1008, %mul3A_1006 : vector<16xf32>
    %mul3A_1010 = arith.mulf %bitcast_convert_type3A_1001, %sub3A_1009 : vector<16xf32>
    %mul3A_1011 = arith.mulf %mul3A_1004, %mul3A_1010 : vector<16xf32>
    %mul3A_1012 = arith.mulf %mul3A_1011, %mul3A_1010 : vector<16xf32>
    %sub3A_1013 = arith.constant 1.500000e+00 : f32
    %sub3A_1014 = vector.broadcast %sub3A_1013 : f32 to vector<16xf32>
    %sub3A_1015 = arith.subf %sub3A_1014, %mul3A_1012 : vector<16xf32>
    %mul3A_1016 = arith.mulf %mul3A_1010, %sub3A_1015 : vector<16xf32>
    %mul3A_1017 = arith.mulf %mul3A_1004, %mul3A_1016 : vector<16xf32>
    %mul3A_1018 = arith.mulf %mul3A_1017, %mul3A_1016 : vector<16xf32>
    %sub3A_1019 = arith.constant 1.500000e+00 : f32
    %sub3A_1020 = vector.broadcast %sub3A_1019 : f32 to vector<16xf32>
    %sub3A_1021 = arith.subf %sub3A_1020, %mul3A_1018 : vector<16xf32>
    %mul3A_1022 = arith.mulf %mul3A_1016, %sub3A_1021 : vector<16xf32>
    %mul3A_1023 = arith.mulf %mul3A_990, %mul3A_1022 : vector<16xf32>
    %sub3A_1024 = arith.subf %gather3A_908, %gather3A_932 : vector<16xf32>
    %sub3A_1025 = arith.subf %gather3A_912, %gather3A_936 : vector<16xf32>
    %mul3A_1026 = arith.mulf %sub3A_1024, %sub3A_1024 : vector<16xf32>
    %mul3A_1027 = arith.mulf %sub3A_1025, %sub3A_1025 : vector<16xf32>
    %add3A_1028 = arith.addf %mul3A_1026, %mul3A_1027 : vector<16xf32>
    %add3A_1029 = arith.constant 9.99999996E-13 : f32
    %add3A_1030 = vector.broadcast %add3A_1029 : f32 to vector<16xf32>
    %add3A_1031 = arith.addf %add3A_1028, %add3A_1030 : vector<16xf32>
    %bitcast_convert_type3A_1032 = tpu.bitcast %add3A_1031 : vector<16xf32> -> vector<16xi32>
    %shift_right_logical3A_1033 = arith.constant 1 : i32
    %shift_right_logical3A_1034 = vector.broadcast %shift_right_logical3A_1033 : i32 to vector<16xi32>
    %shift_right_logical3A_1035 = arith.shrui %bitcast_convert_type3A_1032, %shift_right_logical3A_1034 : vector<16xi32>
    %sub3A_1036 = arith.constant 1597463007 : i32
    %sub3A_1037 = vector.broadcast %sub3A_1036 : i32 to vector<16xi32>
    %sub3A_1038 = arith.subi %sub3A_1037, %shift_right_logical3A_1035 : vector<16xi32>
    %bitcast_convert_type3A_1039 = tpu.bitcast %sub3A_1038 : vector<16xi32> -> vector<16xf32>
    %mul3A_1040 = arith.constant 5.000000e-01 : f32
    %mul3A_1041 = vector.broadcast %mul3A_1040 : f32 to vector<16xf32>
    %mul3A_1042 = arith.mulf %add3A_1031, %mul3A_1041 : vector<16xf32>
    %mul3A_1043 = arith.mulf %mul3A_1042, %bitcast_convert_type3A_1039 : vector<16xf32>
    %mul3A_1044 = arith.mulf %mul3A_1043, %bitcast_convert_type3A_1039 : vector<16xf32>
    %sub3A_1045 = arith.constant 1.500000e+00 : f32
    %sub3A_1046 = vector.broadcast %sub3A_1045 : f32 to vector<16xf32>
    %sub3A_1047 = arith.subf %sub3A_1046, %mul3A_1044 : vector<16xf32>
    %mul3A_1048 = arith.mulf %bitcast_convert_type3A_1039, %sub3A_1047 : vector<16xf32>
    %mul3A_1049 = arith.mulf %mul3A_1042, %mul3A_1048 : vector<16xf32>
    %mul3A_1050 = arith.mulf %mul3A_1049, %mul3A_1048 : vector<16xf32>
    %sub3A_1051 = arith.constant 1.500000e+00 : f32
    %sub3A_1052 = vector.broadcast %sub3A_1051 : f32 to vector<16xf32>
    %sub3A_1053 = arith.subf %sub3A_1052, %mul3A_1050 : vector<16xf32>
    %mul3A_1054 = arith.mulf %mul3A_1048, %sub3A_1053 : vector<16xf32>
    %mul3A_1055 = arith.mulf %mul3A_1042, %mul3A_1054 : vector<16xf32>
    %mul3A_1056 = arith.mulf %mul3A_1055, %mul3A_1054 : vector<16xf32>
    %sub3A_1057 = arith.constant 1.500000e+00 : f32
    %sub3A_1058 = vector.broadcast %sub3A_1057 : f32 to vector<16xf32>
    %sub3A_1059 = arith.subf %sub3A_1058, %mul3A_1056 : vector<16xf32>
    %mul3A_1060 = arith.mulf %mul3A_1054, %sub3A_1059 : vector<16xf32>
    %get3A_1061 = arith.constant 64 : index
    %get3A_1062 = tpu.vector_load %arg12[%get3A_1061] {strides = array<i32>} : memref<80xf32, #tpu.memory_space<vmem>>, vector<16xf32>,
    %abs3A_1063 = math.absf %get3A_1062 : vector<16xf32>
    %abs3A_1064 = math.absf %sub3A_1024 : vector<16xf32>
    %abs3A_1065 = math.absf %sub3A_1025 : vector<16xf32>
    %mul3A_1066 = arith.mulf %sub3A_1024, %mul3A_1060 : vector<16xf32>
    %mul3A_1067 = arith.mulf %sub3A_1025, %mul3A_1060 : vector<16xf32>
    %iota3A_1068 = tpu.iota {dimensions = array<i32: 0>} : vector<16xi32>
    %add3A_1069 = arith.constant 64 : i32
    %add3A_1070 = vector.broadcast %add3A_1069 : i32 to vector<16xi32>
    %add3A_1071 = arith.addi %iota3A_1068, %add3A_1070 : vector<16xi32>
    %broadcast_in_dim3A_1072 = arith.constant 256 : i32
    %broadcast_in_dim3A_1073 = vector.broadcast %broadcast_in_dim3A_1072 : i32 to vector<16xi32>
    tpu.vector_store_idx %arg15[%add3A_1071, %broadcast_in_dim3A_1073], %abs3A_1063 : memref<80x264xf32, #tpu.memory_space<vmem>>[vector<16xi32>, vector<16xi32>], vector<16xf32>,
    %broadcast_in_dim3A_1074 = arith.constant 257 : i32
    %broadcast_in_dim3A_1075 = vector.broadcast %broadcast_in_dim3A_1074 : i32 to vector<16xi32>
    tpu.vector_store_idx %arg15[%add3A_1071, %broadcast_in_dim3A_1075], %mul3A_1023 : memref<80x264xf32, #tpu.memory_space<vmem>>[vector<16xi32>, vector<16xi32>], vector<16xf32>,
    %broadcast_in_dim3A_1076 = arith.constant 258 : i32
    %broadcast_in_dim3A_1077 = vector.broadcast %broadcast_in_dim3A_1076 : i32 to vector<16xi32>
    tpu.vector_store_idx %arg15[%add3A_1071, %broadcast_in_dim3A_1077], %sub3A_1024 : memref<80x264xf32, #tpu.memory_space<vmem>>[vector<16xi32>, vector<16xi32>], vector<16xf32>,
    %broadcast_in_dim3A_1078 = arith.constant 259 : i32
    %broadcast_in_dim3A_1079 = vector.broadcast %broadcast_in_dim3A_1078 : i32 to vector<16xi32>
    tpu.vector_store_idx %arg15[%add3A_1071, %broadcast_in_dim3A_1079], %sub3A_1025 : memref<80x264xf32, #tpu.memory_space<vmem>>[vector<16xi32>, vector<16xi32>], vector<16xf32>,
    %broadcast_in_dim3A_1080 = arith.constant 260 : i32
    %broadcast_in_dim3A_1081 = vector.broadcast %broadcast_in_dim3A_1080 : i32 to vector<16xi32>
    tpu.vector_store_idx %arg15[%add3A_1071, %broadcast_in_dim3A_1081], %abs3A_1064 : memref<80x264xf32, #tpu.memory_space<vmem>>[vector<16xi32>, vector<16xi32>], vector<16xf32>,
    %broadcast_in_dim3A_1082 = arith.constant 261 : i32
    %broadcast_in_dim3A_1083 = vector.broadcast %broadcast_in_dim3A_1082 : i32 to vector<16xi32>
    tpu.vector_store_idx %arg15[%add3A_1071, %broadcast_in_dim3A_1083], %abs3A_1065 : memref<80x264xf32, #tpu.memory_space<vmem>>[vector<16xi32>, vector<16xi32>], vector<16xf32>,
    %broadcast_in_dim3A_1084 = arith.constant 262 : i32
    %broadcast_in_dim3A_1085 = vector.broadcast %broadcast_in_dim3A_1084 : i32 to vector<16xi32>
    tpu.vector_store_idx %arg15[%add3A_1071, %broadcast_in_dim3A_1085], %mul3A_1066 : memref<80x264xf32, #tpu.memory_space<vmem>>[vector<16xi32>, vector<16xi32>], vector<16xf32>,
    %broadcast_in_dim3A_1086 = arith.constant 263 : i32
    %broadcast_in_dim3A_1087 = vector.broadcast %broadcast_in_dim3A_1086 : i32 to vector<16xi32>
    tpu.vector_store_idx %arg15[%add3A_1071, %broadcast_in_dim3A_1087], %mul3A_1067 : memref<80x264xf32, #tpu.memory_space<vmem>>[vector<16xi32>, vector<16xi32>], vector<16xf32>,
    %dma_wait3A_1088 = arith.constant 0 : i32
    %dma_wait3A_1089 = tpu.memref_slice %arg2[%dma_wait3A_1088] : memref<320000xi32, #tpu.memory_space<hbm>> -> memref<80xi32, #tpu.memory_space<hbm>>
    %dma_wait3A_1090 = arith.constant 0 : i32
    %dma_wait3A_1091 = tpu.memref_slice %arg2[%dma_wait3A_1090] : memref<320000xi32, #tpu.memory_space<hbm>> -> memref<80xi32, #tpu.memory_space<hbm>>
    tpu.wait_dma2 semaphore(%arg22 : memref<!tpu.dma_semaphore, #tpu.memory_space<semaphore_mem>>) src(%dma_wait3A_1091 : memref<80xi32, #tpu.memory_space<hbm>>) dst(%arg9 : memref<80xi32, #tpu.memory_space<vmem>>)
    %dma_wait3A_1092 = arith.constant 0 : i32
    %dma_wait3A_1093 = tpu.memref_slice %arg3[%dma_wait3A_1092] : memref<320000xi32, #tpu.memory_space<hbm>> -> memref<80xi32, #tpu.memory_space<hbm>>
    %dma_wait3A_1094 = arith.constant 0 : i32
    %dma_wait3A_1095 = tpu.memref_slice %arg3[%dma_wait3A_1094] : memref<320000xi32, #tpu.memory_space<hbm>> -> memref<80xi32, #tpu.memory_space<hbm>>
    tpu.wait_dma2 semaphore(%arg22 : memref<!tpu.dma_semaphore, #tpu.memory_space<semaphore_mem>>) src(%dma_wait3A_1095 : memref<80xi32, #tpu.memory_space<hbm>>) dst(%arg11 : memref<80xi32, #tpu.memory_space<vmem>>)
    %dma_wait3A_1096 = arith.constant 0 : i32
    %dma_wait3A_1097 = tpu.memref_slice %arg4[%dma_wait3A_1096] : memref<320000xf32, #tpu.memory_space<hbm>> -> memref<80xf32, #tpu.memory_space<hbm>>
    %dma_wait3A_1098 = arith.constant 0 : i32
    %dma_wait3A_1099 = tpu.memref_slice %arg4[%dma_wait3A_1098] : memref<320000xf32, #tpu.memory_space<hbm>> -> memref<80xf32, #tpu.memory_space<hbm>>
    tpu.wait_dma2 semaphore(%arg22 : memref<!tpu.dma_semaphore, #tpu.memory_space<semaphore_mem>>) src(%dma_wait3A_1099 : memref<80xf32, #tpu.memory_space<hbm>>) dst(%arg13 : memref<80xf32, #tpu.memory_space<vmem>>)
    %dma_start3A_1100 = arith.constant 0 : i32
    %dma_start3A_1101 = arith.constant 0 : i32
    %dma_start3A_1102 = tpu.memref_slice %arg16[%dma_start3A_1100, %dma_start3A_1101] : memref<80x264xf32, #tpu.memory_space<vmem>> -> memref<80x128xf32, #tpu.memory_space<vmem>>
    %dma_start3A_1103 = arith.constant 0 : i32
    %dma_start3A_1104 = arith.constant 0 : i32
    %dma_start3A_1105 = tpu.memref_slice %arg5[%dma_start3A_1103, %dma_start3A_1104] : memref<10000x128xf32, #tpu.memory_space<hbm>> -> memref<10000x128xf32, #tpu.memory_space<hbm>>
    tpu.enqueue_indirect_dma source(%dma_start3A_1105 : memref<10000x128xf32, #tpu.memory_space<hbm>>) target(%dma_start3A_1102 : memref<80x128xf32, #tpu.memory_space<vmem>>) offsets(%arg9 : memref<80xi32, #tpu.memory_space<vmem>>) semaphore(%arg18 : memref<!tpu.dma_semaphore, #tpu.memory_space<semaphore_mem>>)
    %dma_start3A_1106 = arith.constant 0 : i32
    %dma_start3A_1107 = arith.constant 128 : i32
    %dma_start3A_1108 = tpu.memref_slice %arg16[%dma_start3A_1106, %dma_start3A_1107] : memref<80x264xf32, #tpu.memory_space<vmem>> -> memref<80x128xf32, #tpu.memory_space<vmem>>
    %dma_start3A_1109 = arith.constant 0 : i32
    %dma_start3A_1110 = arith.constant 0 : i32
    %dma_start3A_1111 = tpu.memref_slice %arg5[%dma_start3A_1109, %dma_start3A_1110] : memref<10000x128xf32, #tpu.memory_space<hbm>> -> memref<10000x128xf32, #tpu.memory_space<hbm>>
    tpu.enqueue_indirect_dma source(%dma_start3A_1111 : memref<10000x128xf32, #tpu.memory_space<hbm>>) target(%dma_start3A_1108 : memref<80x128xf32, #tpu.memory_space<vmem>>) offsets(%arg11 : memref<80xi32, #tpu.memory_space<vmem>>) semaphore(%arg18 : memref<!tpu.dma_semaphore, #tpu.memory_space<semaphore_mem>>)
    %dma_wait3A_1112 = arith.constant 0 : i32
    %dma_wait3A_1113 = arith.constant 0 : i32
    %dma_wait3A_1114 = tpu.memref_slice %arg15[%dma_wait3A_1112, %dma_wait3A_1113] : memref<80x264xf32, #tpu.memory_space<vmem>> -> memref<80x128xf32, #tpu.memory_space<vmem>>
    %dma_wait3A_1115 = arith.constant 0 : i32
    %dma_wait3A_1116 = arith.constant 0 : i32
    %dma_wait3A_1117 = tpu.memref_slice %arg5[%dma_wait3A_1115, %dma_wait3A_1116] : memref<10000x128xf32, #tpu.memory_space<hbm>> -> memref<10000x128xf32, #tpu.memory_space<hbm>>
    tpu.wait_indirect_dma semaphore(%arg17 : memref<!tpu.dma_semaphore, #tpu.memory_space<semaphore_mem>>) src(%dma_wait3A_1117 : memref<10000x128xf32, #tpu.memory_space<hbm>>) dst(%dma_wait3A_1114 : memref<80x128xf32, #tpu.memory_space<vmem>>)
    %dma_wait3A_1118 = arith.constant 0 : i32
    %dma_wait3A_1119 = arith.constant 128 : i32
    %dma_wait3A_1120 = tpu.memref_slice %arg15[%dma_wait3A_1118, %dma_wait3A_1119] : memref<80x264xf32, #tpu.memory_space<vmem>> -> memref<80x128xf32, #tpu.memory_space<vmem>>
    %dma_wait3A_1121 = arith.constant 0 : i32
    %dma_wait3A_1122 = arith.constant 0 : i32
    %dma_wait3A_1123 = tpu.memref_slice %arg5[%dma_wait3A_1121, %dma_wait3A_1122] : memref<10000x128xf32, #tpu.memory_space<hbm>> -> memref<10000x128xf32, #tpu.memory_space<hbm>>
    tpu.wait_indirect_dma semaphore(%arg17 : memref<!tpu.dma_semaphore, #tpu.memory_space<semaphore_mem>>) src(%dma_wait3A_1123 : memref<10000x128xf32, #tpu.memory_space<hbm>>) dst(%dma_wait3A_1120 : memref<80x128xf32, #tpu.memory_space<vmem>>)
    %add3A_1124 = arith.constant 160 : i32
    %add3A_1125 = arith.addi %mul3A_2, %add3A_1124 : i32
    %add3A_1126 = arith.constant 10000 : i32
    %add3A_1127 = arith.addi %mul3A_2, %add3A_1126 : i32
    %sub3A_1128 = arith.constant 80 : i32
    %sub3A_1129 = arith.subi %add3A_1127, %sub3A_1128 : i32
    %min3A_1130 = arith.minsi %add3A_1125, %sub3A_1129 : i32
    %dma_start3A_1131 = tpu.memref_slice %arg2[%min3A_1130] : memref<320000xi32, #tpu.memory_space<hbm>> -> memref<80xi32, #tpu.memory_space<hbm>>
    %dma_start3A_1132 = tpu.memref_slice %arg2[%min3A_1130] : memref<320000xi32, #tpu.memory_space<hbm>> -> memref<80xi32, #tpu.memory_space<hbm>>
    tpu.enqueue_dma source(%dma_start3A_1132 : memref<80xi32, #tpu.memory_space<hbm>>) target(%arg8 : memref<80xi32, #tpu.memory_space<vmem>>) target_semaphore(%arg21 : memref<!tpu.dma_semaphore, #tpu.memory_space<semaphore_mem>>)
    %dma_start3A_1133 = tpu.memref_slice %arg3[%min3A_1130] : memref<320000xi32, #tpu.memory_space<hbm>> -> memref<80xi32, #tpu.memory_space<hbm>>
    %dma_start3A_1134 = tpu.memref_slice %arg3[%min3A_1130] : memref<320000xi32, #tpu.memory_space<hbm>> -> memref<80xi32, #tpu.memory_space<hbm>>
    tpu.enqueue_dma source(%dma_start3A_1134 : memref<80xi32, #tpu.memory_space<hbm>>) target(%arg10 : memref<80xi32, #tpu.memory_space<vmem>>) target_semaphore(%arg21 : memref<!tpu.dma_semaphore, #tpu.memory_space<semaphore_mem>>)
    %dma_start3A_1135 = tpu.memref_slice %arg4[%min3A_1130] : memref<320000xf32, #tpu.memory_space<hbm>> -> memref<80xf32, #tpu.memory_space<hbm>>
    %dma_start3A_1136 = tpu.memref_slice %arg4[%min3A_1130] : memref<320000xf32, #tpu.memory_space<hbm>> -> memref<80xf32, #tpu.memory_space<hbm>>
    tpu.enqueue_dma source(%dma_start3A_1136 : memref<80xf32, #tpu.memory_space<hbm>>) target(%arg12 : memref<80xf32, #tpu.memory_space<vmem>>) target_semaphore(%arg21 : memref<!tpu.dma_semaphore, #tpu.memory_space<semaphore_mem>>)
    %dma_start3A_1137 = arith.constant 0 : i32
    %dma_start3A_1138 = tpu.memref_slice %arg7[%add3A_50, %dma_start3A_1137] : memref<320000x264xf32, #tpu.memory_space<hbm>> -> memref<80x264xf32, #tpu.memory_space<hbm>>
    %dma_start3A_1139 = arith.constant 0 : i32
    %dma_start3A_1140 = tpu.memref_slice %arg7[%add3A_50, %dma_start3A_1139] : memref<320000x264xf32, #tpu.memory_space<hbm>> -> memref<80x264xf32, #tpu.memory_space<hbm>>
    tpu.enqueue_dma source(%arg15 : memref<80x264xf32, #tpu.memory_space<vmem>>) target(%dma_start3A_1140 : memref<80x264xf32, #tpu.memory_space<hbm>>) target_semaphore(%arg19 : memref<!tpu.dma_semaphore, #tpu.memory_space<semaphore_mem>>)
    %scan3A = arith.constant 0 : i32
    %scan3A_1141 = arith.constant 0 : i32
    %scan3A_1142 = arith.constant 62 : i32
    %scan3A_1143 = arith.addi %scan3A_1141, %scan3A_1142 : i32
    %scan3A_1144 = arith.constant 1 : i32
    scf.for %scan3A_1176 = %scan3A_1141 to %scan3A_1143 step %scan3A_1144  : i32 {
      %mul3A_1177 = arith.constant 2 : i32
      %mul3A_1178 = arith.muli %mul3A_1177, %scan3A_1176 : i32
      %add3A_1179 = arith.constant 1 : i32
      %add3A_1180 = arith.addi %mul3A_1178, %add3A_1179 : i32
      %mul3A_1181 = arith.constant 80 : i32
      %mul3A_1182 = arith.muli %add3A_1180, %mul3A_1181 : i32
      %add3A_1183 = arith.addi %mul3A_2, %mul3A_1182 : i32
      %get3A_1184 = arith.constant 0 : index
      %get3A_1185 = tpu.vector_load %arg9[%get3A_1184] {strides = array<i32>} : memref<80xi32, #tpu.memory_space<vmem>>, vector<16xi32>,
      %mul3A_1186 = arith.constant 6 : i32
      %mul3A_1187 = vector.broadcast %mul3A_1186 : i32 to vector<16xi32>
      %mul3A_1188 = arith.muli %get3A_1185, %mul3A_1187 : vector<16xi32>
      %get3A_1189 = arith.constant 0 : index
      %get3A_1190 = tpu.vector_load %arg11[%get3A_1189] {strides = array<i32>} : memref<80xi32, #tpu.memory_space<vmem>>, vector<16xi32>,
      %mul3A_1191 = arith.constant 6 : i32
      %mul3A_1192 = vector.broadcast %mul3A_1191 : i32 to vector<16xi32>
      %mul3A_1193 = arith.muli %get3A_1190, %mul3A_1192 : vector<16xi32>
      %add3A_1194 = arith.constant 0 : i32
      %add3A_1195 = vector.broadcast %add3A_1194 : i32 to vector<16xi32>
      %add3A_1196 = arith.addi %mul3A_1188, %add3A_1195 : vector<16xi32>
      %gather3A_1197 = tpu.vector_load_idx %arg14[%add3A_1196] : memref<60000xf32, #tpu.memory_space<vmem>>[vector<16xi32>], vector<16xf32>,
      %add3A_1198 = arith.constant 1 : i32
      %add3A_1199 = vector.broadcast %add3A_1198 : i32 to vector<16xi32>
      %add3A_1200 = arith.addi %mul3A_1188, %add3A_1199 : vector<16xi32>
      %gather3A_1201 = tpu.vector_load_idx %arg14[%add3A_1200] : memref<60000xf32, #tpu.memory_space<vmem>>[vector<16xi32>], vector<16xf32>,
      %add3A_1202 = arith.constant 2 : i32
      %add3A_1203 = vector.broadcast %add3A_1202 : i32 to vector<16xi32>
      %add3A_1204 = arith.addi %mul3A_1188, %add3A_1203 : vector<16xi32>
      %gather3A_1205 = tpu.vector_load_idx %arg14[%add3A_1204] : memref<60000xf32, #tpu.memory_space<vmem>>[vector<16xi32>], vector<16xf32>,
      %add3A_1206 = arith.constant 3 : i32
      %add3A_1207 = vector.broadcast %add3A_1206 : i32 to vector<16xi32>
      %add3A_1208 = arith.addi %mul3A_1188, %add3A_1207 : vector<16xi32>
      %gather3A_1209 = tpu.vector_load_idx %arg14[%add3A_1208] : memref<60000xf32, #tpu.memory_space<vmem>>[vector<16xi32>], vector<16xf32>,
      %add3A_1210 = arith.constant 4 : i32
      %add3A_1211 = vector.broadcast %add3A_1210 : i32 to vector<16xi32>
      %add3A_1212 = arith.addi %mul3A_1188, %add3A_1211 : vector<16xi32>
      %gather3A_1213 = tpu.vector_load_idx %arg14[%add3A_1212] : memref<60000xf32, #tpu.memory_space<vmem>>[vector<16xi32>], vector<16xf32>,
      %add3A_1214 = arith.constant 5 : i32
      %add3A_1215 = vector.broadcast %add3A_1214 : i32 to vector<16xi32>
      %add3A_1216 = arith.addi %mul3A_1188, %add3A_1215 : vector<16xi32>
      %gather3A_1217 = tpu.vector_load_idx %arg14[%add3A_1216] : memref<60000xf32, #tpu.memory_space<vmem>>[vector<16xi32>], vector<16xf32>,
      %add3A_1218 = arith.constant 0 : i32
      %add3A_1219 = vector.broadcast %add3A_1218 : i32 to vector<16xi32>
      %add3A_1220 = arith.addi %mul3A_1193, %add3A_1219 : vector<16xi32>
      %gather3A_1221 = tpu.vector_load_idx %arg14[%add3A_1220] : memref<60000xf32, #tpu.memory_space<vmem>>[vector<16xi32>], vector<16xf32>,
      %add3A_1222 = arith.constant 1 : i32
      %add3A_1223 = vector.broadcast %add3A_1222 : i32 to vector<16xi32>
      %add3A_1224 = arith.addi %mul3A_1193, %add3A_1223 : vector<16xi32>
      %gather3A_1225 = tpu.vector_load_idx %arg14[%add3A_1224] : memref<60000xf32, #tpu.memory_space<vmem>>[vector<16xi32>], vector<16xf32>,
      %add3A_1226 = arith.constant 2 : i32
      %add3A_1227 = vector.broadcast %add3A_1226 : i32 to vector<16xi32>
      %add3A_1228 = arith.addi %mul3A_1193, %add3A_1227 : vector<16xi32>
      %gather3A_1229 = tpu.vector_load_idx %arg14[%add3A_1228] : memref<60000xf32, #tpu.memory_space<vmem>>[vector<16xi32>], vector<16xf32>,
      %add3A_1230 = arith.constant 3 : i32
      %add3A_1231 = vector.broadcast %add3A_1230 : i32 to vector<16xi32>
      %add3A_1232 = arith.addi %mul3A_1193, %add3A_1231 : vector<16xi32>
      %gather3A_1233 = tpu.vector_load_idx %arg14[%add3A_1232] : memref<60000xf32, #tpu.memory_space<vmem>>[vector<16xi32>], vector<16xf32>,
      %add3A_1234 = arith.constant 4 : i32
      %add3A_1235 = vector.broadcast %add3A_1234 : i32 to vector<16xi32>
      %add3A_1236 = arith.addi %mul3A_1193, %add3A_1235 : vector<16xi32>
      %gather3A_1237 = tpu.vector_load_idx %arg14[%add3A_1236] : memref<60000xf32, #tpu.memory_space<vmem>>[vector<16xi32>], vector<16xf32>,
      %add3A_1238 = arith.constant 5 : i32
      %add3A_1239 = vector.broadcast %add3A_1238 : i32 to vector<16xi32>
      %add3A_1240 = arith.addi %mul3A_1193, %add3A_1239 : vector<16xi32>
      %gather3A_1241 = tpu.vector_load_idx %arg14[%add3A_1240] : memref<60000xf32, #tpu.memory_space<vmem>>[vector<16xi32>], vector<16xf32>,
      %mul3A_1242 = arith.mulf %gather3A_1197, %gather3A_1221 : vector<16xf32>
      %mul3A_1243 = arith.mulf %gather3A_1201, %gather3A_1225 : vector<16xf32>
      %add3A_1244 = arith.addf %mul3A_1242, %mul3A_1243 : vector<16xf32>
      %mul3A_1245 = arith.mulf %gather3A_1205, %gather3A_1229 : vector<16xf32>
      %add3A_1246 = arith.addf %add3A_1244, %mul3A_1245 : vector<16xf32>
      %mul3A_1247 = arith.mulf %gather3A_1209, %gather3A_1233 : vector<16xf32>
      %add3A_1248 = arith.addf %add3A_1246, %mul3A_1247 : vector<16xf32>
      %mul3A_1249 = arith.mulf %gather3A_1197, %gather3A_1197 : vector<16xf32>
      %mul3A_1250 = arith.mulf %gather3A_1201, %gather3A_1201 : vector<16xf32>
      %add3A_1251 = arith.addf %mul3A_1249, %mul3A_1250 : vector<16xf32>
      %mul3A_1252 = arith.mulf %gather3A_1205, %gather3A_1205 : vector<16xf32>
      %add3A_1253 = arith.addf %add3A_1251, %mul3A_1252 : vector<16xf32>
      %mul3A_1254 = arith.mulf %gather3A_1209, %gather3A_1209 : vector<16xf32>
      %add3A_1255 = arith.addf %add3A_1253, %mul3A_1254 : vector<16xf32>
      %mul3A_1256 = arith.mulf %gather3A_1221, %gather3A_1221 : vector<16xf32>
      %mul3A_1257 = arith.mulf %gather3A_1225, %gather3A_1225 : vector<16xf32>
      %add3A_1258 = arith.addf %mul3A_1256, %mul3A_1257 : vector<16xf32>
      %mul3A_1259 = arith.mulf %gather3A_1229, %gather3A_1229 : vector<16xf32>
      %add3A_1260 = arith.addf %add3A_1258, %mul3A_1259 : vector<16xf32>
      %mul3A_1261 = arith.mulf %gather3A_1233, %gather3A_1233 : vector<16xf32>
      %add3A_1262 = arith.addf %add3A_1260, %mul3A_1261 : vector<16xf32>
      %max3A_1263 = arith.constant 1.000000e-16 : f32
      %max3A_1264 = vector.broadcast %max3A_1263 : f32 to vector<16xf32>
      %max3A_1265 = arith.maximumf %add3A_1255, %max3A_1264 : vector<16xf32>
      %bitcast_convert_type3A_1266 = tpu.bitcast %max3A_1265 : vector<16xf32> -> vector<16xi32>
      %shift_right_logical3A_1267 = arith.constant 1 : i32
      %shift_right_logical3A_1268 = vector.broadcast %shift_right_logical3A_1267 : i32 to vector<16xi32>
      %shift_right_logical3A_1269 = arith.shrui %bitcast_convert_type3A_1266, %shift_right_logical3A_1268 : vector<16xi32>
      %sub3A_1270 = arith.constant 1597463007 : i32
      %sub3A_1271 = vector.broadcast %sub3A_1270 : i32 to vector<16xi32>
      %sub3A_1272 = arith.subi %sub3A_1271, %shift_right_logical3A_1269 : vector<16xi32>
      %bitcast_convert_type3A_1273 = tpu.bitcast %sub3A_1272 : vector<16xi32> -> vector<16xf32>
      %mul3A_1274 = arith.constant 5.000000e-01 : f32
      %mul3A_1275 = vector.broadcast %mul3A_1274 : f32 to vector<16xf32>
      %mul3A_1276 = arith.mulf %max3A_1265, %mul3A_1275 : vector<16xf32>
      %mul3A_1277 = arith.mulf %mul3A_1276, %bitcast_convert_type3A_1273 : vector<16xf32>
      %mul3A_1278 = arith.mulf %mul3A_1277, %bitcast_convert_type3A_1273 : vector<16xf32>
      %sub3A_1279 = arith.constant 1.500000e+00 : f32
      %sub3A_1280 = vector.broadcast %sub3A_1279 : f32 to vector<16xf32>
      %sub3A_1281 = arith.subf %sub3A_1280, %mul3A_1278 : vector<16xf32>
      %mul3A_1282 = arith.mulf %bitcast_convert_type3A_1273, %sub3A_1281 : vector<16xf32>
      %mul3A_1283 = arith.mulf %mul3A_1276, %mul3A_1282 : vector<16xf32>
      %mul3A_1284 = arith.mulf %mul3A_1283, %mul3A_1282 : vector<16xf32>
      %sub3A_1285 = arith.constant 1.500000e+00 : f32
      %sub3A_1286 = vector.broadcast %sub3A_1285 : f32 to vector<16xf32>
      %sub3A_1287 = arith.subf %sub3A_1286, %mul3A_1284 : vector<16xf32>
      %mul3A_1288 = arith.mulf %mul3A_1282, %sub3A_1287 : vector<16xf32>
      %mul3A_1289 = arith.mulf %mul3A_1276, %mul3A_1288 : vector<16xf32>
      %mul3A_1290 = arith.mulf %mul3A_1289, %mul3A_1288 : vector<16xf32>
      %sub3A_1291 = arith.constant 1.500000e+00 : f32
      %sub3A_1292 = vector.broadcast %sub3A_1291 : f32 to vector<16xf32>
      %sub3A_1293 = arith.subf %sub3A_1292, %mul3A_1290 : vector<16xf32>
      %mul3A_1294 = arith.mulf %mul3A_1288, %sub3A_1293 : vector<16xf32>
      %mul3A_1295 = arith.mulf %add3A_1248, %mul3A_1294 : vector<16xf32>
      %max3A_1296 = arith.constant 1.000000e-16 : f32
      %max3A_1297 = vector.broadcast %max3A_1296 : f32 to vector<16xf32>
      %max3A_1298 = arith.maximumf %add3A_1262, %max3A_1297 : vector<16xf32>
      %bitcast_convert_type3A_1299 = tpu.bitcast %max3A_1298 : vector<16xf32> -> vector<16xi32>
      %shift_right_logical3A_1300 = arith.constant 1 : i32
      %shift_right_logical3A_1301 = vector.broadcast %shift_right_logical3A_1300 : i32 to vector<16xi32>
      %shift_right_logical3A_1302 = arith.shrui %bitcast_convert_type3A_1299, %shift_right_logical3A_1301 : vector<16xi32>
      %sub3A_1303 = arith.constant 1597463007 : i32
      %sub3A_1304 = vector.broadcast %sub3A_1303 : i32 to vector<16xi32>
      %sub3A_1305 = arith.subi %sub3A_1304, %shift_right_logical3A_1302 : vector<16xi32>
      %bitcast_convert_type3A_1306 = tpu.bitcast %sub3A_1305 : vector<16xi32> -> vector<16xf32>
      %mul3A_1307 = arith.constant 5.000000e-01 : f32
      %mul3A_1308 = vector.broadcast %mul3A_1307 : f32 to vector<16xf32>
      %mul3A_1309 = arith.mulf %max3A_1298, %mul3A_1308 : vector<16xf32>
      %mul3A_1310 = arith.mulf %mul3A_1309, %bitcast_convert_type3A_1306 : vector<16xf32>
      %mul3A_1311 = arith.mulf %mul3A_1310, %bitcast_convert_type3A_1306 : vector<16xf32>
      %sub3A_1312 = arith.constant 1.500000e+00 : f32
      %sub3A_1313 = vector.broadcast %sub3A_1312 : f32 to vector<16xf32>
      %sub3A_1314 = arith.subf %sub3A_1313, %mul3A_1311 : vector<16xf32>
      %mul3A_1315 = arith.mulf %bitcast_convert_type3A_1306, %sub3A_1314 : vector<16xf32>
      %mul3A_1316 = arith.mulf %mul3A_1309, %mul3A_1315 : vector<16xf32>
      %mul3A_1317 = arith.mulf %mul3A_1316, %mul3A_1315 : vector<16xf32>
      %sub3A_1318 = arith.constant 1.500000e+00 : f32
      %sub3A_1319 = vector.broadcast %sub3A_1318 : f32 to vector<16xf32>
      %sub3A_1320 = arith.subf %sub3A_1319, %mul3A_1317 : vector<16xf32>
      %mul3A_1321 = arith.mulf %mul3A_1315, %sub3A_1320 : vector<16xf32>
      %mul3A_1322 = arith.mulf %mul3A_1309, %mul3A_1321 : vector<16xf32>
      %mul3A_1323 = arith.mulf %mul3A_1322, %mul3A_1321 : vector<16xf32>
      %sub3A_1324 = arith.constant 1.500000e+00 : f32
      %sub3A_1325 = vector.broadcast %sub3A_1324 : f32 to vector<16xf32>
      %sub3A_1326 = arith.subf %sub3A_1325, %mul3A_1323 : vector<16xf32>
      %mul3A_1327 = arith.mulf %mul3A_1321, %sub3A_1326 : vector<16xf32>
      %mul3A_1328 = arith.mulf %mul3A_1295, %mul3A_1327 : vector<16xf32>
      %sub3A_1329 = arith.subf %gather3A_1213, %gather3A_1237 : vector<16xf32>
      %sub3A_1330 = arith.subf %gather3A_1217, %gather3A_1241 : vector<16xf32>
      %mul3A_1331 = arith.mulf %sub3A_1329, %sub3A_1329 : vector<16xf32>
      %mul3A_1332 = arith.mulf %sub3A_1330, %sub3A_1330 : vector<16xf32>
      %add3A_1333 = arith.addf %mul3A_1331, %mul3A_1332 : vector<16xf32>
      %add3A_1334 = arith.constant 9.99999996E-13 : f32
      %add3A_1335 = vector.broadcast %add3A_1334 : f32 to vector<16xf32>
      %add3A_1336 = arith.addf %add3A_1333, %add3A_1335 : vector<16xf32>
      %bitcast_convert_type3A_1337 = tpu.bitcast %add3A_1336 : vector<16xf32> -> vector<16xi32>
      %shift_right_logical3A_1338 = arith.constant 1 : i32
      %shift_right_logical3A_1339 = vector.broadcast %shift_right_logical3A_1338 : i32 to vector<16xi32>
      %shift_right_logical3A_1340 = arith.shrui %bitcast_convert_type3A_1337, %shift_right_logical3A_1339 : vector<16xi32>
      %sub3A_1341 = arith.constant 1597463007 : i32
      %sub3A_1342 = vector.broadcast %sub3A_1341 : i32 to vector<16xi32>
      %sub3A_1343 = arith.subi %sub3A_1342, %shift_right_logical3A_1340 : vector<16xi32>
      %bitcast_convert_type3A_1344 = tpu.bitcast %sub3A_1343 : vector<16xi32> -> vector<16xf32>
      %mul3A_1345 = arith.constant 5.000000e-01 : f32
      %mul3A_1346 = vector.broadcast %mul3A_1345 : f32 to vector<16xf32>
      %mul3A_1347 = arith.mulf %add3A_1336, %mul3A_1346 : vector<16xf32>
      %mul3A_1348 = arith.mulf %mul3A_1347, %bitcast_convert_type3A_1344 : vector<16xf32>
      %mul3A_1349 = arith.mulf %mul3A_1348, %bitcast_convert_type3A_1344 : vector<16xf32>
      %sub3A_1350 = arith.constant 1.500000e+00 : f32
      %sub3A_1351 = vector.broadcast %sub3A_1350 : f32 to vector<16xf32>
      %sub3A_1352 = arith.subf %sub3A_1351, %mul3A_1349 : vector<16xf32>
      %mul3A_1353 = arith.mulf %bitcast_convert_type3A_1344, %sub3A_1352 : vector<16xf32>
      %mul3A_1354 = arith.mulf %mul3A_1347, %mul3A_1353 : vector<16xf32>
      %mul3A_1355 = arith.mulf %mul3A_1354, %mul3A_1353 : vector<16xf32>
      %sub3A_1356 = arith.constant 1.500000e+00 : f32
      %sub3A_1357 = vector.broadcast %sub3A_1356 : f32 to vector<16xf32>
      %sub3A_1358 = arith.subf %sub3A_1357, %mul3A_1355 : vector<16xf32>
      %mul3A_1359 = arith.mulf %mul3A_1353, %sub3A_1358 : vector<16xf32>
      %mul3A_1360 = arith.mulf %mul3A_1347, %mul3A_1359 : vector<16xf32>
      %mul3A_1361 = arith.mulf %mul3A_1360, %mul3A_1359 : vector<16xf32>
      %sub3A_1362 = arith.constant 1.500000e+00 : f32
      %sub3A_1363 = vector.broadcast %sub3A_1362 : f32 to vector<16xf32>
      %sub3A_1364 = arith.subf %sub3A_1363, %mul3A_1361 : vector<16xf32>
      %mul3A_1365 = arith.mulf %mul3A_1359, %sub3A_1364 : vector<16xf32>
      %get3A_1366 = arith.constant 0 : index
      %get3A_1367 = tpu.vector_load %arg13[%get3A_1366] {strides = array<i32>} : memref<80xf32, #tpu.memory_space<vmem>>, vector<16xf32>,
      %abs3A_1368 = math.absf %get3A_1367 : vector<16xf32>
      %abs3A_1369 = math.absf %sub3A_1329 : vector<16xf32>
      %abs3A_1370 = math.absf %sub3A_1330 : vector<16xf32>
      %mul3A_1371 = arith.mulf %sub3A_1329, %mul3A_1365 : vector<16xf32>
      %mul3A_1372 = arith.mulf %sub3A_1330, %mul3A_1365 : vector<16xf32>
      %iota3A_1373 = tpu.iota {dimensions = array<i32: 0>} : vector<16xi32>
      %add3A_1374 = arith.constant 0 : i32
      %add3A_1375 = vector.broadcast %add3A_1374 : i32 to vector<16xi32>
      %add3A_1376 = arith.addi %iota3A_1373, %add3A_1375 : vector<16xi32>
      %broadcast_in_dim3A_1377 = arith.constant 256 : i32
      %broadcast_in_dim3A_1378 = vector.broadcast %broadcast_in_dim3A_1377 : i32 to vector<16xi32>
      tpu.vector_store_idx %arg16[%add3A_1376, %broadcast_in_dim3A_1378], %abs3A_1368 : memref<80x264xf32, #tpu.memory_space<vmem>>[vector<16xi32>, vector<16xi32>], vector<16xf32>,
      %broadcast_in_dim3A_1379 = arith.constant 257 : i32
      %broadcast_in_dim3A_1380 = vector.broadcast %broadcast_in_dim3A_1379 : i32 to vector<16xi32>
      tpu.vector_store_idx %arg16[%add3A_1376, %broadcast_in_dim3A_1380], %mul3A_1328 : memref<80x264xf32, #tpu.memory_space<vmem>>[vector<16xi32>, vector<16xi32>], vector<16xf32>,
      %broadcast_in_dim3A_1381 = arith.constant 258 : i32
      %broadcast_in_dim3A_1382 = vector.broadcast %broadcast_in_dim3A_1381 : i32 to vector<16xi32>
      tpu.vector_store_idx %arg16[%add3A_1376, %broadcast_in_dim3A_1382], %sub3A_1329 : memref<80x264xf32, #tpu.memory_space<vmem>>[vector<16xi32>, vector<16xi32>], vector<16xf32>,
      %broadcast_in_dim3A_1383 = arith.constant 259 : i32
      %broadcast_in_dim3A_1384 = vector.broadcast %broadcast_in_dim3A_1383 : i32 to vector<16xi32>
      tpu.vector_store_idx %arg16[%add3A_1376, %broadcast_in_dim3A_1384], %sub3A_1330 : memref<80x264xf32, #tpu.memory_space<vmem>>[vector<16xi32>, vector<16xi32>], vector<16xf32>,
      %broadcast_in_dim3A_1385 = arith.constant 260 : i32
      %broadcast_in_dim3A_1386 = vector.broadcast %broadcast_in_dim3A_1385 : i32 to vector<16xi32>
      tpu.vector_store_idx %arg16[%add3A_1376, %broadcast_in_dim3A_1386], %abs3A_1369 : memref<80x264xf32, #tpu.memory_space<vmem>>[vector<16xi32>, vector<16xi32>], vector<16xf32>,
      %broadcast_in_dim3A_1387 = arith.constant 261 : i32
      %broadcast_in_dim3A_1388 = vector.broadcast %broadcast_in_dim3A_1387 : i32 to vector<16xi32>
      tpu.vector_store_idx %arg16[%add3A_1376, %broadcast_in_dim3A_1388], %abs3A_1370 : memref<80x264xf32, #tpu.memory_space<vmem>>[vector<16xi32>, vector<16xi32>], vector<16xf32>,
      %broadcast_in_dim3A_1389 = arith.constant 262 : i32
      %broadcast_in_dim3A_1390 = vector.broadcast %broadcast_in_dim3A_1389 : i32 to vector<16xi32>
      tpu.vector_store_idx %arg16[%add3A_1376, %broadcast_in_dim3A_1390], %mul3A_1371 : memref<80x264xf32, #tpu.memory_space<vmem>>[vector<16xi32>, vector<16xi32>], vector<16xf32>,
      %broadcast_in_dim3A_1391 = arith.constant 263 : i32
      %broadcast_in_dim3A_1392 = vector.broadcast %broadcast_in_dim3A_1391 : i32 to vector<16xi32>
      tpu.vector_store_idx %arg16[%add3A_1376, %broadcast_in_dim3A_1392], %mul3A_1372 : memref<80x264xf32, #tpu.memory_space<vmem>>[vector<16xi32>, vector<16xi32>], vector<16xf32>,
      %get3A_1393 = arith.constant 16 : index
      %get3A_1394 = tpu.vector_load %arg9[%get3A_1393] {strides = array<i32>} : memref<80xi32, #tpu.memory_space<vmem>>, vector<16xi32>,
      %mul3A_1395 = arith.constant 6 : i32
      %mul3A_1396 = vector.broadcast %mul3A_1395 : i32 to vector<16xi32>
      %mul3A_1397 = arith.muli %get3A_1394, %mul3A_1396 : vector<16xi32>
      %get3A_1398 = arith.constant 16 : index
      %get3A_1399 = tpu.vector_load %arg11[%get3A_1398] {strides = array<i32>} : memref<80xi32, #tpu.memory_space<vmem>>, vector<16xi32>,
      %mul3A_1400 = arith.constant 6 : i32
      %mul3A_1401 = vector.broadcast %mul3A_1400 : i32 to vector<16xi32>
      %mul3A_1402 = arith.muli %get3A_1399, %mul3A_1401 : vector<16xi32>
      %add3A_1403 = arith.constant 0 : i32
      %add3A_1404 = vector.broadcast %add3A_1403 : i32 to vector<16xi32>
      %add3A_1405 = arith.addi %mul3A_1397, %add3A_1404 : vector<16xi32>
      %gather3A_1406 = tpu.vector_load_idx %arg14[%add3A_1405] : memref<60000xf32, #tpu.memory_space<vmem>>[vector<16xi32>], vector<16xf32>,
      %add3A_1407 = arith.constant 1 : i32
      %add3A_1408 = vector.broadcast %add3A_1407 : i32 to vector<16xi32>
      %add3A_1409 = arith.addi %mul3A_1397, %add3A_1408 : vector<16xi32>
      %gather3A_1410 = tpu.vector_load_idx %arg14[%add3A_1409] : memref<60000xf32, #tpu.memory_space<vmem>>[vector<16xi32>], vector<16xf32>,
      %add3A_1411 = arith.constant 2 : i32
      %add3A_1412 = vector.broadcast %add3A_1411 : i32 to vector<16xi32>
      %add3A_1413 = arith.addi %mul3A_1397, %add3A_1412 : vector<16xi32>
      %gather3A_1414 = tpu.vector_load_idx %arg14[%add3A_1413] : memref<60000xf32, #tpu.memory_space<vmem>>[vector<16xi32>], vector<16xf32>,
      %add3A_1415 = arith.constant 3 : i32
      %add3A_1416 = vector.broadcast %add3A_1415 : i32 to vector<16xi32>
      %add3A_1417 = arith.addi %mul3A_1397, %add3A_1416 : vector<16xi32>
      %gather3A_1418 = tpu.vector_load_idx %arg14[%add3A_1417] : memref<60000xf32, #tpu.memory_space<vmem>>[vector<16xi32>], vector<16xf32>,
      %add3A_1419 = arith.constant 4 : i32
      %add3A_1420 = vector.broadcast %add3A_1419 : i32 to vector<16xi32>
      %add3A_1421 = arith.addi %mul3A_1397, %add3A_1420 : vector<16xi32>
      %gather3A_1422 = tpu.vector_load_idx %arg14[%add3A_1421] : memref<60000xf32, #tpu.memory_space<vmem>>[vector<16xi32>], vector<16xf32>,
      %add3A_1423 = arith.constant 5 : i32
      %add3A_1424 = vector.broadcast %add3A_1423 : i32 to vector<16xi32>
      %add3A_1425 = arith.addi %mul3A_1397, %add3A_1424 : vector<16xi32>
      %gather3A_1426 = tpu.vector_load_idx %arg14[%add3A_1425] : memref<60000xf32, #tpu.memory_space<vmem>>[vector<16xi32>], vector<16xf32>,
      %add3A_1427 = arith.constant 0 : i32
      %add3A_1428 = vector.broadcast %add3A_1427 : i32 to vector<16xi32>
      %add3A_1429 = arith.addi %mul3A_1402, %add3A_1428 : vector<16xi32>
      %gather3A_1430 = tpu.vector_load_idx %arg14[%add3A_1429] : memref<60000xf32, #tpu.memory_space<vmem>>[vector<16xi32>], vector<16xf32>,
      %add3A_1431 = arith.constant 1 : i32
      %add3A_1432 = vector.broadcast %add3A_1431 : i32 to vector<16xi32>
      %add3A_1433 = arith.addi %mul3A_1402, %add3A_1432 : vector<16xi32>
      %gather3A_1434 = tpu.vector_load_idx %arg14[%add3A_1433] : memref<60000xf32, #tpu.memory_space<vmem>>[vector<16xi32>], vector<16xf32>,
      %add3A_1435 = arith.constant 2 : i32
      %add3A_1436 = vector.broadcast %add3A_1435 : i32 to vector<16xi32>
      %add3A_1437 = arith.addi %mul3A_1402, %add3A_1436 : vector<16xi32>
      %gather3A_1438 = tpu.vector_load_idx %arg14[%add3A_1437] : memref<60000xf32, #tpu.memory_space<vmem>>[vector<16xi32>], vector<16xf32>,
      %add3A_1439 = arith.constant 3 : i32
      %add3A_1440 = vector.broadcast %add3A_1439 : i32 to vector<16xi32>
      %add3A_1441 = arith.addi %mul3A_1402, %add3A_1440 : vector<16xi32>
      %gather3A_1442 = tpu.vector_load_idx %arg14[%add3A_1441] : memref<60000xf32, #tpu.memory_space<vmem>>[vector<16xi32>], vector<16xf32>,
      %add3A_1443 = arith.constant 4 : i32
      %add3A_1444 = vector.broadcast %add3A_1443 : i32 to vector<16xi32>
      %add3A_1445 = arith.addi %mul3A_1402, %add3A_1444 : vector<16xi32>
      %gather3A_1446 = tpu.vector_load_idx %arg14[%add3A_1445] : memref<60000xf32, #tpu.memory_space<vmem>>[vector<16xi32>], vector<16xf32>,
      %add3A_1447 = arith.constant 5 : i32
      %add3A_1448 = vector.broadcast %add3A_1447 : i32 to vector<16xi32>
      %add3A_1449 = arith.addi %mul3A_1402, %add3A_1448 : vector<16xi32>
      %gather3A_1450 = tpu.vector_load_idx %arg14[%add3A_1449] : memref<60000xf32, #tpu.memory_space<vmem>>[vector<16xi32>], vector<16xf32>,
      %mul3A_1451 = arith.mulf %gather3A_1406, %gather3A_1430 : vector<16xf32>
      %mul3A_1452 = arith.mulf %gather3A_1410, %gather3A_1434 : vector<16xf32>
      %add3A_1453 = arith.addf %mul3A_1451, %mul3A_1452 : vector<16xf32>
      %mul3A_1454 = arith.mulf %gather3A_1414, %gather3A_1438 : vector<16xf32>
      %add3A_1455 = arith.addf %add3A_1453, %mul3A_1454 : vector<16xf32>
      %mul3A_1456 = arith.mulf %gather3A_1418, %gather3A_1442 : vector<16xf32>
      %add3A_1457 = arith.addf %add3A_1455, %mul3A_1456 : vector<16xf32>
      %mul3A_1458 = arith.mulf %gather3A_1406, %gather3A_1406 : vector<16xf32>
      %mul3A_1459 = arith.mulf %gather3A_1410, %gather3A_1410 : vector<16xf32>
      %add3A_1460 = arith.addf %mul3A_1458, %mul3A_1459 : vector<16xf32>
      %mul3A_1461 = arith.mulf %gather3A_1414, %gather3A_1414 : vector<16xf32>
      %add3A_1462 = arith.addf %add3A_1460, %mul3A_1461 : vector<16xf32>
      %mul3A_1463 = arith.mulf %gather3A_1418, %gather3A_1418 : vector<16xf32>
      %add3A_1464 = arith.addf %add3A_1462, %mul3A_1463 : vector<16xf32>
      %mul3A_1465 = arith.mulf %gather3A_1430, %gather3A_1430 : vector<16xf32>
      %mul3A_1466 = arith.mulf %gather3A_1434, %gather3A_1434 : vector<16xf32>
      %add3A_1467 = arith.addf %mul3A_1465, %mul3A_1466 : vector<16xf32>
      %mul3A_1468 = arith.mulf %gather3A_1438, %gather3A_1438 : vector<16xf32>
      %add3A_1469 = arith.addf %add3A_1467, %mul3A_1468 : vector<16xf32>
      %mul3A_1470 = arith.mulf %gather3A_1442, %gather3A_1442 : vector<16xf32>
      %add3A_1471 = arith.addf %add3A_1469, %mul3A_1470 : vector<16xf32>
      %max3A_1472 = arith.constant 1.000000e-16 : f32
      %max3A_1473 = vector.broadcast %max3A_1472 : f32 to vector<16xf32>
      %max3A_1474 = arith.maximumf %add3A_1464, %max3A_1473 : vector<16xf32>
      %bitcast_convert_type3A_1475 = tpu.bitcast %max3A_1474 : vector<16xf32> -> vector<16xi32>
      %shift_right_logical3A_1476 = arith.constant 1 : i32
      %shift_right_logical3A_1477 = vector.broadcast %shift_right_logical3A_1476 : i32 to vector<16xi32>
      %shift_right_logical3A_1478 = arith.shrui %bitcast_convert_type3A_1475, %shift_right_logical3A_1477 : vector<16xi32>
      %sub3A_1479 = arith.constant 1597463007 : i32
      %sub3A_1480 = vector.broadcast %sub3A_1479 : i32 to vector<16xi32>
      %sub3A_1481 = arith.subi %sub3A_1480, %shift_right_logical3A_1478 : vector<16xi32>
      %bitcast_convert_type3A_1482 = tpu.bitcast %sub3A_1481 : vector<16xi32> -> vector<16xf32>
      %mul3A_1483 = arith.constant 5.000000e-01 : f32
      %mul3A_1484 = vector.broadcast %mul3A_1483 : f32 to vector<16xf32>
      %mul3A_1485 = arith.mulf %max3A_1474, %mul3A_1484 : vector<16xf32>
      %mul3A_1486 = arith.mulf %mul3A_1485, %bitcast_convert_type3A_1482 : vector<16xf32>
      %mul3A_1487 = arith.mulf %mul3A_1486, %bitcast_convert_type3A_1482 : vector<16xf32>
      %sub3A_1488 = arith.constant 1.500000e+00 : f32
      %sub3A_1489 = vector.broadcast %sub3A_1488 : f32 to vector<16xf32>
      %sub3A_1490 = arith.subf %sub3A_1489, %mul3A_1487 : vector<16xf32>
      %mul3A_1491 = arith.mulf %bitcast_convert_type3A_1482, %sub3A_1490 : vector<16xf32>
      %mul3A_1492 = arith.mulf %mul3A_1485, %mul3A_1491 : vector<16xf32>
      %mul3A_1493 = arith.mulf %mul3A_1492, %mul3A_1491 : vector<16xf32>
      %sub3A_1494 = arith.constant 1.500000e+00 : f32
      %sub3A_1495 = vector.broadcast %sub3A_1494 : f32 to vector<16xf32>
      %sub3A_1496 = arith.subf %sub3A_1495, %mul3A_1493 : vector<16xf32>
      %mul3A_1497 = arith.mulf %mul3A_1491, %sub3A_1496 : vector<16xf32>
      %mul3A_1498 = arith.mulf %mul3A_1485, %mul3A_1497 : vector<16xf32>
      %mul3A_1499 = arith.mulf %mul3A_1498, %mul3A_1497 : vector<16xf32>
      %sub3A_1500 = arith.constant 1.500000e+00 : f32
      %sub3A_1501 = vector.broadcast %sub3A_1500 : f32 to vector<16xf32>
      %sub3A_1502 = arith.subf %sub3A_1501, %mul3A_1499 : vector<16xf32>
      %mul3A_1503 = arith.mulf %mul3A_1497, %sub3A_1502 : vector<16xf32>
      %mul3A_1504 = arith.mulf %add3A_1457, %mul3A_1503 : vector<16xf32>
      %max3A_1505 = arith.constant 1.000000e-16 : f32
      %max3A_1506 = vector.broadcast %max3A_1505 : f32 to vector<16xf32>
      %max3A_1507 = arith.maximumf %add3A_1471, %max3A_1506 : vector<16xf32>
      %bitcast_convert_type3A_1508 = tpu.bitcast %max3A_1507 : vector<16xf32> -> vector<16xi32>
      %shift_right_logical3A_1509 = arith.constant 1 : i32
      %shift_right_logical3A_1510 = vector.broadcast %shift_right_logical3A_1509 : i32 to vector<16xi32>
      %shift_right_logical3A_1511 = arith.shrui %bitcast_convert_type3A_1508, %shift_right_logical3A_1510 : vector<16xi32>
      %sub3A_1512 = arith.constant 1597463007 : i32
      %sub3A_1513 = vector.broadcast %sub3A_1512 : i32 to vector<16xi32>
      %sub3A_1514 = arith.subi %sub3A_1513, %shift_right_logical3A_1511 : vector<16xi32>
      %bitcast_convert_type3A_1515 = tpu.bitcast %sub3A_1514 : vector<16xi32> -> vector<16xf32>
      %mul3A_1516 = arith.constant 5.000000e-01 : f32
      %mul3A_1517 = vector.broadcast %mul3A_1516 : f32 to vector<16xf32>
      %mul3A_1518 = arith.mulf %max3A_1507, %mul3A_1517 : vector<16xf32>
      %mul3A_1519 = arith.mulf %mul3A_1518, %bitcast_convert_type3A_1515 : vector<16xf32>
      %mul3A_1520 = arith.mulf %mul3A_1519, %bitcast_convert_type3A_1515 : vector<16xf32>
      %sub3A_1521 = arith.constant 1.500000e+00 : f32
      %sub3A_1522 = vector.broadcast %sub3A_1521 : f32 to vector<16xf32>
      %sub3A_1523 = arith.subf %sub3A_1522, %mul3A_1520 : vector<16xf32>
      %mul3A_1524 = arith.mulf %bitcast_convert_type3A_1515, %sub3A_1523 : vector<16xf32>
      %mul3A_1525 = arith.mulf %mul3A_1518, %mul3A_1524 : vector<16xf32>
      %mul3A_1526 = arith.mulf %mul3A_1525, %mul3A_1524 : vector<16xf32>
      %sub3A_1527 = arith.constant 1.500000e+00 : f32
      %sub3A_1528 = vector.broadcast %sub3A_1527 : f32 to vector<16xf32>
      %sub3A_1529 = arith.subf %sub3A_1528, %mul3A_1526 : vector<16xf32>
      %mul3A_1530 = arith.mulf %mul3A_1524, %sub3A_1529 : vector<16xf32>
      %mul3A_1531 = arith.mulf %mul3A_1518, %mul3A_1530 : vector<16xf32>
      %mul3A_1532 = arith.mulf %mul3A_1531, %mul3A_1530 : vector<16xf32>
      %sub3A_1533 = arith.constant 1.500000e+00 : f32
      %sub3A_1534 = vector.broadcast %sub3A_1533 : f32 to vector<16xf32>
      %sub3A_1535 = arith.subf %sub3A_1534, %mul3A_1532 : vector<16xf32>
      %mul3A_1536 = arith.mulf %mul3A_1530, %sub3A_1535 : vector<16xf32>
      %mul3A_1537 = arith.mulf %mul3A_1504, %mul3A_1536 : vector<16xf32>
      %sub3A_1538 = arith.subf %gather3A_1422, %gather3A_1446 : vector<16xf32>
      %sub3A_1539 = arith.subf %gather3A_1426, %gather3A_1450 : vector<16xf32>
      %mul3A_1540 = arith.mulf %sub3A_1538, %sub3A_1538 : vector<16xf32>
      %mul3A_1541 = arith.mulf %sub3A_1539, %sub3A_1539 : vector<16xf32>
      %add3A_1542 = arith.addf %mul3A_1540, %mul3A_1541 : vector<16xf32>
      %add3A_1543 = arith.constant 9.99999996E-13 : f32
      %add3A_1544 = vector.broadcast %add3A_1543 : f32 to vector<16xf32>
      %add3A_1545 = arith.addf %add3A_1542, %add3A_1544 : vector<16xf32>
      %bitcast_convert_type3A_1546 = tpu.bitcast %add3A_1545 : vector<16xf32> -> vector<16xi32>
      %shift_right_logical3A_1547 = arith.constant 1 : i32
      %shift_right_logical3A_1548 = vector.broadcast %shift_right_logical3A_1547 : i32 to vector<16xi32>
      %shift_right_logical3A_1549 = arith.shrui %bitcast_convert_type3A_1546, %shift_right_logical3A_1548 : vector<16xi32>
      %sub3A_1550 = arith.constant 1597463007 : i32
      %sub3A_1551 = vector.broadcast %sub3A_1550 : i32 to vector<16xi32>
      %sub3A_1552 = arith.subi %sub3A_1551, %shift_right_logical3A_1549 : vector<16xi32>
      %bitcast_convert_type3A_1553 = tpu.bitcast %sub3A_1552 : vector<16xi32> -> vector<16xf32>
      %mul3A_1554 = arith.constant 5.000000e-01 : f32
      %mul3A_1555 = vector.broadcast %mul3A_1554 : f32 to vector<16xf32>
      %mul3A_1556 = arith.mulf %add3A_1545, %mul3A_1555 : vector<16xf32>
      %mul3A_1557 = arith.mulf %mul3A_1556, %bitcast_convert_type3A_1553 : vector<16xf32>
      %mul3A_1558 = arith.mulf %mul3A_1557, %bitcast_convert_type3A_1553 : vector<16xf32>
      %sub3A_1559 = arith.constant 1.500000e+00 : f32
      %sub3A_1560 = vector.broadcast %sub3A_1559 : f32 to vector<16xf32>
      %sub3A_1561 = arith.subf %sub3A_1560, %mul3A_1558 : vector<16xf32>
      %mul3A_1562 = arith.mulf %bitcast_convert_type3A_1553, %sub3A_1561 : vector<16xf32>
      %mul3A_1563 = arith.mulf %mul3A_1556, %mul3A_1562 : vector<16xf32>
      %mul3A_1564 = arith.mulf %mul3A_1563, %mul3A_1562 : vector<16xf32>
      %sub3A_1565 = arith.constant 1.500000e+00 : f32
      %sub3A_1566 = vector.broadcast %sub3A_1565 : f32 to vector<16xf32>
      %sub3A_1567 = arith.subf %sub3A_1566, %mul3A_1564 : vector<16xf32>
      %mul3A_1568 = arith.mulf %mul3A_1562, %sub3A_1567 : vector<16xf32>
      %mul3A_1569 = arith.mulf %mul3A_1556, %mul3A_1568 : vector<16xf32>
      %mul3A_1570 = arith.mulf %mul3A_1569, %mul3A_1568 : vector<16xf32>
      %sub3A_1571 = arith.constant 1.500000e+00 : f32
      %sub3A_1572 = vector.broadcast %sub3A_1571 : f32 to vector<16xf32>
      %sub3A_1573 = arith.subf %sub3A_1572, %mul3A_1570 : vector<16xf32>
      %mul3A_1574 = arith.mulf %mul3A_1568, %sub3A_1573 : vector<16xf32>
      %get3A_1575 = arith.constant 16 : index
      %get3A_1576 = tpu.vector_load %arg13[%get3A_1575] {strides = array<i32>} : memref<80xf32, #tpu.memory_space<vmem>>, vector<16xf32>,
      %abs3A_1577 = math.absf %get3A_1576 : vector<16xf32>
      %abs3A_1578 = math.absf %sub3A_1538 : vector<16xf32>
      %abs3A_1579 = math.absf %sub3A_1539 : vector<16xf32>
      %mul3A_1580 = arith.mulf %sub3A_1538, %mul3A_1574 : vector<16xf32>
      %mul3A_1581 = arith.mulf %sub3A_1539, %mul3A_1574 : vector<16xf32>
      %iota3A_1582 = tpu.iota {dimensions = array<i32: 0>} : vector<16xi32>
      %add3A_1583 = arith.constant 16 : i32
      %add3A_1584 = vector.broadcast %add3A_1583 : i32 to vector<16xi32>
      %add3A_1585 = arith.addi %iota3A_1582, %add3A_1584 : vector<16xi32>
      %broadcast_in_dim3A_1586 = arith.constant 256 : i32
      %broadcast_in_dim3A_1587 = vector.broadcast %broadcast_in_dim3A_1586 : i32 to vector<16xi32>
      tpu.vector_store_idx %arg16[%add3A_1585, %broadcast_in_dim3A_1587], %abs3A_1577 : memref<80x264xf32, #tpu.memory_space<vmem>>[vector<16xi32>, vector<16xi32>], vector<16xf32>,
      %broadcast_in_dim3A_1588 = arith.constant 257 : i32
      %broadcast_in_dim3A_1589 = vector.broadcast %broadcast_in_dim3A_1588 : i32 to vector<16xi32>
      tpu.vector_store_idx %arg16[%add3A_1585, %broadcast_in_dim3A_1589], %mul3A_1537 : memref<80x264xf32, #tpu.memory_space<vmem>>[vector<16xi32>, vector<16xi32>], vector<16xf32>,
      %broadcast_in_dim3A_1590 = arith.constant 258 : i32
      %broadcast_in_dim3A_1591 = vector.broadcast %broadcast_in_dim3A_1590 : i32 to vector<16xi32>
      tpu.vector_store_idx %arg16[%add3A_1585, %broadcast_in_dim3A_1591], %sub3A_1538 : memref<80x264xf32, #tpu.memory_space<vmem>>[vector<16xi32>, vector<16xi32>], vector<16xf32>,
      %broadcast_in_dim3A_1592 = arith.constant 259 : i32
      %broadcast_in_dim3A_1593 = vector.broadcast %broadcast_in_dim3A_1592 : i32 to vector<16xi32>
      tpu.vector_store_idx %arg16[%add3A_1585, %broadcast_in_dim3A_1593], %sub3A_1539 : memref<80x264xf32, #tpu.memory_space<vmem>>[vector<16xi32>, vector<16xi32>], vector<16xf32>,
      %broadcast_in_dim3A_1594 = arith.constant 260 : i32
      %broadcast_in_dim3A_1595 = vector.broadcast %broadcast_in_dim3A_1594 : i32 to vector<16xi32>
      tpu.vector_store_idx %arg16[%add3A_1585, %broadcast_in_dim3A_1595], %abs3A_1578 : memref<80x264xf32, #tpu.memory_space<vmem>>[vector<16xi32>, vector<16xi32>], vector<16xf32>,
      %broadcast_in_dim3A_1596 = arith.constant 261 : i32
      %broadcast_in_dim3A_1597 = vector.broadcast %broadcast_in_dim3A_1596 : i32 to vector<16xi32>
      tpu.vector_store_idx %arg16[%add3A_1585, %broadcast_in_dim3A_1597], %abs3A_1579 : memref<80x264xf32, #tpu.memory_space<vmem>>[vector<16xi32>, vector<16xi32>], vector<16xf32>,
      %broadcast_in_dim3A_1598 = arith.constant 262 : i32
      %broadcast_in_dim3A_1599 = vector.broadcast %broadcast_in_dim3A_1598 : i32 to vector<16xi32>
      tpu.vector_store_idx %arg16[%add3A_1585, %broadcast_in_dim3A_1599], %mul3A_1580 : memref<80x264xf32, #tpu.memory_space<vmem>>[vector<16xi32>, vector<16xi32>], vector<16xf32>,
      %broadcast_in_dim3A_1600 = arith.constant 263 : i32
      %broadcast_in_dim3A_1601 = vector.broadcast %broadcast_in_dim3A_1600 : i32 to vector<16xi32>
      tpu.vector_store_idx %arg16[%add3A_1585, %broadcast_in_dim3A_1601], %mul3A_1581 : memref<80x264xf32, #tpu.memory_space<vmem>>[vector<16xi32>, vector<16xi32>], vector<16xf32>,
      %get3A_1602 = arith.constant 32 : index
      %get3A_1603 = tpu.vector_load %arg9[%get3A_1602] {strides = array<i32>} : memref<80xi32, #tpu.memory_space<vmem>>, vector<16xi32>,
      %mul3A_1604 = arith.constant 6 : i32
      %mul3A_1605 = vector.broadcast %mul3A_1604 : i32 to vector<16xi32>
      %mul3A_1606 = arith.muli %get3A_1603, %mul3A_1605 : vector<16xi32>
      %get3A_1607 = arith.constant 32 : index
      %get3A_1608 = tpu.vector_load %arg11[%get3A_1607] {strides = array<i32>} : memref<80xi32, #tpu.memory_space<vmem>>, vector<16xi32>,
      %mul3A_1609 = arith.constant 6 : i32
      %mul3A_1610 = vector.broadcast %mul3A_1609 : i32 to vector<16xi32>
      %mul3A_1611 = arith.muli %get3A_1608, %mul3A_1610 : vector<16xi32>
      %add3A_1612 = arith.constant 0 : i32
      %add3A_1613 = vector.broadcast %add3A_1612 : i32 to vector<16xi32>
      %add3A_1614 = arith.addi %mul3A_1606, %add3A_1613 : vector<16xi32>
      %gather3A_1615 = tpu.vector_load_idx %arg14[%add3A_1614] : memref<60000xf32, #tpu.memory_space<vmem>>[vector<16xi32>], vector<16xf32>,
      %add3A_1616 = arith.constant 1 : i32
      %add3A_1617 = vector.broadcast %add3A_1616 : i32 to vector<16xi32>
      %add3A_1618 = arith.addi %mul3A_1606, %add3A_1617 : vector<16xi32>
      %gather3A_1619 = tpu.vector_load_idx %arg14[%add3A_1618] : memref<60000xf32, #tpu.memory_space<vmem>>[vector<16xi32>], vector<16xf32>,
      %add3A_1620 = arith.constant 2 : i32
      %add3A_1621 = vector.broadcast %add3A_1620 : i32 to vector<16xi32>
      %add3A_1622 = arith.addi %mul3A_1606, %add3A_1621 : vector<16xi32>
      %gather3A_1623 = tpu.vector_load_idx %arg14[%add3A_1622] : memref<60000xf32, #tpu.memory_space<vmem>>[vector<16xi32>], vector<16xf32>,
      %add3A_1624 = arith.constant 3 : i32
      %add3A_1625 = vector.broadcast %add3A_1624 : i32 to vector<16xi32>
      %add3A_1626 = arith.addi %mul3A_1606, %add3A_1625 : vector<16xi32>
      %gather3A_1627 = tpu.vector_load_idx %arg14[%add3A_1626] : memref<60000xf32, #tpu.memory_space<vmem>>[vector<16xi32>], vector<16xf32>,
      %add3A_1628 = arith.constant 4 : i32
      %add3A_1629 = vector.broadcast %add3A_1628 : i32 to vector<16xi32>
      %add3A_1630 = arith.addi %mul3A_1606, %add3A_1629 : vector<16xi32>
      %gather3A_1631 = tpu.vector_load_idx %arg14[%add3A_1630] : memref<60000xf32, #tpu.memory_space<vmem>>[vector<16xi32>], vector<16xf32>,
      %add3A_1632 = arith.constant 5 : i32
      %add3A_1633 = vector.broadcast %add3A_1632 : i32 to vector<16xi32>
      %add3A_1634 = arith.addi %mul3A_1606, %add3A_1633 : vector<16xi32>
      %gather3A_1635 = tpu.vector_load_idx %arg14[%add3A_1634] : memref<60000xf32, #tpu.memory_space<vmem>>[vector<16xi32>], vector<16xf32>,
      %add3A_1636 = arith.constant 0 : i32
      %add3A_1637 = vector.broadcast %add3A_1636 : i32 to vector<16xi32>
      %add3A_1638 = arith.addi %mul3A_1611, %add3A_1637 : vector<16xi32>
      %gather3A_1639 = tpu.vector_load_idx %arg14[%add3A_1638] : memref<60000xf32, #tpu.memory_space<vmem>>[vector<16xi32>], vector<16xf32>,
      %add3A_1640 = arith.constant 1 : i32
      %add3A_1641 = vector.broadcast %add3A_1640 : i32 to vector<16xi32>
      %add3A_1642 = arith.addi %mul3A_1611, %add3A_1641 : vector<16xi32>
      %gather3A_1643 = tpu.vector_load_idx %arg14[%add3A_1642] : memref<60000xf32, #tpu.memory_space<vmem>>[vector<16xi32>], vector<16xf32>,
      %add3A_1644 = arith.constant 2 : i32
      %add3A_1645 = vector.broadcast %add3A_1644 : i32 to vector<16xi32>
      %add3A_1646 = arith.addi %mul3A_1611, %add3A_1645 : vector<16xi32>
      %gather3A_1647 = tpu.vector_load_idx %arg14[%add3A_1646] : memref<60000xf32, #tpu.memory_space<vmem>>[vector<16xi32>], vector<16xf32>,
      %add3A_1648 = arith.constant 3 : i32
      %add3A_1649 = vector.broadcast %add3A_1648 : i32 to vector<16xi32>
      %add3A_1650 = arith.addi %mul3A_1611, %add3A_1649 : vector<16xi32>
      %gather3A_1651 = tpu.vector_load_idx %arg14[%add3A_1650] : memref<60000xf32, #tpu.memory_space<vmem>>[vector<16xi32>], vector<16xf32>,
      %add3A_1652 = arith.constant 4 : i32
      %add3A_1653 = vector.broadcast %add3A_1652 : i32 to vector<16xi32>
      %add3A_1654 = arith.addi %mul3A_1611, %add3A_1653 : vector<16xi32>
      %gather3A_1655 = tpu.vector_load_idx %arg14[%add3A_1654] : memref<60000xf32, #tpu.memory_space<vmem>>[vector<16xi32>], vector<16xf32>,
      %add3A_1656 = arith.constant 5 : i32
      %add3A_1657 = vector.broadcast %add3A_1656 : i32 to vector<16xi32>
      %add3A_1658 = arith.addi %mul3A_1611, %add3A_1657 : vector<16xi32>
      %gather3A_1659 = tpu.vector_load_idx %arg14[%add3A_1658] : memref<60000xf32, #tpu.memory_space<vmem>>[vector<16xi32>], vector<16xf32>,
      %mul3A_1660 = arith.mulf %gather3A_1615, %gather3A_1639 : vector<16xf32>
      %mul3A_1661 = arith.mulf %gather3A_1619, %gather3A_1643 : vector<16xf32>
      %add3A_1662 = arith.addf %mul3A_1660, %mul3A_1661 : vector<16xf32>
      %mul3A_1663 = arith.mulf %gather3A_1623, %gather3A_1647 : vector<16xf32>
      %add3A_1664 = arith.addf %add3A_1662, %mul3A_1663 : vector<16xf32>
      %mul3A_1665 = arith.mulf %gather3A_1627, %gather3A_1651 : vector<16xf32>
      %add3A_1666 = arith.addf %add3A_1664, %mul3A_1665 : vector<16xf32>
      %mul3A_1667 = arith.mulf %gather3A_1615, %gather3A_1615 : vector<16xf32>
      %mul3A_1668 = arith.mulf %gather3A_1619, %gather3A_1619 : vector<16xf32>
      %add3A_1669 = arith.addf %mul3A_1667, %mul3A_1668 : vector<16xf32>
      %mul3A_1670 = arith.mulf %gather3A_1623, %gather3A_1623 : vector<16xf32>
      %add3A_1671 = arith.addf %add3A_1669, %mul3A_1670 : vector<16xf32>
      %mul3A_1672 = arith.mulf %gather3A_1627, %gather3A_1627 : vector<16xf32>
      %add3A_1673 = arith.addf %add3A_1671, %mul3A_1672 : vector<16xf32>
      %mul3A_1674 = arith.mulf %gather3A_1639, %gather3A_1639 : vector<16xf32>
      %mul3A_1675 = arith.mulf %gather3A_1643, %gather3A_1643 : vector<16xf32>
      %add3A_1676 = arith.addf %mul3A_1674, %mul3A_1675 : vector<16xf32>
      %mul3A_1677 = arith.mulf %gather3A_1647, %gather3A_1647 : vector<16xf32>
      %add3A_1678 = arith.addf %add3A_1676, %mul3A_1677 : vector<16xf32>
      %mul3A_1679 = arith.mulf %gather3A_1651, %gather3A_1651 : vector<16xf32>
      %add3A_1680 = arith.addf %add3A_1678, %mul3A_1679 : vector<16xf32>
      %max3A_1681 = arith.constant 1.000000e-16 : f32
      %max3A_1682 = vector.broadcast %max3A_1681 : f32 to vector<16xf32>
      %max3A_1683 = arith.maximumf %add3A_1673, %max3A_1682 : vector<16xf32>
      %bitcast_convert_type3A_1684 = tpu.bitcast %max3A_1683 : vector<16xf32> -> vector<16xi32>
      %shift_right_logical3A_1685 = arith.constant 1 : i32
      %shift_right_logical3A_1686 = vector.broadcast %shift_right_logical3A_1685 : i32 to vector<16xi32>
      %shift_right_logical3A_1687 = arith.shrui %bitcast_convert_type3A_1684, %shift_right_logical3A_1686 : vector<16xi32>
      %sub3A_1688 = arith.constant 1597463007 : i32
      %sub3A_1689 = vector.broadcast %sub3A_1688 : i32 to vector<16xi32>
      %sub3A_1690 = arith.subi %sub3A_1689, %shift_right_logical3A_1687 : vector<16xi32>
      %bitcast_convert_type3A_1691 = tpu.bitcast %sub3A_1690 : vector<16xi32> -> vector<16xf32>
      %mul3A_1692 = arith.constant 5.000000e-01 : f32
      %mul3A_1693 = vector.broadcast %mul3A_1692 : f32 to vector<16xf32>
      %mul3A_1694 = arith.mulf %max3A_1683, %mul3A_1693 : vector<16xf32>
      %mul3A_1695 = arith.mulf %mul3A_1694, %bitcast_convert_type3A_1691 : vector<16xf32>
      %mul3A_1696 = arith.mulf %mul3A_1695, %bitcast_convert_type3A_1691 : vector<16xf32>
      %sub3A_1697 = arith.constant 1.500000e+00 : f32
      %sub3A_1698 = vector.broadcast %sub3A_1697 : f32 to vector<16xf32>
      %sub3A_1699 = arith.subf %sub3A_1698, %mul3A_1696 : vector<16xf32>
      %mul3A_1700 = arith.mulf %bitcast_convert_type3A_1691, %sub3A_1699 : vector<16xf32>
      %mul3A_1701 = arith.mulf %mul3A_1694, %mul3A_1700 : vector<16xf32>
      %mul3A_1702 = arith.mulf %mul3A_1701, %mul3A_1700 : vector<16xf32>
      %sub3A_1703 = arith.constant 1.500000e+00 : f32
      %sub3A_1704 = vector.broadcast %sub3A_1703 : f32 to vector<16xf32>
      %sub3A_1705 = arith.subf %sub3A_1704, %mul3A_1702 : vector<16xf32>
      %mul3A_1706 = arith.mulf %mul3A_1700, %sub3A_1705 : vector<16xf32>
      %mul3A_1707 = arith.mulf %mul3A_1694, %mul3A_1706 : vector<16xf32>
      %mul3A_1708 = arith.mulf %mul3A_1707, %mul3A_1706 : vector<16xf32>
      %sub3A_1709 = arith.constant 1.500000e+00 : f32
      %sub3A_1710 = vector.broadcast %sub3A_1709 : f32 to vector<16xf32>
      %sub3A_1711 = arith.subf %sub3A_1710, %mul3A_1708 : vector<16xf32>
      %mul3A_1712 = arith.mulf %mul3A_1706, %sub3A_1711 : vector<16xf32>
      %mul3A_1713 = arith.mulf %add3A_1666, %mul3A_1712 : vector<16xf32>
      %max3A_1714 = arith.constant 1.000000e-16 : f32
      %max3A_1715 = vector.broadcast %max3A_1714 : f32 to vector<16xf32>
      %max3A_1716 = arith.maximumf %add3A_1680, %max3A_1715 : vector<16xf32>
      %bitcast_convert_type3A_1717 = tpu.bitcast %max3A_1716 : vector<16xf32> -> vector<16xi32>
      %shift_right_logical3A_1718 = arith.constant 1 : i32
      %shift_right_logical3A_1719 = vector.broadcast %shift_right_logical3A_1718 : i32 to vector<16xi32>
      %shift_right_logical3A_1720 = arith.shrui %bitcast_convert_type3A_1717, %shift_right_logical3A_1719 : vector<16xi32>
      %sub3A_1721 = arith.constant 1597463007 : i32
      %sub3A_1722 = vector.broadcast %sub3A_1721 : i32 to vector<16xi32>
      %sub3A_1723 = arith.subi %sub3A_1722, %shift_right_logical3A_1720 : vector<16xi32>
      %bitcast_convert_type3A_1724 = tpu.bitcast %sub3A_1723 : vector<16xi32> -> vector<16xf32>
      %mul3A_1725 = arith.constant 5.000000e-01 : f32
      %mul3A_1726 = vector.broadcast %mul3A_1725 : f32 to vector<16xf32>
      %mul3A_1727 = arith.mulf %max3A_1716, %mul3A_1726 : vector<16xf32>
      %mul3A_1728 = arith.mulf %mul3A_1727, %bitcast_convert_type3A_1724 : vector<16xf32>
      %mul3A_1729 = arith.mulf %mul3A_1728, %bitcast_convert_type3A_1724 : vector<16xf32>
      %sub3A_1730 = arith.constant 1.500000e+00 : f32
      %sub3A_1731 = vector.broadcast %sub3A_1730 : f32 to vector<16xf32>
      %sub3A_1732 = arith.subf %sub3A_1731, %mul3A_1729 : vector<16xf32>
      %mul3A_1733 = arith.mulf %bitcast_convert_type3A_1724, %sub3A_1732 : vector<16xf32>
      %mul3A_1734 = arith.mulf %mul3A_1727, %mul3A_1733 : vector<16xf32>
      %mul3A_1735 = arith.mulf %mul3A_1734, %mul3A_1733 : vector<16xf32>
      %sub3A_1736 = arith.constant 1.500000e+00 : f32
      %sub3A_1737 = vector.broadcast %sub3A_1736 : f32 to vector<16xf32>
      %sub3A_1738 = arith.subf %sub3A_1737, %mul3A_1735 : vector<16xf32>
      %mul3A_1739 = arith.mulf %mul3A_1733, %sub3A_1738 : vector<16xf32>
      %mul3A_1740 = arith.mulf %mul3A_1727, %mul3A_1739 : vector<16xf32>
      %mul3A_1741 = arith.mulf %mul3A_1740, %mul3A_1739 : vector<16xf32>
      %sub3A_1742 = arith.constant 1.500000e+00 : f32
      %sub3A_1743 = vector.broadcast %sub3A_1742 : f32 to vector<16xf32>
      %sub3A_1744 = arith.subf %sub3A_1743, %mul3A_1741 : vector<16xf32>
      %mul3A_1745 = arith.mulf %mul3A_1739, %sub3A_1744 : vector<16xf32>
      %mul3A_1746 = arith.mulf %mul3A_1713, %mul3A_1745 : vector<16xf32>
      %sub3A_1747 = arith.subf %gather3A_1631, %gather3A_1655 : vector<16xf32>
      %sub3A_1748 = arith.subf %gather3A_1635, %gather3A_1659 : vector<16xf32>
      %mul3A_1749 = arith.mulf %sub3A_1747, %sub3A_1747 : vector<16xf32>
      %mul3A_1750 = arith.mulf %sub3A_1748, %sub3A_1748 : vector<16xf32>
      %add3A_1751 = arith.addf %mul3A_1749, %mul3A_1750 : vector<16xf32>
      %add3A_1752 = arith.constant 9.99999996E-13 : f32
      %add3A_1753 = vector.broadcast %add3A_1752 : f32 to vector<16xf32>
      %add3A_1754 = arith.addf %add3A_1751, %add3A_1753 : vector<16xf32>
      %bitcast_convert_type3A_1755 = tpu.bitcast %add3A_1754 : vector<16xf32> -> vector<16xi32>
      %shift_right_logical3A_1756 = arith.constant 1 : i32
      %shift_right_logical3A_1757 = vector.broadcast %shift_right_logical3A_1756 : i32 to vector<16xi32>
      %shift_right_logical3A_1758 = arith.shrui %bitcast_convert_type3A_1755, %shift_right_logical3A_1757 : vector<16xi32>
      %sub3A_1759 = arith.constant 1597463007 : i32
      %sub3A_1760 = vector.broadcast %sub3A_1759 : i32 to vector<16xi32>
      %sub3A_1761 = arith.subi %sub3A_1760, %shift_right_logical3A_1758 : vector<16xi32>
      %bitcast_convert_type3A_1762 = tpu.bitcast %sub3A_1761 : vector<16xi32> -> vector<16xf32>
      %mul3A_1763 = arith.constant 5.000000e-01 : f32
      %mul3A_1764 = vector.broadcast %mul3A_1763 : f32 to vector<16xf32>
      %mul3A_1765 = arith.mulf %add3A_1754, %mul3A_1764 : vector<16xf32>
      %mul3A_1766 = arith.mulf %mul3A_1765, %bitcast_convert_type3A_1762 : vector<16xf32>
      %mul3A_1767 = arith.mulf %mul3A_1766, %bitcast_convert_type3A_1762 : vector<16xf32>
      %sub3A_1768 = arith.constant 1.500000e+00 : f32
      %sub3A_1769 = vector.broadcast %sub3A_1768 : f32 to vector<16xf32>
      %sub3A_1770 = arith.subf %sub3A_1769, %mul3A_1767 : vector<16xf32>
      %mul3A_1771 = arith.mulf %bitcast_convert_type3A_1762, %sub3A_1770 : vector<16xf32>
      %mul3A_1772 = arith.mulf %mul3A_1765, %mul3A_1771 : vector<16xf32>
      %mul3A_1773 = arith.mulf %mul3A_1772, %mul3A_1771 : vector<16xf32>
      %sub3A_1774 = arith.constant 1.500000e+00 : f32
      %sub3A_1775 = vector.broadcast %sub3A_1774 : f32 to vector<16xf32>
      %sub3A_1776 = arith.subf %sub3A_1775, %mul3A_1773 : vector<16xf32>
      %mul3A_1777 = arith.mulf %mul3A_1771, %sub3A_1776 : vector<16xf32>
      %mul3A_1778 = arith.mulf %mul3A_1765, %mul3A_1777 : vector<16xf32>
      %mul3A_1779 = arith.mulf %mul3A_1778, %mul3A_1777 : vector<16xf32>
      %sub3A_1780 = arith.constant 1.500000e+00 : f32
      %sub3A_1781 = vector.broadcast %sub3A_1780 : f32 to vector<16xf32>
      %sub3A_1782 = arith.subf %sub3A_1781, %mul3A_1779 : vector<16xf32>
      %mul3A_1783 = arith.mulf %mul3A_1777, %sub3A_1782 : vector<16xf32>
      %get3A_1784 = arith.constant 32 : index
      %get3A_1785 = tpu.vector_load %arg13[%get3A_1784] {strides = array<i32>} : memref<80xf32, #tpu.memory_space<vmem>>, vector<16xf32>,
      %abs3A_1786 = math.absf %get3A_1785 : vector<16xf32>
      %abs3A_1787 = math.absf %sub3A_1747 : vector<16xf32>
      %abs3A_1788 = math.absf %sub3A_1748 : vector<16xf32>
      %mul3A_1789 = arith.mulf %sub3A_1747, %mul3A_1783 : vector<16xf32>
      %mul3A_1790 = arith.mulf %sub3A_1748, %mul3A_1783 : vector<16xf32>
      %iota3A_1791 = tpu.iota {dimensions = array<i32: 0>} : vector<16xi32>
      %add3A_1792 = arith.constant 32 : i32
      %add3A_1793 = vector.broadcast %add3A_1792 : i32 to vector<16xi32>
      %add3A_1794 = arith.addi %iota3A_1791, %add3A_1793 : vector<16xi32>
      %broadcast_in_dim3A_1795 = arith.constant 256 : i32
      %broadcast_in_dim3A_1796 = vector.broadcast %broadcast_in_dim3A_1795 : i32 to vector<16xi32>
      tpu.vector_store_idx %arg16[%add3A_1794, %broadcast_in_dim3A_1796], %abs3A_1786 : memref<80x264xf32, #tpu.memory_space<vmem>>[vector<16xi32>, vector<16xi32>], vector<16xf32>,
      %broadcast_in_dim3A_1797 = arith.constant 257 : i32
      %broadcast_in_dim3A_1798 = vector.broadcast %broadcast_in_dim3A_1797 : i32 to vector<16xi32>
      tpu.vector_store_idx %arg16[%add3A_1794, %broadcast_in_dim3A_1798], %mul3A_1746 : memref<80x264xf32, #tpu.memory_space<vmem>>[vector<16xi32>, vector<16xi32>], vector<16xf32>,
      %broadcast_in_dim3A_1799 = arith.constant 258 : i32
      %broadcast_in_dim3A_1800 = vector.broadcast %broadcast_in_dim3A_1799 : i32 to vector<16xi32>
      tpu.vector_store_idx %arg16[%add3A_1794, %broadcast_in_dim3A_1800], %sub3A_1747 : memref<80x264xf32, #tpu.memory_space<vmem>>[vector<16xi32>, vector<16xi32>], vector<16xf32>,
      %broadcast_in_dim3A_1801 = arith.constant 259 : i32
      %broadcast_in_dim3A_1802 = vector.broadcast %broadcast_in_dim3A_1801 : i32 to vector<16xi32>
      tpu.vector_store_idx %arg16[%add3A_1794, %broadcast_in_dim3A_1802], %sub3A_1748 : memref<80x264xf32, #tpu.memory_space<vmem>>[vector<16xi32>, vector<16xi32>], vector<16xf32>,
      %broadcast_in_dim3A_1803 = arith.constant 260 : i32
      %broadcast_in_dim3A_1804 = vector.broadcast %broadcast_in_dim3A_1803 : i32 to vector<16xi32>
      tpu.vector_store_idx %arg16[%add3A_1794, %broadcast_in_dim3A_1804], %abs3A_1787 : memref<80x264xf32, #tpu.memory_space<vmem>>[vector<16xi32>, vector<16xi32>], vector<16xf32>,
      %broadcast_in_dim3A_1805 = arith.constant 261 : i32
      %broadcast_in_dim3A_1806 = vector.broadcast %broadcast_in_dim3A_1805 : i32 to vector<16xi32>
      tpu.vector_store_idx %arg16[%add3A_1794, %broadcast_in_dim3A_1806], %abs3A_1788 : memref<80x264xf32, #tpu.memory_space<vmem>>[vector<16xi32>, vector<16xi32>], vector<16xf32>,
      %broadcast_in_dim3A_1807 = arith.constant 262 : i32
      %broadcast_in_dim3A_1808 = vector.broadcast %broadcast_in_dim3A_1807 : i32 to vector<16xi32>
      tpu.vector_store_idx %arg16[%add3A_1794, %broadcast_in_dim3A_1808], %mul3A_1789 : memref<80x264xf32, #tpu.memory_space<vmem>>[vector<16xi32>, vector<16xi32>], vector<16xf32>,
      %broadcast_in_dim3A_1809 = arith.constant 263 : i32
      %broadcast_in_dim3A_1810 = vector.broadcast %broadcast_in_dim3A_1809 : i32 to vector<16xi32>
      tpu.vector_store_idx %arg16[%add3A_1794, %broadcast_in_dim3A_1810], %mul3A_1790 : memref<80x264xf32, #tpu.memory_space<vmem>>[vector<16xi32>, vector<16xi32>], vector<16xf32>,
      %get3A_1811 = arith.constant 48 : index
      %get3A_1812 = tpu.vector_load %arg9[%get3A_1811] {strides = array<i32>} : memref<80xi32, #tpu.memory_space<vmem>>, vector<16xi32>,
      %mul3A_1813 = arith.constant 6 : i32
      %mul3A_1814 = vector.broadcast %mul3A_1813 : i32 to vector<16xi32>
      %mul3A_1815 = arith.muli %get3A_1812, %mul3A_1814 : vector<16xi32>
      %get3A_1816 = arith.constant 48 : index
      %get3A_1817 = tpu.vector_load %arg11[%get3A_1816] {strides = array<i32>} : memref<80xi32, #tpu.memory_space<vmem>>, vector<16xi32>,
      %mul3A_1818 = arith.constant 6 : i32
      %mul3A_1819 = vector.broadcast %mul3A_1818 : i32 to vector<16xi32>
      %mul3A_1820 = arith.muli %get3A_1817, %mul3A_1819 : vector<16xi32>
      %add3A_1821 = arith.constant 0 : i32
      %add3A_1822 = vector.broadcast %add3A_1821 : i32 to vector<16xi32>
      %add3A_1823 = arith.addi %mul3A_1815, %add3A_1822 : vector<16xi32>
      %gather3A_1824 = tpu.vector_load_idx %arg14[%add3A_1823] : memref<60000xf32, #tpu.memory_space<vmem>>[vector<16xi32>], vector<16xf32>,
      %add3A_1825 = arith.constant 1 : i32
      %add3A_1826 = vector.broadcast %add3A_1825 : i32 to vector<16xi32>
      %add3A_1827 = arith.addi %mul3A_1815, %add3A_1826 : vector<16xi32>
      %gather3A_1828 = tpu.vector_load_idx %arg14[%add3A_1827] : memref<60000xf32, #tpu.memory_space<vmem>>[vector<16xi32>], vector<16xf32>,
      %add3A_1829 = arith.constant 2 : i32
      %add3A_1830 = vector.broadcast %add3A_1829 : i32 to vector<16xi32>
      %add3A_1831 = arith.addi %mul3A_1815, %add3A_1830 : vector<16xi32>
      %gather3A_1832 = tpu.vector_load_idx %arg14[%add3A_1831] : memref<60000xf32, #tpu.memory_space<vmem>>[vector<16xi32>], vector<16xf32>,
      %add3A_1833 = arith.constant 3 : i32
      %add3A_1834 = vector.broadcast %add3A_1833 : i32 to vector<16xi32>
      %add3A_1835 = arith.addi %mul3A_1815, %add3A_1834 : vector<16xi32>
      %gather3A_1836 = tpu.vector_load_idx %arg14[%add3A_1835] : memref<60000xf32, #tpu.memory_space<vmem>>[vector<16xi32>], vector<16xf32>,
      %add3A_1837 = arith.constant 4 : i32
      %add3A_1838 = vector.broadcast %add3A_1837 : i32 to vector<16xi32>
      %add3A_1839 = arith.addi %mul3A_1815, %add3A_1838 : vector<16xi32>
      %gather3A_1840 = tpu.vector_load_idx %arg14[%add3A_1839] : memref<60000xf32, #tpu.memory_space<vmem>>[vector<16xi32>], vector<16xf32>,
      %add3A_1841 = arith.constant 5 : i32
      %add3A_1842 = vector.broadcast %add3A_1841 : i32 to vector<16xi32>
      %add3A_1843 = arith.addi %mul3A_1815, %add3A_1842 : vector<16xi32>
      %gather3A_1844 = tpu.vector_load_idx %arg14[%add3A_1843] : memref<60000xf32, #tpu.memory_space<vmem>>[vector<16xi32>], vector<16xf32>,
      %add3A_1845 = arith.constant 0 : i32
      %add3A_1846 = vector.broadcast %add3A_1845 : i32 to vector<16xi32>
      %add3A_1847 = arith.addi %mul3A_1820, %add3A_1846 : vector<16xi32>
      %gather3A_1848 = tpu.vector_load_idx %arg14[%add3A_1847] : memref<60000xf32, #tpu.memory_space<vmem>>[vector<16xi32>], vector<16xf32>,
      %add3A_1849 = arith.constant 1 : i32
      %add3A_1850 = vector.broadcast %add3A_1849 : i32 to vector<16xi32>
      %add3A_1851 = arith.addi %mul3A_1820, %add3A_1850 : vector<16xi32>
      %gather3A_1852 = tpu.vector_load_idx %arg14[%add3A_1851] : memref<60000xf32, #tpu.memory_space<vmem>>[vector<16xi32>], vector<16xf32>,
      %add3A_1853 = arith.constant 2 : i32
      %add3A_1854 = vector.broadcast %add3A_1853 : i32 to vector<16xi32>
      %add3A_1855 = arith.addi %mul3A_1820, %add3A_1854 : vector<16xi32>
      %gather3A_1856 = tpu.vector_load_idx %arg14[%add3A_1855] : memref<60000xf32, #tpu.memory_space<vmem>>[vector<16xi32>], vector<16xf32>,
      %add3A_1857 = arith.constant 3 : i32
      %add3A_1858 = vector.broadcast %add3A_1857 : i32 to vector<16xi32>
      %add3A_1859 = arith.addi %mul3A_1820, %add3A_1858 : vector<16xi32>
      %gather3A_1860 = tpu.vector_load_idx %arg14[%add3A_1859] : memref<60000xf32, #tpu.memory_space<vmem>>[vector<16xi32>], vector<16xf32>,
      %add3A_1861 = arith.constant 4 : i32
      %add3A_1862 = vector.broadcast %add3A_1861 : i32 to vector<16xi32>
      %add3A_1863 = arith.addi %mul3A_1820, %add3A_1862 : vector<16xi32>
      %gather3A_1864 = tpu.vector_load_idx %arg14[%add3A_1863] : memref<60000xf32, #tpu.memory_space<vmem>>[vector<16xi32>], vector<16xf32>,
      %add3A_1865 = arith.constant 5 : i32
      %add3A_1866 = vector.broadcast %add3A_1865 : i32 to vector<16xi32>
      %add3A_1867 = arith.addi %mul3A_1820, %add3A_1866 : vector<16xi32>
      %gather3A_1868 = tpu.vector_load_idx %arg14[%add3A_1867] : memref<60000xf32, #tpu.memory_space<vmem>>[vector<16xi32>], vector<16xf32>,
      %mul3A_1869 = arith.mulf %gather3A_1824, %gather3A_1848 : vector<16xf32>
      %mul3A_1870 = arith.mulf %gather3A_1828, %gather3A_1852 : vector<16xf32>
      %add3A_1871 = arith.addf %mul3A_1869, %mul3A_1870 : vector<16xf32>
      %mul3A_1872 = arith.mulf %gather3A_1832, %gather3A_1856 : vector<16xf32>
      %add3A_1873 = arith.addf %add3A_1871, %mul3A_1872 : vector<16xf32>
      %mul3A_1874 = arith.mulf %gather3A_1836, %gather3A_1860 : vector<16xf32>
      %add3A_1875 = arith.addf %add3A_1873, %mul3A_1874 : vector<16xf32>
      %mul3A_1876 = arith.mulf %gather3A_1824, %gather3A_1824 : vector<16xf32>
      %mul3A_1877 = arith.mulf %gather3A_1828, %gather3A_1828 : vector<16xf32>
      %add3A_1878 = arith.addf %mul3A_1876, %mul3A_1877 : vector<16xf32>
      %mul3A_1879 = arith.mulf %gather3A_1832, %gather3A_1832 : vector<16xf32>
      %add3A_1880 = arith.addf %add3A_1878, %mul3A_1879 : vector<16xf32>
      %mul3A_1881 = arith.mulf %gather3A_1836, %gather3A_1836 : vector<16xf32>
      %add3A_1882 = arith.addf %add3A_1880, %mul3A_1881 : vector<16xf32>
      %mul3A_1883 = arith.mulf %gather3A_1848, %gather3A_1848 : vector<16xf32>
      %mul3A_1884 = arith.mulf %gather3A_1852, %gather3A_1852 : vector<16xf32>
      %add3A_1885 = arith.addf %mul3A_1883, %mul3A_1884 : vector<16xf32>
      %mul3A_1886 = arith.mulf %gather3A_1856, %gather3A_1856 : vector<16xf32>
      %add3A_1887 = arith.addf %add3A_1885, %mul3A_1886 : vector<16xf32>
      %mul3A_1888 = arith.mulf %gather3A_1860, %gather3A_1860 : vector<16xf32>
      %add3A_1889 = arith.addf %add3A_1887, %mul3A_1888 : vector<16xf32>
      %max3A_1890 = arith.constant 1.000000e-16 : f32
      %max3A_1891 = vector.broadcast %max3A_1890 : f32 to vector<16xf32>
      %max3A_1892 = arith.maximumf %add3A_1882, %max3A_1891 : vector<16xf32>
      %bitcast_convert_type3A_1893 = tpu.bitcast %max3A_1892 : vector<16xf32> -> vector<16xi32>
      %shift_right_logical3A_1894 = arith.constant 1 : i32
      %shift_right_logical3A_1895 = vector.broadcast %shift_right_logical3A_1894 : i32 to vector<16xi32>
      %shift_right_logical3A_1896 = arith.shrui %bitcast_convert_type3A_1893, %shift_right_logical3A_1895 : vector<16xi32>
      %sub3A_1897 = arith.constant 1597463007 : i32
      %sub3A_1898 = vector.broadcast %sub3A_1897 : i32 to vector<16xi32>
      %sub3A_1899 = arith.subi %sub3A_1898, %shift_right_logical3A_1896 : vector<16xi32>
      %bitcast_convert_type3A_1900 = tpu.bitcast %sub3A_1899 : vector<16xi32> -> vector<16xf32>
      %mul3A_1901 = arith.constant 5.000000e-01 : f32
      %mul3A_1902 = vector.broadcast %mul3A_1901 : f32 to vector<16xf32>
      %mul3A_1903 = arith.mulf %max3A_1892, %mul3A_1902 : vector<16xf32>
      %mul3A_1904 = arith.mulf %mul3A_1903, %bitcast_convert_type3A_1900 : vector<16xf32>
      %mul3A_1905 = arith.mulf %mul3A_1904, %bitcast_convert_type3A_1900 : vector<16xf32>
      %sub3A_1906 = arith.constant 1.500000e+00 : f32
      %sub3A_1907 = vector.broadcast %sub3A_1906 : f32 to vector<16xf32>
      %sub3A_1908 = arith.subf %sub3A_1907, %mul3A_1905 : vector<16xf32>
      %mul3A_1909 = arith.mulf %bitcast_convert_type3A_1900, %sub3A_1908 : vector<16xf32>
      %mul3A_1910 = arith.mulf %mul3A_1903, %mul3A_1909 : vector<16xf32>
      %mul3A_1911 = arith.mulf %mul3A_1910, %mul3A_1909 : vector<16xf32>
      %sub3A_1912 = arith.constant 1.500000e+00 : f32
      %sub3A_1913 = vector.broadcast %sub3A_1912 : f32 to vector<16xf32>
      %sub3A_1914 = arith.subf %sub3A_1913, %mul3A_1911 : vector<16xf32>
      %mul3A_1915 = arith.mulf %mul3A_1909, %sub3A_1914 : vector<16xf32>
      %mul3A_1916 = arith.mulf %mul3A_1903, %mul3A_1915 : vector<16xf32>
      %mul3A_1917 = arith.mulf %mul3A_1916, %mul3A_1915 : vector<16xf32>
      %sub3A_1918 = arith.constant 1.500000e+00 : f32
      %sub3A_1919 = vector.broadcast %sub3A_1918 : f32 to vector<16xf32>
      %sub3A_1920 = arith.subf %sub3A_1919, %mul3A_1917 : vector<16xf32>
      %mul3A_1921 = arith.mulf %mul3A_1915, %sub3A_1920 : vector<16xf32>
      %mul3A_1922 = arith.mulf %add3A_1875, %mul3A_1921 : vector<16xf32>
      %max3A_1923 = arith.constant 1.000000e-16 : f32
      %max3A_1924 = vector.broadcast %max3A_1923 : f32 to vector<16xf32>
      %max3A_1925 = arith.maximumf %add3A_1889, %max3A_1924 : vector<16xf32>
      %bitcast_convert_type3A_1926 = tpu.bitcast %max3A_1925 : vector<16xf32> -> vector<16xi32>
      %shift_right_logical3A_1927 = arith.constant 1 : i32
      %shift_right_logical3A_1928 = vector.broadcast %shift_right_logical3A_1927 : i32 to vector<16xi32>
      %shift_right_logical3A_1929 = arith.shrui %bitcast_convert_type3A_1926, %shift_right_logical3A_1928 : vector<16xi32>
      %sub3A_1930 = arith.constant 1597463007 : i32
      %sub3A_1931 = vector.broadcast %sub3A_1930 : i32 to vector<16xi32>
      %sub3A_1932 = arith.subi %sub3A_1931, %shift_right_logical3A_1929 : vector<16xi32>
      %bitcast_convert_type3A_1933 = tpu.bitcast %sub3A_1932 : vector<16xi32> -> vector<16xf32>
      %mul3A_1934 = arith.constant 5.000000e-01 : f32
      %mul3A_1935 = vector.broadcast %mul3A_1934 : f32 to vector<16xf32>
      %mul3A_1936 = arith.mulf %max3A_1925, %mul3A_1935 : vector<16xf32>
      %mul3A_1937 = arith.mulf %mul3A_1936, %bitcast_convert_type3A_1933 : vector<16xf32>
      %mul3A_1938 = arith.mulf %mul3A_1937, %bitcast_convert_type3A_1933 : vector<16xf32>
      %sub3A_1939 = arith.constant 1.500000e+00 : f32
      %sub3A_1940 = vector.broadcast %sub3A_1939 : f32 to vector<16xf32>
      %sub3A_1941 = arith.subf %sub3A_1940, %mul3A_1938 : vector<16xf32>
      %mul3A_1942 = arith.mulf %bitcast_convert_type3A_1933, %sub3A_1941 : vector<16xf32>
      %mul3A_1943 = arith.mulf %mul3A_1936, %mul3A_1942 : vector<16xf32>
      %mul3A_1944 = arith.mulf %mul3A_1943, %mul3A_1942 : vector<16xf32>
      %sub3A_1945 = arith.constant 1.500000e+00 : f32
      %sub3A_1946 = vector.broadcast %sub3A_1945 : f32 to vector<16xf32>
      %sub3A_1947 = arith.subf %sub3A_1946, %mul3A_1944 : vector<16xf32>
      %mul3A_1948 = arith.mulf %mul3A_1942, %sub3A_1947 : vector<16xf32>
      %mul3A_1949 = arith.mulf %mul3A_1936, %mul3A_1948 : vector<16xf32>
      %mul3A_1950 = arith.mulf %mul3A_1949, %mul3A_1948 : vector<16xf32>
      %sub3A_1951 = arith.constant 1.500000e+00 : f32
      %sub3A_1952 = vector.broadcast %sub3A_1951 : f32 to vector<16xf32>
      %sub3A_1953 = arith.subf %sub3A_1952, %mul3A_1950 : vector<16xf32>
      %mul3A_1954 = arith.mulf %mul3A_1948, %sub3A_1953 : vector<16xf32>
      %mul3A_1955 = arith.mulf %mul3A_1922, %mul3A_1954 : vector<16xf32>
      %sub3A_1956 = arith.subf %gather3A_1840, %gather3A_1864 : vector<16xf32>
      %sub3A_1957 = arith.subf %gather3A_1844, %gather3A_1868 : vector<16xf32>
      %mul3A_1958 = arith.mulf %sub3A_1956, %sub3A_1956 : vector<16xf32>
      %mul3A_1959 = arith.mulf %sub3A_1957, %sub3A_1957 : vector<16xf32>
      %add3A_1960 = arith.addf %mul3A_1958, %mul3A_1959 : vector<16xf32>
      %add3A_1961 = arith.constant 9.99999996E-13 : f32
      %add3A_1962 = vector.broadcast %add3A_1961 : f32 to vector<16xf32>
      %add3A_1963 = arith.addf %add3A_1960, %add3A_1962 : vector<16xf32>
      %bitcast_convert_type3A_1964 = tpu.bitcast %add3A_1963 : vector<16xf32> -> vector<16xi32>
      %shift_right_logical3A_1965 = arith.constant 1 : i32
      %shift_right_logical3A_1966 = vector.broadcast %shift_right_logical3A_1965 : i32 to vector<16xi32>
      %shift_right_logical3A_1967 = arith.shrui %bitcast_convert_type3A_1964, %shift_right_logical3A_1966 : vector<16xi32>
      %sub3A_1968 = arith.constant 1597463007 : i32
      %sub3A_1969 = vector.broadcast %sub3A_1968 : i32 to vector<16xi32>
      %sub3A_1970 = arith.subi %sub3A_1969, %shift_right_logical3A_1967 : vector<16xi32>
      %bitcast_convert_type3A_1971 = tpu.bitcast %sub3A_1970 : vector<16xi32> -> vector<16xf32>
      %mul3A_1972 = arith.constant 5.000000e-01 : f32
      %mul3A_1973 = vector.broadcast %mul3A_1972 : f32 to vector<16xf32>
      %mul3A_1974 = arith.mulf %add3A_1963, %mul3A_1973 : vector<16xf32>
      %mul3A_1975 = arith.mulf %mul3A_1974, %bitcast_convert_type3A_1971 : vector<16xf32>
      %mul3A_1976 = arith.mulf %mul3A_1975, %bitcast_convert_type3A_1971 : vector<16xf32>
      %sub3A_1977 = arith.constant 1.500000e+00 : f32
      %sub3A_1978 = vector.broadcast %sub3A_1977 : f32 to vector<16xf32>
      %sub3A_1979 = arith.subf %sub3A_1978, %mul3A_1976 : vector<16xf32>
      %mul3A_1980 = arith.mulf %bitcast_convert_type3A_1971, %sub3A_1979 : vector<16xf32>
      %mul3A_1981 = arith.mulf %mul3A_1974, %mul3A_1980 : vector<16xf32>
      %mul3A_1982 = arith.mulf %mul3A_1981, %mul3A_1980 : vector<16xf32>
      %sub3A_1983 = arith.constant 1.500000e+00 : f32
      %sub3A_1984 = vector.broadcast %sub3A_1983 : f32 to vector<16xf32>
      %sub3A_1985 = arith.subf %sub3A_1984, %mul3A_1982 : vector<16xf32>
      %mul3A_1986 = arith.mulf %mul3A_1980, %sub3A_1985 : vector<16xf32>
      %mul3A_1987 = arith.mulf %mul3A_1974, %mul3A_1986 : vector<16xf32>
      %mul3A_1988 = arith.mulf %mul3A_1987, %mul3A_1986 : vector<16xf32>
      %sub3A_1989 = arith.constant 1.500000e+00 : f32
      %sub3A_1990 = vector.broadcast %sub3A_1989 : f32 to vector<16xf32>
      %sub3A_1991 = arith.subf %sub3A_1990, %mul3A_1988 : vector<16xf32>
      %mul3A_1992 = arith.mulf %mul3A_1986, %sub3A_1991 : vector<16xf32>
      %get3A_1993 = arith.constant 48 : index
      %get3A_1994 = tpu.vector_load %arg13[%get3A_1993] {strides = array<i32>} : memref<80xf32, #tpu.memory_space<vmem>>, vector<16xf32>,
      %abs3A_1995 = math.absf %get3A_1994 : vector<16xf32>
      %abs3A_1996 = math.absf %sub3A_1956 : vector<16xf32>
      %abs3A_1997 = math.absf %sub3A_1957 : vector<16xf32>
      %mul3A_1998 = arith.mulf %sub3A_1956, %mul3A_1992 : vector<16xf32>
      %mul3A_1999 = arith.mulf %sub3A_1957, %mul3A_1992 : vector<16xf32>
      %iota3A_2000 = tpu.iota {dimensions = array<i32: 0>} : vector<16xi32>
      %add3A_2001 = arith.constant 48 : i32
      %add3A_2002 = vector.broadcast %add3A_2001 : i32 to vector<16xi32>
      %add3A_2003 = arith.addi %iota3A_2000, %add3A_2002 : vector<16xi32>
      %broadcast_in_dim3A_2004 = arith.constant 256 : i32
      %broadcast_in_dim3A_2005 = vector.broadcast %broadcast_in_dim3A_2004 : i32 to vector<16xi32>
      tpu.vector_store_idx %arg16[%add3A_2003, %broadcast_in_dim3A_2005], %abs3A_1995 : memref<80x264xf32, #tpu.memory_space<vmem>>[vector<16xi32>, vector<16xi32>], vector<16xf32>,
      %broadcast_in_dim3A_2006 = arith.constant 257 : i32
      %broadcast_in_dim3A_2007 = vector.broadcast %broadcast_in_dim3A_2006 : i32 to vector<16xi32>
      tpu.vector_store_idx %arg16[%add3A_2003, %broadcast_in_dim3A_2007], %mul3A_1955 : memref<80x264xf32, #tpu.memory_space<vmem>>[vector<16xi32>, vector<16xi32>], vector<16xf32>,
      %broadcast_in_dim3A_2008 = arith.constant 258 : i32
      %broadcast_in_dim3A_2009 = vector.broadcast %broadcast_in_dim3A_2008 : i32 to vector<16xi32>
      tpu.vector_store_idx %arg16[%add3A_2003, %broadcast_in_dim3A_2009], %sub3A_1956 : memref<80x264xf32, #tpu.memory_space<vmem>>[vector<16xi32>, vector<16xi32>], vector<16xf32>,
      %broadcast_in_dim3A_2010 = arith.constant 259 : i32
      %broadcast_in_dim3A_2011 = vector.broadcast %broadcast_in_dim3A_2010 : i32 to vector<16xi32>
      tpu.vector_store_idx %arg16[%add3A_2003, %broadcast_in_dim3A_2011], %sub3A_1957 : memref<80x264xf32, #tpu.memory_space<vmem>>[vector<16xi32>, vector<16xi32>], vector<16xf32>,
      %broadcast_in_dim3A_2012 = arith.constant 260 : i32
      %broadcast_in_dim3A_2013 = vector.broadcast %broadcast_in_dim3A_2012 : i32 to vector<16xi32>
      tpu.vector_store_idx %arg16[%add3A_2003, %broadcast_in_dim3A_2013], %abs3A_1996 : memref<80x264xf32, #tpu.memory_space<vmem>>[vector<16xi32>, vector<16xi32>], vector<16xf32>,
      %broadcast_in_dim3A_2014 = arith.constant 261 : i32
      %broadcast_in_dim3A_2015 = vector.broadcast %broadcast_in_dim3A_2014 : i32 to vector<16xi32>
      tpu.vector_store_idx %arg16[%add3A_2003, %broadcast_in_dim3A_2015], %abs3A_1997 : memref<80x264xf32, #tpu.memory_space<vmem>>[vector<16xi32>, vector<16xi32>], vector<16xf32>,
      %broadcast_in_dim3A_2016 = arith.constant 262 : i32
      %broadcast_in_dim3A_2017 = vector.broadcast %broadcast_in_dim3A_2016 : i32 to vector<16xi32>
      tpu.vector_store_idx %arg16[%add3A_2003, %broadcast_in_dim3A_2017], %mul3A_1998 : memref<80x264xf32, #tpu.memory_space<vmem>>[vector<16xi32>, vector<16xi32>], vector<16xf32>,
      %broadcast_in_dim3A_2018 = arith.constant 263 : i32
      %broadcast_in_dim3A_2019 = vector.broadcast %broadcast_in_dim3A_2018 : i32 to vector<16xi32>
      tpu.vector_store_idx %arg16[%add3A_2003, %broadcast_in_dim3A_2019], %mul3A_1999 : memref<80x264xf32, #tpu.memory_space<vmem>>[vector<16xi32>, vector<16xi32>], vector<16xf32>,
      %get3A_2020 = arith.constant 64 : index
      %get3A_2021 = tpu.vector_load %arg9[%get3A_2020] {strides = array<i32>} : memref<80xi32, #tpu.memory_space<vmem>>, vector<16xi32>,
      %mul3A_2022 = arith.constant 6 : i32
      %mul3A_2023 = vector.broadcast %mul3A_2022 : i32 to vector<16xi32>
      %mul3A_2024 = arith.muli %get3A_2021, %mul3A_2023 : vector<16xi32>
      %get3A_2025 = arith.constant 64 : index
      %get3A_2026 = tpu.vector_load %arg11[%get3A_2025] {strides = array<i32>} : memref<80xi32, #tpu.memory_space<vmem>>, vector<16xi32>,
      %mul3A_2027 = arith.constant 6 : i32
      %mul3A_2028 = vector.broadcast %mul3A_2027 : i32 to vector<16xi32>
      %mul3A_2029 = arith.muli %get3A_2026, %mul3A_2028 : vector<16xi32>
      %add3A_2030 = arith.constant 0 : i32
      %add3A_2031 = vector.broadcast %add3A_2030 : i32 to vector<16xi32>
      %add3A_2032 = arith.addi %mul3A_2024, %add3A_2031 : vector<16xi32>
      %gather3A_2033 = tpu.vector_load_idx %arg14[%add3A_2032] : memref<60000xf32, #tpu.memory_space<vmem>>[vector<16xi32>], vector<16xf32>,
      %add3A_2034 = arith.constant 1 : i32
      %add3A_2035 = vector.broadcast %add3A_2034 : i32 to vector<16xi32>
      %add3A_2036 = arith.addi %mul3A_2024, %add3A_2035 : vector<16xi32>
      %gather3A_2037 = tpu.vector_load_idx %arg14[%add3A_2036] : memref<60000xf32, #tpu.memory_space<vmem>>[vector<16xi32>], vector<16xf32>,
      %add3A_2038 = arith.constant 2 : i32
      %add3A_2039 = vector.broadcast %add3A_2038 : i32 to vector<16xi32>
      %add3A_2040 = arith.addi %mul3A_2024, %add3A_2039 : vector<16xi32>
      %gather3A_2041 = tpu.vector_load_idx %arg14[%add3A_2040] : memref<60000xf32, #tpu.memory_space<vmem>>[vector<16xi32>], vector<16xf32>,
      %add3A_2042 = arith.constant 3 : i32
      %add3A_2043 = vector.broadcast %add3A_2042 : i32 to vector<16xi32>
      %add3A_2044 = arith.addi %mul3A_2024, %add3A_2043 : vector<16xi32>
      %gather3A_2045 = tpu.vector_load_idx %arg14[%add3A_2044] : memref<60000xf32, #tpu.memory_space<vmem>>[vector<16xi32>], vector<16xf32>,
      %add3A_2046 = arith.constant 4 : i32
      %add3A_2047 = vector.broadcast %add3A_2046 : i32 to vector<16xi32>
      %add3A_2048 = arith.addi %mul3A_2024, %add3A_2047 : vector<16xi32>
      %gather3A_2049 = tpu.vector_load_idx %arg14[%add3A_2048] : memref<60000xf32, #tpu.memory_space<vmem>>[vector<16xi32>], vector<16xf32>,
      %add3A_2050 = arith.constant 5 : i32
      %add3A_2051 = vector.broadcast %add3A_2050 : i32 to vector<16xi32>
      %add3A_2052 = arith.addi %mul3A_2024, %add3A_2051 : vector<16xi32>
      %gather3A_2053 = tpu.vector_load_idx %arg14[%add3A_2052] : memref<60000xf32, #tpu.memory_space<vmem>>[vector<16xi32>], vector<16xf32>,
      %add3A_2054 = arith.constant 0 : i32
      %add3A_2055 = vector.broadcast %add3A_2054 : i32 to vector<16xi32>
      %add3A_2056 = arith.addi %mul3A_2029, %add3A_2055 : vector<16xi32>
      %gather3A_2057 = tpu.vector_load_idx %arg14[%add3A_2056] : memref<60000xf32, #tpu.memory_space<vmem>>[vector<16xi32>], vector<16xf32>,
      %add3A_2058 = arith.constant 1 : i32
      %add3A_2059 = vector.broadcast %add3A_2058 : i32 to vector<16xi32>
      %add3A_2060 = arith.addi %mul3A_2029, %add3A_2059 : vector<16xi32>
      %gather3A_2061 = tpu.vector_load_idx %arg14[%add3A_2060] : memref<60000xf32, #tpu.memory_space<vmem>>[vector<16xi32>], vector<16xf32>,
      %add3A_2062 = arith.constant 2 : i32
      %add3A_2063 = vector.broadcast %add3A_2062 : i32 to vector<16xi32>
      %add3A_2064 = arith.addi %mul3A_2029, %add3A_2063 : vector<16xi32>
      %gather3A_2065 = tpu.vector_load_idx %arg14[%add3A_2064] : memref<60000xf32, #tpu.memory_space<vmem>>[vector<16xi32>], vector<16xf32>,
      %add3A_2066 = arith.constant 3 : i32
      %add3A_2067 = vector.broadcast %add3A_2066 : i32 to vector<16xi32>
      %add3A_2068 = arith.addi %mul3A_2029, %add3A_2067 : vector<16xi32>
      %gather3A_2069 = tpu.vector_load_idx %arg14[%add3A_2068] : memref<60000xf32, #tpu.memory_space<vmem>>[vector<16xi32>], vector<16xf32>,
      %add3A_2070 = arith.constant 4 : i32
      %add3A_2071 = vector.broadcast %add3A_2070 : i32 to vector<16xi32>
      %add3A_2072 = arith.addi %mul3A_2029, %add3A_2071 : vector<16xi32>
      %gather3A_2073 = tpu.vector_load_idx %arg14[%add3A_2072] : memref<60000xf32, #tpu.memory_space<vmem>>[vector<16xi32>], vector<16xf32>,
      %add3A_2074 = arith.constant 5 : i32
      %add3A_2075 = vector.broadcast %add3A_2074 : i32 to vector<16xi32>
      %add3A_2076 = arith.addi %mul3A_2029, %add3A_2075 : vector<16xi32>
      %gather3A_2077 = tpu.vector_load_idx %arg14[%add3A_2076] : memref<60000xf32, #tpu.memory_space<vmem>>[vector<16xi32>], vector<16xf32>,
      %mul3A_2078 = arith.mulf %gather3A_2033, %gather3A_2057 : vector<16xf32>
      %mul3A_2079 = arith.mulf %gather3A_2037, %gather3A_2061 : vector<16xf32>
      %add3A_2080 = arith.addf %mul3A_2078, %mul3A_2079 : vector<16xf32>
      %mul3A_2081 = arith.mulf %gather3A_2041, %gather3A_2065 : vector<16xf32>
      %add3A_2082 = arith.addf %add3A_2080, %mul3A_2081 : vector<16xf32>
      %mul3A_2083 = arith.mulf %gather3A_2045, %gather3A_2069 : vector<16xf32>
      %add3A_2084 = arith.addf %add3A_2082, %mul3A_2083 : vector<16xf32>
      %mul3A_2085 = arith.mulf %gather3A_2033, %gather3A_2033 : vector<16xf32>
      %mul3A_2086 = arith.mulf %gather3A_2037, %gather3A_2037 : vector<16xf32>
      %add3A_2087 = arith.addf %mul3A_2085, %mul3A_2086 : vector<16xf32>
      %mul3A_2088 = arith.mulf %gather3A_2041, %gather3A_2041 : vector<16xf32>
      %add3A_2089 = arith.addf %add3A_2087, %mul3A_2088 : vector<16xf32>
      %mul3A_2090 = arith.mulf %gather3A_2045, %gather3A_2045 : vector<16xf32>
      %add3A_2091 = arith.addf %add3A_2089, %mul3A_2090 : vector<16xf32>
      %mul3A_2092 = arith.mulf %gather3A_2057, %gather3A_2057 : vector<16xf32>
      %mul3A_2093 = arith.mulf %gather3A_2061, %gather3A_2061 : vector<16xf32>
      %add3A_2094 = arith.addf %mul3A_2092, %mul3A_2093 : vector<16xf32>
      %mul3A_2095 = arith.mulf %gather3A_2065, %gather3A_2065 : vector<16xf32>
      %add3A_2096 = arith.addf %add3A_2094, %mul3A_2095 : vector<16xf32>
      %mul3A_2097 = arith.mulf %gather3A_2069, %gather3A_2069 : vector<16xf32>
      %add3A_2098 = arith.addf %add3A_2096, %mul3A_2097 : vector<16xf32>
      %max3A_2099 = arith.constant 1.000000e-16 : f32
      %max3A_2100 = vector.broadcast %max3A_2099 : f32 to vector<16xf32>
      %max3A_2101 = arith.maximumf %add3A_2091, %max3A_2100 : vector<16xf32>
      %bitcast_convert_type3A_2102 = tpu.bitcast %max3A_2101 : vector<16xf32> -> vector<16xi32>
      %shift_right_logical3A_2103 = arith.constant 1 : i32
      %shift_right_logical3A_2104 = vector.broadcast %shift_right_logical3A_2103 : i32 to vector<16xi32>
      %shift_right_logical3A_2105 = arith.shrui %bitcast_convert_type3A_2102, %shift_right_logical3A_2104 : vector<16xi32>
      %sub3A_2106 = arith.constant 1597463007 : i32
      %sub3A_2107 = vector.broadcast %sub3A_2106 : i32 to vector<16xi32>
      %sub3A_2108 = arith.subi %sub3A_2107, %shift_right_logical3A_2105 : vector<16xi32>
      %bitcast_convert_type3A_2109 = tpu.bitcast %sub3A_2108 : vector<16xi32> -> vector<16xf32>
      %mul3A_2110 = arith.constant 5.000000e-01 : f32
      %mul3A_2111 = vector.broadcast %mul3A_2110 : f32 to vector<16xf32>
      %mul3A_2112 = arith.mulf %max3A_2101, %mul3A_2111 : vector<16xf32>
      %mul3A_2113 = arith.mulf %mul3A_2112, %bitcast_convert_type3A_2109 : vector<16xf32>
      %mul3A_2114 = arith.mulf %mul3A_2113, %bitcast_convert_type3A_2109 : vector<16xf32>
      %sub3A_2115 = arith.constant 1.500000e+00 : f32
      %sub3A_2116 = vector.broadcast %sub3A_2115 : f32 to vector<16xf32>
      %sub3A_2117 = arith.subf %sub3A_2116, %mul3A_2114 : vector<16xf32>
      %mul3A_2118 = arith.mulf %bitcast_convert_type3A_2109, %sub3A_2117 : vector<16xf32>
      %mul3A_2119 = arith.mulf %mul3A_2112, %mul3A_2118 : vector<16xf32>
      %mul3A_2120 = arith.mulf %mul3A_2119, %mul3A_2118 : vector<16xf32>
      %sub3A_2121 = arith.constant 1.500000e+00 : f32
      %sub3A_2122 = vector.broadcast %sub3A_2121 : f32 to vector<16xf32>
      %sub3A_2123 = arith.subf %sub3A_2122, %mul3A_2120 : vector<16xf32>
      %mul3A_2124 = arith.mulf %mul3A_2118, %sub3A_2123 : vector<16xf32>
      %mul3A_2125 = arith.mulf %mul3A_2112, %mul3A_2124 : vector<16xf32>
      %mul3A_2126 = arith.mulf %mul3A_2125, %mul3A_2124 : vector<16xf32>
      %sub3A_2127 = arith.constant 1.500000e+00 : f32
      %sub3A_2128 = vector.broadcast %sub3A_2127 : f32 to vector<16xf32>
      %sub3A_2129 = arith.subf %sub3A_2128, %mul3A_2126 : vector<16xf32>
      %mul3A_2130 = arith.mulf %mul3A_2124, %sub3A_2129 : vector<16xf32>
      %mul3A_2131 = arith.mulf %add3A_2084, %mul3A_2130 : vector<16xf32>
      %max3A_2132 = arith.constant 1.000000e-16 : f32
      %max3A_2133 = vector.broadcast %max3A_2132 : f32 to vector<16xf32>
      %max3A_2134 = arith.maximumf %add3A_2098, %max3A_2133 : vector<16xf32>
      %bitcast_convert_type3A_2135 = tpu.bitcast %max3A_2134 : vector<16xf32> -> vector<16xi32>
      %shift_right_logical3A_2136 = arith.constant 1 : i32
      %shift_right_logical3A_2137 = vector.broadcast %shift_right_logical3A_2136 : i32 to vector<16xi32>
      %shift_right_logical3A_2138 = arith.shrui %bitcast_convert_type3A_2135, %shift_right_logical3A_2137 : vector<16xi32>
      %sub3A_2139 = arith.constant 1597463007 : i32
      %sub3A_2140 = vector.broadcast %sub3A_2139 : i32 to vector<16xi32>
      %sub3A_2141 = arith.subi %sub3A_2140, %shift_right_logical3A_2138 : vector<16xi32>
      %bitcast_convert_type3A_2142 = tpu.bitcast %sub3A_2141 : vector<16xi32> -> vector<16xf32>
      %mul3A_2143 = arith.constant 5.000000e-01 : f32
      %mul3A_2144 = vector.broadcast %mul3A_2143 : f32 to vector<16xf32>
      %mul3A_2145 = arith.mulf %max3A_2134, %mul3A_2144 : vector<16xf32>
      %mul3A_2146 = arith.mulf %mul3A_2145, %bitcast_convert_type3A_2142 : vector<16xf32>
      %mul3A_2147 = arith.mulf %mul3A_2146, %bitcast_convert_type3A_2142 : vector<16xf32>
      %sub3A_2148 = arith.constant 1.500000e+00 : f32
      %sub3A_2149 = vector.broadcast %sub3A_2148 : f32 to vector<16xf32>
      %sub3A_2150 = arith.subf %sub3A_2149, %mul3A_2147 : vector<16xf32>
      %mul3A_2151 = arith.mulf %bitcast_convert_type3A_2142, %sub3A_2150 : vector<16xf32>
      %mul3A_2152 = arith.mulf %mul3A_2145, %mul3A_2151 : vector<16xf32>
      %mul3A_2153 = arith.mulf %mul3A_2152, %mul3A_2151 : vector<16xf32>
      %sub3A_2154 = arith.constant 1.500000e+00 : f32
      %sub3A_2155 = vector.broadcast %sub3A_2154 : f32 to vector<16xf32>
      %sub3A_2156 = arith.subf %sub3A_2155, %mul3A_2153 : vector<16xf32>
      %mul3A_2157 = arith.mulf %mul3A_2151, %sub3A_2156 : vector<16xf32>
      %mul3A_2158 = arith.mulf %mul3A_2145, %mul3A_2157 : vector<16xf32>
      %mul3A_2159 = arith.mulf %mul3A_2158, %mul3A_2157 : vector<16xf32>
      %sub3A_2160 = arith.constant 1.500000e+00 : f32
      %sub3A_2161 = vector.broadcast %sub3A_2160 : f32 to vector<16xf32>
      %sub3A_2162 = arith.subf %sub3A_2161, %mul3A_2159 : vector<16xf32>
      %mul3A_2163 = arith.mulf %mul3A_2157, %sub3A_2162 : vector<16xf32>
      %mul3A_2164 = arith.mulf %mul3A_2131, %mul3A_2163 : vector<16xf32>
      %sub3A_2165 = arith.subf %gather3A_2049, %gather3A_2073 : vector<16xf32>
      %sub3A_2166 = arith.subf %gather3A_2053, %gather3A_2077 : vector<16xf32>
      %mul3A_2167 = arith.mulf %sub3A_2165, %sub3A_2165 : vector<16xf32>
      %mul3A_2168 = arith.mulf %sub3A_2166, %sub3A_2166 : vector<16xf32>
      %add3A_2169 = arith.addf %mul3A_2167, %mul3A_2168 : vector<16xf32>
      %add3A_2170 = arith.constant 9.99999996E-13 : f32
      %add3A_2171 = vector.broadcast %add3A_2170 : f32 to vector<16xf32>
      %add3A_2172 = arith.addf %add3A_2169, %add3A_2171 : vector<16xf32>
      %bitcast_convert_type3A_2173 = tpu.bitcast %add3A_2172 : vector<16xf32> -> vector<16xi32>
      %shift_right_logical3A_2174 = arith.constant 1 : i32
      %shift_right_logical3A_2175 = vector.broadcast %shift_right_logical3A_2174 : i32 to vector<16xi32>
      %shift_right_logical3A_2176 = arith.shrui %bitcast_convert_type3A_2173, %shift_right_logical3A_2175 : vector<16xi32>
      %sub3A_2177 = arith.constant 1597463007 : i32
      %sub3A_2178 = vector.broadcast %sub3A_2177 : i32 to vector<16xi32>
      %sub3A_2179 = arith.subi %sub3A_2178, %shift_right_logical3A_2176 : vector<16xi32>
      %bitcast_convert_type3A_2180 = tpu.bitcast %sub3A_2179 : vector<16xi32> -> vector<16xf32>
      %mul3A_2181 = arith.constant 5.000000e-01 : f32
      %mul3A_2182 = vector.broadcast %mul3A_2181 : f32 to vector<16xf32>
      %mul3A_2183 = arith.mulf %add3A_2172, %mul3A_2182 : vector<16xf32>
      %mul3A_2184 = arith.mulf %mul3A_2183, %bitcast_convert_type3A_2180 : vector<16xf32>
      %mul3A_2185 = arith.mulf %mul3A_2184, %bitcast_convert_type3A_2180 : vector<16xf32>
      %sub3A_2186 = arith.constant 1.500000e+00 : f32
      %sub3A_2187 = vector.broadcast %sub3A_2186 : f32 to vector<16xf32>
      %sub3A_2188 = arith.subf %sub3A_2187, %mul3A_2185 : vector<16xf32>
      %mul3A_2189 = arith.mulf %bitcast_convert_type3A_2180, %sub3A_2188 : vector<16xf32>
      %mul3A_2190 = arith.mulf %mul3A_2183, %mul3A_2189 : vector<16xf32>
      %mul3A_2191 = arith.mulf %mul3A_2190, %mul3A_2189 : vector<16xf32>
      %sub3A_2192 = arith.constant 1.500000e+00 : f32
      %sub3A_2193 = vector.broadcast %sub3A_2192 : f32 to vector<16xf32>
      %sub3A_2194 = arith.subf %sub3A_2193, %mul3A_2191 : vector<16xf32>
      %mul3A_2195 = arith.mulf %mul3A_2189, %sub3A_2194 : vector<16xf32>
      %mul3A_2196 = arith.mulf %mul3A_2183, %mul3A_2195 : vector<16xf32>
      %mul3A_2197 = arith.mulf %mul3A_2196, %mul3A_2195 : vector<16xf32>
      %sub3A_2198 = arith.constant 1.500000e+00 : f32
      %sub3A_2199 = vector.broadcast %sub3A_2198 : f32 to vector<16xf32>
      %sub3A_2200 = arith.subf %sub3A_2199, %mul3A_2197 : vector<16xf32>
      %mul3A_2201 = arith.mulf %mul3A_2195, %sub3A_2200 : vector<16xf32>
      %get3A_2202 = arith.constant 64 : index
      %get3A_2203 = tpu.vector_load %arg13[%get3A_2202] {strides = array<i32>} : memref<80xf32, #tpu.memory_space<vmem>>, vector<16xf32>,
      %abs3A_2204 = math.absf %get3A_2203 : vector<16xf32>
      %abs3A_2205 = math.absf %sub3A_2165 : vector<16xf32>
      %abs3A_2206 = math.absf %sub3A_2166 : vector<16xf32>
      %mul3A_2207 = arith.mulf %sub3A_2165, %mul3A_2201 : vector<16xf32>
      %mul3A_2208 = arith.mulf %sub3A_2166, %mul3A_2201 : vector<16xf32>
      %iota3A_2209 = tpu.iota {dimensions = array<i32: 0>} : vector<16xi32>
      %add3A_2210 = arith.constant 64 : i32
      %add3A_2211 = vector.broadcast %add3A_2210 : i32 to vector<16xi32>
      %add3A_2212 = arith.addi %iota3A_2209, %add3A_2211 : vector<16xi32>
      %broadcast_in_dim3A_2213 = arith.constant 256 : i32
      %broadcast_in_dim3A_2214 = vector.broadcast %broadcast_in_dim3A_2213 : i32 to vector<16xi32>
      tpu.vector_store_idx %arg16[%add3A_2212, %broadcast_in_dim3A_2214], %abs3A_2204 : memref<80x264xf32, #tpu.memory_space<vmem>>[vector<16xi32>, vector<16xi32>], vector<16xf32>,
      %broadcast_in_dim3A_2215 = arith.constant 257 : i32
      %broadcast_in_dim3A_2216 = vector.broadcast %broadcast_in_dim3A_2215 : i32 to vector<16xi32>
      tpu.vector_store_idx %arg16[%add3A_2212, %broadcast_in_dim3A_2216], %mul3A_2164 : memref<80x264xf32, #tpu.memory_space<vmem>>[vector<16xi32>, vector<16xi32>], vector<16xf32>,
      %broadcast_in_dim3A_2217 = arith.constant 258 : i32
      %broadcast_in_dim3A_2218 = vector.broadcast %broadcast_in_dim3A_2217 : i32 to vector<16xi32>
      tpu.vector_store_idx %arg16[%add3A_2212, %broadcast_in_dim3A_2218], %sub3A_2165 : memref<80x264xf32, #tpu.memory_space<vmem>>[vector<16xi32>, vector<16xi32>], vector<16xf32>,
      %broadcast_in_dim3A_2219 = arith.constant 259 : i32
      %broadcast_in_dim3A_2220 = vector.broadcast %broadcast_in_dim3A_2219 : i32 to vector<16xi32>
      tpu.vector_store_idx %arg16[%add3A_2212, %broadcast_in_dim3A_2220], %sub3A_2166 : memref<80x264xf32, #tpu.memory_space<vmem>>[vector<16xi32>, vector<16xi32>], vector<16xf32>,
      %broadcast_in_dim3A_2221 = arith.constant 260 : i32
      %broadcast_in_dim3A_2222 = vector.broadcast %broadcast_in_dim3A_2221 : i32 to vector<16xi32>
      tpu.vector_store_idx %arg16[%add3A_2212, %broadcast_in_dim3A_2222], %abs3A_2205 : memref<80x264xf32, #tpu.memory_space<vmem>>[vector<16xi32>, vector<16xi32>], vector<16xf32>,
      %broadcast_in_dim3A_2223 = arith.constant 261 : i32
      %broadcast_in_dim3A_2224 = vector.broadcast %broadcast_in_dim3A_2223 : i32 to vector<16xi32>
      tpu.vector_store_idx %arg16[%add3A_2212, %broadcast_in_dim3A_2224], %abs3A_2206 : memref<80x264xf32, #tpu.memory_space<vmem>>[vector<16xi32>, vector<16xi32>], vector<16xf32>,
      %broadcast_in_dim3A_2225 = arith.constant 262 : i32
      %broadcast_in_dim3A_2226 = vector.broadcast %broadcast_in_dim3A_2225 : i32 to vector<16xi32>
      tpu.vector_store_idx %arg16[%add3A_2212, %broadcast_in_dim3A_2226], %mul3A_2207 : memref<80x264xf32, #tpu.memory_space<vmem>>[vector<16xi32>, vector<16xi32>], vector<16xf32>,
      %broadcast_in_dim3A_2227 = arith.constant 263 : i32
      %broadcast_in_dim3A_2228 = vector.broadcast %broadcast_in_dim3A_2227 : i32 to vector<16xi32>
      tpu.vector_store_idx %arg16[%add3A_2212, %broadcast_in_dim3A_2228], %mul3A_2208 : memref<80x264xf32, #tpu.memory_space<vmem>>[vector<16xi32>, vector<16xi32>], vector<16xf32>,
      %dma_wait3A_2229 = arith.constant 0 : i32
      %dma_wait3A_2230 = arith.constant 0 : i32
      %dma_wait3A_2231 = tpu.memref_slice %arg7[%dma_wait3A_2229, %dma_wait3A_2230] : memref<320000x264xf32, #tpu.memory_space<hbm>> -> memref<80x264xf32, #tpu.memory_space<hbm>>
      %dma_wait3A_2232 = arith.constant 0 : i32
      %dma_wait3A_2233 = arith.constant 0 : i32
      %dma_wait3A_2234 = tpu.memref_slice %arg7[%dma_wait3A_2232, %dma_wait3A_2233] : memref<320000x264xf32, #tpu.memory_space<hbm>> -> memref<80x264xf32, #tpu.memory_space<hbm>>
      tpu.wait_dma2 semaphore(%arg19 : memref<!tpu.dma_semaphore, #tpu.memory_space<semaphore_mem>>) src(%dma_wait3A_2234 : memref<80x264xf32, #tpu.memory_space<hbm>>) dst(%arg15 : memref<80x264xf32, #tpu.memory_space<vmem>>)
      %dma_wait3A_2235 = arith.constant 0 : i32
      %dma_wait3A_2236 = tpu.memref_slice %arg2[%dma_wait3A_2235] : memref<320000xi32, #tpu.memory_space<hbm>> -> memref<80xi32, #tpu.memory_space<hbm>>
      %dma_wait3A_2237 = arith.constant 0 : i32
      %dma_wait3A_2238 = tpu.memref_slice %arg2[%dma_wait3A_2237] : memref<320000xi32, #tpu.memory_space<hbm>> -> memref<80xi32, #tpu.memory_space<hbm>>
      tpu.wait_dma2 semaphore(%arg21 : memref<!tpu.dma_semaphore, #tpu.memory_space<semaphore_mem>>) src(%dma_wait3A_2238 : memref<80xi32, #tpu.memory_space<hbm>>) dst(%arg8 : memref<80xi32, #tpu.memory_space<vmem>>)
      %dma_wait3A_2239 = arith.constant 0 : i32
      %dma_wait3A_2240 = tpu.memref_slice %arg3[%dma_wait3A_2239] : memref<320000xi32, #tpu.memory_space<hbm>> -> memref<80xi32, #tpu.memory_space<hbm>>
      %dma_wait3A_2241 = arith.constant 0 : i32
      %dma_wait3A_2242 = tpu.memref_slice %arg3[%dma_wait3A_2241] : memref<320000xi32, #tpu.memory_space<hbm>> -> memref<80xi32, #tpu.memory_space<hbm>>
      tpu.wait_dma2 semaphore(%arg21 : memref<!tpu.dma_semaphore, #tpu.memory_space<semaphore_mem>>) src(%dma_wait3A_2242 : memref<80xi32, #tpu.memory_space<hbm>>) dst(%arg10 : memref<80xi32, #tpu.memory_space<vmem>>)
      %dma_wait3A_2243 = arith.constant 0 : i32
      %dma_wait3A_2244 = tpu.memref_slice %arg4[%dma_wait3A_2243] : memref<320000xf32, #tpu.memory_space<hbm>> -> memref<80xf32, #tpu.memory_space<hbm>>
      %dma_wait3A_2245 = arith.constant 0 : i32
      %dma_wait3A_2246 = tpu.memref_slice %arg4[%dma_wait3A_2245] : memref<320000xf32, #tpu.memory_space<hbm>> -> memref<80xf32, #tpu.memory_space<hbm>>
      tpu.wait_dma2 semaphore(%arg21 : memref<!tpu.dma_semaphore, #tpu.memory_space<semaphore_mem>>) src(%dma_wait3A_2246 : memref<80xf32, #tpu.memory_space<hbm>>) dst(%arg12 : memref<80xf32, #tpu.memory_space<vmem>>)
      %dma_start3A_2247 = arith.constant 0 : i32
      %dma_start3A_2248 = arith.constant 0 : i32
      %dma_start3A_2249 = tpu.memref_slice %arg15[%dma_start3A_2247, %dma_start3A_2248] : memref<80x264xf32, #tpu.memory_space<vmem>> -> memref<80x128xf32, #tpu.memory_space<vmem>>
      %dma_start3A_2250 = arith.constant 0 : i32
      %dma_start3A_2251 = arith.constant 0 : i32
      %dma_start3A_2252 = tpu.memref_slice %arg5[%dma_start3A_2250, %dma_start3A_2251] : memref<10000x128xf32, #tpu.memory_space<hbm>> -> memref<10000x128xf32, #tpu.memory_space<hbm>>
      tpu.enqueue_indirect_dma source(%dma_start3A_2252 : memref<10000x128xf32, #tpu.memory_space<hbm>>) target(%dma_start3A_2249 : memref<80x128xf32, #tpu.memory_space<vmem>>) offsets(%arg8 : memref<80xi32, #tpu.memory_space<vmem>>) semaphore(%arg17 : memref<!tpu.dma_semaphore, #tpu.memory_space<semaphore_mem>>)
      %dma_start3A_2253 = arith.constant 0 : i32
      %dma_start3A_2254 = arith.constant 128 : i32
      %dma_start3A_2255 = tpu.memref_slice %arg15[%dma_start3A_2253, %dma_start3A_2254] : memref<80x264xf32, #tpu.memory_space<vmem>> -> memref<80x128xf32, #tpu.memory_space<vmem>>
      %dma_start3A_2256 = arith.constant 0 : i32
      %dma_start3A_2257 = arith.constant 0 : i32
      %dma_start3A_2258 = tpu.memref_slice %arg5[%dma_start3A_2256, %dma_start3A_2257] : memref<10000x128xf32, #tpu.memory_space<hbm>> -> memref<10000x128xf32, #tpu.memory_space<hbm>>
      tpu.enqueue_indirect_dma source(%dma_start3A_2258 : memref<10000x128xf32, #tpu.memory_space<hbm>>) target(%dma_start3A_2255 : memref<80x128xf32, #tpu.memory_space<vmem>>) offsets(%arg10 : memref<80xi32, #tpu.memory_space<vmem>>) semaphore(%arg17 : memref<!tpu.dma_semaphore, #tpu.memory_space<semaphore_mem>>)
      %dma_wait3A_2259 = arith.constant 0 : i32
      %dma_wait3A_2260 = arith.constant 0 : i32
      %dma_wait3A_2261 = tpu.memref_slice %arg16[%dma_wait3A_2259, %dma_wait3A_2260] : memref<80x264xf32, #tpu.memory_space<vmem>> -> memref<80x128xf32, #tpu.memory_space<vmem>>
      %dma_wait3A_2262 = arith.constant 0 : i32
      %dma_wait3A_2263 = arith.constant 0 : i32
      %dma_wait3A_2264 = tpu.memref_slice %arg5[%dma_wait3A_2262, %dma_wait3A_2263] : memref<10000x128xf32, #tpu.memory_space<hbm>> -> memref<10000x128xf32, #tpu.memory_space<hbm>>
      tpu.wait_indirect_dma semaphore(%arg18 : memref<!tpu.dma_semaphore, #tpu.memory_space<semaphore_mem>>) src(%dma_wait3A_2264 : memref<10000x128xf32, #tpu.memory_space<hbm>>) dst(%dma_wait3A_2261 : memref<80x128xf32, #tpu.memory_space<vmem>>)
      %dma_wait3A_2265 = arith.constant 0 : i32
      %dma_wait3A_2266 = arith.constant 128 : i32
      %dma_wait3A_2267 = tpu.memref_slice %arg16[%dma_wait3A_2265, %dma_wait3A_2266] : memref<80x264xf32, #tpu.memory_space<vmem>> -> memref<80x128xf32, #tpu.memory_space<vmem>>
      %dma_wait3A_2268 = arith.constant 0 : i32
      %dma_wait3A_2269 = arith.constant 0 : i32
      %dma_wait3A_2270 = tpu.memref_slice %arg5[%dma_wait3A_2268, %dma_wait3A_2269] : memref<10000x128xf32, #tpu.memory_space<hbm>> -> memref<10000x128xf32, #tpu.memory_space<hbm>>
      tpu.wait_indirect_dma semaphore(%arg18 : memref<!tpu.dma_semaphore, #tpu.memory_space<semaphore_mem>>) src(%dma_wait3A_2270 : memref<10000x128xf32, #tpu.memory_space<hbm>>) dst(%dma_wait3A_2267 : memref<80x128xf32, #tpu.memory_space<vmem>>)
      %add3A_2271 = arith.constant 2 : i32
      %add3A_2272 = arith.addi %add3A_1180, %add3A_2271 : i32
      %mul3A_2273 = arith.constant 80 : i32
      %mul3A_2274 = arith.muli %add3A_2272, %mul3A_2273 : i32
      %add3A_2275 = arith.addi %mul3A_2, %mul3A_2274 : i32
      %add3A_2276 = arith.constant 10000 : i32
      %add3A_2277 = arith.addi %mul3A_2, %add3A_2276 : i32
      %sub3A_2278 = arith.constant 80 : i32
      %sub3A_2279 = arith.subi %add3A_2277, %sub3A_2278 : i32
      %min3A_2280 = arith.minsi %add3A_2275, %sub3A_2279 : i32
      %dma_start3A_2281 = tpu.memref_slice %arg2[%min3A_2280] : memref<320000xi32, #tpu.memory_space<hbm>> -> memref<80xi32, #tpu.memory_space<hbm>>
      %dma_start3A_2282 = tpu.memref_slice %arg2[%min3A_2280] : memref<320000xi32, #tpu.memory_space<hbm>> -> memref<80xi32, #tpu.memory_space<hbm>>
      tpu.enqueue_dma source(%dma_start3A_2282 : memref<80xi32, #tpu.memory_space<hbm>>) target(%arg9 : memref<80xi32, #tpu.memory_space<vmem>>) target_semaphore(%arg22 : memref<!tpu.dma_semaphore, #tpu.memory_space<semaphore_mem>>)
      %dma_start3A_2283 = tpu.memref_slice %arg3[%min3A_2280] : memref<320000xi32, #tpu.memory_space<hbm>> -> memref<80xi32, #tpu.memory_space<hbm>>
      %dma_start3A_2284 = tpu.memref_slice %arg3[%min3A_2280] : memref<320000xi32, #tpu.memory_space<hbm>> -> memref<80xi32, #tpu.memory_space<hbm>>
      tpu.enqueue_dma source(%dma_start3A_2284 : memref<80xi32, #tpu.memory_space<hbm>>) target(%arg11 : memref<80xi32, #tpu.memory_space<vmem>>) target_semaphore(%arg22 : memref<!tpu.dma_semaphore, #tpu.memory_space<semaphore_mem>>)
      %dma_start3A_2285 = tpu.memref_slice %arg4[%min3A_2280] : memref<320000xf32, #tpu.memory_space<hbm>> -> memref<80xf32, #tpu.memory_space<hbm>>
      %dma_start3A_2286 = tpu.memref_slice %arg4[%min3A_2280] : memref<320000xf32, #tpu.memory_space<hbm>> -> memref<80xf32, #tpu.memory_space<hbm>>
      tpu.enqueue_dma source(%dma_start3A_2286 : memref<80xf32, #tpu.memory_space<hbm>>) target(%arg13 : memref<80xf32, #tpu.memory_space<vmem>>) target_semaphore(%arg22 : memref<!tpu.dma_semaphore, #tpu.memory_space<semaphore_mem>>)
      %dma_start3A_2287 = arith.constant 0 : i32
      %dma_start3A_2288 = tpu.memref_slice %arg7[%add3A_1183, %dma_start3A_2287] : memref<320000x264xf32, #tpu.memory_space<hbm>> -> memref<80x264xf32, #tpu.memory_space<hbm>>
      %dma_start3A_2289 = arith.constant 0 : i32
      %dma_start3A_2290 = tpu.memref_slice %arg7[%add3A_1183, %dma_start3A_2289] : memref<320000x264xf32, #tpu.memory_space<hbm>> -> memref<80x264xf32, #tpu.memory_space<hbm>>
      tpu.enqueue_dma source(%arg16 : memref<80x264xf32, #tpu.memory_space<vmem>>) target(%dma_start3A_2290 : memref<80x264xf32, #tpu.memory_space<hbm>>) target_semaphore(%arg20 : memref<!tpu.dma_semaphore, #tpu.memory_space<semaphore_mem>>)
      %mul3A_2291 = arith.constant 2 : i32
      %mul3A_2292 = arith.muli %mul3A_2291, %scan3A_1176 : i32
      %add3A_2293 = arith.constant 2 : i32
      %add3A_2294 = arith.addi %mul3A_2292, %add3A_2293 : i32
      %mul3A_2295 = arith.constant 80 : i32
      %mul3A_2296 = arith.muli %add3A_2294, %mul3A_2295 : i32
      %add3A_2297 = arith.addi %mul3A_2, %mul3A_2296 : i32
      %get3A_2298 = arith.constant 0 : index
      %get3A_2299 = tpu.vector_load %arg8[%get3A_2298] {strides = array<i32>} : memref<80xi32, #tpu.memory_space<vmem>>, vector<16xi32>,
      %mul3A_2300 = arith.constant 6 : i32
      %mul3A_2301 = vector.broadcast %mul3A_2300 : i32 to vector<16xi32>
      %mul3A_2302 = arith.muli %get3A_2299, %mul3A_2301 : vector<16xi32>
      %get3A_2303 = arith.constant 0 : index
      %get3A_2304 = tpu.vector_load %arg10[%get3A_2303] {strides = array<i32>} : memref<80xi32, #tpu.memory_space<vmem>>, vector<16xi32>,
      %mul3A_2305 = arith.constant 6 : i32
      %mul3A_2306 = vector.broadcast %mul3A_2305 : i32 to vector<16xi32>
      %mul3A_2307 = arith.muli %get3A_2304, %mul3A_2306 : vector<16xi32>
      %add3A_2308 = arith.constant 0 : i32
      %add3A_2309 = vector.broadcast %add3A_2308 : i32 to vector<16xi32>
      %add3A_2310 = arith.addi %mul3A_2302, %add3A_2309 : vector<16xi32>
      %gather3A_2311 = tpu.vector_load_idx %arg14[%add3A_2310] : memref<60000xf32, #tpu.memory_space<vmem>>[vector<16xi32>], vector<16xf32>,
      %add3A_2312 = arith.constant 1 : i32
      %add3A_2313 = vector.broadcast %add3A_2312 : i32 to vector<16xi32>
      %add3A_2314 = arith.addi %mul3A_2302, %add3A_2313 : vector<16xi32>
      %gather3A_2315 = tpu.vector_load_idx %arg14[%add3A_2314] : memref<60000xf32, #tpu.memory_space<vmem>>[vector<16xi32>], vector<16xf32>,
      %add3A_2316 = arith.constant 2 : i32
      %add3A_2317 = vector.broadcast %add3A_2316 : i32 to vector<16xi32>
      %add3A_2318 = arith.addi %mul3A_2302, %add3A_2317 : vector<16xi32>
      %gather3A_2319 = tpu.vector_load_idx %arg14[%add3A_2318] : memref<60000xf32, #tpu.memory_space<vmem>>[vector<16xi32>], vector<16xf32>,
      %add3A_2320 = arith.constant 3 : i32
      %add3A_2321 = vector.broadcast %add3A_2320 : i32 to vector<16xi32>
      %add3A_2322 = arith.addi %mul3A_2302, %add3A_2321 : vector<16xi32>
      %gather3A_2323 = tpu.vector_load_idx %arg14[%add3A_2322] : memref<60000xf32, #tpu.memory_space<vmem>>[vector<16xi32>], vector<16xf32>,
      %add3A_2324 = arith.constant 4 : i32
      %add3A_2325 = vector.broadcast %add3A_2324 : i32 to vector<16xi32>
      %add3A_2326 = arith.addi %mul3A_2302, %add3A_2325 : vector<16xi32>
      %gather3A_2327 = tpu.vector_load_idx %arg14[%add3A_2326] : memref<60000xf32, #tpu.memory_space<vmem>>[vector<16xi32>], vector<16xf32>,
      %add3A_2328 = arith.constant 5 : i32
      %add3A_2329 = vector.broadcast %add3A_2328 : i32 to vector<16xi32>
      %add3A_2330 = arith.addi %mul3A_2302, %add3A_2329 : vector<16xi32>
      %gather3A_2331 = tpu.vector_load_idx %arg14[%add3A_2330] : memref<60000xf32, #tpu.memory_space<vmem>>[vector<16xi32>], vector<16xf32>,
      %add3A_2332 = arith.constant 0 : i32
      %add3A_2333 = vector.broadcast %add3A_2332 : i32 to vector<16xi32>
      %add3A_2334 = arith.addi %mul3A_2307, %add3A_2333 : vector<16xi32>
      %gather3A_2335 = tpu.vector_load_idx %arg14[%add3A_2334] : memref<60000xf32, #tpu.memory_space<vmem>>[vector<16xi32>], vector<16xf32>,
      %add3A_2336 = arith.constant 1 : i32
      %add3A_2337 = vector.broadcast %add3A_2336 : i32 to vector<16xi32>
      %add3A_2338 = arith.addi %mul3A_2307, %add3A_2337 : vector<16xi32>
      %gather3A_2339 = tpu.vector_load_idx %arg14[%add3A_2338] : memref<60000xf32, #tpu.memory_space<vmem>>[vector<16xi32>], vector<16xf32>,
      %add3A_2340 = arith.constant 2 : i32
      %add3A_2341 = vector.broadcast %add3A_2340 : i32 to vector<16xi32>
      %add3A_2342 = arith.addi %mul3A_2307, %add3A_2341 : vector<16xi32>
      %gather3A_2343 = tpu.vector_load_idx %arg14[%add3A_2342] : memref<60000xf32, #tpu.memory_space<vmem>>[vector<16xi32>], vector<16xf32>,
      %add3A_2344 = arith.constant 3 : i32
      %add3A_2345 = vector.broadcast %add3A_2344 : i32 to vector<16xi32>
      %add3A_2346 = arith.addi %mul3A_2307, %add3A_2345 : vector<16xi32>
      %gather3A_2347 = tpu.vector_load_idx %arg14[%add3A_2346] : memref<60000xf32, #tpu.memory_space<vmem>>[vector<16xi32>], vector<16xf32>,
      %add3A_2348 = arith.constant 4 : i32
      %add3A_2349 = vector.broadcast %add3A_2348 : i32 to vector<16xi32>
      %add3A_2350 = arith.addi %mul3A_2307, %add3A_2349 : vector<16xi32>
      %gather3A_2351 = tpu.vector_load_idx %arg14[%add3A_2350] : memref<60000xf32, #tpu.memory_space<vmem>>[vector<16xi32>], vector<16xf32>,
      %add3A_2352 = arith.constant 5 : i32
      %add3A_2353 = vector.broadcast %add3A_2352 : i32 to vector<16xi32>
      %add3A_2354 = arith.addi %mul3A_2307, %add3A_2353 : vector<16xi32>
      %gather3A_2355 = tpu.vector_load_idx %arg14[%add3A_2354] : memref<60000xf32, #tpu.memory_space<vmem>>[vector<16xi32>], vector<16xf32>,
      %mul3A_2356 = arith.mulf %gather3A_2311, %gather3A_2335 : vector<16xf32>
      %mul3A_2357 = arith.mulf %gather3A_2315, %gather3A_2339 : vector<16xf32>
      %add3A_2358 = arith.addf %mul3A_2356, %mul3A_2357 : vector<16xf32>
      %mul3A_2359 = arith.mulf %gather3A_2319, %gather3A_2343 : vector<16xf32>
      %add3A_2360 = arith.addf %add3A_2358, %mul3A_2359 : vector<16xf32>
      %mul3A_2361 = arith.mulf %gather3A_2323, %gather3A_2347 : vector<16xf32>
      %add3A_2362 = arith.addf %add3A_2360, %mul3A_2361 : vector<16xf32>
      %mul3A_2363 = arith.mulf %gather3A_2311, %gather3A_2311 : vector<16xf32>
      %mul3A_2364 = arith.mulf %gather3A_2315, %gather3A_2315 : vector<16xf32>
      %add3A_2365 = arith.addf %mul3A_2363, %mul3A_2364 : vector<16xf32>
      %mul3A_2366 = arith.mulf %gather3A_2319, %gather3A_2319 : vector<16xf32>
      %add3A_2367 = arith.addf %add3A_2365, %mul3A_2366 : vector<16xf32>
      %mul3A_2368 = arith.mulf %gather3A_2323, %gather3A_2323 : vector<16xf32>
      %add3A_2369 = arith.addf %add3A_2367, %mul3A_2368 : vector<16xf32>
      %mul3A_2370 = arith.mulf %gather3A_2335, %gather3A_2335 : vector<16xf32>
      %mul3A_2371 = arith.mulf %gather3A_2339, %gather3A_2339 : vector<16xf32>
      %add3A_2372 = arith.addf %mul3A_2370, %mul3A_2371 : vector<16xf32>
      %mul3A_2373 = arith.mulf %gather3A_2343, %gather3A_2343 : vector<16xf32>
      %add3A_2374 = arith.addf %add3A_2372, %mul3A_2373 : vector<16xf32>
      %mul3A_2375 = arith.mulf %gather3A_2347, %gather3A_2347 : vector<16xf32>
      %add3A_2376 = arith.addf %add3A_2374, %mul3A_2375 : vector<16xf32>
      %max3A_2377 = arith.constant 1.000000e-16 : f32
      %max3A_2378 = vector.broadcast %max3A_2377 : f32 to vector<16xf32>
      %max3A_2379 = arith.maximumf %add3A_2369, %max3A_2378 : vector<16xf32>
      %bitcast_convert_type3A_2380 = tpu.bitcast %max3A_2379 : vector<16xf32> -> vector<16xi32>
      %shift_right_logical3A_2381 = arith.constant 1 : i32
      %shift_right_logical3A_2382 = vector.broadcast %shift_right_logical3A_2381 : i32 to vector<16xi32>
      %shift_right_logical3A_2383 = arith.shrui %bitcast_convert_type3A_2380, %shift_right_logical3A_2382 : vector<16xi32>
      %sub3A_2384 = arith.constant 1597463007 : i32
      %sub3A_2385 = vector.broadcast %sub3A_2384 : i32 to vector<16xi32>
      %sub3A_2386 = arith.subi %sub3A_2385, %shift_right_logical3A_2383 : vector<16xi32>
      %bitcast_convert_type3A_2387 = tpu.bitcast %sub3A_2386 : vector<16xi32> -> vector<16xf32>
      %mul3A_2388 = arith.constant 5.000000e-01 : f32
      %mul3A_2389 = vector.broadcast %mul3A_2388 : f32 to vector<16xf32>
      %mul3A_2390 = arith.mulf %max3A_2379, %mul3A_2389 : vector<16xf32>
      %mul3A_2391 = arith.mulf %mul3A_2390, %bitcast_convert_type3A_2387 : vector<16xf32>
      %mul3A_2392 = arith.mulf %mul3A_2391, %bitcast_convert_type3A_2387 : vector<16xf32>
      %sub3A_2393 = arith.constant 1.500000e+00 : f32
      %sub3A_2394 = vector.broadcast %sub3A_2393 : f32 to vector<16xf32>
      %sub3A_2395 = arith.subf %sub3A_2394, %mul3A_2392 : vector<16xf32>
      %mul3A_2396 = arith.mulf %bitcast_convert_type3A_2387, %sub3A_2395 : vector<16xf32>
      %mul3A_2397 = arith.mulf %mul3A_2390, %mul3A_2396 : vector<16xf32>
      %mul3A_2398 = arith.mulf %mul3A_2397, %mul3A_2396 : vector<16xf32>
      %sub3A_2399 = arith.constant 1.500000e+00 : f32
      %sub3A_2400 = vector.broadcast %sub3A_2399 : f32 to vector<16xf32>
      %sub3A_2401 = arith.subf %sub3A_2400, %mul3A_2398 : vector<16xf32>
      %mul3A_2402 = arith.mulf %mul3A_2396, %sub3A_2401 : vector<16xf32>
      %mul3A_2403 = arith.mulf %mul3A_2390, %mul3A_2402 : vector<16xf32>
      %mul3A_2404 = arith.mulf %mul3A_2403, %mul3A_2402 : vector<16xf32>
      %sub3A_2405 = arith.constant 1.500000e+00 : f32
      %sub3A_2406 = vector.broadcast %sub3A_2405 : f32 to vector<16xf32>
      %sub3A_2407 = arith.subf %sub3A_2406, %mul3A_2404 : vector<16xf32>
      %mul3A_2408 = arith.mulf %mul3A_2402, %sub3A_2407 : vector<16xf32>
      %mul3A_2409 = arith.mulf %add3A_2362, %mul3A_2408 : vector<16xf32>
      %max3A_2410 = arith.constant 1.000000e-16 : f32
      %max3A_2411 = vector.broadcast %max3A_2410 : f32 to vector<16xf32>
      %max3A_2412 = arith.maximumf %add3A_2376, %max3A_2411 : vector<16xf32>
      %bitcast_convert_type3A_2413 = tpu.bitcast %max3A_2412 : vector<16xf32> -> vector<16xi32>
      %shift_right_logical3A_2414 = arith.constant 1 : i32
      %shift_right_logical3A_2415 = vector.broadcast %shift_right_logical3A_2414 : i32 to vector<16xi32>
      %shift_right_logical3A_2416 = arith.shrui %bitcast_convert_type3A_2413, %shift_right_logical3A_2415 : vector<16xi32>
      %sub3A_2417 = arith.constant 1597463007 : i32
      %sub3A_2418 = vector.broadcast %sub3A_2417 : i32 to vector<16xi32>
      %sub3A_2419 = arith.subi %sub3A_2418, %shift_right_logical3A_2416 : vector<16xi32>
      %bitcast_convert_type3A_2420 = tpu.bitcast %sub3A_2419 : vector<16xi32> -> vector<16xf32>
      %mul3A_2421 = arith.constant 5.000000e-01 : f32
      %mul3A_2422 = vector.broadcast %mul3A_2421 : f32 to vector<16xf32>
      %mul3A_2423 = arith.mulf %max3A_2412, %mul3A_2422 : vector<16xf32>
      %mul3A_2424 = arith.mulf %mul3A_2423, %bitcast_convert_type3A_2420 : vector<16xf32>
      %mul3A_2425 = arith.mulf %mul3A_2424, %bitcast_convert_type3A_2420 : vector<16xf32>
      %sub3A_2426 = arith.constant 1.500000e+00 : f32
      %sub3A_2427 = vector.broadcast %sub3A_2426 : f32 to vector<16xf32>
      %sub3A_2428 = arith.subf %sub3A_2427, %mul3A_2425 : vector<16xf32>
      %mul3A_2429 = arith.mulf %bitcast_convert_type3A_2420, %sub3A_2428 : vector<16xf32>
      %mul3A_2430 = arith.mulf %mul3A_2423, %mul3A_2429 : vector<16xf32>
      %mul3A_2431 = arith.mulf %mul3A_2430, %mul3A_2429 : vector<16xf32>
      %sub3A_2432 = arith.constant 1.500000e+00 : f32
      %sub3A_2433 = vector.broadcast %sub3A_2432 : f32 to vector<16xf32>
      %sub3A_2434 = arith.subf %sub3A_2433, %mul3A_2431 : vector<16xf32>
      %mul3A_2435 = arith.mulf %mul3A_2429, %sub3A_2434 : vector<16xf32>
      %mul3A_2436 = arith.mulf %mul3A_2423, %mul3A_2435 : vector<16xf32>
      %mul3A_2437 = arith.mulf %mul3A_2436, %mul3A_2435 : vector<16xf32>
      %sub3A_2438 = arith.constant 1.500000e+00 : f32
      %sub3A_2439 = vector.broadcast %sub3A_2438 : f32 to vector<16xf32>
      %sub3A_2440 = arith.subf %sub3A_2439, %mul3A_2437 : vector<16xf32>
      %mul3A_2441 = arith.mulf %mul3A_2435, %sub3A_2440 : vector<16xf32>
      %mul3A_2442 = arith.mulf %mul3A_2409, %mul3A_2441 : vector<16xf32>
      %sub3A_2443 = arith.subf %gather3A_2327, %gather3A_2351 : vector<16xf32>
      %sub3A_2444 = arith.subf %gather3A_2331, %gather3A_2355 : vector<16xf32>
      %mul3A_2445 = arith.mulf %sub3A_2443, %sub3A_2443 : vector<16xf32>
      %mul3A_2446 = arith.mulf %sub3A_2444, %sub3A_2444 : vector<16xf32>
      %add3A_2447 = arith.addf %mul3A_2445, %mul3A_2446 : vector<16xf32>
      %add3A_2448 = arith.constant 9.99999996E-13 : f32
      %add3A_2449 = vector.broadcast %add3A_2448 : f32 to vector<16xf32>
      %add3A_2450 = arith.addf %add3A_2447, %add3A_2449 : vector<16xf32>
      %bitcast_convert_type3A_2451 = tpu.bitcast %add3A_2450 : vector<16xf32> -> vector<16xi32>
      %shift_right_logical3A_2452 = arith.constant 1 : i32
      %shift_right_logical3A_2453 = vector.broadcast %shift_right_logical3A_2452 : i32 to vector<16xi32>
      %shift_right_logical3A_2454 = arith.shrui %bitcast_convert_type3A_2451, %shift_right_logical3A_2453 : vector<16xi32>
      %sub3A_2455 = arith.constant 1597463007 : i32
      %sub3A_2456 = vector.broadcast %sub3A_2455 : i32 to vector<16xi32>
      %sub3A_2457 = arith.subi %sub3A_2456, %shift_right_logical3A_2454 : vector<16xi32>
      %bitcast_convert_type3A_2458 = tpu.bitcast %sub3A_2457 : vector<16xi32> -> vector<16xf32>
      %mul3A_2459 = arith.constant 5.000000e-01 : f32
      %mul3A_2460 = vector.broadcast %mul3A_2459 : f32 to vector<16xf32>
      %mul3A_2461 = arith.mulf %add3A_2450, %mul3A_2460 : vector<16xf32>
      %mul3A_2462 = arith.mulf %mul3A_2461, %bitcast_convert_type3A_2458 : vector<16xf32>
      %mul3A_2463 = arith.mulf %mul3A_2462, %bitcast_convert_type3A_2458 : vector<16xf32>
      %sub3A_2464 = arith.constant 1.500000e+00 : f32
      %sub3A_2465 = vector.broadcast %sub3A_2464 : f32 to vector<16xf32>
      %sub3A_2466 = arith.subf %sub3A_2465, %mul3A_2463 : vector<16xf32>
      %mul3A_2467 = arith.mulf %bitcast_convert_type3A_2458, %sub3A_2466 : vector<16xf32>
      %mul3A_2468 = arith.mulf %mul3A_2461, %mul3A_2467 : vector<16xf32>
      %mul3A_2469 = arith.mulf %mul3A_2468, %mul3A_2467 : vector<16xf32>
      %sub3A_2470 = arith.constant 1.500000e+00 : f32
      %sub3A_2471 = vector.broadcast %sub3A_2470 : f32 to vector<16xf32>
      %sub3A_2472 = arith.subf %sub3A_2471, %mul3A_2469 : vector<16xf32>
      %mul3A_2473 = arith.mulf %mul3A_2467, %sub3A_2472 : vector<16xf32>
      %mul3A_2474 = arith.mulf %mul3A_2461, %mul3A_2473 : vector<16xf32>
      %mul3A_2475 = arith.mulf %mul3A_2474, %mul3A_2473 : vector<16xf32>
      %sub3A_2476 = arith.constant 1.500000e+00 : f32
      %sub3A_2477 = vector.broadcast %sub3A_2476 : f32 to vector<16xf32>
      %sub3A_2478 = arith.subf %sub3A_2477, %mul3A_2475 : vector<16xf32>
      %mul3A_2479 = arith.mulf %mul3A_2473, %sub3A_2478 : vector<16xf32>
      %get3A_2480 = arith.constant 0 : index
      %get3A_2481 = tpu.vector_load %arg12[%get3A_2480] {strides = array<i32>} : memref<80xf32, #tpu.memory_space<vmem>>, vector<16xf32>,
      %abs3A_2482 = math.absf %get3A_2481 : vector<16xf32>
      %abs3A_2483 = math.absf %sub3A_2443 : vector<16xf32>
      %abs3A_2484 = math.absf %sub3A_2444 : vector<16xf32>
      %mul3A_2485 = arith.mulf %sub3A_2443, %mul3A_2479 : vector<16xf32>
      %mul3A_2486 = arith.mulf %sub3A_2444, %mul3A_2479 : vector<16xf32>
      %iota3A_2487 = tpu.iota {dimensions = array<i32: 0>} : vector<16xi32>
      %add3A_2488 = arith.constant 0 : i32
      %add3A_2489 = vector.broadcast %add3A_2488 : i32 to vector<16xi32>
      %add3A_2490 = arith.addi %iota3A_2487, %add3A_2489 : vector<16xi32>
      %broadcast_in_dim3A_2491 = arith.constant 256 : i32
      %broadcast_in_dim3A_2492 = vector.broadcast %broadcast_in_dim3A_2491 : i32 to vector<16xi32>
      tpu.vector_store_idx %arg15[%add3A_2490, %broadcast_in_dim3A_2492], %abs3A_2482 : memref<80x264xf32, #tpu.memory_space<vmem>>[vector<16xi32>, vector<16xi32>], vector<16xf32>,
      %broadcast_in_dim3A_2493 = arith.constant 257 : i32
      %broadcast_in_dim3A_2494 = vector.broadcast %broadcast_in_dim3A_2493 : i32 to vector<16xi32>
      tpu.vector_store_idx %arg15[%add3A_2490, %broadcast_in_dim3A_2494], %mul3A_2442 : memref<80x264xf32, #tpu.memory_space<vmem>>[vector<16xi32>, vector<16xi32>], vector<16xf32>,
      %broadcast_in_dim3A_2495 = arith.constant 258 : i32
      %broadcast_in_dim3A_2496 = vector.broadcast %broadcast_in_dim3A_2495 : i32 to vector<16xi32>
      tpu.vector_store_idx %arg15[%add3A_2490, %broadcast_in_dim3A_2496], %sub3A_2443 : memref<80x264xf32, #tpu.memory_space<vmem>>[vector<16xi32>, vector<16xi32>], vector<16xf32>,
      %broadcast_in_dim3A_2497 = arith.constant 259 : i32
      %broadcast_in_dim3A_2498 = vector.broadcast %broadcast_in_dim3A_2497 : i32 to vector<16xi32>
      tpu.vector_store_idx %arg15[%add3A_2490, %broadcast_in_dim3A_2498], %sub3A_2444 : memref<80x264xf32, #tpu.memory_space<vmem>>[vector<16xi32>, vector<16xi32>], vector<16xf32>,
      %broadcast_in_dim3A_2499 = arith.constant 260 : i32
      %broadcast_in_dim3A_2500 = vector.broadcast %broadcast_in_dim3A_2499 : i32 to vector<16xi32>
      tpu.vector_store_idx %arg15[%add3A_2490, %broadcast_in_dim3A_2500], %abs3A_2483 : memref<80x264xf32, #tpu.memory_space<vmem>>[vector<16xi32>, vector<16xi32>], vector<16xf32>,
      %broadcast_in_dim3A_2501 = arith.constant 261 : i32
      %broadcast_in_dim3A_2502 = vector.broadcast %broadcast_in_dim3A_2501 : i32 to vector<16xi32>
      tpu.vector_store_idx %arg15[%add3A_2490, %broadcast_in_dim3A_2502], %abs3A_2484 : memref<80x264xf32, #tpu.memory_space<vmem>>[vector<16xi32>, vector<16xi32>], vector<16xf32>,
      %broadcast_in_dim3A_2503 = arith.constant 262 : i32
      %broadcast_in_dim3A_2504 = vector.broadcast %broadcast_in_dim3A_2503 : i32 to vector<16xi32>
      tpu.vector_store_idx %arg15[%add3A_2490, %broadcast_in_dim3A_2504], %mul3A_2485 : memref<80x264xf32, #tpu.memory_space<vmem>>[vector<16xi32>, vector<16xi32>], vector<16xf32>,
      %broadcast_in_dim3A_2505 = arith.constant 263 : i32
      %broadcast_in_dim3A_2506 = vector.broadcast %broadcast_in_dim3A_2505 : i32 to vector<16xi32>
      tpu.vector_store_idx %arg15[%add3A_2490, %broadcast_in_dim3A_2506], %mul3A_2486 : memref<80x264xf32, #tpu.memory_space<vmem>>[vector<16xi32>, vector<16xi32>], vector<16xf32>,
      %get3A_2507 = arith.constant 16 : index
      %get3A_2508 = tpu.vector_load %arg8[%get3A_2507] {strides = array<i32>} : memref<80xi32, #tpu.memory_space<vmem>>, vector<16xi32>,
      %mul3A_2509 = arith.constant 6 : i32
      %mul3A_2510 = vector.broadcast %mul3A_2509 : i32 to vector<16xi32>
      %mul3A_2511 = arith.muli %get3A_2508, %mul3A_2510 : vector<16xi32>
      %get3A_2512 = arith.constant 16 : index
      %get3A_2513 = tpu.vector_load %arg10[%get3A_2512] {strides = array<i32>} : memref<80xi32, #tpu.memory_space<vmem>>, vector<16xi32>,
      %mul3A_2514 = arith.constant 6 : i32
      %mul3A_2515 = vector.broadcast %mul3A_2514 : i32 to vector<16xi32>
      %mul3A_2516 = arith.muli %get3A_2513, %mul3A_2515 : vector<16xi32>
      %add3A_2517 = arith.constant 0 : i32
      %add3A_2518 = vector.broadcast %add3A_2517 : i32 to vector<16xi32>
      %add3A_2519 = arith.addi %mul3A_2511, %add3A_2518 : vector<16xi32>
      %gather3A_2520 = tpu.vector_load_idx %arg14[%add3A_2519] : memref<60000xf32, #tpu.memory_space<vmem>>[vector<16xi32>], vector<16xf32>,
      %add3A_2521 = arith.constant 1 : i32
      %add3A_2522 = vector.broadcast %add3A_2521 : i32 to vector<16xi32>
      %add3A_2523 = arith.addi %mul3A_2511, %add3A_2522 : vector<16xi32>
      %gather3A_2524 = tpu.vector_load_idx %arg14[%add3A_2523] : memref<60000xf32, #tpu.memory_space<vmem>>[vector<16xi32>], vector<16xf32>,
      %add3A_2525 = arith.constant 2 : i32
      %add3A_2526 = vector.broadcast %add3A_2525 : i32 to vector<16xi32>
      %add3A_2527 = arith.addi %mul3A_2511, %add3A_2526 : vector<16xi32>
      %gather3A_2528 = tpu.vector_load_idx %arg14[%add3A_2527] : memref<60000xf32, #tpu.memory_space<vmem>>[vector<16xi32>], vector<16xf32>,
      %add3A_2529 = arith.constant 3 : i32
      %add3A_2530 = vector.broadcast %add3A_2529 : i32 to vector<16xi32>
      %add3A_2531 = arith.addi %mul3A_2511, %add3A_2530 : vector<16xi32>
      %gather3A_2532 = tpu.vector_load_idx %arg14[%add3A_2531] : memref<60000xf32, #tpu.memory_space<vmem>>[vector<16xi32>], vector<16xf32>,
      %add3A_2533 = arith.constant 4 : i32
      %add3A_2534 = vector.broadcast %add3A_2533 : i32 to vector<16xi32>
      %add3A_2535 = arith.addi %mul3A_2511, %add3A_2534 : vector<16xi32>
      %gather3A_2536 = tpu.vector_load_idx %arg14[%add3A_2535] : memref<60000xf32, #tpu.memory_space<vmem>>[vector<16xi32>], vector<16xf32>,
      %add3A_2537 = arith.constant 5 : i32
      %add3A_2538 = vector.broadcast %add3A_2537 : i32 to vector<16xi32>
      %add3A_2539 = arith.addi %mul3A_2511, %add3A_2538 : vector<16xi32>
      %gather3A_2540 = tpu.vector_load_idx %arg14[%add3A_2539] : memref<60000xf32, #tpu.memory_space<vmem>>[vector<16xi32>], vector<16xf32>,
      %add3A_2541 = arith.constant 0 : i32
      %add3A_2542 = vector.broadcast %add3A_2541 : i32 to vector<16xi32>
      %add3A_2543 = arith.addi %mul3A_2516, %add3A_2542 : vector<16xi32>
      %gather3A_2544 = tpu.vector_load_idx %arg14[%add3A_2543] : memref<60000xf32, #tpu.memory_space<vmem>>[vector<16xi32>], vector<16xf32>,
      %add3A_2545 = arith.constant 1 : i32
      %add3A_2546 = vector.broadcast %add3A_2545 : i32 to vector<16xi32>
      %add3A_2547 = arith.addi %mul3A_2516, %add3A_2546 : vector<16xi32>
      %gather3A_2548 = tpu.vector_load_idx %arg14[%add3A_2547] : memref<60000xf32, #tpu.memory_space<vmem>>[vector<16xi32>], vector<16xf32>,
      %add3A_2549 = arith.constant 2 : i32
      %add3A_2550 = vector.broadcast %add3A_2549 : i32 to vector<16xi32>
      %add3A_2551 = arith.addi %mul3A_2516, %add3A_2550 : vector<16xi32>
      %gather3A_2552 = tpu.vector_load_idx %arg14[%add3A_2551] : memref<60000xf32, #tpu.memory_space<vmem>>[vector<16xi32>], vector<16xf32>,
      %add3A_2553 = arith.constant 3 : i32
      %add3A_2554 = vector.broadcast %add3A_2553 : i32 to vector<16xi32>
      %add3A_2555 = arith.addi %mul3A_2516, %add3A_2554 : vector<16xi32>
      %gather3A_2556 = tpu.vector_load_idx %arg14[%add3A_2555] : memref<60000xf32, #tpu.memory_space<vmem>>[vector<16xi32>], vector<16xf32>,
      %add3A_2557 = arith.constant 4 : i32
      %add3A_2558 = vector.broadcast %add3A_2557 : i32 to vector<16xi32>
      %add3A_2559 = arith.addi %mul3A_2516, %add3A_2558 : vector<16xi32>
      %gather3A_2560 = tpu.vector_load_idx %arg14[%add3A_2559] : memref<60000xf32, #tpu.memory_space<vmem>>[vector<16xi32>], vector<16xf32>,
      %add3A_2561 = arith.constant 5 : i32
      %add3A_2562 = vector.broadcast %add3A_2561 : i32 to vector<16xi32>
      %add3A_2563 = arith.addi %mul3A_2516, %add3A_2562 : vector<16xi32>
      %gather3A_2564 = tpu.vector_load_idx %arg14[%add3A_2563] : memref<60000xf32, #tpu.memory_space<vmem>>[vector<16xi32>], vector<16xf32>,
      %mul3A_2565 = arith.mulf %gather3A_2520, %gather3A_2544 : vector<16xf32>
      %mul3A_2566 = arith.mulf %gather3A_2524, %gather3A_2548 : vector<16xf32>
      %add3A_2567 = arith.addf %mul3A_2565, %mul3A_2566 : vector<16xf32>
      %mul3A_2568 = arith.mulf %gather3A_2528, %gather3A_2552 : vector<16xf32>
      %add3A_2569 = arith.addf %add3A_2567, %mul3A_2568 : vector<16xf32>
      %mul3A_2570 = arith.mulf %gather3A_2532, %gather3A_2556 : vector<16xf32>
      %add3A_2571 = arith.addf %add3A_2569, %mul3A_2570 : vector<16xf32>
      %mul3A_2572 = arith.mulf %gather3A_2520, %gather3A_2520 : vector<16xf32>
      %mul3A_2573 = arith.mulf %gather3A_2524, %gather3A_2524 : vector<16xf32>
      %add3A_2574 = arith.addf %mul3A_2572, %mul3A_2573 : vector<16xf32>
      %mul3A_2575 = arith.mulf %gather3A_2528, %gather3A_2528 : vector<16xf32>
      %add3A_2576 = arith.addf %add3A_2574, %mul3A_2575 : vector<16xf32>
      %mul3A_2577 = arith.mulf %gather3A_2532, %gather3A_2532 : vector<16xf32>
      %add3A_2578 = arith.addf %add3A_2576, %mul3A_2577 : vector<16xf32>
      %mul3A_2579 = arith.mulf %gather3A_2544, %gather3A_2544 : vector<16xf32>
      %mul3A_2580 = arith.mulf %gather3A_2548, %gather3A_2548 : vector<16xf32>
      %add3A_2581 = arith.addf %mul3A_2579, %mul3A_2580 : vector<16xf32>
      %mul3A_2582 = arith.mulf %gather3A_2552, %gather3A_2552 : vector<16xf32>
      %add3A_2583 = arith.addf %add3A_2581, %mul3A_2582 : vector<16xf32>
      %mul3A_2584 = arith.mulf %gather3A_2556, %gather3A_2556 : vector<16xf32>
      %add3A_2585 = arith.addf %add3A_2583, %mul3A_2584 : vector<16xf32>
      %max3A_2586 = arith.constant 1.000000e-16 : f32
      %max3A_2587 = vector.broadcast %max3A_2586 : f32 to vector<16xf32>
      %max3A_2588 = arith.maximumf %add3A_2578, %max3A_2587 : vector<16xf32>
      %bitcast_convert_type3A_2589 = tpu.bitcast %max3A_2588 : vector<16xf32> -> vector<16xi32>
      %shift_right_logical3A_2590 = arith.constant 1 : i32
      %shift_right_logical3A_2591 = vector.broadcast %shift_right_logical3A_2590 : i32 to vector<16xi32>
      %shift_right_logical3A_2592 = arith.shrui %bitcast_convert_type3A_2589, %shift_right_logical3A_2591 : vector<16xi32>
      %sub3A_2593 = arith.constant 1597463007 : i32
      %sub3A_2594 = vector.broadcast %sub3A_2593 : i32 to vector<16xi32>
      %sub3A_2595 = arith.subi %sub3A_2594, %shift_right_logical3A_2592 : vector<16xi32>
      %bitcast_convert_type3A_2596 = tpu.bitcast %sub3A_2595 : vector<16xi32> -> vector<16xf32>
      %mul3A_2597 = arith.constant 5.000000e-01 : f32
      %mul3A_2598 = vector.broadcast %mul3A_2597 : f32 to vector<16xf32>
      %mul3A_2599 = arith.mulf %max3A_2588, %mul3A_2598 : vector<16xf32>
      %mul3A_2600 = arith.mulf %mul3A_2599, %bitcast_convert_type3A_2596 : vector<16xf32>
      %mul3A_2601 = arith.mulf %mul3A_2600, %bitcast_convert_type3A_2596 : vector<16xf32>
      %sub3A_2602 = arith.constant 1.500000e+00 : f32
      %sub3A_2603 = vector.broadcast %sub3A_2602 : f32 to vector<16xf32>
      %sub3A_2604 = arith.subf %sub3A_2603, %mul3A_2601 : vector<16xf32>
      %mul3A_2605 = arith.mulf %bitcast_convert_type3A_2596, %sub3A_2604 : vector<16xf32>
      %mul3A_2606 = arith.mulf %mul3A_2599, %mul3A_2605 : vector<16xf32>
      %mul3A_2607 = arith.mulf %mul3A_2606, %mul3A_2605 : vector<16xf32>
      %sub3A_2608 = arith.constant 1.500000e+00 : f32
      %sub3A_2609 = vector.broadcast %sub3A_2608 : f32 to vector<16xf32>
      %sub3A_2610 = arith.subf %sub3A_2609, %mul3A_2607 : vector<16xf32>
      %mul3A_2611 = arith.mulf %mul3A_2605, %sub3A_2610 : vector<16xf32>
      %mul3A_2612 = arith.mulf %mul3A_2599, %mul3A_2611 : vector<16xf32>
      %mul3A_2613 = arith.mulf %mul3A_2612, %mul3A_2611 : vector<16xf32>
      %sub3A_2614 = arith.constant 1.500000e+00 : f32
      %sub3A_2615 = vector.broadcast %sub3A_2614 : f32 to vector<16xf32>
      %sub3A_2616 = arith.subf %sub3A_2615, %mul3A_2613 : vector<16xf32>
      %mul3A_2617 = arith.mulf %mul3A_2611, %sub3A_2616 : vector<16xf32>
      %mul3A_2618 = arith.mulf %add3A_2571, %mul3A_2617 : vector<16xf32>
      %max3A_2619 = arith.constant 1.000000e-16 : f32
      %max3A_2620 = vector.broadcast %max3A_2619 : f32 to vector<16xf32>
      %max3A_2621 = arith.maximumf %add3A_2585, %max3A_2620 : vector<16xf32>
      %bitcast_convert_type3A_2622 = tpu.bitcast %max3A_2621 : vector<16xf32> -> vector<16xi32>
      %shift_right_logical3A_2623 = arith.constant 1 : i32
      %shift_right_logical3A_2624 = vector.broadcast %shift_right_logical3A_2623 : i32 to vector<16xi32>
      %shift_right_logical3A_2625 = arith.shrui %bitcast_convert_type3A_2622, %shift_right_logical3A_2624 : vector<16xi32>
      %sub3A_2626 = arith.constant 1597463007 : i32
      %sub3A_2627 = vector.broadcast %sub3A_2626 : i32 to vector<16xi32>
      %sub3A_2628 = arith.subi %sub3A_2627, %shift_right_logical3A_2625 : vector<16xi32>
      %bitcast_convert_type3A_2629 = tpu.bitcast %sub3A_2628 : vector<16xi32> -> vector<16xf32>
      %mul3A_2630 = arith.constant 5.000000e-01 : f32
      %mul3A_2631 = vector.broadcast %mul3A_2630 : f32 to vector<16xf32>
      %mul3A_2632 = arith.mulf %max3A_2621, %mul3A_2631 : vector<16xf32>
      %mul3A_2633 = arith.mulf %mul3A_2632, %bitcast_convert_type3A_2629 : vector<16xf32>
      %mul3A_2634 = arith.mulf %mul3A_2633, %bitcast_convert_type3A_2629 : vector<16xf32>
      %sub3A_2635 = arith.constant 1.500000e+00 : f32
      %sub3A_2636 = vector.broadcast %sub3A_2635 : f32 to vector<16xf32>
      %sub3A_2637 = arith.subf %sub3A_2636, %mul3A_2634 : vector<16xf32>
      %mul3A_2638 = arith.mulf %bitcast_convert_type3A_2629, %sub3A_2637 : vector<16xf32>
      %mul3A_2639 = arith.mulf %mul3A_2632, %mul3A_2638 : vector<16xf32>
      %mul3A_2640 = arith.mulf %mul3A_2639, %mul3A_2638 : vector<16xf32>
      %sub3A_2641 = arith.constant 1.500000e+00 : f32
      %sub3A_2642 = vector.broadcast %sub3A_2641 : f32 to vector<16xf32>
      %sub3A_2643 = arith.subf %sub3A_2642, %mul3A_2640 : vector<16xf32>
      %mul3A_2644 = arith.mulf %mul3A_2638, %sub3A_2643 : vector<16xf32>
      %mul3A_2645 = arith.mulf %mul3A_2632, %mul3A_2644 : vector<16xf32>
      %mul3A_2646 = arith.mulf %mul3A_2645, %mul3A_2644 : vector<16xf32>
      %sub3A_2647 = arith.constant 1.500000e+00 : f32
      %sub3A_2648 = vector.broadcast %sub3A_2647 : f32 to vector<16xf32>
      %sub3A_2649 = arith.subf %sub3A_2648, %mul3A_2646 : vector<16xf32>
      %mul3A_2650 = arith.mulf %mul3A_2644, %sub3A_2649 : vector<16xf32>
      %mul3A_2651 = arith.mulf %mul3A_2618, %mul3A_2650 : vector<16xf32>
      %sub3A_2652 = arith.subf %gather3A_2536, %gather3A_2560 : vector<16xf32>
      %sub3A_2653 = arith.subf %gather3A_2540, %gather3A_2564 : vector<16xf32>
      %mul3A_2654 = arith.mulf %sub3A_2652, %sub3A_2652 : vector<16xf32>
      %mul3A_2655 = arith.mulf %sub3A_2653, %sub3A_2653 : vector<16xf32>
      %add3A_2656 = arith.addf %mul3A_2654, %mul3A_2655 : vector<16xf32>
      %add3A_2657 = arith.constant 9.99999996E-13 : f32
      %add3A_2658 = vector.broadcast %add3A_2657 : f32 to vector<16xf32>
      %add3A_2659 = arith.addf %add3A_2656, %add3A_2658 : vector<16xf32>
      %bitcast_convert_type3A_2660 = tpu.bitcast %add3A_2659 : vector<16xf32> -> vector<16xi32>
      %shift_right_logical3A_2661 = arith.constant 1 : i32
      %shift_right_logical3A_2662 = vector.broadcast %shift_right_logical3A_2661 : i32 to vector<16xi32>
      %shift_right_logical3A_2663 = arith.shrui %bitcast_convert_type3A_2660, %shift_right_logical3A_2662 : vector<16xi32>
      %sub3A_2664 = arith.constant 1597463007 : i32
      %sub3A_2665 = vector.broadcast %sub3A_2664 : i32 to vector<16xi32>
      %sub3A_2666 = arith.subi %sub3A_2665, %shift_right_logical3A_2663 : vector<16xi32>
      %bitcast_convert_type3A_2667 = tpu.bitcast %sub3A_2666 : vector<16xi32> -> vector<16xf32>
      %mul3A_2668 = arith.constant 5.000000e-01 : f32
      %mul3A_2669 = vector.broadcast %mul3A_2668 : f32 to vector<16xf32>
      %mul3A_2670 = arith.mulf %add3A_2659, %mul3A_2669 : vector<16xf32>
      %mul3A_2671 = arith.mulf %mul3A_2670, %bitcast_convert_type3A_2667 : vector<16xf32>
      %mul3A_2672 = arith.mulf %mul3A_2671, %bitcast_convert_type3A_2667 : vector<16xf32>
      %sub3A_2673 = arith.constant 1.500000e+00 : f32
      %sub3A_2674 = vector.broadcast %sub3A_2673 : f32 to vector<16xf32>
      %sub3A_2675 = arith.subf %sub3A_2674, %mul3A_2672 : vector<16xf32>
      %mul3A_2676 = arith.mulf %bitcast_convert_type3A_2667, %sub3A_2675 : vector<16xf32>
      %mul3A_2677 = arith.mulf %mul3A_2670, %mul3A_2676 : vector<16xf32>
      %mul3A_2678 = arith.mulf %mul3A_2677, %mul3A_2676 : vector<16xf32>
      %sub3A_2679 = arith.constant 1.500000e+00 : f32
      %sub3A_2680 = vector.broadcast %sub3A_2679 : f32 to vector<16xf32>
      %sub3A_2681 = arith.subf %sub3A_2680, %mul3A_2678 : vector<16xf32>
      %mul3A_2682 = arith.mulf %mul3A_2676, %sub3A_2681 : vector<16xf32>
      %mul3A_2683 = arith.mulf %mul3A_2670, %mul3A_2682 : vector<16xf32>
      %mul3A_2684 = arith.mulf %mul3A_2683, %mul3A_2682 : vector<16xf32>
      %sub3A_2685 = arith.constant 1.500000e+00 : f32
      %sub3A_2686 = vector.broadcast %sub3A_2685 : f32 to vector<16xf32>
      %sub3A_2687 = arith.subf %sub3A_2686, %mul3A_2684 : vector<16xf32>
      %mul3A_2688 = arith.mulf %mul3A_2682, %sub3A_2687 : vector<16xf32>
      %get3A_2689 = arith.constant 16 : index
      %get3A_2690 = tpu.vector_load %arg12[%get3A_2689] {strides = array<i32>} : memref<80xf32, #tpu.memory_space<vmem>>, vector<16xf32>,
      %abs3A_2691 = math.absf %get3A_2690 : vector<16xf32>
      %abs3A_2692 = math.absf %sub3A_2652 : vector<16xf32>
      %abs3A_2693 = math.absf %sub3A_2653 : vector<16xf32>
      %mul3A_2694 = arith.mulf %sub3A_2652, %mul3A_2688 : vector<16xf32>
      %mul3A_2695 = arith.mulf %sub3A_2653, %mul3A_2688 : vector<16xf32>
      %iota3A_2696 = tpu.iota {dimensions = array<i32: 0>} : vector<16xi32>
      %add3A_2697 = arith.constant 16 : i32
      %add3A_2698 = vector.broadcast %add3A_2697 : i32 to vector<16xi32>
      %add3A_2699 = arith.addi %iota3A_2696, %add3A_2698 : vector<16xi32>
      %broadcast_in_dim3A_2700 = arith.constant 256 : i32
      %broadcast_in_dim3A_2701 = vector.broadcast %broadcast_in_dim3A_2700 : i32 to vector<16xi32>
      tpu.vector_store_idx %arg15[%add3A_2699, %broadcast_in_dim3A_2701], %abs3A_2691 : memref<80x264xf32, #tpu.memory_space<vmem>>[vector<16xi32>, vector<16xi32>], vector<16xf32>,
      %broadcast_in_dim3A_2702 = arith.constant 257 : i32
      %broadcast_in_dim3A_2703 = vector.broadcast %broadcast_in_dim3A_2702 : i32 to vector<16xi32>
      tpu.vector_store_idx %arg15[%add3A_2699, %broadcast_in_dim3A_2703], %mul3A_2651 : memref<80x264xf32, #tpu.memory_space<vmem>>[vector<16xi32>, vector<16xi32>], vector<16xf32>,
      %broadcast_in_dim3A_2704 = arith.constant 258 : i32
      %broadcast_in_dim3A_2705 = vector.broadcast %broadcast_in_dim3A_2704 : i32 to vector<16xi32>
      tpu.vector_store_idx %arg15[%add3A_2699, %broadcast_in_dim3A_2705], %sub3A_2652 : memref<80x264xf32, #tpu.memory_space<vmem>>[vector<16xi32>, vector<16xi32>], vector<16xf32>,
      %broadcast_in_dim3A_2706 = arith.constant 259 : i32
      %broadcast_in_dim3A_2707 = vector.broadcast %broadcast_in_dim3A_2706 : i32 to vector<16xi32>
      tpu.vector_store_idx %arg15[%add3A_2699, %broadcast_in_dim3A_2707], %sub3A_2653 : memref<80x264xf32, #tpu.memory_space<vmem>>[vector<16xi32>, vector<16xi32>], vector<16xf32>,
      %broadcast_in_dim3A_2708 = arith.constant 260 : i32
      %broadcast_in_dim3A_2709 = vector.broadcast %broadcast_in_dim3A_2708 : i32 to vector<16xi32>
      tpu.vector_store_idx %arg15[%add3A_2699, %broadcast_in_dim3A_2709], %abs3A_2692 : memref<80x264xf32, #tpu.memory_space<vmem>>[vector<16xi32>, vector<16xi32>], vector<16xf32>,
      %broadcast_in_dim3A_2710 = arith.constant 261 : i32
      %broadcast_in_dim3A_2711 = vector.broadcast %broadcast_in_dim3A_2710 : i32 to vector<16xi32>
      tpu.vector_store_idx %arg15[%add3A_2699, %broadcast_in_dim3A_2711], %abs3A_2693 : memref<80x264xf32, #tpu.memory_space<vmem>>[vector<16xi32>, vector<16xi32>], vector<16xf32>,
      %broadcast_in_dim3A_2712 = arith.constant 262 : i32
      %broadcast_in_dim3A_2713 = vector.broadcast %broadcast_in_dim3A_2712 : i32 to vector<16xi32>
      tpu.vector_store_idx %arg15[%add3A_2699, %broadcast_in_dim3A_2713], %mul3A_2694 : memref<80x264xf32, #tpu.memory_space<vmem>>[vector<16xi32>, vector<16xi32>], vector<16xf32>,
      %broadcast_in_dim3A_2714 = arith.constant 263 : i32
      %broadcast_in_dim3A_2715 = vector.broadcast %broadcast_in_dim3A_2714 : i32 to vector<16xi32>
      tpu.vector_store_idx %arg15[%add3A_2699, %broadcast_in_dim3A_2715], %mul3A_2695 : memref<80x264xf32, #tpu.memory_space<vmem>>[vector<16xi32>, vector<16xi32>], vector<16xf32>,
      %get3A_2716 = arith.constant 32 : index
      %get3A_2717 = tpu.vector_load %arg8[%get3A_2716] {strides = array<i32>} : memref<80xi32, #tpu.memory_space<vmem>>, vector<16xi32>,
      %mul3A_2718 = arith.constant 6 : i32
      %mul3A_2719 = vector.broadcast %mul3A_2718 : i32 to vector<16xi32>
      %mul3A_2720 = arith.muli %get3A_2717, %mul3A_2719 : vector<16xi32>
      %get3A_2721 = arith.constant 32 : index
      %get3A_2722 = tpu.vector_load %arg10[%get3A_2721] {strides = array<i32>} : memref<80xi32, #tpu.memory_space<vmem>>, vector<16xi32>,
      %mul3A_2723 = arith.constant 6 : i32
      %mul3A_2724 = vector.broadcast %mul3A_2723 : i32 to vector<16xi32>
      %mul3A_2725 = arith.muli %get3A_2722, %mul3A_2724 : vector<16xi32>
      %add3A_2726 = arith.constant 0 : i32
      %add3A_2727 = vector.broadcast %add3A_2726 : i32 to vector<16xi32>
      %add3A_2728 = arith.addi %mul3A_2720, %add3A_2727 : vector<16xi32>
      %gather3A_2729 = tpu.vector_load_idx %arg14[%add3A_2728] : memref<60000xf32, #tpu.memory_space<vmem>>[vector<16xi32>], vector<16xf32>,
      %add3A_2730 = arith.constant 1 : i32
      %add3A_2731 = vector.broadcast %add3A_2730 : i32 to vector<16xi32>
      %add3A_2732 = arith.addi %mul3A_2720, %add3A_2731 : vector<16xi32>
      %gather3A_2733 = tpu.vector_load_idx %arg14[%add3A_2732] : memref<60000xf32, #tpu.memory_space<vmem>>[vector<16xi32>], vector<16xf32>,
      %add3A_2734 = arith.constant 2 : i32
      %add3A_2735 = vector.broadcast %add3A_2734 : i32 to vector<16xi32>
      %add3A_2736 = arith.addi %mul3A_2720, %add3A_2735 : vector<16xi32>
      %gather3A_2737 = tpu.vector_load_idx %arg14[%add3A_2736] : memref<60000xf32, #tpu.memory_space<vmem>>[vector<16xi32>], vector<16xf32>,
      %add3A_2738 = arith.constant 3 : i32
      %add3A_2739 = vector.broadcast %add3A_2738 : i32 to vector<16xi32>
      %add3A_2740 = arith.addi %mul3A_2720, %add3A_2739 : vector<16xi32>
      %gather3A_2741 = tpu.vector_load_idx %arg14[%add3A_2740] : memref<60000xf32, #tpu.memory_space<vmem>>[vector<16xi32>], vector<16xf32>,
      %add3A_2742 = arith.constant 4 : i32
      %add3A_2743 = vector.broadcast %add3A_2742 : i32 to vector<16xi32>
      %add3A_2744 = arith.addi %mul3A_2720, %add3A_2743 : vector<16xi32>
      %gather3A_2745 = tpu.vector_load_idx %arg14[%add3A_2744] : memref<60000xf32, #tpu.memory_space<vmem>>[vector<16xi32>], vector<16xf32>,
      %add3A_2746 = arith.constant 5 : i32
      %add3A_2747 = vector.broadcast %add3A_2746 : i32 to vector<16xi32>
      %add3A_2748 = arith.addi %mul3A_2720, %add3A_2747 : vector<16xi32>
      %gather3A_2749 = tpu.vector_load_idx %arg14[%add3A_2748] : memref<60000xf32, #tpu.memory_space<vmem>>[vector<16xi32>], vector<16xf32>,
      %add3A_2750 = arith.constant 0 : i32
      %add3A_2751 = vector.broadcast %add3A_2750 : i32 to vector<16xi32>
      %add3A_2752 = arith.addi %mul3A_2725, %add3A_2751 : vector<16xi32>
      %gather3A_2753 = tpu.vector_load_idx %arg14[%add3A_2752] : memref<60000xf32, #tpu.memory_space<vmem>>[vector<16xi32>], vector<16xf32>,
      %add3A_2754 = arith.constant 1 : i32
      %add3A_2755 = vector.broadcast %add3A_2754 : i32 to vector<16xi32>
      %add3A_2756 = arith.addi %mul3A_2725, %add3A_2755 : vector<16xi32>
      %gather3A_2757 = tpu.vector_load_idx %arg14[%add3A_2756] : memref<60000xf32, #tpu.memory_space<vmem>>[vector<16xi32>], vector<16xf32>,
      %add3A_2758 = arith.constant 2 : i32
      %add3A_2759 = vector.broadcast %add3A_2758 : i32 to vector<16xi32>
      %add3A_2760 = arith.addi %mul3A_2725, %add3A_2759 : vector<16xi32>
      %gather3A_2761 = tpu.vector_load_idx %arg14[%add3A_2760] : memref<60000xf32, #tpu.memory_space<vmem>>[vector<16xi32>], vector<16xf32>,
      %add3A_2762 = arith.constant 3 : i32
      %add3A_2763 = vector.broadcast %add3A_2762 : i32 to vector<16xi32>
      %add3A_2764 = arith.addi %mul3A_2725, %add3A_2763 : vector<16xi32>
      %gather3A_2765 = tpu.vector_load_idx %arg14[%add3A_2764] : memref<60000xf32, #tpu.memory_space<vmem>>[vector<16xi32>], vector<16xf32>,
      %add3A_2766 = arith.constant 4 : i32
      %add3A_2767 = vector.broadcast %add3A_2766 : i32 to vector<16xi32>
      %add3A_2768 = arith.addi %mul3A_2725, %add3A_2767 : vector<16xi32>
      %gather3A_2769 = tpu.vector_load_idx %arg14[%add3A_2768] : memref<60000xf32, #tpu.memory_space<vmem>>[vector<16xi32>], vector<16xf32>,
      %add3A_2770 = arith.constant 5 : i32
      %add3A_2771 = vector.broadcast %add3A_2770 : i32 to vector<16xi32>
      %add3A_2772 = arith.addi %mul3A_2725, %add3A_2771 : vector<16xi32>
      %gather3A_2773 = tpu.vector_load_idx %arg14[%add3A_2772] : memref<60000xf32, #tpu.memory_space<vmem>>[vector<16xi32>], vector<16xf32>,
      %mul3A_2774 = arith.mulf %gather3A_2729, %gather3A_2753 : vector<16xf32>
      %mul3A_2775 = arith.mulf %gather3A_2733, %gather3A_2757 : vector<16xf32>
      %add3A_2776 = arith.addf %mul3A_2774, %mul3A_2775 : vector<16xf32>
      %mul3A_2777 = arith.mulf %gather3A_2737, %gather3A_2761 : vector<16xf32>
      %add3A_2778 = arith.addf %add3A_2776, %mul3A_2777 : vector<16xf32>
      %mul3A_2779 = arith.mulf %gather3A_2741, %gather3A_2765 : vector<16xf32>
      %add3A_2780 = arith.addf %add3A_2778, %mul3A_2779 : vector<16xf32>
      %mul3A_2781 = arith.mulf %gather3A_2729, %gather3A_2729 : vector<16xf32>
      %mul3A_2782 = arith.mulf %gather3A_2733, %gather3A_2733 : vector<16xf32>
      %add3A_2783 = arith.addf %mul3A_2781, %mul3A_2782 : vector<16xf32>
      %mul3A_2784 = arith.mulf %gather3A_2737, %gather3A_2737 : vector<16xf32>
      %add3A_2785 = arith.addf %add3A_2783, %mul3A_2784 : vector<16xf32>
      %mul3A_2786 = arith.mulf %gather3A_2741, %gather3A_2741 : vector<16xf32>
      %add3A_2787 = arith.addf %add3A_2785, %mul3A_2786 : vector<16xf32>
      %mul3A_2788 = arith.mulf %gather3A_2753, %gather3A_2753 : vector<16xf32>
      %mul3A_2789 = arith.mulf %gather3A_2757, %gather3A_2757 : vector<16xf32>
      %add3A_2790 = arith.addf %mul3A_2788, %mul3A_2789 : vector<16xf32>
      %mul3A_2791 = arith.mulf %gather3A_2761, %gather3A_2761 : vector<16xf32>
      %add3A_2792 = arith.addf %add3A_2790, %mul3A_2791 : vector<16xf32>
      %mul3A_2793 = arith.mulf %gather3A_2765, %gather3A_2765 : vector<16xf32>
      %add3A_2794 = arith.addf %add3A_2792, %mul3A_2793 : vector<16xf32>
      %max3A_2795 = arith.constant 1.000000e-16 : f32
      %max3A_2796 = vector.broadcast %max3A_2795 : f32 to vector<16xf32>
      %max3A_2797 = arith.maximumf %add3A_2787, %max3A_2796 : vector<16xf32>
      %bitcast_convert_type3A_2798 = tpu.bitcast %max3A_2797 : vector<16xf32> -> vector<16xi32>
      %shift_right_logical3A_2799 = arith.constant 1 : i32
      %shift_right_logical3A_2800 = vector.broadcast %shift_right_logical3A_2799 : i32 to vector<16xi32>
      %shift_right_logical3A_2801 = arith.shrui %bitcast_convert_type3A_2798, %shift_right_logical3A_2800 : vector<16xi32>
      %sub3A_2802 = arith.constant 1597463007 : i32
      %sub3A_2803 = vector.broadcast %sub3A_2802 : i32 to vector<16xi32>
      %sub3A_2804 = arith.subi %sub3A_2803, %shift_right_logical3A_2801 : vector<16xi32>
      %bitcast_convert_type3A_2805 = tpu.bitcast %sub3A_2804 : vector<16xi32> -> vector<16xf32>
      %mul3A_2806 = arith.constant 5.000000e-01 : f32
      %mul3A_2807 = vector.broadcast %mul3A_2806 : f32 to vector<16xf32>
      %mul3A_2808 = arith.mulf %max3A_2797, %mul3A_2807 : vector<16xf32>
      %mul3A_2809 = arith.mulf %mul3A_2808, %bitcast_convert_type3A_2805 : vector<16xf32>
      %mul3A_2810 = arith.mulf %mul3A_2809, %bitcast_convert_type3A_2805 : vector<16xf32>
      %sub3A_2811 = arith.constant 1.500000e+00 : f32
      %sub3A_2812 = vector.broadcast %sub3A_2811 : f32 to vector<16xf32>
      %sub3A_2813 = arith.subf %sub3A_2812, %mul3A_2810 : vector<16xf32>
      %mul3A_2814 = arith.mulf %bitcast_convert_type3A_2805, %sub3A_2813 : vector<16xf32>
      %mul3A_2815 = arith.mulf %mul3A_2808, %mul3A_2814 : vector<16xf32>
      %mul3A_2816 = arith.mulf %mul3A_2815, %mul3A_2814 : vector<16xf32>
      %sub3A_2817 = arith.constant 1.500000e+00 : f32
      %sub3A_2818 = vector.broadcast %sub3A_2817 : f32 to vector<16xf32>
      %sub3A_2819 = arith.subf %sub3A_2818, %mul3A_2816 : vector<16xf32>
      %mul3A_2820 = arith.mulf %mul3A_2814, %sub3A_2819 : vector<16xf32>
      %mul3A_2821 = arith.mulf %mul3A_2808, %mul3A_2820 : vector<16xf32>
      %mul3A_2822 = arith.mulf %mul3A_2821, %mul3A_2820 : vector<16xf32>
      %sub3A_2823 = arith.constant 1.500000e+00 : f32
      %sub3A_2824 = vector.broadcast %sub3A_2823 : f32 to vector<16xf32>
      %sub3A_2825 = arith.subf %sub3A_2824, %mul3A_2822 : vector<16xf32>
      %mul3A_2826 = arith.mulf %mul3A_2820, %sub3A_2825 : vector<16xf32>
      %mul3A_2827 = arith.mulf %add3A_2780, %mul3A_2826 : vector<16xf32>
      %max3A_2828 = arith.constant 1.000000e-16 : f32
      %max3A_2829 = vector.broadcast %max3A_2828 : f32 to vector<16xf32>
      %max3A_2830 = arith.maximumf %add3A_2794, %max3A_2829 : vector<16xf32>
      %bitcast_convert_type3A_2831 = tpu.bitcast %max3A_2830 : vector<16xf32> -> vector<16xi32>
      %shift_right_logical3A_2832 = arith.constant 1 : i32
      %shift_right_logical3A_2833 = vector.broadcast %shift_right_logical3A_2832 : i32 to vector<16xi32>
      %shift_right_logical3A_2834 = arith.shrui %bitcast_convert_type3A_2831, %shift_right_logical3A_2833 : vector<16xi32>
      %sub3A_2835 = arith.constant 1597463007 : i32
      %sub3A_2836 = vector.broadcast %sub3A_2835 : i32 to vector<16xi32>
      %sub3A_2837 = arith.subi %sub3A_2836, %shift_right_logical3A_2834 : vector<16xi32>
      %bitcast_convert_type3A_2838 = tpu.bitcast %sub3A_2837 : vector<16xi32> -> vector<16xf32>
      %mul3A_2839 = arith.constant 5.000000e-01 : f32
      %mul3A_2840 = vector.broadcast %mul3A_2839 : f32 to vector<16xf32>
      %mul3A_2841 = arith.mulf %max3A_2830, %mul3A_2840 : vector<16xf32>
      %mul3A_2842 = arith.mulf %mul3A_2841, %bitcast_convert_type3A_2838 : vector<16xf32>
      %mul3A_2843 = arith.mulf %mul3A_2842, %bitcast_convert_type3A_2838 : vector<16xf32>
      %sub3A_2844 = arith.constant 1.500000e+00 : f32
      %sub3A_2845 = vector.broadcast %sub3A_2844 : f32 to vector<16xf32>
      %sub3A_2846 = arith.subf %sub3A_2845, %mul3A_2843 : vector<16xf32>
      %mul3A_2847 = arith.mulf %bitcast_convert_type3A_2838, %sub3A_2846 : vector<16xf32>
      %mul3A_2848 = arith.mulf %mul3A_2841, %mul3A_2847 : vector<16xf32>
      %mul3A_2849 = arith.mulf %mul3A_2848, %mul3A_2847 : vector<16xf32>
      %sub3A_2850 = arith.constant 1.500000e+00 : f32
      %sub3A_2851 = vector.broadcast %sub3A_2850 : f32 to vector<16xf32>
      %sub3A_2852 = arith.subf %sub3A_2851, %mul3A_2849 : vector<16xf32>
      %mul3A_2853 = arith.mulf %mul3A_2847, %sub3A_2852 : vector<16xf32>
      %mul3A_2854 = arith.mulf %mul3A_2841, %mul3A_2853 : vector<16xf32>
      %mul3A_2855 = arith.mulf %mul3A_2854, %mul3A_2853 : vector<16xf32>
      %sub3A_2856 = arith.constant 1.500000e+00 : f32
      %sub3A_2857 = vector.broadcast %sub3A_2856 : f32 to vector<16xf32>
      %sub3A_2858 = arith.subf %sub3A_2857, %mul3A_2855 : vector<16xf32>
      %mul3A_2859 = arith.mulf %mul3A_2853, %sub3A_2858 : vector<16xf32>
      %mul3A_2860 = arith.mulf %mul3A_2827, %mul3A_2859 : vector<16xf32>
      %sub3A_2861 = arith.subf %gather3A_2745, %gather3A_2769 : vector<16xf32>
      %sub3A_2862 = arith.subf %gather3A_2749, %gather3A_2773 : vector<16xf32>
      %mul3A_2863 = arith.mulf %sub3A_2861, %sub3A_2861 : vector<16xf32>
      %mul3A_2864 = arith.mulf %sub3A_2862, %sub3A_2862 : vector<16xf32>
      %add3A_2865 = arith.addf %mul3A_2863, %mul3A_2864 : vector<16xf32>
      %add3A_2866 = arith.constant 9.99999996E-13 : f32
      %add3A_2867 = vector.broadcast %add3A_2866 : f32 to vector<16xf32>
      %add3A_2868 = arith.addf %add3A_2865, %add3A_2867 : vector<16xf32>
      %bitcast_convert_type3A_2869 = tpu.bitcast %add3A_2868 : vector<16xf32> -> vector<16xi32>
      %shift_right_logical3A_2870 = arith.constant 1 : i32
      %shift_right_logical3A_2871 = vector.broadcast %shift_right_logical3A_2870 : i32 to vector<16xi32>
      %shift_right_logical3A_2872 = arith.shrui %bitcast_convert_type3A_2869, %shift_right_logical3A_2871 : vector<16xi32>
      %sub3A_2873 = arith.constant 1597463007 : i32
      %sub3A_2874 = vector.broadcast %sub3A_2873 : i32 to vector<16xi32>
      %sub3A_2875 = arith.subi %sub3A_2874, %shift_right_logical3A_2872 : vector<16xi32>
      %bitcast_convert_type3A_2876 = tpu.bitcast %sub3A_2875 : vector<16xi32> -> vector<16xf32>
      %mul3A_2877 = arith.constant 5.000000e-01 : f32
      %mul3A_2878 = vector.broadcast %mul3A_2877 : f32 to vector<16xf32>
      %mul3A_2879 = arith.mulf %add3A_2868, %mul3A_2878 : vector<16xf32>
      %mul3A_2880 = arith.mulf %mul3A_2879, %bitcast_convert_type3A_2876 : vector<16xf32>
      %mul3A_2881 = arith.mulf %mul3A_2880, %bitcast_convert_type3A_2876 : vector<16xf32>
      %sub3A_2882 = arith.constant 1.500000e+00 : f32
      %sub3A_2883 = vector.broadcast %sub3A_2882 : f32 to vector<16xf32>
      %sub3A_2884 = arith.subf %sub3A_2883, %mul3A_2881 : vector<16xf32>
      %mul3A_2885 = arith.mulf %bitcast_convert_type3A_2876, %sub3A_2884 : vector<16xf32>
      %mul3A_2886 = arith.mulf %mul3A_2879, %mul3A_2885 : vector<16xf32>
      %mul3A_2887 = arith.mulf %mul3A_2886, %mul3A_2885 : vector<16xf32>
      %sub3A_2888 = arith.constant 1.500000e+00 : f32
      %sub3A_2889 = vector.broadcast %sub3A_2888 : f32 to vector<16xf32>
      %sub3A_2890 = arith.subf %sub3A_2889, %mul3A_2887 : vector<16xf32>
      %mul3A_2891 = arith.mulf %mul3A_2885, %sub3A_2890 : vector<16xf32>
      %mul3A_2892 = arith.mulf %mul3A_2879, %mul3A_2891 : vector<16xf32>
      %mul3A_2893 = arith.mulf %mul3A_2892, %mul3A_2891 : vector<16xf32>
      %sub3A_2894 = arith.constant 1.500000e+00 : f32
      %sub3A_2895 = vector.broadcast %sub3A_2894 : f32 to vector<16xf32>
      %sub3A_2896 = arith.subf %sub3A_2895, %mul3A_2893 : vector<16xf32>
      %mul3A_2897 = arith.mulf %mul3A_2891, %sub3A_2896 : vector<16xf32>
      %get3A_2898 = arith.constant 32 : index
      %get3A_2899 = tpu.vector_load %arg12[%get3A_2898] {strides = array<i32>} : memref<80xf32, #tpu.memory_space<vmem>>, vector<16xf32>,
      %abs3A_2900 = math.absf %get3A_2899 : vector<16xf32>
      %abs3A_2901 = math.absf %sub3A_2861 : vector<16xf32>
      %abs3A_2902 = math.absf %sub3A_2862 : vector<16xf32>
      %mul3A_2903 = arith.mulf %sub3A_2861, %mul3A_2897 : vector<16xf32>
      %mul3A_2904 = arith.mulf %sub3A_2862, %mul3A_2897 : vector<16xf32>
      %iota3A_2905 = tpu.iota {dimensions = array<i32: 0>} : vector<16xi32>
      %add3A_2906 = arith.constant 32 : i32
      %add3A_2907 = vector.broadcast %add3A_2906 : i32 to vector<16xi32>
      %add3A_2908 = arith.addi %iota3A_2905, %add3A_2907 : vector<16xi32>
      %broadcast_in_dim3A_2909 = arith.constant 256 : i32
      %broadcast_in_dim3A_2910 = vector.broadcast %broadcast_in_dim3A_2909 : i32 to vector<16xi32>
      tpu.vector_store_idx %arg15[%add3A_2908, %broadcast_in_dim3A_2910], %abs3A_2900 : memref<80x264xf32, #tpu.memory_space<vmem>>[vector<16xi32>, vector<16xi32>], vector<16xf32>,
      %broadcast_in_dim3A_2911 = arith.constant 257 : i32
      %broadcast_in_dim3A_2912 = vector.broadcast %broadcast_in_dim3A_2911 : i32 to vector<16xi32>
      tpu.vector_store_idx %arg15[%add3A_2908, %broadcast_in_dim3A_2912], %mul3A_2860 : memref<80x264xf32, #tpu.memory_space<vmem>>[vector<16xi32>, vector<16xi32>], vector<16xf32>,
      %broadcast_in_dim3A_2913 = arith.constant 258 : i32
      %broadcast_in_dim3A_2914 = vector.broadcast %broadcast_in_dim3A_2913 : i32 to vector<16xi32>
      tpu.vector_store_idx %arg15[%add3A_2908, %broadcast_in_dim3A_2914], %sub3A_2861 : memref<80x264xf32, #tpu.memory_space<vmem>>[vector<16xi32>, vector<16xi32>], vector<16xf32>,
      %broadcast_in_dim3A_2915 = arith.constant 259 : i32
      %broadcast_in_dim3A_2916 = vector.broadcast %broadcast_in_dim3A_2915 : i32 to vector<16xi32>
      tpu.vector_store_idx %arg15[%add3A_2908, %broadcast_in_dim3A_2916], %sub3A_2862 : memref<80x264xf32, #tpu.memory_space<vmem>>[vector<16xi32>, vector<16xi32>], vector<16xf32>,
      %broadcast_in_dim3A_2917 = arith.constant 260 : i32
      %broadcast_in_dim3A_2918 = vector.broadcast %broadcast_in_dim3A_2917 : i32 to vector<16xi32>
      tpu.vector_store_idx %arg15[%add3A_2908, %broadcast_in_dim3A_2918], %abs3A_2901 : memref<80x264xf32, #tpu.memory_space<vmem>>[vector<16xi32>, vector<16xi32>], vector<16xf32>,
      %broadcast_in_dim3A_2919 = arith.constant 261 : i32
      %broadcast_in_dim3A_2920 = vector.broadcast %broadcast_in_dim3A_2919 : i32 to vector<16xi32>
      tpu.vector_store_idx %arg15[%add3A_2908, %broadcast_in_dim3A_2920], %abs3A_2902 : memref<80x264xf32, #tpu.memory_space<vmem>>[vector<16xi32>, vector<16xi32>], vector<16xf32>,
      %broadcast_in_dim3A_2921 = arith.constant 262 : i32
      %broadcast_in_dim3A_2922 = vector.broadcast %broadcast_in_dim3A_2921 : i32 to vector<16xi32>
      tpu.vector_store_idx %arg15[%add3A_2908, %broadcast_in_dim3A_2922], %mul3A_2903 : memref<80x264xf32, #tpu.memory_space<vmem>>[vector<16xi32>, vector<16xi32>], vector<16xf32>,
      %broadcast_in_dim3A_2923 = arith.constant 263 : i32
      %broadcast_in_dim3A_2924 = vector.broadcast %broadcast_in_dim3A_2923 : i32 to vector<16xi32>
      tpu.vector_store_idx %arg15[%add3A_2908, %broadcast_in_dim3A_2924], %mul3A_2904 : memref<80x264xf32, #tpu.memory_space<vmem>>[vector<16xi32>, vector<16xi32>], vector<16xf32>,
      %get3A_2925 = arith.constant 48 : index
      %get3A_2926 = tpu.vector_load %arg8[%get3A_2925] {strides = array<i32>} : memref<80xi32, #tpu.memory_space<vmem>>, vector<16xi32>,
      %mul3A_2927 = arith.constant 6 : i32
      %mul3A_2928 = vector.broadcast %mul3A_2927 : i32 to vector<16xi32>
      %mul3A_2929 = arith.muli %get3A_2926, %mul3A_2928 : vector<16xi32>
      %get3A_2930 = arith.constant 48 : index
      %get3A_2931 = tpu.vector_load %arg10[%get3A_2930] {strides = array<i32>} : memref<80xi32, #tpu.memory_space<vmem>>, vector<16xi32>,
      %mul3A_2932 = arith.constant 6 : i32
      %mul3A_2933 = vector.broadcast %mul3A_2932 : i32 to vector<16xi32>
      %mul3A_2934 = arith.muli %get3A_2931, %mul3A_2933 : vector<16xi32>
      %add3A_2935 = arith.constant 0 : i32
      %add3A_2936 = vector.broadcast %add3A_2935 : i32 to vector<16xi32>
      %add3A_2937 = arith.addi %mul3A_2929, %add3A_2936 : vector<16xi32>
      %gather3A_2938 = tpu.vector_load_idx %arg14[%add3A_2937] : memref<60000xf32, #tpu.memory_space<vmem>>[vector<16xi32>], vector<16xf32>,
      %add3A_2939 = arith.constant 1 : i32
      %add3A_2940 = vector.broadcast %add3A_2939 : i32 to vector<16xi32>
      %add3A_2941 = arith.addi %mul3A_2929, %add3A_2940 : vector<16xi32>
      %gather3A_2942 = tpu.vector_load_idx %arg14[%add3A_2941] : memref<60000xf32, #tpu.memory_space<vmem>>[vector<16xi32>], vector<16xf32>,
      %add3A_2943 = arith.constant 2 : i32
      %add3A_2944 = vector.broadcast %add3A_2943 : i32 to vector<16xi32>
      %add3A_2945 = arith.addi %mul3A_2929, %add3A_2944 : vector<16xi32>
      %gather3A_2946 = tpu.vector_load_idx %arg14[%add3A_2945] : memref<60000xf32, #tpu.memory_space<vmem>>[vector<16xi32>], vector<16xf32>,
      %add3A_2947 = arith.constant 3 : i32
      %add3A_2948 = vector.broadcast %add3A_2947 : i32 to vector<16xi32>
      %add3A_2949 = arith.addi %mul3A_2929, %add3A_2948 : vector<16xi32>
      %gather3A_2950 = tpu.vector_load_idx %arg14[%add3A_2949] : memref<60000xf32, #tpu.memory_space<vmem>>[vector<16xi32>], vector<16xf32>,
      %add3A_2951 = arith.constant 4 : i32
      %add3A_2952 = vector.broadcast %add3A_2951 : i32 to vector<16xi32>
      %add3A_2953 = arith.addi %mul3A_2929, %add3A_2952 : vector<16xi32>
      %gather3A_2954 = tpu.vector_load_idx %arg14[%add3A_2953] : memref<60000xf32, #tpu.memory_space<vmem>>[vector<16xi32>], vector<16xf32>,
      %add3A_2955 = arith.constant 5 : i32
      %add3A_2956 = vector.broadcast %add3A_2955 : i32 to vector<16xi32>
      %add3A_2957 = arith.addi %mul3A_2929, %add3A_2956 : vector<16xi32>
      %gather3A_2958 = tpu.vector_load_idx %arg14[%add3A_2957] : memref<60000xf32, #tpu.memory_space<vmem>>[vector<16xi32>], vector<16xf32>,
      %add3A_2959 = arith.constant 0 : i32
      %add3A_2960 = vector.broadcast %add3A_2959 : i32 to vector<16xi32>
      %add3A_2961 = arith.addi %mul3A_2934, %add3A_2960 : vector<16xi32>
      %gather3A_2962 = tpu.vector_load_idx %arg14[%add3A_2961] : memref<60000xf32, #tpu.memory_space<vmem>>[vector<16xi32>], vector<16xf32>,
      %add3A_2963 = arith.constant 1 : i32
      %add3A_2964 = vector.broadcast %add3A_2963 : i32 to vector<16xi32>
      %add3A_2965 = arith.addi %mul3A_2934, %add3A_2964 : vector<16xi32>
      %gather3A_2966 = tpu.vector_load_idx %arg14[%add3A_2965] : memref<60000xf32, #tpu.memory_space<vmem>>[vector<16xi32>], vector<16xf32>,
      %add3A_2967 = arith.constant 2 : i32
      %add3A_2968 = vector.broadcast %add3A_2967 : i32 to vector<16xi32>
      %add3A_2969 = arith.addi %mul3A_2934, %add3A_2968 : vector<16xi32>
      %gather3A_2970 = tpu.vector_load_idx %arg14[%add3A_2969] : memref<60000xf32, #tpu.memory_space<vmem>>[vector<16xi32>], vector<16xf32>,
      %add3A_2971 = arith.constant 3 : i32
      %add3A_2972 = vector.broadcast %add3A_2971 : i32 to vector<16xi32>
      %add3A_2973 = arith.addi %mul3A_2934, %add3A_2972 : vector<16xi32>
      %gather3A_2974 = tpu.vector_load_idx %arg14[%add3A_2973] : memref<60000xf32, #tpu.memory_space<vmem>>[vector<16xi32>], vector<16xf32>,
      %add3A_2975 = arith.constant 4 : i32
      %add3A_2976 = vector.broadcast %add3A_2975 : i32 to vector<16xi32>
      %add3A_2977 = arith.addi %mul3A_2934, %add3A_2976 : vector<16xi32>
      %gather3A_2978 = tpu.vector_load_idx %arg14[%add3A_2977] : memref<60000xf32, #tpu.memory_space<vmem>>[vector<16xi32>], vector<16xf32>,
      %add3A_2979 = arith.constant 5 : i32
      %add3A_2980 = vector.broadcast %add3A_2979 : i32 to vector<16xi32>
      %add3A_2981 = arith.addi %mul3A_2934, %add3A_2980 : vector<16xi32>
      %gather3A_2982 = tpu.vector_load_idx %arg14[%add3A_2981] : memref<60000xf32, #tpu.memory_space<vmem>>[vector<16xi32>], vector<16xf32>,
      %mul3A_2983 = arith.mulf %gather3A_2938, %gather3A_2962 : vector<16xf32>
      %mul3A_2984 = arith.mulf %gather3A_2942, %gather3A_2966 : vector<16xf32>
      %add3A_2985 = arith.addf %mul3A_2983, %mul3A_2984 : vector<16xf32>
      %mul3A_2986 = arith.mulf %gather3A_2946, %gather3A_2970 : vector<16xf32>
      %add3A_2987 = arith.addf %add3A_2985, %mul3A_2986 : vector<16xf32>
      %mul3A_2988 = arith.mulf %gather3A_2950, %gather3A_2974 : vector<16xf32>
      %add3A_2989 = arith.addf %add3A_2987, %mul3A_2988 : vector<16xf32>
      %mul3A_2990 = arith.mulf %gather3A_2938, %gather3A_2938 : vector<16xf32>
      %mul3A_2991 = arith.mulf %gather3A_2942, %gather3A_2942 : vector<16xf32>
      %add3A_2992 = arith.addf %mul3A_2990, %mul3A_2991 : vector<16xf32>
      %mul3A_2993 = arith.mulf %gather3A_2946, %gather3A_2946 : vector<16xf32>
      %add3A_2994 = arith.addf %add3A_2992, %mul3A_2993 : vector<16xf32>
      %mul3A_2995 = arith.mulf %gather3A_2950, %gather3A_2950 : vector<16xf32>
      %add3A_2996 = arith.addf %add3A_2994, %mul3A_2995 : vector<16xf32>
      %mul3A_2997 = arith.mulf %gather3A_2962, %gather3A_2962 : vector<16xf32>
      %mul3A_2998 = arith.mulf %gather3A_2966, %gather3A_2966 : vector<16xf32>
      %add3A_2999 = arith.addf %mul3A_2997, %mul3A_2998 : vector<16xf32>
      %mul3A_3000 = arith.mulf %gather3A_2970, %gather3A_2970 : vector<16xf32>
      %add3A_3001 = arith.addf %add3A_2999, %mul3A_3000 : vector<16xf32>
      %mul3A_3002 = arith.mulf %gather3A_2974, %gather3A_2974 : vector<16xf32>
      %add3A_3003 = arith.addf %add3A_3001, %mul3A_3002 : vector<16xf32>
      %max3A_3004 = arith.constant 1.000000e-16 : f32
      %max3A_3005 = vector.broadcast %max3A_3004 : f32 to vector<16xf32>
      %max3A_3006 = arith.maximumf %add3A_2996, %max3A_3005 : vector<16xf32>
      %bitcast_convert_type3A_3007 = tpu.bitcast %max3A_3006 : vector<16xf32> -> vector<16xi32>
      %shift_right_logical3A_3008 = arith.constant 1 : i32
      %shift_right_logical3A_3009 = vector.broadcast %shift_right_logical3A_3008 : i32 to vector<16xi32>
      %shift_right_logical3A_3010 = arith.shrui %bitcast_convert_type3A_3007, %shift_right_logical3A_3009 : vector<16xi32>
      %sub3A_3011 = arith.constant 1597463007 : i32
      %sub3A_3012 = vector.broadcast %sub3A_3011 : i32 to vector<16xi32>
      %sub3A_3013 = arith.subi %sub3A_3012, %shift_right_logical3A_3010 : vector<16xi32>
      %bitcast_convert_type3A_3014 = tpu.bitcast %sub3A_3013 : vector<16xi32> -> vector<16xf32>
      %mul3A_3015 = arith.constant 5.000000e-01 : f32
      %mul3A_3016 = vector.broadcast %mul3A_3015 : f32 to vector<16xf32>
      %mul3A_3017 = arith.mulf %max3A_3006, %mul3A_3016 : vector<16xf32>
      %mul3A_3018 = arith.mulf %mul3A_3017, %bitcast_convert_type3A_3014 : vector<16xf32>
      %mul3A_3019 = arith.mulf %mul3A_3018, %bitcast_convert_type3A_3014 : vector<16xf32>
      %sub3A_3020 = arith.constant 1.500000e+00 : f32
      %sub3A_3021 = vector.broadcast %sub3A_3020 : f32 to vector<16xf32>
      %sub3A_3022 = arith.subf %sub3A_3021, %mul3A_3019 : vector<16xf32>
      %mul3A_3023 = arith.mulf %bitcast_convert_type3A_3014, %sub3A_3022 : vector<16xf32>
      %mul3A_3024 = arith.mulf %mul3A_3017, %mul3A_3023 : vector<16xf32>
      %mul3A_3025 = arith.mulf %mul3A_3024, %mul3A_3023 : vector<16xf32>
      %sub3A_3026 = arith.constant 1.500000e+00 : f32
      %sub3A_3027 = vector.broadcast %sub3A_3026 : f32 to vector<16xf32>
      %sub3A_3028 = arith.subf %sub3A_3027, %mul3A_3025 : vector<16xf32>
      %mul3A_3029 = arith.mulf %mul3A_3023, %sub3A_3028 : vector<16xf32>
      %mul3A_3030 = arith.mulf %mul3A_3017, %mul3A_3029 : vector<16xf32>
      %mul3A_3031 = arith.mulf %mul3A_3030, %mul3A_3029 : vector<16xf32>
      %sub3A_3032 = arith.constant 1.500000e+00 : f32
      %sub3A_3033 = vector.broadcast %sub3A_3032 : f32 to vector<16xf32>
      %sub3A_3034 = arith.subf %sub3A_3033, %mul3A_3031 : vector<16xf32>
      %mul3A_3035 = arith.mulf %mul3A_3029, %sub3A_3034 : vector<16xf32>
      %mul3A_3036 = arith.mulf %add3A_2989, %mul3A_3035 : vector<16xf32>
      %max3A_3037 = arith.constant 1.000000e-16 : f32
      %max3A_3038 = vector.broadcast %max3A_3037 : f32 to vector<16xf32>
      %max3A_3039 = arith.maximumf %add3A_3003, %max3A_3038 : vector<16xf32>
      %bitcast_convert_type3A_3040 = tpu.bitcast %max3A_3039 : vector<16xf32> -> vector<16xi32>
      %shift_right_logical3A_3041 = arith.constant 1 : i32
      %shift_right_logical3A_3042 = vector.broadcast %shift_right_logical3A_3041 : i32 to vector<16xi32>
      %shift_right_logical3A_3043 = arith.shrui %bitcast_convert_type3A_3040, %shift_right_logical3A_3042 : vector<16xi32>
      %sub3A_3044 = arith.constant 1597463007 : i32
      %sub3A_3045 = vector.broadcast %sub3A_3044 : i32 to vector<16xi32>
      %sub3A_3046 = arith.subi %sub3A_3045, %shift_right_logical3A_3043 : vector<16xi32>
      %bitcast_convert_type3A_3047 = tpu.bitcast %sub3A_3046 : vector<16xi32> -> vector<16xf32>
      %mul3A_3048 = arith.constant 5.000000e-01 : f32
      %mul3A_3049 = vector.broadcast %mul3A_3048 : f32 to vector<16xf32>
      %mul3A_3050 = arith.mulf %max3A_3039, %mul3A_3049 : vector<16xf32>
      %mul3A_3051 = arith.mulf %mul3A_3050, %bitcast_convert_type3A_3047 : vector<16xf32>
      %mul3A_3052 = arith.mulf %mul3A_3051, %bitcast_convert_type3A_3047 : vector<16xf32>
      %sub3A_3053 = arith.constant 1.500000e+00 : f32
      %sub3A_3054 = vector.broadcast %sub3A_3053 : f32 to vector<16xf32>
      %sub3A_3055 = arith.subf %sub3A_3054, %mul3A_3052 : vector<16xf32>
      %mul3A_3056 = arith.mulf %bitcast_convert_type3A_3047, %sub3A_3055 : vector<16xf32>
      %mul3A_3057 = arith.mulf %mul3A_3050, %mul3A_3056 : vector<16xf32>
      %mul3A_3058 = arith.mulf %mul3A_3057, %mul3A_3056 : vector<16xf32>
      %sub3A_3059 = arith.constant 1.500000e+00 : f32
      %sub3A_3060 = vector.broadcast %sub3A_3059 : f32 to vector<16xf32>
      %sub3A_3061 = arith.subf %sub3A_3060, %mul3A_3058 : vector<16xf32>
      %mul3A_3062 = arith.mulf %mul3A_3056, %sub3A_3061 : vector<16xf32>
      %mul3A_3063 = arith.mulf %mul3A_3050, %mul3A_3062 : vector<16xf32>
      %mul3A_3064 = arith.mulf %mul3A_3063, %mul3A_3062 : vector<16xf32>
      %sub3A_3065 = arith.constant 1.500000e+00 : f32
      %sub3A_3066 = vector.broadcast %sub3A_3065 : f32 to vector<16xf32>
      %sub3A_3067 = arith.subf %sub3A_3066, %mul3A_3064 : vector<16xf32>
      %mul3A_3068 = arith.mulf %mul3A_3062, %sub3A_3067 : vector<16xf32>
      %mul3A_3069 = arith.mulf %mul3A_3036, %mul3A_3068 : vector<16xf32>
      %sub3A_3070 = arith.subf %gather3A_2954, %gather3A_2978 : vector<16xf32>
      %sub3A_3071 = arith.subf %gather3A_2958, %gather3A_2982 : vector<16xf32>
      %mul3A_3072 = arith.mulf %sub3A_3070, %sub3A_3070 : vector<16xf32>
      %mul3A_3073 = arith.mulf %sub3A_3071, %sub3A_3071 : vector<16xf32>
      %add3A_3074 = arith.addf %mul3A_3072, %mul3A_3073 : vector<16xf32>
      %add3A_3075 = arith.constant 9.99999996E-13 : f32
      %add3A_3076 = vector.broadcast %add3A_3075 : f32 to vector<16xf32>
      %add3A_3077 = arith.addf %add3A_3074, %add3A_3076 : vector<16xf32>
      %bitcast_convert_type3A_3078 = tpu.bitcast %add3A_3077 : vector<16xf32> -> vector<16xi32>
      %shift_right_logical3A_3079 = arith.constant 1 : i32
      %shift_right_logical3A_3080 = vector.broadcast %shift_right_logical3A_3079 : i32 to vector<16xi32>
      %shift_right_logical3A_3081 = arith.shrui %bitcast_convert_type3A_3078, %shift_right_logical3A_3080 : vector<16xi32>
      %sub3A_3082 = arith.constant 1597463007 : i32
      %sub3A_3083 = vector.broadcast %sub3A_3082 : i32 to vector<16xi32>
      %sub3A_3084 = arith.subi %sub3A_3083, %shift_right_logical3A_3081 : vector<16xi32>
      %bitcast_convert_type3A_3085 = tpu.bitcast %sub3A_3084 : vector<16xi32> -> vector<16xf32>
      %mul3A_3086 = arith.constant 5.000000e-01 : f32
      %mul3A_3087 = vector.broadcast %mul3A_3086 : f32 to vector<16xf32>
      %mul3A_3088 = arith.mulf %add3A_3077, %mul3A_3087 : vector<16xf32>
      %mul3A_3089 = arith.mulf %mul3A_3088, %bitcast_convert_type3A_3085 : vector<16xf32>
      %mul3A_3090 = arith.mulf %mul3A_3089, %bitcast_convert_type3A_3085 : vector<16xf32>
      %sub3A_3091 = arith.constant 1.500000e+00 : f32
      %sub3A_3092 = vector.broadcast %sub3A_3091 : f32 to vector<16xf32>
      %sub3A_3093 = arith.subf %sub3A_3092, %mul3A_3090 : vector<16xf32>
      %mul3A_3094 = arith.mulf %bitcast_convert_type3A_3085, %sub3A_3093 : vector<16xf32>
      %mul3A_3095 = arith.mulf %mul3A_3088, %mul3A_3094 : vector<16xf32>
      %mul3A_3096 = arith.mulf %mul3A_3095, %mul3A_3094 : vector<16xf32>
      %sub3A_3097 = arith.constant 1.500000e+00 : f32
      %sub3A_3098 = vector.broadcast %sub3A_3097 : f32 to vector<16xf32>
      %sub3A_3099 = arith.subf %sub3A_3098, %mul3A_3096 : vector<16xf32>
      %mul3A_3100 = arith.mulf %mul3A_3094, %sub3A_3099 : vector<16xf32>
      %mul3A_3101 = arith.mulf %mul3A_3088, %mul3A_3100 : vector<16xf32>
      %mul3A_3102 = arith.mulf %mul3A_3101, %mul3A_3100 : vector<16xf32>
      %sub3A_3103 = arith.constant 1.500000e+00 : f32
      %sub3A_3104 = vector.broadcast %sub3A_3103 : f32 to vector<16xf32>
      %sub3A_3105 = arith.subf %sub3A_3104, %mul3A_3102 : vector<16xf32>
      %mul3A_3106 = arith.mulf %mul3A_3100, %sub3A_3105 : vector<16xf32>
      %get3A_3107 = arith.constant 48 : index
      %get3A_3108 = tpu.vector_load %arg12[%get3A_3107] {strides = array<i32>} : memref<80xf32, #tpu.memory_space<vmem>>, vector<16xf32>,
      %abs3A_3109 = math.absf %get3A_3108 : vector<16xf32>
      %abs3A_3110 = math.absf %sub3A_3070 : vector<16xf32>
      %abs3A_3111 = math.absf %sub3A_3071 : vector<16xf32>
      %mul3A_3112 = arith.mulf %sub3A_3070, %mul3A_3106 : vector<16xf32>
      %mul3A_3113 = arith.mulf %sub3A_3071, %mul3A_3106 : vector<16xf32>
      %iota3A_3114 = tpu.iota {dimensions = array<i32: 0>} : vector<16xi32>
      %add3A_3115 = arith.constant 48 : i32
      %add3A_3116 = vector.broadcast %add3A_3115 : i32 to vector<16xi32>
      %add3A_3117 = arith.addi %iota3A_3114, %add3A_3116 : vector<16xi32>
      %broadcast_in_dim3A_3118 = arith.constant 256 : i32
      %broadcast_in_dim3A_3119 = vector.broadcast %broadcast_in_dim3A_3118 : i32 to vector<16xi32>
      tpu.vector_store_idx %arg15[%add3A_3117, %broadcast_in_dim3A_3119], %abs3A_3109 : memref<80x264xf32, #tpu.memory_space<vmem>>[vector<16xi32>, vector<16xi32>], vector<16xf32>,
      %broadcast_in_dim3A_3120 = arith.constant 257 : i32
      %broadcast_in_dim3A_3121 = vector.broadcast %broadcast_in_dim3A_3120 : i32 to vector<16xi32>
      tpu.vector_store_idx %arg15[%add3A_3117, %broadcast_in_dim3A_3121], %mul3A_3069 : memref<80x264xf32, #tpu.memory_space<vmem>>[vector<16xi32>, vector<16xi32>], vector<16xf32>,
      %broadcast_in_dim3A_3122 = arith.constant 258 : i32
      %broadcast_in_dim3A_3123 = vector.broadcast %broadcast_in_dim3A_3122 : i32 to vector<16xi32>
      tpu.vector_store_idx %arg15[%add3A_3117, %broadcast_in_dim3A_3123], %sub3A_3070 : memref<80x264xf32, #tpu.memory_space<vmem>>[vector<16xi32>, vector<16xi32>], vector<16xf32>,
      %broadcast_in_dim3A_3124 = arith.constant 259 : i32
      %broadcast_in_dim3A_3125 = vector.broadcast %broadcast_in_dim3A_3124 : i32 to vector<16xi32>
      tpu.vector_store_idx %arg15[%add3A_3117, %broadcast_in_dim3A_3125], %sub3A_3071 : memref<80x264xf32, #tpu.memory_space<vmem>>[vector<16xi32>, vector<16xi32>], vector<16xf32>,
      %broadcast_in_dim3A_3126 = arith.constant 260 : i32
      %broadcast_in_dim3A_3127 = vector.broadcast %broadcast_in_dim3A_3126 : i32 to vector<16xi32>
      tpu.vector_store_idx %arg15[%add3A_3117, %broadcast_in_dim3A_3127], %abs3A_3110 : memref<80x264xf32, #tpu.memory_space<vmem>>[vector<16xi32>, vector<16xi32>], vector<16xf32>,
      %broadcast_in_dim3A_3128 = arith.constant 261 : i32
      %broadcast_in_dim3A_3129 = vector.broadcast %broadcast_in_dim3A_3128 : i32 to vector<16xi32>
      tpu.vector_store_idx %arg15[%add3A_3117, %broadcast_in_dim3A_3129], %abs3A_3111 : memref<80x264xf32, #tpu.memory_space<vmem>>[vector<16xi32>, vector<16xi32>], vector<16xf32>,
      %broadcast_in_dim3A_3130 = arith.constant 262 : i32
      %broadcast_in_dim3A_3131 = vector.broadcast %broadcast_in_dim3A_3130 : i32 to vector<16xi32>
      tpu.vector_store_idx %arg15[%add3A_3117, %broadcast_in_dim3A_3131], %mul3A_3112 : memref<80x264xf32, #tpu.memory_space<vmem>>[vector<16xi32>, vector<16xi32>], vector<16xf32>,
      %broadcast_in_dim3A_3132 = arith.constant 263 : i32
      %broadcast_in_dim3A_3133 = vector.broadcast %broadcast_in_dim3A_3132 : i32 to vector<16xi32>
      tpu.vector_store_idx %arg15[%add3A_3117, %broadcast_in_dim3A_3133], %mul3A_3113 : memref<80x264xf32, #tpu.memory_space<vmem>>[vector<16xi32>, vector<16xi32>], vector<16xf32>,
      %get3A_3134 = arith.constant 64 : index
      %get3A_3135 = tpu.vector_load %arg8[%get3A_3134] {strides = array<i32>} : memref<80xi32, #tpu.memory_space<vmem>>, vector<16xi32>,
      %mul3A_3136 = arith.constant 6 : i32
      %mul3A_3137 = vector.broadcast %mul3A_3136 : i32 to vector<16xi32>
      %mul3A_3138 = arith.muli %get3A_3135, %mul3A_3137 : vector<16xi32>
      %get3A_3139 = arith.constant 64 : index
      %get3A_3140 = tpu.vector_load %arg10[%get3A_3139] {strides = array<i32>} : memref<80xi32, #tpu.memory_space<vmem>>, vector<16xi32>,
      %mul3A_3141 = arith.constant 6 : i32
      %mul3A_3142 = vector.broadcast %mul3A_3141 : i32 to vector<16xi32>
      %mul3A_3143 = arith.muli %get3A_3140, %mul3A_3142 : vector<16xi32>
      %add3A_3144 = arith.constant 0 : i32
      %add3A_3145 = vector.broadcast %add3A_3144 : i32 to vector<16xi32>
      %add3A_3146 = arith.addi %mul3A_3138, %add3A_3145 : vector<16xi32>
      %gather3A_3147 = tpu.vector_load_idx %arg14[%add3A_3146] : memref<60000xf32, #tpu.memory_space<vmem>>[vector<16xi32>], vector<16xf32>,
      %add3A_3148 = arith.constant 1 : i32
      %add3A_3149 = vector.broadcast %add3A_3148 : i32 to vector<16xi32>
      %add3A_3150 = arith.addi %mul3A_3138, %add3A_3149 : vector<16xi32>
      %gather3A_3151 = tpu.vector_load_idx %arg14[%add3A_3150] : memref<60000xf32, #tpu.memory_space<vmem>>[vector<16xi32>], vector<16xf32>,
      %add3A_3152 = arith.constant 2 : i32
      %add3A_3153 = vector.broadcast %add3A_3152 : i32 to vector<16xi32>
      %add3A_3154 = arith.addi %mul3A_3138, %add3A_3153 : vector<16xi32>
      %gather3A_3155 = tpu.vector_load_idx %arg14[%add3A_3154] : memref<60000xf32, #tpu.memory_space<vmem>>[vector<16xi32>], vector<16xf32>,
      %add3A_3156 = arith.constant 3 : i32
      %add3A_3157 = vector.broadcast %add3A_3156 : i32 to vector<16xi32>
      %add3A_3158 = arith.addi %mul3A_3138, %add3A_3157 : vector<16xi32>
      %gather3A_3159 = tpu.vector_load_idx %arg14[%add3A_3158] : memref<60000xf32, #tpu.memory_space<vmem>>[vector<16xi32>], vector<16xf32>,
      %add3A_3160 = arith.constant 4 : i32
      %add3A_3161 = vector.broadcast %add3A_3160 : i32 to vector<16xi32>
      %add3A_3162 = arith.addi %mul3A_3138, %add3A_3161 : vector<16xi32>
      %gather3A_3163 = tpu.vector_load_idx %arg14[%add3A_3162] : memref<60000xf32, #tpu.memory_space<vmem>>[vector<16xi32>], vector<16xf32>,
      %add3A_3164 = arith.constant 5 : i32
      %add3A_3165 = vector.broadcast %add3A_3164 : i32 to vector<16xi32>
      %add3A_3166 = arith.addi %mul3A_3138, %add3A_3165 : vector<16xi32>
      %gather3A_3167 = tpu.vector_load_idx %arg14[%add3A_3166] : memref<60000xf32, #tpu.memory_space<vmem>>[vector<16xi32>], vector<16xf32>,
      %add3A_3168 = arith.constant 0 : i32
      %add3A_3169 = vector.broadcast %add3A_3168 : i32 to vector<16xi32>
      %add3A_3170 = arith.addi %mul3A_3143, %add3A_3169 : vector<16xi32>
      %gather3A_3171 = tpu.vector_load_idx %arg14[%add3A_3170] : memref<60000xf32, #tpu.memory_space<vmem>>[vector<16xi32>], vector<16xf32>,
      %add3A_3172 = arith.constant 1 : i32
      %add3A_3173 = vector.broadcast %add3A_3172 : i32 to vector<16xi32>
      %add3A_3174 = arith.addi %mul3A_3143, %add3A_3173 : vector<16xi32>
      %gather3A_3175 = tpu.vector_load_idx %arg14[%add3A_3174] : memref<60000xf32, #tpu.memory_space<vmem>>[vector<16xi32>], vector<16xf32>,
      %add3A_3176 = arith.constant 2 : i32
      %add3A_3177 = vector.broadcast %add3A_3176 : i32 to vector<16xi32>
      %add3A_3178 = arith.addi %mul3A_3143, %add3A_3177 : vector<16xi32>
      %gather3A_3179 = tpu.vector_load_idx %arg14[%add3A_3178] : memref<60000xf32, #tpu.memory_space<vmem>>[vector<16xi32>], vector<16xf32>,
      %add3A_3180 = arith.constant 3 : i32
      %add3A_3181 = vector.broadcast %add3A_3180 : i32 to vector<16xi32>
      %add3A_3182 = arith.addi %mul3A_3143, %add3A_3181 : vector<16xi32>
      %gather3A_3183 = tpu.vector_load_idx %arg14[%add3A_3182] : memref<60000xf32, #tpu.memory_space<vmem>>[vector<16xi32>], vector<16xf32>,
      %add3A_3184 = arith.constant 4 : i32
      %add3A_3185 = vector.broadcast %add3A_3184 : i32 to vector<16xi32>
      %add3A_3186 = arith.addi %mul3A_3143, %add3A_3185 : vector<16xi32>
      %gather3A_3187 = tpu.vector_load_idx %arg14[%add3A_3186] : memref<60000xf32, #tpu.memory_space<vmem>>[vector<16xi32>], vector<16xf32>,
      %add3A_3188 = arith.constant 5 : i32
      %add3A_3189 = vector.broadcast %add3A_3188 : i32 to vector<16xi32>
      %add3A_3190 = arith.addi %mul3A_3143, %add3A_3189 : vector<16xi32>
      %gather3A_3191 = tpu.vector_load_idx %arg14[%add3A_3190] : memref<60000xf32, #tpu.memory_space<vmem>>[vector<16xi32>], vector<16xf32>,
      %mul3A_3192 = arith.mulf %gather3A_3147, %gather3A_3171 : vector<16xf32>
      %mul3A_3193 = arith.mulf %gather3A_3151, %gather3A_3175 : vector<16xf32>
      %add3A_3194 = arith.addf %mul3A_3192, %mul3A_3193 : vector<16xf32>
      %mul3A_3195 = arith.mulf %gather3A_3155, %gather3A_3179 : vector<16xf32>
      %add3A_3196 = arith.addf %add3A_3194, %mul3A_3195 : vector<16xf32>
      %mul3A_3197 = arith.mulf %gather3A_3159, %gather3A_3183 : vector<16xf32>
      %add3A_3198 = arith.addf %add3A_3196, %mul3A_3197 : vector<16xf32>
      %mul3A_3199 = arith.mulf %gather3A_3147, %gather3A_3147 : vector<16xf32>
      %mul3A_3200 = arith.mulf %gather3A_3151, %gather3A_3151 : vector<16xf32>
      %add3A_3201 = arith.addf %mul3A_3199, %mul3A_3200 : vector<16xf32>
      %mul3A_3202 = arith.mulf %gather3A_3155, %gather3A_3155 : vector<16xf32>
      %add3A_3203 = arith.addf %add3A_3201, %mul3A_3202 : vector<16xf32>
      %mul3A_3204 = arith.mulf %gather3A_3159, %gather3A_3159 : vector<16xf32>
      %add3A_3205 = arith.addf %add3A_3203, %mul3A_3204 : vector<16xf32>
      %mul3A_3206 = arith.mulf %gather3A_3171, %gather3A_3171 : vector<16xf32>
      %mul3A_3207 = arith.mulf %gather3A_3175, %gather3A_3175 : vector<16xf32>
      %add3A_3208 = arith.addf %mul3A_3206, %mul3A_3207 : vector<16xf32>
      %mul3A_3209 = arith.mulf %gather3A_3179, %gather3A_3179 : vector<16xf32>
      %add3A_3210 = arith.addf %add3A_3208, %mul3A_3209 : vector<16xf32>
      %mul3A_3211 = arith.mulf %gather3A_3183, %gather3A_3183 : vector<16xf32>
      %add3A_3212 = arith.addf %add3A_3210, %mul3A_3211 : vector<16xf32>
      %max3A_3213 = arith.constant 1.000000e-16 : f32
      %max3A_3214 = vector.broadcast %max3A_3213 : f32 to vector<16xf32>
      %max3A_3215 = arith.maximumf %add3A_3205, %max3A_3214 : vector<16xf32>
      %bitcast_convert_type3A_3216 = tpu.bitcast %max3A_3215 : vector<16xf32> -> vector<16xi32>
      %shift_right_logical3A_3217 = arith.constant 1 : i32
      %shift_right_logical3A_3218 = vector.broadcast %shift_right_logical3A_3217 : i32 to vector<16xi32>
      %shift_right_logical3A_3219 = arith.shrui %bitcast_convert_type3A_3216, %shift_right_logical3A_3218 : vector<16xi32>
      %sub3A_3220 = arith.constant 1597463007 : i32
      %sub3A_3221 = vector.broadcast %sub3A_3220 : i32 to vector<16xi32>
      %sub3A_3222 = arith.subi %sub3A_3221, %shift_right_logical3A_3219 : vector<16xi32>
      %bitcast_convert_type3A_3223 = tpu.bitcast %sub3A_3222 : vector<16xi32> -> vector<16xf32>
      %mul3A_3224 = arith.constant 5.000000e-01 : f32
      %mul3A_3225 = vector.broadcast %mul3A_3224 : f32 to vector<16xf32>
      %mul3A_3226 = arith.mulf %max3A_3215, %mul3A_3225 : vector<16xf32>
      %mul3A_3227 = arith.mulf %mul3A_3226, %bitcast_convert_type3A_3223 : vector<16xf32>
      %mul3A_3228 = arith.mulf %mul3A_3227, %bitcast_convert_type3A_3223 : vector<16xf32>
      %sub3A_3229 = arith.constant 1.500000e+00 : f32
      %sub3A_3230 = vector.broadcast %sub3A_3229 : f32 to vector<16xf32>
      %sub3A_3231 = arith.subf %sub3A_3230, %mul3A_3228 : vector<16xf32>
      %mul3A_3232 = arith.mulf %bitcast_convert_type3A_3223, %sub3A_3231 : vector<16xf32>
      %mul3A_3233 = arith.mulf %mul3A_3226, %mul3A_3232 : vector<16xf32>
      %mul3A_3234 = arith.mulf %mul3A_3233, %mul3A_3232 : vector<16xf32>
      %sub3A_3235 = arith.constant 1.500000e+00 : f32
      %sub3A_3236 = vector.broadcast %sub3A_3235 : f32 to vector<16xf32>
      %sub3A_3237 = arith.subf %sub3A_3236, %mul3A_3234 : vector<16xf32>
      %mul3A_3238 = arith.mulf %mul3A_3232, %sub3A_3237 : vector<16xf32>
      %mul3A_3239 = arith.mulf %mul3A_3226, %mul3A_3238 : vector<16xf32>
      %mul3A_3240 = arith.mulf %mul3A_3239, %mul3A_3238 : vector<16xf32>
      %sub3A_3241 = arith.constant 1.500000e+00 : f32
      %sub3A_3242 = vector.broadcast %sub3A_3241 : f32 to vector<16xf32>
      %sub3A_3243 = arith.subf %sub3A_3242, %mul3A_3240 : vector<16xf32>
      %mul3A_3244 = arith.mulf %mul3A_3238, %sub3A_3243 : vector<16xf32>
      %mul3A_3245 = arith.mulf %add3A_3198, %mul3A_3244 : vector<16xf32>
      %max3A_3246 = arith.constant 1.000000e-16 : f32
      %max3A_3247 = vector.broadcast %max3A_3246 : f32 to vector<16xf32>
      %max3A_3248 = arith.maximumf %add3A_3212, %max3A_3247 : vector<16xf32>
      %bitcast_convert_type3A_3249 = tpu.bitcast %max3A_3248 : vector<16xf32> -> vector<16xi32>
      %shift_right_logical3A_3250 = arith.constant 1 : i32
      %shift_right_logical3A_3251 = vector.broadcast %shift_right_logical3A_3250 : i32 to vector<16xi32>
      %shift_right_logical3A_3252 = arith.shrui %bitcast_convert_type3A_3249, %shift_right_logical3A_3251 : vector<16xi32>
      %sub3A_3253 = arith.constant 1597463007 : i32
      %sub3A_3254 = vector.broadcast %sub3A_3253 : i32 to vector<16xi32>
      %sub3A_3255 = arith.subi %sub3A_3254, %shift_right_logical3A_3252 : vector<16xi32>
      %bitcast_convert_type3A_3256 = tpu.bitcast %sub3A_3255 : vector<16xi32> -> vector<16xf32>
      %mul3A_3257 = arith.constant 5.000000e-01 : f32
      %mul3A_3258 = vector.broadcast %mul3A_3257 : f32 to vector<16xf32>
      %mul3A_3259 = arith.mulf %max3A_3248, %mul3A_3258 : vector<16xf32>
      %mul3A_3260 = arith.mulf %mul3A_3259, %bitcast_convert_type3A_3256 : vector<16xf32>
      %mul3A_3261 = arith.mulf %mul3A_3260, %bitcast_convert_type3A_3256 : vector<16xf32>
      %sub3A_3262 = arith.constant 1.500000e+00 : f32
      %sub3A_3263 = vector.broadcast %sub3A_3262 : f32 to vector<16xf32>
      %sub3A_3264 = arith.subf %sub3A_3263, %mul3A_3261 : vector<16xf32>
      %mul3A_3265 = arith.mulf %bitcast_convert_type3A_3256, %sub3A_3264 : vector<16xf32>
      %mul3A_3266 = arith.mulf %mul3A_3259, %mul3A_3265 : vector<16xf32>
      %mul3A_3267 = arith.mulf %mul3A_3266, %mul3A_3265 : vector<16xf32>
      %sub3A_3268 = arith.constant 1.500000e+00 : f32
      %sub3A_3269 = vector.broadcast %sub3A_3268 : f32 to vector<16xf32>
      %sub3A_3270 = arith.subf %sub3A_3269, %mul3A_3267 : vector<16xf32>
      %mul3A_3271 = arith.mulf %mul3A_3265, %sub3A_3270 : vector<16xf32>
      %mul3A_3272 = arith.mulf %mul3A_3259, %mul3A_3271 : vector<16xf32>
      %mul3A_3273 = arith.mulf %mul3A_3272, %mul3A_3271 : vector<16xf32>
      %sub3A_3274 = arith.constant 1.500000e+00 : f32
      %sub3A_3275 = vector.broadcast %sub3A_3274 : f32 to vector<16xf32>
      %sub3A_3276 = arith.subf %sub3A_3275, %mul3A_3273 : vector<16xf32>
      %mul3A_3277 = arith.mulf %mul3A_3271, %sub3A_3276 : vector<16xf32>
      %mul3A_3278 = arith.mulf %mul3A_3245, %mul3A_3277 : vector<16xf32>
      %sub3A_3279 = arith.subf %gather3A_3163, %gather3A_3187 : vector<16xf32>
      %sub3A_3280 = arith.subf %gather3A_3167, %gather3A_3191 : vector<16xf32>
      %mul3A_3281 = arith.mulf %sub3A_3279, %sub3A_3279 : vector<16xf32>
      %mul3A_3282 = arith.mulf %sub3A_3280, %sub3A_3280 : vector<16xf32>
      %add3A_3283 = arith.addf %mul3A_3281, %mul3A_3282 : vector<16xf32>
      %add3A_3284 = arith.constant 9.99999996E-13 : f32
      %add3A_3285 = vector.broadcast %add3A_3284 : f32 to vector<16xf32>
      %add3A_3286 = arith.addf %add3A_3283, %add3A_3285 : vector<16xf32>
      %bitcast_convert_type3A_3287 = tpu.bitcast %add3A_3286 : vector<16xf32> -> vector<16xi32>
      %shift_right_logical3A_3288 = arith.constant 1 : i32
      %shift_right_logical3A_3289 = vector.broadcast %shift_right_logical3A_3288 : i32 to vector<16xi32>
      %shift_right_logical3A_3290 = arith.shrui %bitcast_convert_type3A_3287, %shift_right_logical3A_3289 : vector<16xi32>
      %sub3A_3291 = arith.constant 1597463007 : i32
      %sub3A_3292 = vector.broadcast %sub3A_3291 : i32 to vector<16xi32>
      %sub3A_3293 = arith.subi %sub3A_3292, %shift_right_logical3A_3290 : vector<16xi32>
      %bitcast_convert_type3A_3294 = tpu.bitcast %sub3A_3293 : vector<16xi32> -> vector<16xf32>
      %mul3A_3295 = arith.constant 5.000000e-01 : f32
      %mul3A_3296 = vector.broadcast %mul3A_3295 : f32 to vector<16xf32>
      %mul3A_3297 = arith.mulf %add3A_3286, %mul3A_3296 : vector<16xf32>
      %mul3A_3298 = arith.mulf %mul3A_3297, %bitcast_convert_type3A_3294 : vector<16xf32>
      %mul3A_3299 = arith.mulf %mul3A_3298, %bitcast_convert_type3A_3294 : vector<16xf32>
      %sub3A_3300 = arith.constant 1.500000e+00 : f32
      %sub3A_3301 = vector.broadcast %sub3A_3300 : f32 to vector<16xf32>
      %sub3A_3302 = arith.subf %sub3A_3301, %mul3A_3299 : vector<16xf32>
      %mul3A_3303 = arith.mulf %bitcast_convert_type3A_3294, %sub3A_3302 : vector<16xf32>
      %mul3A_3304 = arith.mulf %mul3A_3297, %mul3A_3303 : vector<16xf32>
      %mul3A_3305 = arith.mulf %mul3A_3304, %mul3A_3303 : vector<16xf32>
      %sub3A_3306 = arith.constant 1.500000e+00 : f32
      %sub3A_3307 = vector.broadcast %sub3A_3306 : f32 to vector<16xf32>
      %sub3A_3308 = arith.subf %sub3A_3307, %mul3A_3305 : vector<16xf32>
      %mul3A_3309 = arith.mulf %mul3A_3303, %sub3A_3308 : vector<16xf32>
      %mul3A_3310 = arith.mulf %mul3A_3297, %mul3A_3309 : vector<16xf32>
      %mul3A_3311 = arith.mulf %mul3A_3310, %mul3A_3309 : vector<16xf32>
      %sub3A_3312 = arith.constant 1.500000e+00 : f32
      %sub3A_3313 = vector.broadcast %sub3A_3312 : f32 to vector<16xf32>
      %sub3A_3314 = arith.subf %sub3A_3313, %mul3A_3311 : vector<16xf32>
      %mul3A_3315 = arith.mulf %mul3A_3309, %sub3A_3314 : vector<16xf32>
      %get3A_3316 = arith.constant 64 : index
      %get3A_3317 = tpu.vector_load %arg12[%get3A_3316] {strides = array<i32>} : memref<80xf32, #tpu.memory_space<vmem>>, vector<16xf32>,
      %abs3A_3318 = math.absf %get3A_3317 : vector<16xf32>
      %abs3A_3319 = math.absf %sub3A_3279 : vector<16xf32>
      %abs3A_3320 = math.absf %sub3A_3280 : vector<16xf32>
      %mul3A_3321 = arith.mulf %sub3A_3279, %mul3A_3315 : vector<16xf32>
      %mul3A_3322 = arith.mulf %sub3A_3280, %mul3A_3315 : vector<16xf32>
      %iota3A_3323 = tpu.iota {dimensions = array<i32: 0>} : vector<16xi32>
      %add3A_3324 = arith.constant 64 : i32
      %add3A_3325 = vector.broadcast %add3A_3324 : i32 to vector<16xi32>
      %add3A_3326 = arith.addi %iota3A_3323, %add3A_3325 : vector<16xi32>
      %broadcast_in_dim3A_3327 = arith.constant 256 : i32
      %broadcast_in_dim3A_3328 = vector.broadcast %broadcast_in_dim3A_3327 : i32 to vector<16xi32>
      tpu.vector_store_idx %arg15[%add3A_3326, %broadcast_in_dim3A_3328], %abs3A_3318 : memref<80x264xf32, #tpu.memory_space<vmem>>[vector<16xi32>, vector<16xi32>], vector<16xf32>,
      %broadcast_in_dim3A_3329 = arith.constant 257 : i32
      %broadcast_in_dim3A_3330 = vector.broadcast %broadcast_in_dim3A_3329 : i32 to vector<16xi32>
      tpu.vector_store_idx %arg15[%add3A_3326, %broadcast_in_dim3A_3330], %mul3A_3278 : memref<80x264xf32, #tpu.memory_space<vmem>>[vector<16xi32>, vector<16xi32>], vector<16xf32>,
      %broadcast_in_dim3A_3331 = arith.constant 258 : i32
      %broadcast_in_dim3A_3332 = vector.broadcast %broadcast_in_dim3A_3331 : i32 to vector<16xi32>
      tpu.vector_store_idx %arg15[%add3A_3326, %broadcast_in_dim3A_3332], %sub3A_3279 : memref<80x264xf32, #tpu.memory_space<vmem>>[vector<16xi32>, vector<16xi32>], vector<16xf32>,
      %broadcast_in_dim3A_3333 = arith.constant 259 : i32
      %broadcast_in_dim3A_3334 = vector.broadcast %broadcast_in_dim3A_3333 : i32 to vector<16xi32>
      tpu.vector_store_idx %arg15[%add3A_3326, %broadcast_in_dim3A_3334], %sub3A_3280 : memref<80x264xf32, #tpu.memory_space<vmem>>[vector<16xi32>, vector<16xi32>], vector<16xf32>,
      %broadcast_in_dim3A_3335 = arith.constant 260 : i32
      %broadcast_in_dim3A_3336 = vector.broadcast %broadcast_in_dim3A_3335 : i32 to vector<16xi32>
      tpu.vector_store_idx %arg15[%add3A_3326, %broadcast_in_dim3A_3336], %abs3A_3319 : memref<80x264xf32, #tpu.memory_space<vmem>>[vector<16xi32>, vector<16xi32>], vector<16xf32>,
      %broadcast_in_dim3A_3337 = arith.constant 261 : i32
      %broadcast_in_dim3A_3338 = vector.broadcast %broadcast_in_dim3A_3337 : i32 to vector<16xi32>
      tpu.vector_store_idx %arg15[%add3A_3326, %broadcast_in_dim3A_3338], %abs3A_3320 : memref<80x264xf32, #tpu.memory_space<vmem>>[vector<16xi32>, vector<16xi32>], vector<16xf32>,
      %broadcast_in_dim3A_3339 = arith.constant 262 : i32
      %broadcast_in_dim3A_3340 = vector.broadcast %broadcast_in_dim3A_3339 : i32 to vector<16xi32>
      tpu.vector_store_idx %arg15[%add3A_3326, %broadcast_in_dim3A_3340], %mul3A_3321 : memref<80x264xf32, #tpu.memory_space<vmem>>[vector<16xi32>, vector<16xi32>], vector<16xf32>,
      %broadcast_in_dim3A_3341 = arith.constant 263 : i32
      %broadcast_in_dim3A_3342 = vector.broadcast %broadcast_in_dim3A_3341 : i32 to vector<16xi32>
      tpu.vector_store_idx %arg15[%add3A_3326, %broadcast_in_dim3A_3342], %mul3A_3322 : memref<80x264xf32, #tpu.memory_space<vmem>>[vector<16xi32>, vector<16xi32>], vector<16xf32>,
      %dma_wait3A_3343 = arith.constant 0 : i32
      %dma_wait3A_3344 = arith.constant 0 : i32
      %dma_wait3A_3345 = tpu.memref_slice %arg7[%dma_wait3A_3343, %dma_wait3A_3344] : memref<320000x264xf32, #tpu.memory_space<hbm>> -> memref<80x264xf32, #tpu.memory_space<hbm>>
      %dma_wait3A_3346 = arith.constant 0 : i32
      %dma_wait3A_3347 = arith.constant 0 : i32
      %dma_wait3A_3348 = tpu.memref_slice %arg7[%dma_wait3A_3346, %dma_wait3A_3347] : memref<320000x264xf32, #tpu.memory_space<hbm>> -> memref<80x264xf32, #tpu.memory_space<hbm>>
      tpu.wait_dma2 semaphore(%arg20 : memref<!tpu.dma_semaphore, #tpu.memory_space<semaphore_mem>>) src(%dma_wait3A_3348 : memref<80x264xf32, #tpu.memory_space<hbm>>) dst(%arg16 : memref<80x264xf32, #tpu.memory_space<vmem>>)
      %dma_wait3A_3349 = arith.constant 0 : i32
      %dma_wait3A_3350 = tpu.memref_slice %arg2[%dma_wait3A_3349] : memref<320000xi32, #tpu.memory_space<hbm>> -> memref<80xi32, #tpu.memory_space<hbm>>
      %dma_wait3A_3351 = arith.constant 0 : i32
      %dma_wait3A_3352 = tpu.memref_slice %arg2[%dma_wait3A_3351] : memref<320000xi32, #tpu.memory_space<hbm>> -> memref<80xi32, #tpu.memory_space<hbm>>
      tpu.wait_dma2 semaphore(%arg22 : memref<!tpu.dma_semaphore, #tpu.memory_space<semaphore_mem>>) src(%dma_wait3A_3352 : memref<80xi32, #tpu.memory_space<hbm>>) dst(%arg9 : memref<80xi32, #tpu.memory_space<vmem>>)
      %dma_wait3A_3353 = arith.constant 0 : i32
      %dma_wait3A_3354 = tpu.memref_slice %arg3[%dma_wait3A_3353] : memref<320000xi32, #tpu.memory_space<hbm>> -> memref<80xi32, #tpu.memory_space<hbm>>
      %dma_wait3A_3355 = arith.constant 0 : i32
      %dma_wait3A_3356 = tpu.memref_slice %arg3[%dma_wait3A_3355] : memref<320000xi32, #tpu.memory_space<hbm>> -> memref<80xi32, #tpu.memory_space<hbm>>
      tpu.wait_dma2 semaphore(%arg22 : memref<!tpu.dma_semaphore, #tpu.memory_space<semaphore_mem>>) src(%dma_wait3A_3356 : memref<80xi32, #tpu.memory_space<hbm>>) dst(%arg11 : memref<80xi32, #tpu.memory_space<vmem>>)
      %dma_wait3A_3357 = arith.constant 0 : i32
      %dma_wait3A_3358 = tpu.memref_slice %arg4[%dma_wait3A_3357] : memref<320000xf32, #tpu.memory_space<hbm>> -> memref<80xf32, #tpu.memory_space<hbm>>
      %dma_wait3A_3359 = arith.constant 0 : i32
      %dma_wait3A_3360 = tpu.memref_slice %arg4[%dma_wait3A_3359] : memref<320000xf32, #tpu.memory_space<hbm>> -> memref<80xf32, #tpu.memory_space<hbm>>
      tpu.wait_dma2 semaphore(%arg22 : memref<!tpu.dma_semaphore, #tpu.memory_space<semaphore_mem>>) src(%dma_wait3A_3360 : memref<80xf32, #tpu.memory_space<hbm>>) dst(%arg13 : memref<80xf32, #tpu.memory_space<vmem>>)
      %dma_start3A_3361 = arith.constant 0 : i32
      %dma_start3A_3362 = arith.constant 0 : i32
      %dma_start3A_3363 = tpu.memref_slice %arg16[%dma_start3A_3361, %dma_start3A_3362] : memref<80x264xf32, #tpu.memory_space<vmem>> -> memref<80x128xf32, #tpu.memory_space<vmem>>
      %dma_start3A_3364 = arith.constant 0 : i32
      %dma_start3A_3365 = arith.constant 0 : i32
      %dma_start3A_3366 = tpu.memref_slice %arg5[%dma_start3A_3364, %dma_start3A_3365] : memref<10000x128xf32, #tpu.memory_space<hbm>> -> memref<10000x128xf32, #tpu.memory_space<hbm>>
      tpu.enqueue_indirect_dma source(%dma_start3A_3366 : memref<10000x128xf32, #tpu.memory_space<hbm>>) target(%dma_start3A_3363 : memref<80x128xf32, #tpu.memory_space<vmem>>) offsets(%arg9 : memref<80xi32, #tpu.memory_space<vmem>>) semaphore(%arg18 : memref<!tpu.dma_semaphore, #tpu.memory_space<semaphore_mem>>)
      %dma_start3A_3367 = arith.constant 0 : i32
      %dma_start3A_3368 = arith.constant 128 : i32
      %dma_start3A_3369 = tpu.memref_slice %arg16[%dma_start3A_3367, %dma_start3A_3368] : memref<80x264xf32, #tpu.memory_space<vmem>> -> memref<80x128xf32, #tpu.memory_space<vmem>>
      %dma_start3A_3370 = arith.constant 0 : i32
      %dma_start3A_3371 = arith.constant 0 : i32
      %dma_start3A_3372 = tpu.memref_slice %arg5[%dma_start3A_3370, %dma_start3A_3371] : memref<10000x128xf32, #tpu.memory_space<hbm>> -> memref<10000x128xf32, #tpu.memory_space<hbm>>
      tpu.enqueue_indirect_dma source(%dma_start3A_3372 : memref<10000x128xf32, #tpu.memory_space<hbm>>) target(%dma_start3A_3369 : memref<80x128xf32, #tpu.memory_space<vmem>>) offsets(%arg11 : memref<80xi32, #tpu.memory_space<vmem>>) semaphore(%arg18 : memref<!tpu.dma_semaphore, #tpu.memory_space<semaphore_mem>>)
      %dma_wait3A_3373 = arith.constant 0 : i32
      %dma_wait3A_3374 = arith.constant 0 : i32
      %dma_wait3A_3375 = tpu.memref_slice %arg15[%dma_wait3A_3373, %dma_wait3A_3374] : memref<80x264xf32, #tpu.memory_space<vmem>> -> memref<80x128xf32, #tpu.memory_space<vmem>>
      %dma_wait3A_3376 = arith.constant 0 : i32
      %dma_wait3A_3377 = arith.constant 0 : i32
      %dma_wait3A_3378 = tpu.memref_slice %arg5[%dma_wait3A_3376, %dma_wait3A_3377] : memref<10000x128xf32, #tpu.memory_space<hbm>> -> memref<10000x128xf32, #tpu.memory_space<hbm>>
      tpu.wait_indirect_dma semaphore(%arg17 : memref<!tpu.dma_semaphore, #tpu.memory_space<semaphore_mem>>) src(%dma_wait3A_3378 : memref<10000x128xf32, #tpu.memory_space<hbm>>) dst(%dma_wait3A_3375 : memref<80x128xf32, #tpu.memory_space<vmem>>)
      %dma_wait3A_3379 = arith.constant 0 : i32
      %dma_wait3A_3380 = arith.constant 128 : i32
      %dma_wait3A_3381 = tpu.memref_slice %arg15[%dma_wait3A_3379, %dma_wait3A_3380] : memref<80x264xf32, #tpu.memory_space<vmem>> -> memref<80x128xf32, #tpu.memory_space<vmem>>
      %dma_wait3A_3382 = arith.constant 0 : i32
      %dma_wait3A_3383 = arith.constant 0 : i32
      %dma_wait3A_3384 = tpu.memref_slice %arg5[%dma_wait3A_3382, %dma_wait3A_3383] : memref<10000x128xf32, #tpu.memory_space<hbm>> -> memref<10000x128xf32, #tpu.memory_space<hbm>>
      tpu.wait_indirect_dma semaphore(%arg17 : memref<!tpu.dma_semaphore, #tpu.memory_space<semaphore_mem>>) src(%dma_wait3A_3384 : memref<10000x128xf32, #tpu.memory_space<hbm>>) dst(%dma_wait3A_3381 : memref<80x128xf32, #tpu.memory_space<vmem>>)
      %add3A_3385 = arith.constant 2 : i32
      %add3A_3386 = arith.addi %add3A_2294, %add3A_3385 : i32
      %mul3A_3387 = arith.constant 80 : i32
      %mul3A_3388 = arith.muli %add3A_3386, %mul3A_3387 : i32
      %add3A_3389 = arith.addi %mul3A_2, %mul3A_3388 : i32
      %add3A_3390 = arith.constant 10000 : i32
      %add3A_3391 = arith.addi %mul3A_2, %add3A_3390 : i32
      %sub3A_3392 = arith.constant 80 : i32
      %sub3A_3393 = arith.subi %add3A_3391, %sub3A_3392 : i32
      %min3A_3394 = arith.minsi %add3A_3389, %sub3A_3393 : i32
      %dma_start3A_3395 = tpu.memref_slice %arg2[%min3A_3394] : memref<320000xi32, #tpu.memory_space<hbm>> -> memref<80xi32, #tpu.memory_space<hbm>>
      %dma_start3A_3396 = tpu.memref_slice %arg2[%min3A_3394] : memref<320000xi32, #tpu.memory_space<hbm>> -> memref<80xi32, #tpu.memory_space<hbm>>
      tpu.enqueue_dma source(%dma_start3A_3396 : memref<80xi32, #tpu.memory_space<hbm>>) target(%arg8 : memref<80xi32, #tpu.memory_space<vmem>>) target_semaphore(%arg21 : memref<!tpu.dma_semaphore, #tpu.memory_space<semaphore_mem>>)
      %dma_start3A_3397 = tpu.memref_slice %arg3[%min3A_3394] : memref<320000xi32, #tpu.memory_space<hbm>> -> memref<80xi32, #tpu.memory_space<hbm>>
      %dma_start3A_3398 = tpu.memref_slice %arg3[%min3A_3394] : memref<320000xi32, #tpu.memory_space<hbm>> -> memref<80xi32, #tpu.memory_space<hbm>>
      tpu.enqueue_dma source(%dma_start3A_3398 : memref<80xi32, #tpu.memory_space<hbm>>) target(%arg10 : memref<80xi32, #tpu.memory_space<vmem>>) target_semaphore(%arg21 : memref<!tpu.dma_semaphore, #tpu.memory_space<semaphore_mem>>)
      %dma_start3A_3399 = tpu.memref_slice %arg4[%min3A_3394] : memref<320000xf32, #tpu.memory_space<hbm>> -> memref<80xf32, #tpu.memory_space<hbm>>
      %dma_start3A_3400 = tpu.memref_slice %arg4[%min3A_3394] : memref<320000xf32, #tpu.memory_space<hbm>> -> memref<80xf32, #tpu.memory_space<hbm>>
      tpu.enqueue_dma source(%dma_start3A_3400 : memref<80xf32, #tpu.memory_space<hbm>>) target(%arg12 : memref<80xf32, #tpu.memory_space<vmem>>) target_semaphore(%arg21 : memref<!tpu.dma_semaphore, #tpu.memory_space<semaphore_mem>>)
      %dma_start3A_3401 = arith.constant 0 : i32
      %dma_start3A_3402 = tpu.memref_slice %arg7[%add3A_2297, %dma_start3A_3401] : memref<320000x264xf32, #tpu.memory_space<hbm>> -> memref<80x264xf32, #tpu.memory_space<hbm>>
      %dma_start3A_3403 = arith.constant 0 : i32
      %dma_start3A_3404 = tpu.memref_slice %arg7[%add3A_2297, %dma_start3A_3403] : memref<320000x264xf32, #tpu.memory_space<hbm>> -> memref<80x264xf32, #tpu.memory_space<hbm>>
      tpu.enqueue_dma source(%arg15 : memref<80x264xf32, #tpu.memory_space<vmem>>) target(%dma_start3A_3404 : memref<80x264xf32, #tpu.memory_space<hbm>>) target_semaphore(%arg19 : memref<!tpu.dma_semaphore, #tpu.memory_space<semaphore_mem>>)
    }
    %scan3A_1145 = arith.constant 62 : i32
    %dma_wait3A_1146 = arith.constant 0 : i32
    %dma_wait3A_1147 = arith.constant 0 : i32
    %dma_wait3A_1148 = tpu.memref_slice %arg7[%dma_wait3A_1146, %dma_wait3A_1147] : memref<320000x264xf32, #tpu.memory_space<hbm>> -> memref<80x264xf32, #tpu.memory_space<hbm>>
    %dma_wait3A_1149 = arith.constant 0 : i32
    %dma_wait3A_1150 = arith.constant 0 : i32
    %dma_wait3A_1151 = tpu.memref_slice %arg7[%dma_wait3A_1149, %dma_wait3A_1150] : memref<320000x264xf32, #tpu.memory_space<hbm>> -> memref<80x264xf32, #tpu.memory_space<hbm>>
    tpu.wait_dma2 semaphore(%arg19 : memref<!tpu.dma_semaphore, #tpu.memory_space<semaphore_mem>>) src(%dma_wait3A_1151 : memref<80x264xf32, #tpu.memory_space<hbm>>) dst(%arg15 : memref<80x264xf32, #tpu.memory_space<vmem>>)
    %dma_wait3A_1152 = arith.constant 0 : i32
    %dma_wait3A_1153 = arith.constant 0 : i32
    %dma_wait3A_1154 = tpu.memref_slice %arg16[%dma_wait3A_1152, %dma_wait3A_1153] : memref<80x264xf32, #tpu.memory_space<vmem>> -> memref<80x128xf32, #tpu.memory_space<vmem>>
    %dma_wait3A_1155 = arith.constant 0 : i32
    %dma_wait3A_1156 = arith.constant 0 : i32
    %dma_wait3A_1157 = tpu.memref_slice %arg5[%dma_wait3A_1155, %dma_wait3A_1156] : memref<10000x128xf32, #tpu.memory_space<hbm>> -> memref<10000x128xf32, #tpu.memory_space<hbm>>
    tpu.wait_indirect_dma semaphore(%arg18 : memref<!tpu.dma_semaphore, #tpu.memory_space<semaphore_mem>>) src(%dma_wait3A_1157 : memref<10000x128xf32, #tpu.memory_space<hbm>>) dst(%dma_wait3A_1154 : memref<80x128xf32, #tpu.memory_space<vmem>>)
    %dma_wait3A_1158 = arith.constant 0 : i32
    %dma_wait3A_1159 = arith.constant 128 : i32
    %dma_wait3A_1160 = tpu.memref_slice %arg16[%dma_wait3A_1158, %dma_wait3A_1159] : memref<80x264xf32, #tpu.memory_space<vmem>> -> memref<80x128xf32, #tpu.memory_space<vmem>>
    %dma_wait3A_1161 = arith.constant 0 : i32
    %dma_wait3A_1162 = arith.constant 0 : i32
    %dma_wait3A_1163 = tpu.memref_slice %arg5[%dma_wait3A_1161, %dma_wait3A_1162] : memref<10000x128xf32, #tpu.memory_space<hbm>> -> memref<10000x128xf32, #tpu.memory_space<hbm>>
    tpu.wait_indirect_dma semaphore(%arg18 : memref<!tpu.dma_semaphore, #tpu.memory_space<semaphore_mem>>) src(%dma_wait3A_1163 : memref<10000x128xf32, #tpu.memory_space<hbm>>) dst(%dma_wait3A_1160 : memref<80x128xf32, #tpu.memory_space<vmem>>)
    %dma_wait3A_1164 = arith.constant 0 : i32
    %dma_wait3A_1165 = tpu.memref_slice %arg2[%dma_wait3A_1164] : memref<320000xi32, #tpu.memory_space<hbm>> -> memref<80xi32, #tpu.memory_space<hbm>>
    %dma_wait3A_1166 = arith.constant 0 : i32
    %dma_wait3A_1167 = tpu.memref_slice %arg2[%dma_wait3A_1166] : memref<320000xi32, #tpu.memory_space<hbm>> -> memref<80xi32, #tpu.memory_space<hbm>>
    tpu.wait_dma2 semaphore(%arg21 : memref<!tpu.dma_semaphore, #tpu.memory_space<semaphore_mem>>) src(%dma_wait3A_1167 : memref<80xi32, #tpu.memory_space<hbm>>) dst(%arg8 : memref<80xi32, #tpu.memory_space<vmem>>)
    %dma_wait3A_1168 = arith.constant 0 : i32
    %dma_wait3A_1169 = tpu.memref_slice %arg3[%dma_wait3A_1168] : memref<320000xi32, #tpu.memory_space<hbm>> -> memref<80xi32, #tpu.memory_space<hbm>>
    %dma_wait3A_1170 = arith.constant 0 : i32
    %dma_wait3A_1171 = tpu.memref_slice %arg3[%dma_wait3A_1170] : memref<320000xi32, #tpu.memory_space<hbm>> -> memref<80xi32, #tpu.memory_space<hbm>>
    tpu.wait_dma2 semaphore(%arg21 : memref<!tpu.dma_semaphore, #tpu.memory_space<semaphore_mem>>) src(%dma_wait3A_1171 : memref<80xi32, #tpu.memory_space<hbm>>) dst(%arg10 : memref<80xi32, #tpu.memory_space<vmem>>)
    %dma_wait3A_1172 = arith.constant 0 : i32
    %dma_wait3A_1173 = tpu.memref_slice %arg4[%dma_wait3A_1172] : memref<320000xf32, #tpu.memory_space<hbm>> -> memref<80xf32, #tpu.memory_space<hbm>>
    %dma_wait3A_1174 = arith.constant 0 : i32
    %dma_wait3A_1175 = tpu.memref_slice %arg4[%dma_wait3A_1174] : memref<320000xf32, #tpu.memory_space<hbm>> -> memref<80xf32, #tpu.memory_space<hbm>>
    tpu.wait_dma2 semaphore(%arg21 : memref<!tpu.dma_semaphore, #tpu.memory_space<semaphore_mem>>) src(%dma_wait3A_1175 : memref<80xf32, #tpu.memory_space<hbm>>) dst(%arg12 : memref<80xf32, #tpu.memory_space<vmem>>)
    return
  }
}

</mosaic_0001>

<sc_bundles>
// kernel: _encode.3.cloned.1.call-start
scs
__scs_entry_jumppad:
0x0: {  	(pc) =	sbr.rel $0x88, $3  }
0x1: {  	(tag) =	ssettag $0x0;
	lr =	simm.s32 $0x1  }
0x2: {  	[smem:$0x3F9C] =	sst lr;
	_ =	strace $0xD0000000  }
0x3: {  	_ = 	snop  }
0x4: {  	_ = 	snop  }
0x5: {  	_ = 	snop  }
0x6: {  	_ = 	snop  }
0x7: {  	_ = 	snop  }
__scs_overlays_trampoline_lowered:
0x8: {  	[smem:$0x3FAB] =	sst s0  }
0x9: {  	[smem:$0x3FAC] =	sst s1  }
0xa: {  	[smem:$0x3FAD] =	sst s2  }
0xb: {  	[smem:$0x3FAE] =	sst s3  }
0xc: {  	[smem:$0x3FAF] =	sst s4  }
0xd: {  	[smem:$0x3FB0] =	sst s5  }
0xe: {  	[smem:$0x3FB1] =	sst s6  }
0xf: {  	[smem:$0x3FB2] =	sst s7  }
0x10: {  	[smem:$0x3FB3] =	sst s8  }
0x11: {  	[smem:$0x3FB4] =	sst s9;
	s0 =	simm.s32 @!p0 $0x0  }
0x12: {  	s1 =	sld [smem:$0x3F9A];
	s0 =	simm.s32 @p0 $0x1  }
0x13: {  	[smem:$0x3FB5] =	sst s0;
	s0 =	simm.s32 @!p1 $0x0  }
0x14: {  	s2 =	sld [smem:$0x3F99];
	s0 =	simm.s32 @p1 $0x1  }
0x15: {  	[smem:$0x3FB6] =	sst s0;
	s0 =	simm.s32 @!p2 $0x0  }
0x16: {  	s3 =	sld [smem:$0x3FDB];
	s0 =	simm.s32 @p2 $0x1  }
0x17: {  	s4 =	simm.s32 $0x1BF5;
	[smem:$0x3FB8] =	sst s0  }
0x18: {  	s0 =	sld [smem:$0x3F9B];
	_ =	swait.ge [sflag:s4], $0x0  }
0x19: {  	s7 =	sld [smem:$0x3F9C]  }
0x1a: {  	s8 =	sadd.s32 $0xFFFFE003, lr  }
0x1b: {  	s9 =	sadd.s32 $0xFFFFFEF7, lr;
	s5 =	simm.s32 $0xFFFFFFFF;
	p2 =	slt.u32 s8, $0xFFFFF086  }
0x1c: {  	p1 =	slt.u32 s9, $0xF7A;
	s5 =	simm.s32 @!p2 $0x0  }
0x1d: {  	s5 =	simm.s32 @p1 $0x1;
	p0 =	seq.s32 s7, s2  }
0x1e: {  	s7 =	smul.u32 @!p0 $0xF7A, s2;
	p2 =	seq.s32 @!p0 s5, $0x0  }
0x1f: {  	s9 =	smul.u32 $0xF7A, s1;
	s8 =	simm.s32 @!p0 $0x1BF5;
	p2 =	por !p2, p0  }
0x20: {  	[sflag:s8] =	ssyncset.s32 @!p0 $0xFFFFF086;
	s6 =	sadd.s32 @!p0 s3, s7;
	s7 =	simm.s32 @!p0 $0x108  }
0x21: {  	s3 =	sadd.s32 s3, s9;
	s6 =	sadd.s32 @!p0 $0x88, s6;
	s7 =	simm.s32 @p2 $0x1082  }
0x22: {  	[simem:s7], [sflag:s8] =	dma.local @!p0 [hbm:s6], $0xF7A  }
0x23: {  	s9 =	sor.u32 $0xD0000000, s2;
	s6 =	simm.s32 $0x108;
	_ =	swait.ge @!p0 [sflag:s8], $0x0  }
0x24: {  	s3 =	sadd.s32 $0x88, s3;
	s6 =	simm.s32 @!p1 $0x1082;
	[sflag:s4] =	ssyncset.s32 $0xFFFFF086  }
0x25: {  	[simem:s6], [sflag:s4] =	dma.local [hbm:s3], $0xF7A  }
0x26: {  	[smem:$0x3F9C] =	sst s1;
	(tag) =	ssettag s2;
	_ =	strace s9  }
0x27: {  	s1 =	sld [smem:$0x3FAC]  }
0x28: {  	s2 =	sld [smem:$0x3FAD]  }
0x29: {  	s4 =	sld [smem:$0x3FAF]  }
0x2a: {  	p0 =	seq.s32 s5, $0x0;
	s5 =	sld [smem:$0x3FB0]  }
0x2b: {  	s6 =	sld [smem:$0x3FB1]  }
0x2c: {  	s7 =	sld [smem:$0x3FB2]  }
0x2d: {  	s3 =	simm.s32 $0x108;
	s8 =	sld [smem:$0x3FB3]  }
0x2e: {  	s3 =	simm.s32 @!p0 $0x1082;
	s9 =	sld [smem:$0x3FB4]  }
0x2f: {  	lr =	sadd.s32 s0, s3;
	s0 =	sld [smem:$0x3FAB]  }
0x30: {  	s3 =	sld [smem:$0x3FAE]  }
0x31: {  	[smem:$0x3FB7] =	sst s10  }
0x32: {  	s10 =	sld [smem:$0x3FB5];
	_ =	sdelay $0x3  }
0x33: {  	p0 =	seq.s32 s10, $0x1;
	s10 =	sld [smem:$0x3FB7];
	_ =	sdelay $0x3  }
0x34: {  	[smem:$0x3FB7] =	sst s10  }
0x35: {  	s10 =	sld [smem:$0x3FB6];
	_ =	sdelay $0x3  }
0x36: {  	p1 =	seq.s32 s10, $0x1;
	s10 =	sld [smem:$0x3FB7];
	_ =	sdelay $0x3  }
0x37: {  	[smem:$0x3FB7] =	sst s10  }
0x38: {  	s10 =	sld [smem:$0x3FB8]  }
0x39: {  	_ = 	snop;
	(pc) =	sbr.ind lr, $3  }
0x3a: {  	_ = 	snop  }
0x3b: {  	_ = 	snop  }
0x3c: {  	p2 =	seq.s32 s10, $0x1;
	s10 =	sld [smem:$0x3FB7]  }
0x3d: {  	_ =	shalt  }
0x3e: {  	_ =	shalt  }
0x3f: {  	_ =	shalt  }
0x40: {  	_ =	shalt  }
0x41: {  	_ =	shalt  }
0x42: {  	_ =	shalt  }
0x43: {  	_ =	shalt  }
0x44: {  	_ =	shalt  }
0x45: {  	_ =	shalt  }
0x46: {  	_ =	shalt  }
0x47: {  	_ =	shalt  }
0x48: {  	_ =	shalt  }
0x49: {  	_ =	shalt  }
0x4a: {  	_ =	shalt  }
0x4b: {  	_ =	shalt  }
0x4c: {  	_ =	shalt  }
0x4d: {  	_ =	shalt  }
0x4e: {  	_ =	shalt  }
0x4f: {  	_ =	shalt  }
0x50: {  	_ =	shalt  }
0x51: {  	_ =	shalt  }
0x52: {  	_ =	shalt  }
0x53: {  	_ =	shalt  }
0x54: {  	_ =	shalt  }
0x55: {  	_ =	shalt  }
0x56: {  	_ =	shalt  }
0x57: {  	_ =	shalt  }
0x58: {  	_ =	shalt  }
0x59: {  	_ =	shalt  }
0x5a: {  	_ =	shalt  }
0x5b: {  	_ =	shalt  }
0x5c: {  	_ =	shalt  }
0x5d: {  	_ =	shalt  }
0x5e: {  	_ =	shalt  }
0x5f: {  	_ =	shalt  }
0x60: {  	_ =	shalt  }
0x61: {  	_ =	shalt  }
0x62: {  	_ =	shalt  }
0x63: {  	_ =	shalt  }
0x64: {  	_ =	shalt  }
0x65: {  	_ =	shalt  }
0x66: {  	_ =	shalt  }
0x67: {  	_ =	shalt  }
0x68: {  	_ =	shalt  }
0x69: {  	_ =	shalt  }
0x6a: {  	_ =	shalt  }
0x6b: {  	_ =	shalt  }
0x6c: {  	_ =	shalt  }
0x6d: {  	_ =	shalt  }
0x6e: {  	_ =	shalt  }
0x6f: {  	_ =	shalt  }
0x70: {  	_ =	shalt  }
0x71: {  	_ =	shalt  }
0x72: {  	_ =	shalt  }
0x73: {  	_ =	shalt  }
0x74: {  	_ =	shalt  }
0x75: {  	_ =	shalt  }
0x76: {  	_ =	shalt  }
0x77: {  	_ =	shalt  }
0x78: {  	_ =	shalt  }
0x79: {  	_ =	shalt  }
0x7a: {  	_ =	shalt  }
0x7b: {  	_ =	shalt  }
0x7c: {  	_ =	shalt  }
0x7d: {  	_ =	shalt  }
0x7e: {  	_ =	shalt  }
0x7f: {  	_ =	shalt  }
0x80: {  	_ =	shalt  }
0x81: {  	_ =	shalt  }
0x82: {  	_ =	shalt  }
0x83: {  	_ =	shalt  }
0x84: {  	_ =	shalt  }
0x85: {  	_ =	shalt  }
0x86: {  	_ =	shalt  }
0x87: {  	_ =	shalt  }
.Lfunc_end0:
.L_simem_size_0:
called_computation_lowered:
.L_overlay_start_0:
0x88: {  	s2 =	sld [smem:$0x3FD9]  }
0x89: {  	s3 =	sld [smem:$0x3FFE];
	_ =	sdelay $0x1  }
0x8a: {  	s1 =	srdreg.scid  }
0x8b: {  	s0 =	sand.u32 $0x1, s1  }
0x8c: {  	s17 =	sshll.u32 s0, $0xA;
	s2 =	sadd.s32 s3, s2  }
0x8d: {  	s2 =	sadd.s32 s2, s17  }
0x8e: {  	[smem:$0x3FC3] =	sst s2  }
0x8f: {  	_ = 	snop  }
0x90: {  	s2 =	sld [smem:$0x3FC9]  }
0x91: {  	s18 =	sld [smem:$0x3FC8]  }
0x92: {  	s4 =	sld [smem:$0x3FC7]  }
0x93: {  	s5 =	sld [smem:$0x3FC6]  }
0x94: {  	s6 =	sld [smem:$0x3FC5];
	(tm) =	ssettm $0x1  }
0x95: {  	s7 =	sld [smem:$0x3FFB];
	_ =	sdelay $0x3  }
0x96: {  	_ =	strace s7  }
0x97: {  	s7 =	sld [smem:$0x3FFC];
	_ =	sdelay $0x3  }
0x98: {  	_ =	strace s7  }
0x99: {  	s7 =	sld [smem:$0x3FFD];
	_ =	sdelay $0x3  }
0x9a: {  	_ =	strace s7  }
0x9b: {  	_ =	strace $0x8FFFFFFF  }
0x9c: {  	s19 =	sld [smem:$0x3FDB];
	_ =	sdelay $0x1  }
0x9d: {  	s8 =	simm.s32 $_scs_section_size  }
0x9e: {  	s9 =	simm.s32 $_size__tile_overlayer_lowered;
	s10 =	simm.s32 $_tile_overlayer_lowered  }
0x9f: {  	s22 =	simm.s32 $0x1BFF;
	s21 =	sshll.u32 s10, $0x1;
	s7 =	sadd.s32 s8, s19  }
0xa0: {  	s11 =	simm.s32 $0x0;
	s20 =	sshll.u32 s9, $0x1;
	s9 =	sadd.s32 s21, s7  }
0xa1: {  	[timem:s11], [sflag:s22] =	dma.local [hbm:s9], s20  }
0xa2: {  	_ =	swait.ge [sflag:s22], s20  }
0xa3: {  	s8 =	ssub.s32 $0x0, s20;
	[sflag:s22] =	ssyncset.done $0x0  }
0xa4: {  	[sflag:s22] =	ssyncadd.s32 s8;
	_ =	sdelay $0x1  }
0xa5: {  	s23 =	simm.s32 $0x1B8B  }
0xa6: {  	_ =	swait.ge [sflag:s23], $0x1  }
0xa7: {  	[sflag:s23] =	ssyncset.done $0x0  }
0xa8: {  	s25 =	simm.s32 $0x1B8E;
	s24 =	sld [smem:$0x3FFE];
	[sflag:s23] =	ssyncadd.s32 $0xFFFFFFFF  }
0xa9: {  	s26 =	simm.s32 $execute0_lowered;
	[smem:$0x3FD2] =	sst s25  }
0xaa: {  	s9 =	sshll.u32 s26, $0x1;
	_ =	strace $0x80000046;
	[dreg:$0x1] =	wrdreg $0xFFFFFFFF  }
0xab: {  	s28 =	simm.s32 $_size_execute0_lowered;
	s7 =	sadd.s32 s7, s9;
	[dreg:$0x0] =	wrdreg $0x0  }
0xac: {  	s9 =	sshll.u32 s28, $0x1;
	[dreg:$0x2] =	wrdreg s7  }
0xad: {  	[dreg:$0x3] =	wrdreg s9  }
0xae: {  	[dreg:$0x4] =	wrdreg $0xC0  }
0xaf: {  	_ =	task [dreg:s11], $0x5FFFF  }
0xb0: {  	[dreg:$0x1] =	wrdreg $0xFFFFFFFF  }
0xb1: {  	[dreg:$0x0] =	wrdreg $0x60  }
0xb2: {  	[dreg:$0x2] =	wrdreg s18  }
0xb3: {  	[dreg:$0x3] =	wrdreg s4  }
0xb4: {  	[dreg:$0x4] =	wrdreg s5  }
0xb5: {  	[dreg:$0x5] =	wrdreg s2  }
0xb6: {  	[dreg:$0x6] =	wrdreg s6  }
0xb7: {  	[dreg:$0x7] =	wrdreg s24  }
0xb8: {  	[dreg:$0x8] =	wrdreg $0x9  }
0xb9: {  	_ =	task.clear_ibuf [dreg:s11], $0x9FFFF;
	_ =	strace $0x90000046  }
0xba: {  	s29 =	simm.s32 $0x9;
	_ =	strace $0x80000048  }
0xbb: {  	_ =	swait.ge [sflag:s29], $0x1  }
0xbc: {  	[sflag:s29] =	ssyncadd.s32 $0xFFFFFFFF  }
0xbd: {  	_ =	strace $0x90000048  }
0xbe: {  	_ =	sfence  }
0xbf: {  	s30 =	sld [smem:$0x0];
	_ =	sdelay $0x2  }
0xc0: {  	s31 =	sshll.u32 s1, $0xD;
	s1 =	sshrl.u32 s1, $0x2  }
0xc1: {  	s3 =	sand.u32 $0x4000, s31;
	s1 =	sadd.s32 s1, s30  }
0xc2: {  	s0 =	sor.u32 s3, s0;
	s1 =	sshll.u32 s1, $0x11  }
0xc3: {  	s0 =	sor.u32 s1, s0  }
0xc4: {  	s0 =	sadd.s32 $0x8F2B, s0  }
0xc5: {  	[sflag:s0] =	ssyncadd.remote.s32 $0x1  }
0xc6: {  	_ =	sfence.sel $0xFFFF  }
0xc7: {  	[dreg:$0x0] =	wrdreg $0xFFFFFFFF;
	(pc) =	sbr.abs _section_cstart, $3  }
0xc8: {  	[dreg:$0x1] =	wrdreg $0xFFFFFFFF  }
0xc9: {  	_ =	task.clear_ibuf [dreg:s11], $0x2FFFF;
	_ =	strace $0x9FFFFFFF  }
0xca: {  	(tm) =	ssettm $0x7FFFFFFF  }
0xcb: {  	_ =	shalt  }
tec
execute0_lowered:
.L_overlay_start_1:
0x0: {  	(tag) =	ssettag $0x1  }
0x1: {  	v0 =	vimm.s32 $0x1780  }
0x2: {  	vm15 =	vcmask $0x300;
	vm14 =	vcmask $0x704;
	vm13 =	vcmask $0xB08  }
0x3: {  	vm12 =	vcmask $0xF0C;
	vm11 =	vcmask $0x1310;
	vm10 =	vcmask $0x1714  }
0x4: {  	vm9 =	vcmask $0x1B18;
	vm8 =	vcmask $0x1F1C;
	vm7 =	vcmask $0x2320  }
0x5: {  	vm6 =	vcmask $0x2724;
	vm5 =	vcmask $0x2B28;
	v2 =	vlaneseq.u32  }
0x6: {  	vm4 =	vcmask $0x2F2C;
	vm3 =	vcmask $0x3330;
	vm2 =	vcmask $0x3734  }
0x7: {  	vm1 =	vcmask $0x3B38;
	vm0 =	vmmov $0xff;
	v5 =	vimm.s32 $0x1782  }
0x8: {  	v6 =	vimm.s32 $0x1783;
	v7 =	vimm.s32 $0x1784;
	v8 =	vimm.s32 $0x1785  }
0x9: {  	v9 =	vimm.s32 $0x1786;
	v10 =	vimm.s32 $0x1787;
	v11 =	vimm.s32 $0x2F80  }
0xa: {  	v12 =	vimm.s32 $0x2F81;
	v13 =	vimm.s32 $0x2F82;
	v14 =	vimm.s32 $0x2F83  }
0xb: {  	v15 =	vimm.s32 $0x2F84;
	v16 =	vimm.s32 $0x2F85;
	v17 =	vimm.s32 $0x2F86  }
0xc: {  	v18 =	vimm.s32 $0x2F87;
	v19 =	vimm.s32 $0x4780;
	v20 =	vimm.s32 $0x4781  }
0xd: {  	v21 =	vimm.s32 $0x4782;
	v22 =	vimm.s32 $0x4783;
	v23 =	vimm.s32 $0x4784  }
0xe: {  	v24 =	vimm.s32 $0x4785;
	v25 =	vimm.s32 $0x4786;
	v26 =	vimm.s32 $0x4787  }
0xf: {  	v27 =	vimm.s32 $0x5F80;
	v28 =	vimm.s32 $0x5F81;
	v29 =	vimm.s32 $0x5F82  }
0x10: {  	v30 =	vimm.s32 $0x5F83;
	v31 =	vimm.s32 $0x5F84;
	v32 =	vimm.s32 $0x5F85  }
0x11: {  	v33 =	vimm.s32 $0x5F86;
	v34 =	vimm.s32 $0x5F87;
	v35 =	vimm.s32 $0x7780  }
0x12: {  	v36 =	vimm.s32 $0x7781;
	v37 =	vimm.s32 $0x7782;
	v38 =	vimm.s32 $0x7783  }
0x13: {  	v39 =	vimm.s32 $0x7784;
	v40 =	vimm.s32 $0x7785;
	v41 =	vimm.s32 $0x7786  }
0x14: {  	v42 =	vimm.s32 $0x7787;
	v0 =	vsel vm15, $0x800, v0;
	v3 =	vshrl.u32 v2, $0x3  }
0x15: {  	v5 =	vsel vm15, $0x802, v5;
	v6 =	vsel vm15, $0x803, v6;
	v7 =	vsel vm15, $0x804, v7  }
0x16: {  	v8 =	vsel vm15, $0x805, v8;
	v9 =	vsel vm15, $0x806, v9;
	v10 =	vsel vm15, $0x807, v10  }
0x17: {  	v11 =	vsel vm15, $0x2000, v11;
	v12 =	vsel vm15, $0x2001, v12;
	v13 =	vsel vm15, $0x2002, v13  }
0x18: {  	v14 =	vsel vm15, $0x2003, v14;
	v15 =	vsel vm15, $0x2004, v15;
	v16 =	vsel vm15, $0x2005, v16  }
0x19: {  	v17 =	vsel vm15, $0x2006, v17;
	v18 =	vsel vm15, $0x2007, v18;
	v19 =	vsel vm15, $0x3800, v19  }
0x1a: {  	v20 =	vsel vm15, $0x3801, v20;
	v21 =	vsel vm15, $0x3802, v21;
	v22 =	vsel vm15, $0x3803, v22  }
0x1b: {  	v23 =	vsel vm15, $0x3804, v23;
	v24 =	vsel vm15, $0x3805, v24;
	v25 =	vsel vm15, $0x3806, v25  }
0x1c: {  	v26 =	vsel vm15, $0x3807, v26;
	v27 =	vsel vm15, $0x5000, v27;
	v28 =	vsel vm15, $0x5001, v28  }
0x1d: {  	v29 =	vsel vm15, $0x5002, v29;
	v30 =	vsel vm15, $0x5003, v30;
	v31 =	vsel vm15, $0x5004, v31  }
0x1e: {  	v32 =	vsel vm15, $0x5005, v32;
	v33 =	vsel vm15, $0x5006, v33;
	v34 =	vsel vm15, $0x5007, v34  }
0x1f: {  	v35 =	vsel vm15, $0x6800, v35;
	v36 =	vsel vm15, $0x6801, v36;
	v37 =	vsel vm15, $0x6802, v37  }
0x20: {  	v38 =	vsel vm15, $0x6803, v38;
	v39 =	vsel vm15, $0x6804, v39;
	v40 =	vsel vm15, $0x6805, v40  }
0x21: {  	v41 =	vsel vm15, $0x6806, v41;
	v42 =	vsel vm15, $0x6807, v42;
	v0 =	vsel vm14, $0x880, v0  }
0x22: {  	v5 =	vsel vm14, $0x882, v5;
	v6 =	vsel vm14, $0x883, v6;
	v7 =	vsel vm14, $0x884, v7  }
0x23: {  	v8 =	vsel vm14, $0x885, v8;
	v9 =	vsel vm14, $0x886, v9;
	v10 =	vsel vm14, $0x887, v10  }
0x24: {  	v11 =	vsel vm14, $0x2080, v11;
	v12 =	vsel vm14, $0x2081, v12;
	v13 =	vsel vm14, $0x2082, v13  }
0x25: {  	v14 =	vsel vm14, $0x2083, v14;
	v15 =	vsel vm14, $0x2084, v15;
	v16 =	vsel vm14, $0x2085, v16  }
0x26: {  	v17 =	vsel vm14, $0x2086, v17;
	v18 =	vsel vm14, $0x2087, v18;
	v19 =	vsel vm14, $0x3880, v19  }
0x27: {  	v20 =	vsel vm14, $0x3881, v20;
	v21 =	vsel vm14, $0x3882, v21;
	v22 =	vsel vm14, $0x3883, v22  }
0x28: {  	v23 =	vsel vm14, $0x3884, v23;
	v24 =	vsel vm14, $0x3885, v24;
	v25 =	vsel vm14, $0x3886, v25  }
0x29: {  	v26 =	vsel vm14, $0x3887, v26;
	v27 =	vsel vm14, $0x5080, v27;
	v28 =	vsel vm14, $0x5081, v28  }
0x2a: {  	v29 =	vsel vm14, $0x5082, v29;
	v30 =	vsel vm14, $0x5083, v30;
	v31 =	vsel vm14, $0x5084, v31  }
0x2b: {  	v32 =	vsel vm14, $0x5085, v32;
	v33 =	vsel vm14, $0x5086, v33;
	v34 =	vsel vm14, $0x5087, v34  }
0x2c: {  	v35 =	vsel vm14, $0x6880, v35;
	v36 =	vsel vm14, $0x6881, v36;
	v37 =	vsel vm14, $0x6882, v37  }
0x2d: {  	v38 =	vsel vm14, $0x6883, v38;
	v39 =	vsel vm14, $0x6884, v39;
	v40 =	vsel vm14, $0x6885, v40  }
0x2e: {  	v41 =	vsel vm14, $0x6886, v41;
	v42 =	vsel vm14, $0x6887, v42;
	v0 =	vsel vm13, $0x900, v0  }
0x2f: {  	v5 =	vsel vm13, $0x902, v5;
	v6 =	vsel vm13, $0x903, v6;
	v7 =	vsel vm13, $0x904, v7  }
0x30: {  	v8 =	vsel vm13, $0x905, v8;
	v9 =	vsel vm13, $0x906, v9;
	v10 =	vsel vm13, $0x907, v10  }
0x31: {  	v11 =	vsel vm13, $0x2100, v11;
	v12 =	vsel vm13, $0x2101, v12;
	v13 =	vsel vm13, $0x2102, v13  }
0x32: {  	v14 =	vsel vm13, $0x2103, v14;
	v15 =	vsel vm13, $0x2104, v15;
	v16 =	vsel vm13, $0x2105, v16  }
0x33: {  	v17 =	vsel vm13, $0x2106, v17;
	v18 =	vsel vm13, $0x2107, v18;
	v19 =	vsel vm13, $0x3900, v19  }
0x34: {  	v20 =	vsel vm13, $0x3901, v20;
	v21 =	vsel vm13, $0x3902, v21;
	v22 =	vsel vm13, $0x3903, v22  }
0x35: {  	v23 =	vsel vm13, $0x3904, v23;
	v24 =	vsel vm13, $0x3905, v24;
	v25 =	vsel vm13, $0x3906, v25  }
0x36: {  	v26 =	vsel vm13, $0x3907, v26;
	v27 =	vsel vm13, $0x5100, v27;
	v28 =	vsel vm13, $0x5101, v28  }
0x37: {  	v29 =	vsel vm13, $0x5102, v29;
	v30 =	vsel vm13, $0x5103, v30;
	v31 =	vsel vm13, $0x5104, v31  }
0x38: {  	v32 =	vsel vm13, $0x5105, v32;
	v33 =	vsel vm13, $0x5106, v33;
	v34 =	vsel vm13, $0x5107, v34  }
0x39: {  	v35 =	vsel vm13, $0x6900, v35;
	v36 =	vsel vm13, $0x6901, v36;
	v37 =	vsel vm13, $0x6902, v37  }
0x3a: {  	v38 =	vsel vm13, $0x6903, v38;
	v39 =	vsel vm13, $0x6904, v39;
	v40 =	vsel vm13, $0x6905, v40  }
0x3b: {  	v41 =	vsel vm13, $0x6906, v41;
	v42 =	vsel vm13, $0x6907, v42;
	v0 =	vsel vm12, $0x980, v0  }
0x3c: {  	v5 =	vsel vm12, $0x982, v5;
	v6 =	vsel vm12, $0x983, v6;
	v7 =	vsel vm12, $0x984, v7  }
0x3d: {  	v8 =	vsel vm12, $0x985, v8;
	v9 =	vsel vm12, $0x986, v9;
	v10 =	vsel vm12, $0x987, v10  }
0x3e: {  	v11 =	vsel vm12, $0x2180, v11;
	v12 =	vsel vm12, $0x2181, v12;
	v13 =	vsel vm12, $0x2182, v13  }
0x3f: {  	v14 =	vsel vm12, $0x2183, v14;
	v15 =	vsel vm12, $0x2184, v15;
	v16 =	vsel vm12, $0x2185, v16  }
0x40: {  	v17 =	vsel vm12, $0x2186, v17;
	v18 =	vsel vm12, $0x2187, v18;
	v19 =	vsel vm12, $0x3980, v19  }
0x41: {  	v20 =	vsel vm12, $0x3981, v20;
	v21 =	vsel vm12, $0x3982, v21;
	v22 =	vsel vm12, $0x3983, v22  }
0x42: {  	v23 =	vsel vm12, $0x3984, v23;
	v24 =	vsel vm12, $0x3985, v24;
	v25 =	vsel vm12, $0x3986, v25  }
0x43: {  	v26 =	vsel vm12, $0x3987, v26;
	v27 =	vsel vm12, $0x5180, v27;
	v28 =	vsel vm12, $0x5181, v28  }
0x44: {  	v29 =	vsel vm12, $0x5182, v29;
	v30 =	vsel vm12, $0x5183, v30;
	v31 =	vsel vm12, $0x5184, v31  }
0x45: {  	v32 =	vsel vm12, $0x5185, v32;
	v33 =	vsel vm12, $0x5186, v33;
	v34 =	vsel vm12, $0x5187, v34  }
0x46: {  	v35 =	vsel vm12, $0x6980, v35;
	v36 =	vsel vm12, $0x6981, v36;
	v37 =	vsel vm12, $0x6982, v37  }
0x47: {  	v38 =	vsel vm12, $0x6983, v38;
	v39 =	vsel vm12, $0x6984, v39;
	v40 =	vsel vm12, $0x6985, v40  }
0x48: {  	v41 =	vsel vm12, $0x6986, v41;
	v42 =	vsel vm12, $0x6987, v42;
	v0 =	vsel vm11, $0xA00, v0  }
0x49: {  	v5 =	vsel vm11, $0xA02, v5;
	v6 =	vsel vm11, $0xA03, v6;
	v7 =	vsel vm11, $0xA04, v7  }
0x4a: {  	v8 =	vsel vm11, $0xA05, v8;
	v9 =	vsel vm11, $0xA06, v9;
	v10 =	vsel vm11, $0xA07, v10  }
0x4b: {  	v11 =	vsel vm11, $0x2200, v11;
	v12 =	vsel vm11, $0x2201, v12;
	v13 =	vsel vm11, $0x2202, v13  }
0x4c: {  	v14 =	vsel vm11, $0x2203, v14;
	v15 =	vsel vm11, $0x2204, v15;
	v16 =	vsel vm11, $0x2205, v16  }
0x4d: {  	v17 =	vsel vm11, $0x2206, v17;
	v18 =	vsel vm11, $0x2207, v18;
	v19 =	vsel vm11, $0x3A00, v19  }
0x4e: {  	v20 =	vsel vm11, $0x3A01, v20;
	v21 =	vsel vm11, $0x3A02, v21;
	v22 =	vsel vm11, $0x3A03, v22  }
0x4f: {  	v23 =	vsel vm11, $0x3A04, v23;
	v24 =	vsel vm11, $0x3A05, v24;
	v25 =	vsel vm11, $0x3A06, v25  }
0x50: {  	v26 =	vsel vm11, $0x3A07, v26;
	v27 =	vsel vm11, $0x5200, v27;
	v28 =	vsel vm11, $0x5201, v28  }
0x51: {  	v29 =	vsel vm11, $0x5202, v29;
	v30 =	vsel vm11, $0x5203, v30;
	v31 =	vsel vm11, $0x5204, v31  }
0x52: {  	v32 =	vsel vm11, $0x5205, v32;
	v33 =	vsel vm11, $0x5206, v33;
	v34 =	vsel vm11, $0x5207, v34  }
0x53: {  	v35 =	vsel vm11, $0x6A00, v35;
	v36 =	vsel vm11, $0x6A01, v36;
	v37 =	vsel vm11, $0x6A02, v37  }
0x54: {  	v38 =	vsel vm11, $0x6A03, v38;
	v39 =	vsel vm11, $0x6A04, v39;
	v40 =	vsel vm11, $0x6A05, v40  }
0x55: {  	v41 =	vsel vm11, $0x6A06, v41;
	v42 =	vsel vm11, $0x6A07, v42;
	v0 =	vsel vm10, $0xA80, v0  }
0x56: {  	v5 =	vsel vm10, $0xA82, v5;
	v6 =	vsel vm10, $0xA83, v6;
	v7 =	vsel vm10, $0xA84, v7  }
0x57: {  	v8 =	vsel vm10, $0xA85, v8;
	v9 =	vsel vm10, $0xA86, v9;
	v10 =	vsel vm10, $0xA87, v10  }
0x58: {  	v11 =	vsel vm10, $0x2280, v11;
	v12 =	vsel vm10, $0x2281, v12;
	v13 =	vsel vm10, $0x2282, v13  }
0x59: {  	v14 =	vsel vm10, $0x2283, v14;
	v15 =	vsel vm10, $0x2284, v15;
	v16 =	vsel vm10, $0x2285, v16  }
0x5a: {  	v17 =	vsel vm10, $0x2286, v17;
	v18 =	vsel vm10, $0x2287, v18;
	v19 =	vsel vm10, $0x3A80, v19  }
0x5b: {  	v20 =	vsel vm10, $0x3A81, v20;
	v21 =	vsel vm10, $0x3A82, v21;
	v22 =	vsel vm10, $0x3A83, v22  }
0x5c: {  	v23 =	vsel vm10, $0x3A84, v23;
	v24 =	vsel vm10, $0x3A85, v24;
	v25 =	vsel vm10, $0x3A86, v25  }
0x5d: {  	v26 =	vsel vm10, $0x3A87, v26;
	v27 =	vsel vm10, $0x5280, v27;
	v28 =	vsel vm10, $0x5281, v28  }
0x5e: {  	v29 =	vsel vm10, $0x5282, v29;
	v30 =	vsel vm10, $0x5283, v30;
	v31 =	vsel vm10, $0x5284, v31  }
0x5f: {  	v32 =	vsel vm10, $0x5285, v32;
	v33 =	vsel vm10, $0x5286, v33;
	v34 =	vsel vm10, $0x5287, v34  }
0x60: {  	v35 =	vsel vm10, $0x6A80, v35;
	v36 =	vsel vm10, $0x6A81, v36;
	v37 =	vsel vm10, $0x6A82, v37  }
0x61: {  	v38 =	vsel vm10, $0x6A83, v38;
	v39 =	vsel vm10, $0x6A84, v39;
	v40 =	vsel vm10, $0x6A85, v40  }
0x62: {  	v41 =	vsel vm10, $0x6A86, v41;
	v42 =	vsel vm10, $0x6A87, v42;
	v0 =	vsel vm9, $0xB00, v0  }
0x63: {  	v5 =	vsel vm9, $0xB02, v5;
	v6 =	vsel vm9, $0xB03, v6;
	v7 =	vsel vm9, $0xB04, v7  }
0x64: {  	v8 =	vsel vm9, $0xB05, v8;
	v9 =	vsel vm9, $0xB06, v9;
	v10 =	vsel vm9, $0xB07, v10  }
0x65: {  	v11 =	vsel vm9, $0x2300, v11;
	v12 =	vsel vm9, $0x2301, v12;
	v13 =	vsel vm9, $0x2302, v13  }
0x66: {  	v14 =	vsel vm9, $0x2303, v14;
	v15 =	vsel vm9, $0x2304, v15;
	v16 =	vsel vm9, $0x2305, v16  }
0x67: {  	v17 =	vsel vm9, $0x2306, v17;
	v18 =	vsel vm9, $0x2307, v18;
	v19 =	vsel vm9, $0x3B00, v19  }
0x68: {  	v20 =	vsel vm9, $0x3B01, v20;
	v21 =	vsel vm9, $0x3B02, v21;
	v22 =	vsel vm9, $0x3B03, v22  }
0x69: {  	v23 =	vsel vm9, $0x3B04, v23;
	v24 =	vsel vm9, $0x3B05, v24;
	v25 =	vsel vm9, $0x3B06, v25  }
0x6a: {  	v26 =	vsel vm9, $0x3B07, v26;
	v27 =	vsel vm9, $0x5300, v27;
	v28 =	vsel vm9, $0x5301, v28  }
0x6b: {  	v29 =	vsel vm9, $0x5302, v29;
	v30 =	vsel vm9, $0x5303, v30;
	v31 =	vsel vm9, $0x5304, v31  }
0x6c: {  	v32 =	vsel vm9, $0x5305, v32;
	v33 =	vsel vm9, $0x5306, v33;
	v34 =	vsel vm9, $0x5307, v34  }
0x6d: {  	v35 =	vsel vm9, $0x6B00, v35;
	v36 =	vsel vm9, $0x6B01, v36;
	v37 =	vsel vm9, $0x6B02, v37  }
0x6e: {  	v38 =	vsel vm9, $0x6B03, v38;
	v39 =	vsel vm9, $0x6B04, v39;
	v40 =	vsel vm9, $0x6B05, v40  }
0x6f: {  	v41 =	vsel vm9, $0x6B06, v41;
	v42 =	vsel vm9, $0x6B07, v42;
	v0 =	vsel vm8, $0xB80, v0  }
0x70: {  	v5 =	vsel vm8, $0xB82, v5;
	v6 =	vsel vm8, $0xB83, v6;
	v7 =	vsel vm8, $0xB84, v7  }
0x71: {  	v8 =	vsel vm8, $0xB85, v8;
	v9 =	vsel vm8, $0xB86, v9;
	v10 =	vsel vm8, $0xB87, v10  }
0x72: {  	v11 =	vsel vm8, $0x2380, v11;
	v12 =	vsel vm8, $0x2381, v12;
	v13 =	vsel vm8, $0x2382, v13  }
0x73: {  	v14 =	vsel vm8, $0x2383, v14;
	v15 =	vsel vm8, $0x2384, v15;
	v16 =	vsel vm8, $0x2385, v16  }
0x74: {  	v17 =	vsel vm8, $0x2386, v17;
	v18 =	vsel vm8, $0x2387, v18;
	v19 =	vsel vm8, $0x3B80, v19  }
0x75: {  	v20 =	vsel vm8, $0x3B81, v20;
	v21 =	vsel vm8, $0x3B82, v21;
	v22 =	vsel vm8, $0x3B83, v22  }
0x76: {  	v23 =	vsel vm8, $0x3B84, v23;
	v24 =	vsel vm8, $0x3B85, v24;
	v25 =	vsel vm8, $0x3B86, v25  }
0x77: {  	v26 =	vsel vm8, $0x3B87, v26;
	v27 =	vsel vm8, $0x5380, v27;
	v28 =	vsel vm8, $0x5381, v28  }
0x78: {  	v29 =	vsel vm8, $0x5382, v29;
	v30 =	vsel vm8, $0x5383, v30;
	v31 =	vsel vm8, $0x5384, v31  }
0x79: {  	v32 =	vsel vm8, $0x5385, v32;
	v33 =	vsel vm8, $0x5386, v33;
	v34 =	vsel vm8, $0x5387, v34  }
0x7a: {  	v35 =	vsel vm8, $0x6B80, v35;
	v36 =	vsel vm8, $0x6B81, v36;
	v37 =	vsel vm8, $0x6B82, v37  }
0x7b: {  	v38 =	vsel vm8, $0x6B83, v38;
	v39 =	vsel vm8, $0x6B84, v39;
	v40 =	vsel vm8, $0x6B85, v40  }
0x7c: {  	v41 =	vsel vm8, $0x6B86, v41;
	v42 =	vsel vm8, $0x6B87, v42;
	v0 =	vsel vm7, $0x1400, v0  }
0x7d: {  	v5 =	vsel vm7, $0x1402, v5;
	v6 =	vsel vm7, $0x1403, v6;
	v7 =	vsel vm7, $0x1404, v7  }
0x7e: {  	v8 =	vsel vm7, $0x1405, v8;
	v9 =	vsel vm7, $0x1406, v9;
	v10 =	vsel vm7, $0x1407, v10  }
0x7f: {  	v11 =	vsel vm7, $0x2C00, v11;
	v12 =	vsel vm7, $0x2C01, v12;
	v13 =	vsel vm7, $0x2C02, v13  }
0x80: {  	v14 =	vsel vm7, $0x2C03, v14;
	v15 =	vsel vm7, $0x2C04, v15;
	v16 =	vsel vm7, $0x2C05, v16  }
0x81: {  	v17 =	vsel vm7, $0x2C06, v17;
	v18 =	vsel vm7, $0x2C07, v18;
	v19 =	vsel vm7, $0x4400, v19  }
0x82: {  	v20 =	vsel vm7, $0x4401, v20;
	v21 =	vsel vm7, $0x4402, v21;
	v22 =	vsel vm7, $0x4403, v22  }
0x83: {  	v23 =	vsel vm7, $0x4404, v23;
	v24 =	vsel vm7, $0x4405, v24;
	v25 =	vsel vm7, $0x4406, v25  }
0x84: {  	v26 =	vsel vm7, $0x4407, v26;
	v27 =	vsel vm7, $0x5C00, v27;
	v28 =	vsel vm7, $0x5C01, v28  }
0x85: {  	v29 =	vsel vm7, $0x5C02, v29;
	v30 =	vsel vm7, $0x5C03, v30;
	v31 =	vsel vm7, $0x5C04, v31  }
0x86: {  	v32 =	vsel vm7, $0x5C05, v32;
	v33 =	vsel vm7, $0x5C06, v33;
	v34 =	vsel vm7, $0x5C07, v34  }
0x87: {  	v35 =	vsel vm7, $0x7400, v35;
	v36 =	vsel vm7, $0x7401, v36;
	v37 =	vsel vm7, $0x7402, v37  }
0x88: {  	v38 =	vsel vm7, $0x7403, v38;
	v39 =	vsel vm7, $0x7404, v39;
	v40 =	vsel vm7, $0x7405, v40  }
0x89: {  	v41 =	vsel vm7, $0x7406, v41;
	v42 =	vsel vm7, $0x7407, v42;
	v0 =	vsel vm6, $0x1480, v0  }
0x8a: {  	v5 =	vsel vm6, $0x1482, v5;
	v6 =	vsel vm6, $0x1483, v6;
	v7 =	vsel vm6, $0x1484, v7  }
0x8b: {  	v8 =	vsel vm6, $0x1485, v8;
	v9 =	vsel vm6, $0x1486, v9;
	v10 =	vsel vm6, $0x1487, v10  }
0x8c: {  	v11 =	vsel vm6, $0x2C80, v11;
	v12 =	vsel vm6, $0x2C81, v12;
	v13 =	vsel vm6, $0x2C82, v13  }
0x8d: {  	v14 =	vsel vm6, $0x2C83, v14;
	v15 =	vsel vm6, $0x2C84, v15;
	v16 =	vsel vm6, $0x2C85, v16  }
0x8e: {  	v17 =	vsel vm6, $0x2C86, v17;
	v18 =	vsel vm6, $0x2C87, v18;
	v19 =	vsel vm6, $0x4480, v19  }
0x8f: {  	v20 =	vsel vm6, $0x4481, v20;
	v21 =	vsel vm6, $0x4482, v21;
	v22 =	vsel vm6, $0x4483, v22  }
0x90: {  	v23 =	vsel vm6, $0x4484, v23;
	v24 =	vsel vm6, $0x4485, v24;
	v25 =	vsel vm6, $0x4486, v25  }
0x91: {  	v26 =	vsel vm6, $0x4487, v26;
	v27 =	vsel vm6, $0x5C80, v27;
	v28 =	vsel vm6, $0x5C81, v28  }
0x92: {  	v29 =	vsel vm6, $0x5C82, v29;
	v30 =	vsel vm6, $0x5C83, v30;
	v31 =	vsel vm6, $0x5C84, v31  }
0x93: {  	v32 =	vsel vm6, $0x5C85, v32;
	v33 =	vsel vm6, $0x5C86, v33;
	v34 =	vsel vm6, $0x5C87, v34  }
0x94: {  	v35 =	vsel vm6, $0x7480, v35;
	v36 =	vsel vm6, $0x7481, v36;
	v37 =	vsel vm6, $0x7482, v37  }
0x95: {  	v38 =	vsel vm6, $0x7483, v38;
	v39 =	vsel vm6, $0x7484, v39;
	v40 =	vsel vm6, $0x7485, v40  }
0x96: {  	v41 =	vsel vm6, $0x7486, v41;
	v42 =	vsel vm6, $0x7487, v42;
	v1 =	vsel vm5, $0x1500, v0  }
0x97: {  	v0 =	vand.u32 $0x7, v2;
	v2 =	vor.u32 $0x8, v2;
	v5 =	vsel vm5, $0x1502, v5  }
0x98: {  	v6 =	vsel vm5, $0x1503, v6;
	v7 =	vsel vm5, $0x1504, v7;
	v8 =	vsel vm5, $0x1505, v8  }
0x99: {  	v9 =	vsel vm5, $0x1506, v9;
	v10 =	vsel vm5, $0x1507, v10;
	v11 =	vsel vm5, $0x2D00, v11  }
0x9a: {  	v12 =	vsel vm5, $0x2D01, v12;
	v13 =	vsel vm5, $0x2D02, v13;
	v14 =	vsel vm5, $0x2D03, v14  }
0x9b: {  	v15 =	vsel vm5, $0x2D04, v15;
	v16 =	vsel vm5, $0x2D05, v16;
	v17 =	vsel vm5, $0x2D06, v17  }
0x9c: {  	v18 =	vsel vm5, $0x2D07, v18;
	v19 =	vsel vm5, $0x4500, v19;
	v20 =	vsel vm5, $0x4501, v20  }
0x9d: {  	v21 =	vsel vm5, $0x4502, v21;
	v22 =	vsel vm5, $0x4503, v22;
	v23 =	vsel vm5, $0x4504, v23  }
0x9e: {  	v24 =	vsel vm5, $0x4505, v24;
	v25 =	vsel vm5, $0x4506, v25;
	v26 =	vsel vm5, $0x4507, v26  }
0x9f: {  	v27 =	vsel vm5, $0x5D00, v27;
	v28 =	vsel vm5, $0x5D01, v28;
	v29 =	vsel vm5, $0x5D02, v29  }
0xa0: {  	v30 =	vsel vm5, $0x5D03, v30;
	v31 =	vsel vm5, $0x5D04, v31;
	v32 =	vsel vm5, $0x5D05, v32  }
0xa1: {  	v33 =	vsel vm5, $0x5D06, v33;
	v34 =	vsel vm5, $0x5D07, v34;
	v35 =	vsel vm5, $0x7500, v35  }
0xa2: {  	v36 =	vsel vm5, $0x7501, v36;
	v37 =	vsel vm5, $0x7502, v37;
	v38 =	vsel vm5, $0x7503, v38  }
0xa3: {  	v39 =	vsel vm5, $0x7504, v39;
	v40 =	vsel vm5, $0x7505, v40;
	v41 =	vsel vm5, $0x7506, v41  }
0xa4: {  	v42 =	vsel vm5, $0x7507, v42;
	v1 =	vsel vm4, $0x1580, v1;
	v5 =	vsel vm4, $0x1582, v5  }
0xa5: {  	v6 =	vsel vm4, $0x1583, v6;
	v7 =	vsel vm4, $0x1584, v7;
	v8 =	vsel vm4, $0x1585, v8  }
0xa6: {  	v9 =	vsel vm4, $0x1586, v9;
	v10 =	vsel vm4, $0x1587, v10;
	v11 =	vsel vm4, $0x2D80, v11  }
0xa7: {  	v12 =	vsel vm4, $0x2D81, v12;
	v13 =	vsel vm4, $0x2D82, v13;
	v14 =	vsel vm4, $0x2D83, v14  }
0xa8: {  	v15 =	vsel vm4, $0x2D84, v15;
	v16 =	vsel vm4, $0x2D85, v16;
	v17 =	vsel vm4, $0x2D86, v17  }
0xa9: {  	v18 =	vsel vm4, $0x2D87, v18;
	v19 =	vsel vm4, $0x4580, v19;
	v20 =	vsel vm4, $0x4581, v20  }
0xaa: {  	v21 =	vsel vm4, $0x4582, v21;
	v22 =	vsel vm4, $0x4583, v22;
	v23 =	vsel vm4, $0x4584, v23  }
0xab: {  	v24 =	vsel vm4, $0x4585, v24;
	v25 =	vsel vm4, $0x4586, v25;
	v26 =	vsel vm4, $0x4587, v26  }
0xac: {  	v27 =	vsel vm4, $0x5D80, v27;
	v28 =	vsel vm4, $0x5D81, v28;
	v29 =	vsel vm4, $0x5D82, v29  }
0xad: {  	v30 =	vsel vm4, $0x5D83, v30;
	v31 =	vsel vm4, $0x5D84, v31;
	v32 =	vsel vm4, $0x5D85, v32  }
0xae: {  	v33 =	vsel vm4, $0x5D86, v33;
	v34 =	vsel vm4, $0x5D87, v34;
	v35 =	vsel vm4, $0x7580, v35  }
0xaf: {  	v36 =	vsel vm4, $0x7581, v36;
	v37 =	vsel vm4, $0x7582, v37;
	v38 =	vsel vm4, $0x7583, v38  }
0xb0: {  	v39 =	vsel vm4, $0x7584, v39;
	v40 =	vsel vm4, $0x7585, v40;
	v41 =	vsel vm4, $0x7586, v41  }
0xb1: {  	v42 =	vsel vm4, $0x7587, v42;
	v4 =	vsel vm3, $0x1600, v1;
	v1 =	vmul.u32 $0x8, v3  }
0xb2: {  	v5 =	vsel vm3, $0x1602, v5;
	v6 =	vsel vm3, $0x1603, v6;
	v7 =	vsel vm3, $0x1604, v7  }
0xb3: {  	v8 =	vsel vm3, $0x1605, v8;
	v9 =	vsel vm3, $0x1606, v9;
	v10 =	vsel vm3, $0x1607, v10  }
0xb4: {  	v11 =	vsel vm3, $0x2E00, v11;
	v12 =	vsel vm3, $0x2E01, v12;
	v13 =	vsel vm3, $0x2E02, v13  }
0xb5: {  	v14 =	vsel vm3, $0x2E03, v14;
	v15 =	vsel vm3, $0x2E04, v15;
	v16 =	vsel vm3, $0x2E05, v16  }
0xb6: {  	v17 =	vsel vm3, $0x2E06, v17;
	v18 =	vsel vm3, $0x2E07, v18;
	v19 =	vsel vm3, $0x4600, v19  }
0xb7: {  	v20 =	vsel vm3, $0x4601, v20;
	v21 =	vsel vm3, $0x4602, v21;
	v22 =	vsel vm3, $0x4603, v22  }
0xb8: {  	v23 =	vsel vm3, $0x4604, v23;
	v24 =	vsel vm3, $0x4605, v24;
	v25 =	vsel vm3, $0x4606, v25  }
0xb9: {  	v26 =	vsel vm3, $0x4607, v26;
	v27 =	vsel vm3, $0x5E00, v27;
	v28 =	vsel vm3, $0x5E01, v28  }
0xba: {  	v29 =	vsel vm3, $0x5E02, v29;
	v30 =	vsel vm3, $0x5E03, v30;
	v31 =	vsel vm3, $0x5E04, v31  }
0xbb: {  	v32 =	vsel vm3, $0x5E05, v32;
	v33 =	vsel vm3, $0x5E06, v33;
	v34 =	vsel vm3, $0x5E07, v34  }
0xbc: {  	v35 =	vsel vm3, $0x7600, v35;
	v36 =	vsel vm3, $0x7601, v36;
	v37 =	vsel vm3, $0x7602, v37  }
0xbd: {  	v38 =	vsel vm3, $0x7603, v38;
	v39 =	vsel vm3, $0x7604, v39;
	v40 =	vsel vm3, $0x7605, v40  }
0xbe: {  	v41 =	vsel vm3, $0x7606, v41;
	v42 =	vsel vm3, $0x7607, v42;
	v3 =	vsel vm2, $0x1680, v4  }
0xbf: {  	v4 =	vimm.s32 $0x1781;
	v5 =	vsel vm2, $0x1682, v5;
	v6 =	vsel vm2, $0x1683, v6  }
0xc0: {  	v7 =	vsel vm2, $0x1684, v7;
	v8 =	vsel vm2, $0x1685, v8;
	v9 =	vsel vm2, $0x1686, v9  }
0xc1: {  	s0 =	rddreg [dreg:$0x0];
	v10 =	vsel vm2, $0x1687, v10;
	v11 =	vsel vm2, $0x2E80, v11;
	v12 =	vsel vm2, $0x2E81, v12  }
0xc2: {  	s1 =	rddreg [dreg:$0x1];
	v13 =	vsel vm2, $0x2E82, v13;
	v14 =	vsel vm2, $0x2E83, v14;
	v15 =	vsel vm2, $0x2E84, v15  }
0xc3: {  	s2 =	rddreg [dreg:$0x2];
	v16 =	vsel vm2, $0x2E85, v16;
	v17 =	vsel vm2, $0x2E86, v17;
	v18 =	vsel vm2, $0x2E87, v18  }
0xc4: {  	s3 =	rddreg [dreg:$0x3];
	s4 =	srdreg.scid;
	v19 =	vsel vm2, $0x4680, v19;
	v20 =	vsel vm2, $0x4681, v20;
	v21 =	vsel vm2, $0x4682, v21  }
0xc5: {  	s8 =	stileid.u32;
	s5 =	rddreg [dreg:$0x5];
	s7 =	simm.s32 $0x0;
	v22 =	vsel vm2, $0x4683, v22;
	v23 =	vsel vm2, $0x4684, v23;
	v24 =	vsel vm2, $0x4685, v24  }
0xc6: {  	s28 =	simm.s32 $0xED80;
	s29 =	simm.s32 $0xF180;
	s30 =	simm.s32 $0xFD80;
	v25 =	vsel vm2, $0x4686, v25;
	v26 =	vsel vm2, $0x4687, v26;
	v27 =	vsel vm2, $0x5E80, v27  }
0xc7: {  	s31 =	simm.s32 $0x10980;
	s13 =	simm.s32 $0x4;
	s4 =	sand.u32 $0x1, s4;
	v28 =	vsel vm2, $0x5E81, v28;
	v29 =	vsel vm2, $0x5E82, v29;
	v30 =	vsel vm2, $0x5E83, v30  }
0xc8: {  	s6 =	sshll.u32 s8, $0x1;
	[smem:$0x7FF] =	sst s7;
	s10 =	smul.u32 $0x4E20, s8;
	v31 =	vsel vm2, $0x5E84, v31;
	v32 =	vsel vm2, $0x5E85, v32;
	v33 =	vsel vm2, $0x5E86, v33  }
0xc9: {  	s6 =	sor.u32 s4, s6;
	s9 =	ssub.s32 $0x2, s4;
	s4 =	smul.u32 $0x2710, s4;
	v34 =	vsel vm2, $0x5E87, v34;
	v35 =	vsel vm2, $0x7680, v35;
	v36 =	vsel vm2, $0x7681, v36  }
0xca: {  	s8 =	sadd.s32 $0x400, s5;
	_ =	strace $0x80000047;
	s14 =	sshrl.u32 s9, $0x1;
	v37 =	vsel vm2, $0x7682, v37;
	v38 =	vsel vm2, $0x7683, v38;
	v39 =	vsel vm2, $0x7684, v39  }
0xcb: {  	s6 =	smul.u32 $0x2710, s6;
	s5 =	ssub.s32 s9, s14;
	s4 =	sadd.s32 s4, s10;
	v40 =	vsel vm2, $0x7685, v40;
	v41 =	vsel vm2, $0x7686, v41;
	v42 =	vsel vm2, $0x7687, v42  }
0xcc: {  	s14 =	simm.s32 $0x100;
	s10 =	simm.s32 $0x15980;
	s9 =	simm.s32 $0x0;
	v3 =	vsel vm1, $0x1700, v3;
	v4 =	vsel vm15, $0x801, v4;
	v5 =	vsel vm1, $0x1702, v5  }
0xcd: {  	s16 =	sadd.s32 $0x26C0, s6;
	s6 =	sshrl.u32 s6, $0x3;
	s11 =	sadd.s32 $0x50, s4;
	v6 =	vsel vm1, $0x1703, v6;
	v7 =	vsel vm1, $0x1704, v7;
	v8 =	vsel vm1, $0x1705, v8  }
0xce: {  	s5 =	smax.u32 s5, $0x1;
	s4 =	sadd.s32 $0x140, s4;
	[dreg:$0x14] =	wrdreg s9;
	v9 =	vsel vm1, $0x1706, v9;
	v10 =	vsel vm1, $0x1707, v10;
	v11 =	vsel vm1, $0x2F00, v11  }
0xcf: {  	s15 =	sadd.s32 s0, s6;
	s17 =	sadd.s32 s1, s6;
	[dreg:$0x12] =	wrdreg s5;
	v12 =	vsel vm1, $0x2F01, v12;
	v13 =	vsel vm1, $0x2F02, v13;
	v14 =	vsel vm1, $0x2F03, v14  }
0xd0: {  	s18 =	sadd.s32 s2, s6;
	s19 =	sadd.s32 $0xA, s6;
	[dreg:$0x13] =	wrdreg s4;
	v15 =	vsel vm1, $0x2F04, v15;
	v16 =	vsel vm1, $0x2F05, v16;
	v4 =	vsel vm14, $0x881, v4  }
0xd1: {  	s12 =	smul.u32 $0x180, s6;
	s11 =	sshrl.u32 s11, $0x3;
	[dreg:$0x8] =	wrdreg s15;
	v17 =	vsel vm1, $0x2F06, v17;
	v18 =	vsel vm1, $0x2F07, v18;
	v4 =	vsel vm13, $0x901, v4  }
0xd2: {  	s6 =	sadd.s32 $0x14, s6;
	s4 =	simm.s32 $0x14D80;
	[dreg:$0x9] =	wrdreg s17;
	v19 =	vsel vm1, $0x4700, v19;
	v20 =	vsel vm1, $0x4701, v20;
	v4 =	vsel vm12, $0x981, v4  }
0xd3: {  	s5 =	simm.s32 $0x16580;
	[dreg:$0xa] =	wrdreg s18;
	s20 =	sadd.s32 s0, s19;
	v21 =	vsel vm1, $0x4702, v21;
	v22 =	vsel vm1, $0x4703, v22;
	v4 =	vsel vm11, $0xA01, v4  }
0xd4: {  	s21 =	sadd.s32 s1, s19;
	s11 =	smul.u32 $0x180, s11;
	[dreg:$0xb] =	wrdreg s20;
	v23 =	vsel vm1, $0x4704, v23;
	v24 =	vsel vm1, $0x4705, v24;
	v4 =	vsel vm10, $0xA81, v4  }
0xd5: {  	s22 =	sadd.s32 s2, s19;
	s23 =	sadd.s32 s0, s6;
	[dreg:$0xc] =	wrdreg s21;
	v25 =	vsel vm1, $0x4706, v25;
	v26 =	vsel vm1, $0x4707, v26;
	v4 =	vsel vm9, $0xB01, v4  }
0xd6: {  	s24 =	sadd.s32 s1, s6;
	s6 =	sadd.s32 s2, s6;
	[dreg:$0xd] =	wrdreg s22;
	v27 =	vsel vm1, $0x5F00, v27;
	v28 =	vsel vm1, $0x5F01, v28;
	v4 =	vsel vm8, $0xB81, v4  }
0xd7: {  	s15 =	simm.s32 $0x200;
	s17 =	simm.s32 $0xF980;
	[dreg:$0xe] =	wrdreg s23;
	v29 =	vsel vm1, $0x5F02, v29;
	v30 =	vsel vm1, $0x5F03, v30;
	v4 =	vsel vm7, $0x1401, v4  }
0xd8: {  	s18 =	simm.s32 $0x10580;
	s19 =	simm.s32 $0x11180;
	[dreg:$0xf] =	wrdreg s24;
	v31 =	vsel vm1, $0x5F04, v31;
	v32 =	vsel vm1, $0x5F05, v32;
	v4 =	vsel vm6, $0x1481, v4  }
0xd9: {  	[dreg:$0x10] =	wrdreg s6;
	s25 =	sadd.s32 s8, s12;
	s22 =	simm.s32 $0x300;
	v33 =	vsel vm1, $0x5F06, v33;
	v34 =	vsel vm1, $0x5F07, v34;
	v4 =	vsel vm5, $0x1501, v4  }
0xda: {  	s20 =	simm.s32 $0x11D80;
	s21 =	simm.s32 $0x12980;
	s23 =	simm.s32 $0x13580;
	v35 =	vsel vm1, $0x7700, v35;
	v36 =	vsel vm1, $0x7701, v36;
	v4 =	vsel vm4, $0x1581, v4  }
0xdb: {  	s6 =	simm.s32 $0x6;
	s12 =	simm.s32 $0x3;
	s24 =	simm.s32 $0x2;
	v37 =	vsel vm1, $0x7702, v37;
	v38 =	vsel vm1, $0x7703, v38;
	v4 =	vsel vm3, $0x1601, v4  }
0xdc: {  	[dreg:$0x11] =	wrdreg s25;
	s26 =	sadd.s32 s11, s8;
	s25 =	simm.s32 $0x14180;
	v39 =	vsel vm1, $0x7704, v39;
	v40 =	vsel vm1, $0x7705, v40;
	v4 =	vsel vm2, $0x1681, v4  }
0xdd: {  	s11 =	simm.s32 $0x1;
	[dreg:$0x7] =	wrdreg s26;
	s26 =	simm.s32 $0x5;
	v41 =	vsel vm1, $0x7706, v41;
	v42 =	vsel vm1, $0x7707, v42;
	v4 =	vsel vm1, $0x1701, v4  }
.LBB2_1:
0xde: {  	s9 =	rddreg [dreg:$0x4]  }
0xdf: {  	[tilespmem:s22], [sflag:$0x7] =	stream.linear.gather [hbm4b:s9+s7], $0xEA80, $0x38;
	[tilespmem:$0x1DD80] =	vst v63  }
0xe0: {  	s9 =	simm.s32 $0x7  }
0xe1: {  	_ =	swait.ge [sflag:s9], $0xEA80  }
0xe2: {  	[sflag:s9] =	ssyncset.done $0x0  }
0xe3: {  	[sflag:s9] =	ssyncadd.s32 $0xFFFF1580;
	s9 =	rddreg [dreg:$0x8]  }
0xe4: {  	[tilespmem:s7], [sflag:$0x5] =	stream.linear.gather [hbm4b:s9+s7], $0x50, $0x38;
	[tilespmem:$0x1DD80] =	vst v63  }
0xe5: {  	s9 =	rddreg [dreg:$0x9]  }
0xe6: {  	[tilespmem:s14], [sflag:$0x5] =	stream.linear.gather [hbm4b:s9+s7], $0x50, $0x38;
	[tilespmem:$0x1DD80] =	vst v63  }
0xe7: {  	s9 =	rddreg [dreg:$0xa]  }
0xe8: {  	[tilespmem:s15], [sflag:$0x5] =	stream.linear.gather [hbm4b:s9+s7], $0x50, $0x38;
	[tilespmem:$0x1DD80] =	vst v63  }
0xe9: {  	_ =	swait.ge [sflag:s26], $0x50  }
0xea: {  	[sflag:s26] =	ssyncset.done $0x0  }
0xeb: {  	[sflag:s26] =	ssyncadd.s32 $0xFFFFFFB0  }
0xec: {  	_ =	swait.ge [sflag:s26], $0x50  }
0xed: {  	[sflag:s26] =	ssyncset.done $0x0  }
0xee: {  	[sflag:s26] =	ssyncadd.s32 $0xFFFFFFB0  }
0xef: {  	_ =	swait.ge [sflag:s26], $0x50  }
0xf0: {  	[sflag:s26] =	ssyncset.done $0x0  }
0xf1: {  	[sflag:s26] =	ssyncadd.s32 $0xFFFFFFB0  }
0xf2: {  	v43 =	vld [tilespmem:$0x0];
	_ =	sdelay $0x4  }
0xf3: {  	v44 =	vperm.xlane v43, v0;
	_ =	sdelay $0x1  }
0xf4: {  	v43 =	vperm.xlane v43, v2;
	v44 =	vadd.s32 v1, v44;
	_ =	sdelay $0x1  }
0xf5: {  	v43 =	vadd.s32 v1, v43;
	_ =	sdelay $0x2  }
0xf6: {  	[tilespmem:s28], [sflag:$0x1] =	stream.indirect_vreg.gather [hbm4b:s3+s7], $0x80, v44, vm0, $0xb8;
	[tilespmem:$0x1DD80] =	vst v63  }
0xf7: {  	_ = 	snop  }
0xf8: {  	[tilespmem:s17], [sflag:$0x1] =	stream.indirect_vreg.gather [hbm4b:s3+s7], $0x80, v43, vm0, $0xb8;
	[tilespmem:$0x1DD80] =	vst v63  }
0xf9: {  	v43 =	vld [tilespmem:$0x10];
	_ =	sdelay $0x4  }
0xfa: {  	v52 =	vperm.xlane v43, v0;
	_ =	sdelay $0x1  }
0xfb: {  	v43 =	vperm.xlane v43, v2;
	v44 =	vadd.s32 v1, v52;
	_ =	sdelay $0x1  }
0xfc: {  	v43 =	vadd.s32 v1, v43;
	_ =	sdelay $0x2  }
0xfd: {  	[tilespmem:s18], [sflag:$0x1] =	stream.indirect_vreg.gather [hbm4b:s3+s7], $0x80, v44, vm0, $0xb8;
	[tilespmem:$0x1DD80] =	vst v63  }
0xfe: {  	_ = 	snop  }
0xff: {  	[tilespmem:s19], [sflag:$0x1] =	stream.indirect_vreg.gather [hbm4b:s3+s7], $0x80, v43, vm0, $0xb8;
	[tilespmem:$0x1DD80] =	vst v63  }
0x100: {  	v43 =	vld [tilespmem:$0x20];
	_ =	sdelay $0x4  }
0x101: {  	v53 =	vperm.xlane v43, v0;
	_ =	sdelay $0x1  }
0x102: {  	v43 =	vperm.xlane v43, v2;
	v44 =	vadd.s32 v1, v53;
	_ =	sdelay $0x1  }
0x103: {  	v43 =	vadd.s32 v1, v43;
	_ =	sdelay $0x2  }
0x104: {  	[tilespmem:s20], [sflag:$0x1] =	stream.indirect_vreg.gather [hbm4b:s3+s7], $0x80, v44, vm0, $0xb8;
	[tilespmem:$0x1DD80] =	vst v63  }
0x105: {  	_ = 	snop  }
0x106: {  	[tilespmem:s21], [sflag:$0x1] =	stream.indirect_vreg.gather [hbm4b:s3+s7], $0x80, v43, vm0, $0xb8;
	[tilespmem:$0x1DD80] =	vst v63  }
0x107: {  	v43 =	vld [tilespmem:$0x30];
	_ =	sdelay $0x4  }
0x108: {  	v54 =	vperm.xlane v43, v0;
	_ =	sdelay $0x1  }
0x109: {  	v43 =	vperm.xlane v43, v2;
	v44 =	vadd.s32 v1, v54;
	_ =	sdelay $0x1  }
0x10a: {  	v43 =	vadd.s32 v1, v43;
	_ =	sdelay $0x2  }
0x10b: {  	[tilespmem:s23], [sflag:$0x1] =	stream.indirect_vreg.gather [hbm4b:s3+s7], $0x80, v44, vm0, $0xb8;
	[tilespmem:$0x1DD80] =	vst v63  }
0x10c: {  	_ = 	snop  }
0x10d: {  	[tilespmem:s25], [sflag:$0x1] =	stream.indirect_vreg.gather [hbm4b:s3+s7], $0x80, v43, vm0, $0xb8;
	[tilespmem:$0x1DD80] =	vst v63  }
0x10e: {  	v43 =	vld [tilespmem:$0x40];
	_ =	sdelay $0x4  }
0x10f: {  	v55 =	vperm.xlane v43, v0;
	_ =	sdelay $0x1  }
0x110: {  	v43 =	vperm.xlane v43, v2;
	v44 =	vadd.s32 v1, v55;
	_ =	sdelay $0x1  }
0x111: {  	v43 =	vadd.s32 v1, v43;
	_ =	sdelay $0x2  }
0x112: {  	[tilespmem:s4], [sflag:$0x1] =	stream.indirect_vreg.gather [hbm4b:s3+s7], $0x80, v44, vm0, $0xb8;
	[tilespmem:$0x1DD80] =	vst v63  }
0x113: {  	_ = 	snop  }
0x114: {  	[tilespmem:s10], [sflag:$0x1] =	stream.indirect_vreg.gather [hbm4b:s3+s7], $0x80, v43, vm0, $0xb8;
	[tilespmem:$0x1DD80] =	vst v63  }
0x115: {  	v43 =	vld [tilespmem:$0x100];
	_ =	sdelay $0x4  }
0x116: {  	v56 =	vperm.xlane v43, v0;
	_ =	sdelay $0x1  }
0x117: {  	v43 =	vperm.xlane v43, v2;
	v44 =	vadd.s32 v1, v56;
	_ =	sdelay $0x1  }
0x118: {  	v43 =	vadd.s32 v1, v43;
	_ =	sdelay $0x2  }
0x119: {  	[tilespmem:s29], [sflag:$0x1] =	stream.indirect_vreg.gather [hbm4b:s3+s7], $0x80, v44, vm0, $0xb8;
	[tilespmem:$0x1DD80] =	vst v63  }
0x11a: {  	_ = 	snop  }
0x11b: {  	[tilespmem:s30], [sflag:$0x1] =	stream.indirect_vreg.gather [hbm4b:s3+s7], $0x80, v43, vm0, $0xb8;
	[tilespmem:$0x1DD80] =	vst v63  }
0x11c: {  	v43 =	vld [tilespmem:$0x110];
	_ =	sdelay $0x4  }
0x11d: {  	v57 =	vperm.xlane v43, v0;
	_ =	sdelay $0x1  }
0x11e: {  	v43 =	vperm.xlane v43, v2;
	v44 =	vadd.s32 v1, v57;
	_ =	sdelay $0x1  }
0x11f: {  	v43 =	vadd.s32 v1, v43;
	_ =	sdelay $0x2  }
0x120: {  	[tilespmem:s31], [sflag:$0x1] =	stream.indirect_vreg.gather [hbm4b:s3+s7], $0x80, v44, vm0, $0xb8;
	[tilespmem:$0x1DD80] =	vst v63  }
0x121: {  	s17 =	simm.s32 $0x11580  }
0x122: {  	[tilespmem:s17], [sflag:$0x1] =	stream.indirect_vreg.gather [hbm4b:s3+s7], $0x80, v43, vm0, $0xb8;
	[tilespmem:$0x1DD80] =	vst v63  }
0x123: {  	v43 =	vld [tilespmem:$0x120];
	_ =	sdelay $0x4  }
0x124: {  	v58 =	vperm.xlane v43, v0;
	_ =	sdelay $0x1  }
0x125: {  	v43 =	vperm.xlane v43, v2;
	v44 =	vadd.s32 v1, v58;
	_ =	sdelay $0x1  }
0x126: {  	v43 =	vadd.s32 v1, v43;
	_ =	sdelay $0x1  }
0x127: {  	s18 =	simm.s32 $0x12180  }
0x128: {  	[tilespmem:s18], [sflag:$0x1] =	stream.indirect_vreg.gather [hbm4b:s3+s7], $0x80, v44, vm0, $0xb8;
	[tilespmem:$0x1DD80] =	vst v63  }
0x129: {  	s19 =	simm.s32 $0x12D80  }
0x12a: {  	[tilespmem:s19], [sflag:$0x1] =	stream.indirect_vreg.gather [hbm4b:s3+s7], $0x80, v43, vm0, $0xb8;
	[tilespmem:$0x1DD80] =	vst v63  }
0x12b: {  	v43 =	vld [tilespmem:$0x130];
	_ =	sdelay $0x4  }
0x12c: {  	v59 =	vperm.xlane v43, v0;
	_ =	sdelay $0x1  }
0x12d: {  	v43 =	vperm.xlane v43, v2;
	v44 =	vadd.s32 v1, v59;
	_ =	sdelay $0x1  }
0x12e: {  	v43 =	vadd.s32 v1, v43;
	_ =	sdelay $0x1  }
0x12f: {  	s20 =	simm.s32 $0x13980  }
0x130: {  	[tilespmem:s20], [sflag:$0x1] =	stream.indirect_vreg.gather [hbm4b:s3+s7], $0x80, v44, vm0, $0xb8;
	[tilespmem:$0x1DD80] =	vst v63  }
0x131: {  	s21 =	simm.s32 $0x14580  }
0x132: {  	[tilespmem:s21], [sflag:$0x1] =	stream.indirect_vreg.gather [hbm4b:s3+s7], $0x80, v43, vm0, $0xb8;
	[tilespmem:$0x1DD80] =	vst v63  }
0x133: {  	v43 =	vld [tilespmem:$0x140];
	_ =	sdelay $0x4  }
0x134: {  	v60 =	vperm.xlane v43, v0;
	_ =	sdelay $0x1  }
0x135: {  	v43 =	vperm.xlane v43, v2;
	v44 =	vadd.s32 v1, v60;
	_ =	sdelay $0x1  }
0x136: {  	v43 =	vadd.s32 v1, v43;
	_ =	sdelay $0x1  }
0x137: {  	s23 =	simm.s32 $0x15180  }
0x138: {  	[tilespmem:s23], [sflag:$0x1] =	stream.indirect_vreg.gather [hbm4b:s3+s7], $0x80, v44, vm0, $0xb8;
	[tilespmem:$0x1DD80] =	vst v63  }
0x139: {  	s25 =	simm.s32 $0x15D80  }
0x13a: {  	[tilespmem:s25], [sflag:$0x1] =	stream.indirect_vreg.gather [hbm4b:s3+s7], $0x80, v43, vm0, $0xb8;
	[tilespmem:$0x1DD80] =	vst v63  }
0x13b: {  	s4 =	rddreg [dreg:$0xb];
	s10 =	simm.s32 $0x80  }
0x13c: {  	[tilespmem:s10], [sflag:$0x6] =	stream.linear.gather [hbm4b:s4+s7], $0x50, $0x38;
	[tilespmem:$0x1DD80] =	vst v63  }
0x13d: {  	s17 =	rddreg [dreg:$0xc];
	s18 =	simm.s32 $0x180  }
0x13e: {  	[tilespmem:s18], [sflag:$0x6] =	stream.linear.gather [hbm4b:s17+s7], $0x50, $0x38;
	[tilespmem:$0x1DD80] =	vst v63  }
0x13f: {  	s19 =	rddreg [dreg:$0xd];
	s20 =	simm.s32 $0x280  }
0x140: {  	[tilespmem:s20], [sflag:$0x6] =	stream.linear.gather [hbm4b:s19+s7], $0x50, $0x38;
	[tilespmem:$0x1DD80] =	vst v63  }
0x141: {  	v43 =	vld [tilespmem:$0x0]  }
0x142: {  	v44 =	vld [tilespmem:$0x100];
	_ =	sdelay $0x3  }
0x143: {  	v43 =	vmul.u32 $0x6, v43  }
0x144: {  	v44 =	vmul.u32 $0x6, v44;
	_ =	sdelay $0x1  }
0x145: {  	v45 =	vor.u32 $0x1, v43  }
0x146: {  	v46 =	vadd.s32 $0x2, v43  }
0x147: {  	v47 =	vor.u32 $0x1, v44  }
0x148: {  	v49 =	vadd.s32 $0x3, v43;
	v48 =	vld.idx.msk [tilespmem:v43+s22+$0x0], $0xffff  }
0x149: {  	v50 =	vadd.s32 $0x2, v44;
	v52 =	vld.idx.msk [tilespmem:v44+s22+$0x0], $0xffff  }
0x14a: {  	v51 =	vadd.s32 $0x4, v43;
	v45 =	vld.idx.msk [tilespmem:v45+s22+$0x0], $0xffff  }
0x14b: {  	v53 =	vadd.s32 $0x3, v44;
	v46 =	vld.idx.msk [tilespmem:v46+s22+$0x0], $0xffff  }
0x14c: {  	v54 =	vadd.s32 $0x4, v44;
	v47 =	vld.idx.msk [tilespmem:v47+s22+$0x0], $0xffff  }
0x14d: {  	v43 =	vadd.s32 $0x5, v43;
	v49 =	vld.idx.msk [tilespmem:v49+s22+$0x0], $0xffff  }
0x14e: {  	v44 =	vadd.s32 $0x5, v44;
	v50 =	vld.idx.msk [tilespmem:v50+s22+$0x0], $0xffff  }
0x14f: {  	v51 =	vld.idx.msk [tilespmem:v51+s22+$0x0], $0xffff  }
0x150: {  	v53 =	vld.idx.msk [tilespmem:v53+s22+$0x0], $0xffff;
	v55 =	vmul.f32 v48, v48;
	v56 =	vmul.f32 v45, v45  }
0x151: {  	v54 =	vld.idx.msk [tilespmem:v54+s22+$0x0], $0xffff;
	v57 =	vmul.f32 v52, v52  }
0x152: {  	v43 =	vld.idx.msk [tilespmem:v43+s22+$0x0], $0xffff;
	v61 =	vmul.f32 v46, v46;
	v58 =	vmul.f32 v47, v47;
	v55 =	vadd.f32 v56, v55  }
0x153: {  	v44 =	vld.idx.msk [tilespmem:v44+s22+$0x0], $0xffff;
	v62 =	vmul.f32 v49, v49  }
0x154: {  	v63 =	vmul.f32 v50, v50;
	v57 =	vadd.f32 v58, v57;
	v55 =	vadd.f32 v61, v55;
	_ =	sdelay $0x1  }
0x155: {  	v60 =	vadd.f32 v63, v57;
	v61 =	vmul.f32 v53, v53;
	v55 =	vadd.f32 v62, v55  }
0x156: {  	v51 =	vsub.f32 v51, v54  }
0x157: {  	v43 =	vsub.f32 v43, v44;
	v56 =	vadd.f32 v61, v60;
	v55 =	vmax.f32 v55, $1.000000020e-16  }
0x158: {  	v60 =	vmul.f32 v51, v51;
	v62 =	vshrl.u32 v55, $0x1;
	v54 =	vmul.f32 $5.000000000e-01, v55  }
0x159: {  	v61 =	vmul.f32 v43, v43;
	v63 =	vmax.f32 v56, $1.000000020e-16;
	v44 =	vsub.s32 $0x5F3759DF, v62  }
0x15a: {  	v59 =	vshrl.u32 v63, $0x1;
	v55 =	vmul.f32 $5.000000000e-01, v63;
	v62 =	vmul.f32 v44, v54  }
0x15b: {  	v56 =	vadd.f32 v61, v60;
	v59 =	vsub.s32 $0x5F3759DF, v59  }
0x15c: {  	v60 =	vmul.f32 v59, v55;
	v63 =	vmul.f32 v44, v62  }
0x15d: {  	v56 =	vadd.f32 $9.999999960e-13, v56  }
0x15e: {  	v58 =	vmul.f32 v59, v60;
	v57 =	vsub.f32 $1.500000000e+00, v63  }
0x15f: {  	v60 =	vshrl.u32 v56, $0x1;
	v56 =	vmul.f32 $5.000000000e-01, v56  }
0x160: {  	v44 =	vmul.f32 v44, v57;
	v57 =	vsub.f32 $1.500000000e+00, v58;
	v58 =	vsub.s32 $0x5F3759DF, v60  }
0x161: {  	v60 =	vmul.f32 v58, v56  }
0x162: {  	v61 =	vmul.f32 v44, v54;
	v57 =	vmul.f32 v59, v57  }
0x163: {  	v59 =	vmul.f32 v58, v60  }
0x164: {  	v60 =	vmul.f32 v61, v44;
	v61 =	vmul.f32 v57, v55  }
0x165: {  	v59 =	vsub.f32 $1.500000000e+00, v59  }
0x166: {  	v60 =	vsub.f32 $1.500000000e+00, v60;
	v61 =	vmul.f32 v61, v57  }
0x167: {  	v58 =	vmul.f32 v58, v59  }
0x168: {  	v48 =	vmul.f32 v52, v48;
	v44 =	vmul.f32 v60, v44;
	v61 =	vsub.f32 $1.500000000e+00, v61  }
0x169: {  	v45 =	vmul.f32 v47, v45;
	v62 =	vmul.f32 v58, v56  }
0x16a: {  	v54 =	vmul.f32 v44, v54;
	v52 =	vmul.f32 v61, v57  }
0x16b: {  	v46 =	vmul.f32 v50, v46;
	v45 =	vadd.f32 v45, v48;
	v47 =	vmul.f32 v62, v58  }
0x16c: {  	v63 =	vmul.f32 v54, v44;
	v54 =	vmul.f32 v52, v55  }
0x16d: {  	v45 =	vadd.f32 v46, v45;
	v55 =	vsub.f32 $1.500000000e+00, v47  }
0x16e: {  	v57 =	vmul.f32 v53, v49;
	v48 =	vsub.f32 $1.500000000e+00, v63;
	v59 =	vmul.f32 v54, v52  }
0x16f: {  	v60 =	vld [tilespmem:$0x200];
	v46 =	vmul.f32 v55, v58  }
0x170: {  	v45 =	vadd.f32 v57, v45;
	v44 =	vmul.f32 v48, v44;
	v61 =	vsub.f32 $1.500000000e+00, v59  }
0x171: {  	v62 =	vmul.f32 v46, v56  }
0x172: {  	v44 =	vmul.f32 v44, v45;
	v63 =	vmul.f32 v61, v52  }
0x173: {  	v49 =	vmul.f32 v62, v46  }
0x174: {  	v52 =	vand.u32 $0x7FFFFFFF, v60;
	v44 =	vmul.f32 v63, v44  }
0x175: {  	[tilespmem:v3+s28+$0x0] =	vst.idx.msk $0xffff, v52;
	v47 =	vsub.f32 $1.500000000e+00, v49  }
0x176: {  	[tilespmem:v4+s28+$0x0] =	vst.idx.msk $0xffff, v44  }
0x177: {  	v53 =	vmul.f32 v47, v46;
	[tilespmem:v5+s28+$0x0] =	vst.idx.msk $0xffff, v51  }
0x178: {  	v54 =	vand.u32 $0x7FFFFFFF, v51;
	[tilespmem:v6+s28+$0x0] =	vst.idx.msk $0xffff, v43  }
0x179: {  	v55 =	vand.u32 $0x7FFFFFFF, v43;
	v47 =	vmul.f32 v53, v51;
	[tilespmem:v7+s28+$0x0] =	vst.idx.msk $0xffff, v54  }
0x17a: {  	v43 =	vmul.f32 v53, v43;
	[tilespmem:v8+s28+$0x0] =	vst.idx.msk $0xffff, v55  }
0x17b: {  	[tilespmem:v9+s28+$0x0] =	vst.idx.msk $0xffff, v47  }
0x17c: {  	[tilespmem:v10+s28+$0x0] =	vst.idx.msk $0xffff, v43  }
0x17d: {  	v43 =	vld [tilespmem:$0x10]  }
0x17e: {  	v56 =	vld [tilespmem:$0x110];
	_ =	sdelay $0x3  }
0x17f: {  	v43 =	vmul.u32 $0x6, v43  }
0x180: {  	v44 =	vmul.u32 $0x6, v56;
	_ =	sdelay $0x1  }
0x181: {  	v57 =	vor.u32 $0x1, v43  }
0x182: {  	v58 =	vadd.s32 $0x2, v43  }
0x183: {  	v59 =	vor.u32 $0x1, v44  }
0x184: {  	v61 =	vadd.s32 $0x3, v43;
	v48 =	vld.idx.msk [tilespmem:v43+s22+$0x0], $0xffff  }
0x185: {  	v62 =	vadd.s32 $0x2, v44;
	v52 =	vld.idx.msk [tilespmem:v44+s22+$0x0], $0xffff  }
0x186: {  	v63 =	vadd.s32 $0x4, v43;
	v45 =	vld.idx.msk [tilespmem:v57+s22+$0x0], $0xffff  }
0x187: {  	v60 =	vadd.s32 $0x3, v44;
	v46 =	vld.idx.msk [tilespmem:v58+s22+$0x0], $0xffff  }
0x188: {  	v54 =	vadd.s32 $0x4, v44;
	v47 =	vld.idx.msk [tilespmem:v59+s22+$0x0], $0xffff  }
0x189: {  	v43 =	vadd.s32 $0x5, v43;
	v49 =	vld.idx.msk [tilespmem:v61+s22+$0x0], $0xffff  }
0x18a: {  	v44 =	vadd.s32 $0x5, v44;
	v50 =	vld.idx.msk [tilespmem:v62+s22+$0x0], $0xffff  }
0x18b: {  	v51 =	vld.idx.msk [tilespmem:v63+s22+$0x0], $0xffff  }
0x18c: {  	v53 =	vld.idx.msk [tilespmem:v60+s22+$0x0], $0xffff;
	v61 =	vmul.f32 v48, v48;
	v62 =	vmul.f32 v45, v45  }
0x18d: {  	v54 =	vld.idx.msk [tilespmem:v54+s22+$0x0], $0xffff;
	v60 =	vmul.f32 v52, v52  }
0x18e: {  	v43 =	vld.idx.msk [tilespmem:v43+s22+$0x0], $0xffff;
	v63 =	vmul.f32 v46, v46;
	v55 =	vadd.f32 v62, v61;
	v61 =	vmul.f32 v47, v47  }
0x18f: {  	v44 =	vld.idx.msk [tilespmem:v44+s22+$0x0], $0xffff;
	v62 =	vmul.f32 v49, v49  }
0x190: {  	v55 =	vadd.f32 v63, v55;
	v57 =	vadd.f32 v61, v60;
	v63 =	vmul.f32 v50, v50;
	_ =	sdelay $0x1  }
0x191: {  	v61 =	vmul.f32 v53, v53;
	v55 =	vadd.f32 v62, v55;
	v60 =	vadd.f32 v63, v57  }
0x192: {  	v51 =	vsub.f32 v51, v54  }
0x193: {  	v43 =	vsub.f32 v43, v44;
	v56 =	vadd.f32 v61, v60;
	v55 =	vmax.f32 v55, $1.000000020e-16  }
0x194: {  	v63 =	vmul.f32 v51, v51;
	v62 =	vshrl.u32 v55, $0x1;
	v54 =	vmul.f32 $5.000000000e-01, v55  }
0x195: {  	v60 =	vmul.f32 v43, v43;
	v44 =	vsub.s32 $0x5F3759DF, v62;
	v55 =	vmax.f32 v56, $1.000000020e-16  }
0x196: {  	v61 =	vmul.f32 v44, v54;
	v62 =	vshrl.u32 v55, $0x1;
	v55 =	vmul.f32 $5.000000000e-01, v55  }
0x197: {  	v56 =	vadd.f32 v60, v63;
	v59 =	vsub.s32 $0x5F3759DF, v62  }
0x198: {  	v63 =	vmul.f32 v44, v61;
	v60 =	vmul.f32 v59, v55  }
0x199: {  	v56 =	vadd.f32 $9.999999960e-13, v56  }
0x19a: {  	v57 =	vsub.f32 $1.500000000e+00, v63;
	v58 =	vmul.f32 v59, v60  }
0x19b: {  	v60 =	vshrl.u32 v56, $0x1;
	v56 =	vmul.f32 $5.000000000e-01, v56  }
0x19c: {  	v44 =	vmul.f32 v44, v57;
	v57 =	vsub.f32 $1.500000000e+00, v58;
	v58 =	vsub.s32 $0x5F3759DF, v60  }
0x19d: {  	v60 =	vmul.f32 v58, v56  }
0x19e: {  	v61 =	vmul.f32 v44, v54;
	v57 =	vmul.f32 v59, v57  }
0x19f: {  	v59 =	vmul.f32 v58, v60  }
0x1a0: {  	v60 =	vmul.f32 v61, v44;
	v61 =	vmul.f32 v57, v55  }
0x1a1: {  	v59 =	vsub.f32 $1.500000000e+00, v59  }
0x1a2: {  	v60 =	vsub.f32 $1.500000000e+00, v60;
	v61 =	vmul.f32 v61, v57  }
0x1a3: {  	v58 =	vmul.f32 v58, v59  }
0x1a4: {  	v48 =	vmul.f32 v52, v48;
	v44 =	vmul.f32 v60, v44;
	v61 =	vsub.f32 $1.500000000e+00, v61  }
0x1a5: {  	v45 =	vmul.f32 v47, v45;
	v62 =	vmul.f32 v58, v56  }
0x1a6: {  	v54 =	vmul.f32 v44, v54;
	v52 =	vmul.f32 v61, v57  }
0x1a7: {  	v46 =	vmul.f32 v50, v46;
	v45 =	vadd.f32 v45, v48;
	v47 =	vmul.f32 v62, v58  }
0x1a8: {  	v63 =	vmul.f32 v54, v44;
	v54 =	vmul.f32 v52, v55  }
0x1a9: {  	v45 =	vadd.f32 v46, v45;
	v55 =	vsub.f32 $1.500000000e+00, v47  }
0x1aa: {  	v57 =	vmul.f32 v53, v49;
	v48 =	vsub.f32 $1.500000000e+00, v63;
	v59 =	vmul.f32 v54, v52  }
0x1ab: {  	v60 =	vld [tilespmem:$0x210];
	v46 =	vmul.f32 v55, v58  }
0x1ac: {  	v45 =	vadd.f32 v57, v45;
	v44 =	vmul.f32 v48, v44;
	v61 =	vsub.f32 $1.500000000e+00, v59  }
0x1ad: {  	v62 =	vmul.f32 v46, v56  }
0x1ae: {  	v44 =	vmul.f32 v44, v45;
	v63 =	vmul.f32 v61, v52  }
0x1af: {  	v49 =	vmul.f32 v62, v46  }
0x1b0: {  	v52 =	vand.u32 $0x7FFFFFFF, v60;
	v44 =	vmul.f32 v63, v44  }
0x1b1: {  	[tilespmem:v11+s28+$0x0] =	vst.idx.msk $0xffff, v52;
	v47 =	vsub.f32 $1.500000000e+00, v49  }
0x1b2: {  	[tilespmem:v12+s28+$0x0] =	vst.idx.msk $0xffff, v44  }
0x1b3: {  	v53 =	vmul.f32 v47, v46;
	[tilespmem:v13+s28+$0x0] =	vst.idx.msk $0xffff, v51  }
0x1b4: {  	v54 =	vand.u32 $0x7FFFFFFF, v51;
	[tilespmem:v14+s28+$0x0] =	vst.idx.msk $0xffff, v43  }
0x1b5: {  	v55 =	vand.u32 $0x7FFFFFFF, v43;
	v47 =	vmul.f32 v53, v51;
	[tilespmem:v15+s28+$0x0] =	vst.idx.msk $0xffff, v54  }
0x1b6: {  	v43 =	vmul.f32 v53, v43;
	[tilespmem:v16+s28+$0x0] =	vst.idx.msk $0xffff, v55  }
0x1b7: {  	[tilespmem:v17+s28+$0x0] =	vst.idx.msk $0xffff, v47  }
0x1b8: {  	[tilespmem:v18+s28+$0x0] =	vst.idx.msk $0xffff, v43  }
0x1b9: {  	v43 =	vld [tilespmem:$0x20]  }
0x1ba: {  	v56 =	vld [tilespmem:$0x120];
	_ =	sdelay $0x3  }
0x1bb: {  	v43 =	vmul.u32 $0x6, v43  }
0x1bc: {  	v44 =	vmul.u32 $0x6, v56;
	_ =	sdelay $0x1  }
0x1bd: {  	v57 =	vor.u32 $0x1, v43  }
0x1be: {  	v58 =	vadd.s32 $0x2, v43  }
0x1bf: {  	v59 =	vor.u32 $0x1, v44  }
0x1c0: {  	v61 =	vadd.s32 $0x3, v43;
	v48 =	vld.idx.msk [tilespmem:v43+s22+$0x0], $0xffff  }
0x1c1: {  	v62 =	vadd.s32 $0x2, v44;
	v52 =	vld.idx.msk [tilespmem:v44+s22+$0x0], $0xffff  }
0x1c2: {  	v63 =	vadd.s32 $0x4, v43;
	v45 =	vld.idx.msk [tilespmem:v57+s22+$0x0], $0xffff  }
0x1c3: {  	v60 =	vadd.s32 $0x3, v44;
	v46 =	vld.idx.msk [tilespmem:v58+s22+$0x0], $0xffff  }
0x1c4: {  	v54 =	vadd.s32 $0x4, v44;
	v47 =	vld.idx.msk [tilespmem:v59+s22+$0x0], $0xffff  }
0x1c5: {  	v43 =	vadd.s32 $0x5, v43;
	v49 =	vld.idx.msk [tilespmem:v61+s22+$0x0], $0xffff  }
0x1c6: {  	v44 =	vadd.s32 $0x5, v44;
	v50 =	vld.idx.msk [tilespmem:v62+s22+$0x0], $0xffff  }
0x1c7: {  	v51 =	vld.idx.msk [tilespmem:v63+s22+$0x0], $0xffff  }
0x1c8: {  	v53 =	vld.idx.msk [tilespmem:v60+s22+$0x0], $0xffff;
	v61 =	vmul.f32 v48, v48;
	v62 =	vmul.f32 v45, v45  }
0x1c9: {  	v54 =	vld.idx.msk [tilespmem:v54+s22+$0x0], $0xffff;
	v60 =	vmul.f32 v52, v52  }
0x1ca: {  	v43 =	vld.idx.msk [tilespmem:v43+s22+$0x0], $0xffff;
	v63 =	vmul.f32 v46, v46;
	v55 =	vadd.f32 v62, v61;
	v61 =	vmul.f32 v47, v47  }
0x1cb: {  	v44 =	vld.idx.msk [tilespmem:v44+s22+$0x0], $0xffff;
	v62 =	vmul.f32 v49, v49  }
0x1cc: {  	v55 =	vadd.f32 v63, v55;
	v57 =	vadd.f32 v61, v60;
	v63 =	vmul.f32 v50, v50;
	_ =	sdelay $0x1  }
0x1cd: {  	v61 =	vmul.f32 v53, v53;
	v55 =	vadd.f32 v62, v55;
	v60 =	vadd.f32 v63, v57  }
0x1ce: {  	v51 =	vsub.f32 v51, v54  }
0x1cf: {  	v43 =	vsub.f32 v43, v44;
	v56 =	vadd.f32 v61, v60;
	v55 =	vmax.f32 v55, $1.000000020e-16  }
0x1d0: {  	v63 =	vmul.f32 v51, v51;
	v62 =	vshrl.u32 v55, $0x1;
	v54 =	vmul.f32 $5.000000000e-01, v55  }
0x1d1: {  	v60 =	vmul.f32 v43, v43;
	v44 =	vsub.s32 $0x5F3759DF, v62;
	v55 =	vmax.f32 v56, $1.000000020e-16  }
0x1d2: {  	v61 =	vmul.f32 v44, v54;
	v62 =	vshrl.u32 v55, $0x1;
	v55 =	vmul.f32 $5.000000000e-01, v55  }
0x1d3: {  	v56 =	vadd.f32 v60, v63;
	v59 =	vsub.s32 $0x5F3759DF, v62  }
0x1d4: {  	v63 =	vmul.f32 v44, v61;
	v60 =	vmul.f32 v59, v55  }
0x1d5: {  	v56 =	vadd.f32 $9.999999960e-13, v56  }
0x1d6: {  	v57 =	vsub.f32 $1.500000000e+00, v63;
	v58 =	vmul.f32 v59, v60  }
0x1d7: {  	v60 =	vshrl.u32 v56, $0x1;
	v56 =	vmul.f32 $5.000000000e-01, v56  }
0x1d8: {  	v44 =	vmul.f32 v44, v57;
	v57 =	vsub.f32 $1.500000000e+00, v58;
	v58 =	vsub.s32 $0x5F3759DF, v60  }
0x1d9: {  	v60 =	vmul.f32 v58, v56  }
0x1da: {  	v61 =	vmul.f32 v44, v54;
	v57 =	vmul.f32 v59, v57  }
0x1db: {  	v59 =	vmul.f32 v58, v60  }
0x1dc: {  	v60 =	vmul.f32 v61, v44;
	v61 =	vmul.f32 v57, v55  }
0x1dd: {  	v59 =	vsub.f32 $1.500000000e+00, v59  }
0x1de: {  	v60 =	vsub.f32 $1.500000000e+00, v60;
	v61 =	vmul.f32 v61, v57  }
0x1df: {  	v58 =	vmul.f32 v58, v59  }
0x1e0: {  	v48 =	vmul.f32 v52, v48;
	v44 =	vmul.f32 v60, v44;
	v61 =	vsub.f32 $1.500000000e+00, v61  }
0x1e1: {  	v45 =	vmul.f32 v47, v45;
	v62 =	vmul.f32 v58, v56  }
0x1e2: {  	v54 =	vmul.f32 v44, v54;
	v52 =	vmul.f32 v61, v57  }
0x1e3: {  	v46 =	vmul.f32 v50, v46;
	v45 =	vadd.f32 v45, v48;
	v47 =	vmul.f32 v62, v58  }
0x1e4: {  	v63 =	vmul.f32 v54, v44;
	v54 =	vmul.f32 v52, v55  }
0x1e5: {  	v45 =	vadd.f32 v46, v45;
	v55 =	vsub.f32 $1.500000000e+00, v47  }
0x1e6: {  	v57 =	vmul.f32 v53, v49;
	v48 =	vsub.f32 $1.500000000e+00, v63;
	v59 =	vmul.f32 v54, v52  }
0x1e7: {  	v60 =	vld [tilespmem:$0x220];
	v46 =	vmul.f32 v55, v58  }
0x1e8: {  	v45 =	vadd.f32 v57, v45;
	v44 =	vmul.f32 v48, v44;
	v61 =	vsub.f32 $1.500000000e+00, v59  }
0x1e9: {  	v62 =	vmul.f32 v46, v56  }
0x1ea: {  	v44 =	vmul.f32 v44, v45;
	v63 =	vmul.f32 v61, v52  }
0x1eb: {  	v49 =	vmul.f32 v62, v46  }
0x1ec: {  	v52 =	vand.u32 $0x7FFFFFFF, v60;
	v44 =	vmul.f32 v63, v44  }
0x1ed: {  	[tilespmem:v19+s28+$0x0] =	vst.idx.msk $0xffff, v52;
	v47 =	vsub.f32 $1.500000000e+00, v49  }
0x1ee: {  	[tilespmem:v20+s28+$0x0] =	vst.idx.msk $0xffff, v44  }
0x1ef: {  	v53 =	vmul.f32 v47, v46;
	[tilespmem:v21+s28+$0x0] =	vst.idx.msk $0xffff, v51  }
0x1f0: {  	v54 =	vand.u32 $0x7FFFFFFF, v51;
	[tilespmem:v22+s28+$0x0] =	vst.idx.msk $0xffff, v43  }
0x1f1: {  	v55 =	vand.u32 $0x7FFFFFFF, v43;
	v47 =	vmul.f32 v53, v51;
	[tilespmem:v23+s28+$0x0] =	vst.idx.msk $0xffff, v54  }
0x1f2: {  	v43 =	vmul.f32 v53, v43;
	[tilespmem:v24+s28+$0x0] =	vst.idx.msk $0xffff, v55  }
0x1f3: {  	[tilespmem:v25+s28+$0x0] =	vst.idx.msk $0xffff, v47  }
0x1f4: {  	[tilespmem:v26+s28+$0x0] =	vst.idx.msk $0xffff, v43  }
0x1f5: {  	v43 =	vld [tilespmem:$0x30]  }
0x1f6: {  	v56 =	vld [tilespmem:$0x130];
	_ =	sdelay $0x3  }
0x1f7: {  	v43 =	vmul.u32 $0x6, v43  }
0x1f8: {  	v44 =	vmul.u32 $0x6, v56;
	_ =	sdelay $0x1  }
0x1f9: {  	v57 =	vor.u32 $0x1, v43  }
0x1fa: {  	v58 =	vadd.s32 $0x2, v43  }
0x1fb: {  	v59 =	vor.u32 $0x1, v44  }
0x1fc: {  	v61 =	vadd.s32 $0x3, v43;
	v48 =	vld.idx.msk [tilespmem:v43+s22+$0x0], $0xffff  }
0x1fd: {  	v62 =	vadd.s32 $0x2, v44;
	v52 =	vld.idx.msk [tilespmem:v44+s22+$0x0], $0xffff  }
0x1fe: {  	v63 =	vadd.s32 $0x4, v43;
	v45 =	vld.idx.msk [tilespmem:v57+s22+$0x0], $0xffff  }
0x1ff: {  	v60 =	vadd.s32 $0x3, v44;
	v46 =	vld.idx.msk [tilespmem:v58+s22+$0x0], $0xffff  }
0x200: {  	v54 =	vadd.s32 $0x4, v44;
	v47 =	vld.idx.msk [tilespmem:v59+s22+$0x0], $0xffff  }
0x201: {  	v43 =	vadd.s32 $0x5, v43;
	v49 =	vld.idx.msk [tilespmem:v61+s22+$0x0], $0xffff  }
0x202: {  	v44 =	vadd.s32 $0x5, v44;
	v50 =	vld.idx.msk [tilespmem:v62+s22+$0x0], $0xffff  }
0x203: {  	v51 =	vld.idx.msk [tilespmem:v63+s22+$0x0], $0xffff  }
0x204: {  	v53 =	vld.idx.msk [tilespmem:v60+s22+$0x0], $0xffff;
	v61 =	vmul.f32 v48, v48;
	v62 =	vmul.f32 v45, v45  }
0x205: {  	v54 =	vld.idx.msk [tilespmem:v54+s22+$0x0], $0xffff;
	v60 =	vmul.f32 v52, v52  }
0x206: {  	v43 =	vld.idx.msk [tilespmem:v43+s22+$0x0], $0xffff;
	v63 =	vmul.f32 v46, v46;
	v55 =	vadd.f32 v62, v61;
	v61 =	vmul.f32 v47, v47  }
0x207: {  	v44 =	vld.idx.msk [tilespmem:v44+s22+$0x0], $0xffff;
	v62 =	vmul.f32 v49, v49  }
0x208: {  	v55 =	vadd.f32 v63, v55;
	v57 =	vadd.f32 v61, v60;
	v63 =	vmul.f32 v50, v50;
	_ =	sdelay $0x1  }
0x209: {  	v61 =	vmul.f32 v53, v53;
	v55 =	vadd.f32 v62, v55;
	v60 =	vadd.f32 v63, v57  }
0x20a: {  	v51 =	vsub.f32 v51, v54  }
0x20b: {  	v43 =	vsub.f32 v43, v44;
	v56 =	vadd.f32 v61, v60;
	v55 =	vmax.f32 v55, $1.000000020e-16  }
0x20c: {  	v63 =	vmul.f32 v51, v51;
	v62 =	vshrl.u32 v55, $0x1;
	v54 =	vmul.f32 $5.000000000e-01, v55  }
0x20d: {  	v60 =	vmul.f32 v43, v43;
	v44 =	vsub.s32 $0x5F3759DF, v62;
	v55 =	vmax.f32 v56, $1.000000020e-16  }
0x20e: {  	v61 =	vmul.f32 v44, v54;
	v62 =	vshrl.u32 v55, $0x1;
	v55 =	vmul.f32 $5.000000000e-01, v55  }
0x20f: {  	v56 =	vadd.f32 v60, v63;
	v59 =	vsub.s32 $0x5F3759DF, v62  }
0x210: {  	v63 =	vmul.f32 v44, v61;
	v60 =	vmul.f32 v59, v55  }
0x211: {  	v56 =	vadd.f32 $9.999999960e-13, v56  }
0x212: {  	v57 =	vsub.f32 $1.500000000e+00, v63;
	v58 =	vmul.f32 v59, v60  }
0x213: {  	v60 =	vshrl.u32 v56, $0x1;
	v56 =	vmul.f32 $5.000000000e-01, v56  }
0x214: {  	v44 =	vmul.f32 v44, v57;
	v57 =	vsub.f32 $1.500000000e+00, v58;
	v58 =	vsub.s32 $0x5F3759DF, v60  }
0x215: {  	v60 =	vmul.f32 v58, v56  }
0x216: {  	v61 =	vmul.f32 v44, v54;
	v57 =	vmul.f32 v59, v57  }
0x217: {  	v59 =	vmul.f32 v58, v60  }
0x218: {  	v60 =	vmul.f32 v61, v44;
	v61 =	vmul.f32 v57, v55  }
0x219: {  	v59 =	vsub.f32 $1.500000000e+00, v59  }
0x21a: {  	v60 =	vsub.f32 $1.500000000e+00, v60;
	v61 =	vmul.f32 v61, v57  }
0x21b: {  	v58 =	vmul.f32 v58, v59  }
0x21c: {  	v48 =	vmul.f32 v52, v48;
	v44 =	vmul.f32 v60, v44;
	v61 =	vsub.f32 $1.500000000e+00, v61  }
0x21d: {  	v45 =	vmul.f32 v47, v45;
	v62 =	vmul.f32 v58, v56  }
0x21e: {  	v54 =	vmul.f32 v44, v54;
	v52 =	vmul.f32 v61, v57  }
0x21f: {  	v46 =	vmul.f32 v50, v46;
	v45 =	vadd.f32 v45, v48;
	v47 =	vmul.f32 v62, v58  }
0x220: {  	v63 =	vmul.f32 v54, v44;
	v54 =	vmul.f32 v52, v55  }
0x221: {  	v45 =	vadd.f32 v46, v45;
	v55 =	vsub.f32 $1.500000000e+00, v47  }
0x222: {  	v57 =	vmul.f32 v53, v49;
	v48 =	vsub.f32 $1.500000000e+00, v63;
	v59 =	vmul.f32 v54, v52  }
0x223: {  	v60 =	vld [tilespmem:$0x230];
	v46 =	vmul.f32 v55, v58  }
0x224: {  	v45 =	vadd.f32 v57, v45;
	v44 =	vmul.f32 v48, v44;
	v61 =	vsub.f32 $1.500000000e+00, v59  }
0x225: {  	v62 =	vmul.f32 v46, v56  }
0x226: {  	v44 =	vmul.f32 v44, v45;
	v63 =	vmul.f32 v61, v52  }
0x227: {  	v49 =	vmul.f32 v62, v46  }
0x228: {  	v52 =	vand.u32 $0x7FFFFFFF, v60;
	v44 =	vmul.f32 v63, v44  }
0x229: {  	[tilespmem:v27+s28+$0x0] =	vst.idx.msk $0xffff, v52;
	v47 =	vsub.f32 $1.500000000e+00, v49  }
0x22a: {  	[tilespmem:v28+s28+$0x0] =	vst.idx.msk $0xffff, v44  }
0x22b: {  	v53 =	vmul.f32 v47, v46;
	[tilespmem:v29+s28+$0x0] =	vst.idx.msk $0xffff, v51  }
0x22c: {  	v54 =	vand.u32 $0x7FFFFFFF, v51;
	[tilespmem:v30+s28+$0x0] =	vst.idx.msk $0xffff, v43  }
0x22d: {  	v55 =	vand.u32 $0x7FFFFFFF, v43;
	v47 =	vmul.f32 v53, v51;
	[tilespmem:v31+s28+$0x0] =	vst.idx.msk $0xffff, v54  }
0x22e: {  	v43 =	vmul.f32 v53, v43;
	[tilespmem:v32+s28+$0x0] =	vst.idx.msk $0xffff, v55  }
0x22f: {  	[tilespmem:v33+s28+$0x0] =	vst.idx.msk $0xffff, v47  }
0x230: {  	[tilespmem:v34+s28+$0x0] =	vst.idx.msk $0xffff, v43  }
0x231: {  	v43 =	vld [tilespmem:$0x40]  }
0x232: {  	v56 =	vld [tilespmem:$0x140];
	_ =	sdelay $0x3  }
0x233: {  	v43 =	vmul.u32 $0x6, v43  }
0x234: {  	v44 =	vmul.u32 $0x6, v56;
	_ =	sdelay $0x1  }
0x235: {  	v57 =	vor.u32 $0x1, v43  }
0x236: {  	v58 =	vadd.s32 $0x2, v43  }
0x237: {  	v59 =	vor.u32 $0x1, v44  }
0x238: {  	v60 =	vadd.s32 $0x3, v43;
	v48 =	vld.idx.msk [tilespmem:v43+s22+$0x0], $0xffff  }
0x239: {  	v61 =	vadd.s32 $0x2, v44;
	v52 =	vld.idx.msk [tilespmem:v44+s22+$0x0], $0xffff  }
0x23a: {  	v62 =	vadd.s32 $0x4, v43;
	v45 =	vld.idx.msk [tilespmem:v57+s22+$0x0], $0xffff  }
0x23b: {  	v63 =	vadd.s32 $0x3, v44;
	v46 =	vld.idx.msk [tilespmem:v58+s22+$0x0], $0xffff  }
0x23c: {  	v54 =	vadd.s32 $0x4, v44;
	v47 =	vld.idx.msk [tilespmem:v59+s22+$0x0], $0xffff  }
0x23d: {  	v43 =	vadd.s32 $0x5, v43;
	v49 =	vld.idx.msk [tilespmem:v60+s22+$0x0], $0xffff  }
0x23e: {  	v44 =	vadd.s32 $0x5, v44;
	v50 =	vld.idx.msk [tilespmem:v61+s22+$0x0], $0xffff  }
0x23f: {  	v51 =	vld.idx.msk [tilespmem:v62+s22+$0x0], $0xffff  }
0x240: {  	v53 =	vld.idx.msk [tilespmem:v63+s22+$0x0], $0xffff;
	v60 =	vmul.f32 v48, v48;
	v61 =	vmul.f32 v45, v45  }
0x241: {  	v54 =	vld.idx.msk [tilespmem:v54+s22+$0x0], $0xffff;
	v63 =	vmul.f32 v52, v52  }
0x242: {  	v43 =	vld.idx.msk [tilespmem:v43+s22+$0x0], $0xffff;
	v62 =	vmul.f32 v46, v46;
	v55 =	vadd.f32 v61, v60;
	v60 =	vmul.f32 v47, v47  }
0x243: {  	v44 =	vld.idx.msk [tilespmem:v44+s22+$0x0], $0xffff;
	v61 =	vmul.f32 v49, v49  }
0x244: {  	v55 =	vadd.f32 v62, v55;
	v57 =	vadd.f32 v60, v63;
	v62 =	vmul.f32 v50, v50;
	_ =	sdelay $0x1  }
0x245: {  	v60 =	vmul.f32 v53, v53;
	v55 =	vadd.f32 v61, v55;
	v63 =	vadd.f32 v62, v57  }
0x246: {  	v51 =	vsub.f32 v51, v54  }
0x247: {  	v43 =	vsub.f32 v43, v44;
	v56 =	vadd.f32 v60, v63;
	v55 =	vmax.f32 v55, $1.000000020e-16  }
0x248: {  	v62 =	vmul.f32 v51, v51;
	v61 =	vshrl.u32 v55, $0x1;
	v54 =	vmul.f32 $5.000000000e-01, v55  }
0x249: {  	v63 =	vmul.f32 v43, v43;
	v44 =	vsub.s32 $0x5F3759DF, v61;
	v55 =	vmax.f32 v56, $1.000000020e-16  }
0x24a: {  	v60 =	vmul.f32 v44, v54;
	v61 =	vshrl.u32 v55, $0x1;
	v55 =	vmul.f32 $5.000000000e-01, v55  }
0x24b: {  	v56 =	vadd.f32 v63, v62;
	v59 =	vsub.s32 $0x5F3759DF, v61  }
0x24c: {  	v62 =	vmul.f32 v44, v60;
	v63 =	vmul.f32 v59, v55  }
0x24d: {  	v56 =	vadd.f32 $9.999999960e-13, v56  }
0x24e: {  	v57 =	vsub.f32 $1.500000000e+00, v62;
	v58 =	vmul.f32 v59, v63  }
0x24f: {  	v60 =	vshrl.u32 v56, $0x1;
	v56 =	vmul.f32 $5.000000000e-01, v56  }
0x250: {  	v44 =	vmul.f32 v44, v57;
	v57 =	vsub.f32 $1.500000000e+00, v58;
	v58 =	vsub.s32 $0x5F3759DF, v60  }
0x251: {  	v60 =	vmul.f32 v58, v56  }
0x252: {  	v61 =	vmul.f32 v44, v54;
	v57 =	vmul.f32 v59, v57  }
0x253: {  	v59 =	vmul.f32 v58, v60  }
0x254: {  	v60 =	vmul.f32 v61, v44;
	v61 =	vmul.f32 v57, v55  }
0x255: {  	v59 =	vsub.f32 $1.500000000e+00, v59  }
0x256: {  	v60 =	vsub.f32 $1.500000000e+00, v60;
	v61 =	vmul.f32 v61, v57  }
0x257: {  	v58 =	vmul.f32 v58, v59  }
0x258: {  	v48 =	vmul.f32 v52, v48;
	v44 =	vmul.f32 v60, v44;
	v60 =	vsub.f32 $1.500000000e+00, v61  }
0x259: {  	v45 =	vmul.f32 v47, v45;
	v61 =	vmul.f32 v58, v56  }
0x25a: {  	v52 =	vmul.f32 v60, v57;
	v54 =	vmul.f32 v44, v54  }
0x25b: {  	v46 =	vmul.f32 v50, v46;
	v45 =	vadd.f32 v45, v48;
	v47 =	vmul.f32 v61, v58  }
0x25c: {  	v62 =	vmul.f32 v54, v44;
	v63 =	vmul.f32 v52, v55  }
0x25d: {  	v45 =	vadd.f32 v46, v45;
	v54 =	vsub.f32 $1.500000000e+00, v47  }
0x25e: {  	v55 =	vmul.f32 v53, v49;
	v48 =	vsub.f32 $1.500000000e+00, v62;
	v57 =	vmul.f32 v63, v52  }
0x25f: {  	v59 =	vld [tilespmem:$0x240];
	v46 =	vmul.f32 v54, v58  }
0x260: {  	v45 =	vadd.f32 v55, v45;
	v44 =	vmul.f32 v48, v44;
	v60 =	vsub.f32 $1.500000000e+00, v57  }
0x261: {  	v61 =	vmul.f32 v46, v56  }
0x262: {  	v44 =	vmul.f32 v44, v45;
	v62 =	vmul.f32 v60, v52  }
0x263: {  	v63 =	vmul.f32 v61, v46  }
0x264: {  	v48 =	vand.u32 $0x7FFFFFFF, v59;
	v44 =	vmul.f32 v62, v44  }
0x265: {  	[tilespmem:v35+s28+$0x0] =	vst.idx.msk $0xffff, v48;
	v47 =	vsub.f32 $1.500000000e+00, v63  }
0x266: {  	[tilespmem:v36+s28+$0x0] =	vst.idx.msk $0xffff, v44  }
0x267: {  	v49 =	vmul.f32 v47, v46;
	[tilespmem:v37+s28+$0x0] =	vst.idx.msk $0xffff, v51  }
0x268: {  	v50 =	vand.u32 $0x7FFFFFFF, v51;
	[tilespmem:v38+s28+$0x0] =	vst.idx.msk $0xffff, v43  }
0x269: {  	v52 =	vand.u32 $0x7FFFFFFF, v43;
	v47 =	vmul.f32 v49, v51;
	[tilespmem:v39+s28+$0x0] =	vst.idx.msk $0xffff, v50  }
0x26a: {  	v43 =	vmul.f32 v49, v43;
	[tilespmem:v40+s28+$0x0] =	vst.idx.msk $0xffff, v52  }
0x26b: {  	[tilespmem:v41+s28+$0x0] =	vst.idx.msk $0xffff, v47  }
0x26c: {  	[tilespmem:v42+s28+$0x0] =	vst.idx.msk $0xffff, v43  }
0x26d: {  	_ =	swait.ge [sflag:s6], $0x50  }
0x26e: {  	[sflag:s6] =	ssyncset.done $0x0  }
0x26f: {  	[sflag:s6] =	ssyncadd.s32 $0xFFFFFFB0  }
0x270: {  	_ =	swait.ge [sflag:s6], $0x50  }
0x271: {  	[sflag:s6] =	ssyncset.done $0x0  }
0x272: {  	[sflag:s6] =	ssyncadd.s32 $0xFFFFFFB0  }
0x273: {  	_ =	swait.ge [sflag:s6], $0x50  }
0x274: {  	[sflag:s6] =	ssyncset.done $0x0  }
0x275: {  	[sflag:s6] =	ssyncadd.s32 $0xFFFFFFB0  }
0x276: {  	v53 =	vld [tilespmem:$0x80];
	_ =	sdelay $0x4  }
0x277: {  	v54 =	vperm.xlane v53, v0;
	_ =	sdelay $0x1  }
0x278: {  	v43 =	vperm.xlane v53, v2;
	v44 =	vadd.s32 v1, v54;
	_ =	sdelay $0x1  }
0x279: {  	v43 =	vadd.s32 v1, v43;
	_ =	sdelay $0x2  }
0x27a: {  	[tilespmem:s5], [sflag:$0x2] =	stream.indirect_vreg.gather [hbm4b:s3+s7], $0x80, v44, vm0, $0xb8;
	[tilespmem:$0x1DD80] =	vst v63  }
0x27b: {  	s21 =	simm.s32 $0x17180  }
0x27c: {  	[tilespmem:s21], [sflag:$0x2] =	stream.indirect_vreg.gather [hbm4b:s3+s7], $0x80, v43, vm0, $0xb8;
	[tilespmem:$0x1DD80] =	vst v63  }
0x27d: {  	v43 =	vld [tilespmem:$0x90];
	_ =	sdelay $0x4  }
0x27e: {  	v55 =	vperm.xlane v43, v0;
	_ =	sdelay $0x1  }
0x27f: {  	v43 =	vperm.xlane v43, v2;
	v44 =	vadd.s32 v1, v55;
	_ =	sdelay $0x1  }
0x280: {  	v43 =	vadd.s32 v1, v43;
	_ =	sdelay $0x1  }
0x281: {  	s23 =	simm.s32 $0x17D80  }
0x282: {  	[tilespmem:s23], [sflag:$0x2] =	stream.indirect_vreg.gather [hbm4b:s3+s7], $0x80, v44, vm0, $0xb8;
	[tilespmem:$0x1DD80] =	vst v63  }
0x283: {  	s25 =	simm.s32 $0x18980  }
0x284: {  	[tilespmem:s25], [sflag:$0x2] =	stream.indirect_vreg.gather [hbm4b:s3+s7], $0x80, v43, vm0, $0xb8;
	[tilespmem:$0x1DD80] =	vst v63  }
0x285: {  	v43 =	vld [tilespmem:$0xA0];
	_ =	sdelay $0x4  }
0x286: {  	v56 =	vperm.xlane v43, v0;
	_ =	sdelay $0x1  }
0x287: {  	v43 =	vperm.xlane v43, v2;
	v44 =	vadd.s32 v1, v56;
	_ =	sdelay $0x1  }
0x288: {  	v43 =	vadd.s32 v1, v43;
	_ =	sdelay $0x1  }
0x289: {  	s9 =	simm.s32 $0x19580  }
0x28a: {  	[tilespmem:s9], [sflag:$0x2] =	stream.indirect_vreg.gather [hbm4b:s3+s7], $0x80, v44, vm0, $0xb8;
	[tilespmem:$0x1DD80] =	vst v63  }
0x28b: {  	s10 =	simm.s32 $0x1A180  }
0x28c: {  	[tilespmem:s10], [sflag:$0x2] =	stream.indirect_vreg.gather [hbm4b:s3+s7], $0x80, v43, vm0, $0xb8;
	[tilespmem:$0x1DD80] =	vst v63  }
0x28d: {  	v43 =	vld [tilespmem:$0xB0];
	_ =	sdelay $0x4  }
0x28e: {  	v57 =	vperm.xlane v43, v0;
	_ =	sdelay $0x1  }
0x28f: {  	v43 =	vperm.xlane v43, v2;
	v44 =	vadd.s32 v1, v57;
	_ =	sdelay $0x1  }
0x290: {  	v43 =	vadd.s32 v1, v43;
	_ =	sdelay $0x1  }
0x291: {  	s17 =	simm.s32 $0x1AD80  }
0x292: {  	[tilespmem:s17], [sflag:$0x2] =	stream.indirect_vreg.gather [hbm4b:s3+s7], $0x80, v44, vm0, $0xb8;
	[tilespmem:$0x1DD80] =	vst v63  }
0x293: {  	s18 =	simm.s32 $0x1B980  }
0x294: {  	[tilespmem:s18], [sflag:$0x2] =	stream.indirect_vreg.gather [hbm4b:s3+s7], $0x80, v43, vm0, $0xb8;
	[tilespmem:$0x1DD80] =	vst v63  }
0x295: {  	v43 =	vld [tilespmem:$0xC0];
	_ =	sdelay $0x4  }
0x296: {  	v58 =	vperm.xlane v43, v0;
	_ =	sdelay $0x1  }
0x297: {  	v43 =	vperm.xlane v43, v2;
	v44 =	vadd.s32 v1, v58;
	_ =	sdelay $0x1  }
0x298: {  	v43 =	vadd.s32 v1, v43;
	_ =	sdelay $0x1  }
0x299: {  	s19 =	simm.s32 $0x1C580  }
0x29a: {  	[tilespmem:s19], [sflag:$0x2] =	stream.indirect_vreg.gather [hbm4b:s3+s7], $0x80, v44, vm0, $0xb8;
	[tilespmem:$0x1DD80] =	vst v63  }
0x29b: {  	s20 =	simm.s32 $0x1D180  }
0x29c: {  	[tilespmem:s20], [sflag:$0x2] =	stream.indirect_vreg.gather [hbm4b:s3+s7], $0x80, v43, vm0, $0xb8;
	[tilespmem:$0x1DD80] =	vst v63  }
0x29d: {  	v43 =	vld [tilespmem:$0x180];
	_ =	sdelay $0x4  }
0x29e: {  	v59 =	vperm.xlane v43, v0;
	_ =	sdelay $0x1  }
0x29f: {  	v43 =	vperm.xlane v43, v2;
	v44 =	vadd.s32 v1, v59;
	_ =	sdelay $0x1  }
0x2a0: {  	v43 =	vadd.s32 v1, v43;
	_ =	sdelay $0x1  }
0x2a1: {  	s21 =	simm.s32 $0x16980  }
0x2a2: {  	[tilespmem:s21], [sflag:$0x2] =	stream.indirect_vreg.gather [hbm4b:s3+s7], $0x80, v44, vm0, $0xb8;
	[tilespmem:$0x1DD80] =	vst v63  }
0x2a3: {  	s23 =	simm.s32 $0x17580  }
0x2a4: {  	[tilespmem:s23], [sflag:$0x2] =	stream.indirect_vreg.gather [hbm4b:s3+s7], $0x80, v43, vm0, $0xb8;
	[tilespmem:$0x1DD80] =	vst v63  }
0x2a5: {  	v43 =	vld [tilespmem:$0x190];
	_ =	sdelay $0x4  }
0x2a6: {  	v60 =	vperm.xlane v43, v0;
	_ =	sdelay $0x1  }
0x2a7: {  	v43 =	vperm.xlane v43, v2;
	v44 =	vadd.s32 v1, v60;
	_ =	sdelay $0x1  }
0x2a8: {  	v43 =	vadd.s32 v1, v43;
	_ =	sdelay $0x1  }
0x2a9: {  	s10 =	simm.s32 $0x18180  }
0x2aa: {  	[tilespmem:s10], [sflag:$0x2] =	stream.indirect_vreg.gather [hbm4b:s3+s7], $0x80, v44, vm0, $0xb8;
	[tilespmem:$0x1DD80] =	vst v63  }
0x2ab: {  	s19 =	simm.s32 $0x18D80  }
0x2ac: {  	[tilespmem:s19], [sflag:$0x2] =	stream.indirect_vreg.gather [hbm4b:s3+s7], $0x80, v43, vm0, $0xb8;
	[tilespmem:$0x1DD80] =	vst v63  }
0x2ad: {  	v43 =	vld [tilespmem:$0x1A0];
	_ =	sdelay $0x4  }
0x2ae: {  	v61 =	vperm.xlane v43, v0;
	_ =	sdelay $0x1  }
0x2af: {  	v43 =	vperm.xlane v43, v2;
	v44 =	vadd.s32 v1, v61;
	_ =	sdelay $0x1  }
0x2b0: {  	v43 =	vadd.s32 v1, v43;
	_ =	sdelay $0x1  }
0x2b1: {  	s20 =	simm.s32 $0x19980  }
0x2b2: {  	[tilespmem:s20], [sflag:$0x2] =	stream.indirect_vreg.gather [hbm4b:s3+s7], $0x80, v44, vm0, $0xb8;
	[tilespmem:$0x1DD80] =	vst v63  }
0x2b3: {  	s31 =	simm.s32 $0x1A580  }
0x2b4: {  	[tilespmem:s31], [sflag:$0x2] =	stream.indirect_vreg.gather [hbm4b:s3+s7], $0x80, v43, vm0, $0xb8;
	[tilespmem:$0x1DD80] =	vst v63  }
0x2b5: {  	v43 =	vld [tilespmem:$0x1B0];
	_ =	sdelay $0x4  }
0x2b6: {  	v62 =	vperm.xlane v43, v0;
	_ =	sdelay $0x1  }
0x2b7: {  	v43 =	vperm.xlane v43, v2;
	v44 =	vadd.s32 v1, v62;
	_ =	sdelay $0x1  }
0x2b8: {  	v43 =	vadd.s32 v1, v43;
	_ =	sdelay $0x1  }
0x2b9: {  	s18 =	simm.s32 $0x1B180  }
0x2ba: {  	[tilespmem:s18], [sflag:$0x2] =	stream.indirect_vreg.gather [hbm4b:s3+s7], $0x80, v44, vm0, $0xb8;
	[tilespmem:$0x1DD80] =	vst v63  }
0x2bb: {  	s23 =	simm.s32 $0x1BD80  }
0x2bc: {  	[tilespmem:s23], [sflag:$0x2] =	stream.indirect_vreg.gather [hbm4b:s3+s7], $0x80, v43, vm0, $0xb8;
	[tilespmem:$0x1DD80] =	vst v63  }
0x2bd: {  	v43 =	vld [tilespmem:$0x1C0];
	_ =	sdelay $0x4  }
0x2be: {  	v63 =	vperm.xlane v43, v0;
	_ =	sdelay $0x1  }
0x2bf: {  	v43 =	vperm.xlane v43, v2;
	v44 =	vadd.s32 v1, v63;
	_ =	sdelay $0x1  }
0x2c0: {  	v43 =	vadd.s32 v1, v43;
	_ =	sdelay $0x1  }
0x2c1: {  	s17 =	simm.s32 $0x1C980  }
0x2c2: {  	[tilespmem:s17], [sflag:$0x2] =	stream.indirect_vreg.gather [hbm4b:s3+s7], $0x80, v44, vm0, $0xb8;
	[tilespmem:$0x1DD80] =	vst v63  }
0x2c3: {  	s30 =	simm.s32 $0x1D580  }
0x2c4: {  	[tilespmem:s30], [sflag:$0x2] =	stream.indirect_vreg.gather [hbm4b:s3+s7], $0x80, v43, vm0, $0xb8;
	[tilespmem:$0x1DD80] =	vst v63  }
0x2c5: {  	_ =	swait.ge [sflag:s11], $0x2800  }
0x2c6: {  	[sflag:s11] =	ssyncset.done $0x0  }
0x2c7: {  	[sflag:s11] =	ssyncadd.s32 $0xFFFFD800  }
0x2c8: {  	_ =	swait.ge [sflag:s11], $0x2800  }
0x2c9: {  	[sflag:s11] =	ssyncset.done $0x0  }
0x2ca: {  	s25 =	rddreg [dreg:$0xe];
	[sflag:s11] =	ssyncadd.s32 $0xFFFFD800  }
0x2cb: {  	[tilespmem:s7], [sflag:$0x5] =	stream.linear.gather [hbm4b:s25+s7], $0x50, $0x38;
	[tilespmem:$0x1DD80] =	vst v63  }
0x2cc: {  	s4 =	rddreg [dreg:$0xf]  }
0x2cd: {  	[tilespmem:s14], [sflag:$0x5] =	stream.linear.gather [hbm4b:s4+s7], $0x50, $0x38;
	[tilespmem:$0x1DD80] =	vst v63  }
0x2ce: {  	s21 =	rddreg [dreg:$0x10]  }
0x2cf: {  	[tilespmem:s15], [sflag:$0x5] =	stream.linear.gather [hbm4b:s21+s7], $0x50, $0x38;
	[tilespmem:$0x1DD80] =	vst v63  }
0x2d0: {  	s29 =	simm.s32 $0xFD80;
	s25 =	rddreg [dreg:$0x11]  }
0x2d1: {  	[hbm4b:s25+s7] =	stream.linear.scatter [tilespmem:s28], [sflag:$0x3], $0x7800, $0x38;
	[tilespmem:$0x1DD80] =	vst v63  }
0x2d2: {  	s14 =	rddreg [dreg:$0x13];
	s4 =	simm.s32 $0x10980;
	s25 =	simm.s32 $0x0  }
.LBB2_2:
0x2d3: {  	v43 =	vld [tilespmem:$0x80]  }
0x2d4: {  	v44 =	vld [tilespmem:$0x180];
	_ =	sdelay $0x3  }
0x2d5: {  	v43 =	vmul.u32 $0x6, v43  }
0x2d6: {  	v44 =	vmul.u32 $0x6, v44;
	_ =	sdelay $0x1  }
0x2d7: {  	v45 =	vor.u32 $0x1, v43  }
0x2d8: {  	v46 =	vadd.s32 $0x2, v43  }
0x2d9: {  	v47 =	vor.u32 $0x1, v44  }
0x2da: {  	v49 =	vadd.s32 $0x3, v43;
	v48 =	vld.idx.msk [tilespmem:v43+s22+$0x0], $0xffff  }
0x2db: {  	v50 =	vadd.s32 $0x2, v44;
	v52 =	vld.idx.msk [tilespmem:v44+s22+$0x0], $0xffff  }
0x2dc: {  	v51 =	vadd.s32 $0x4, v43;
	v45 =	vld.idx.msk [tilespmem:v45+s22+$0x0], $0xffff  }
0x2dd: {  	v53 =	vadd.s32 $0x3, v44;
	v46 =	vld.idx.msk [tilespmem:v46+s22+$0x0], $0xffff  }
0x2de: {  	v54 =	vadd.s32 $0x4, v44;
	v47 =	vld.idx.msk [tilespmem:v47+s22+$0x0], $0xffff  }
0x2df: {  	v43 =	vadd.s32 $0x5, v43;
	v49 =	vld.idx.msk [tilespmem:v49+s22+$0x0], $0xffff  }
0x2e0: {  	v44 =	vadd.s32 $0x5, v44;
	v50 =	vld.idx.msk [tilespmem:v50+s22+$0x0], $0xffff  }
0x2e1: {  	v51 =	vld.idx.msk [tilespmem:v51+s22+$0x0], $0xffff  }
0x2e2: {  	v53 =	vld.idx.msk [tilespmem:v53+s22+$0x0], $0xffff;
	v55 =	vmul.f32 v48, v48;
	v56 =	vmul.f32 v45, v45  }
0x2e3: {  	v54 =	vld.idx.msk [tilespmem:v54+s22+$0x0], $0xffff;
	v57 =	vmul.f32 v52, v52  }
0x2e4: {  	v43 =	vld.idx.msk [tilespmem:v43+s22+$0x0], $0xffff;
	v61 =	vmul.f32 v46, v46;
	v58 =	vmul.f32 v47, v47;
	v55 =	vadd.f32 v56, v55  }
0x2e5: {  	v44 =	vld.idx.msk [tilespmem:v44+s22+$0x0], $0xffff;
	v62 =	vmul.f32 v49, v49  }
0x2e6: {  	v63 =	vmul.f32 v50, v50;
	v57 =	vadd.f32 v58, v57;
	v55 =	vadd.f32 v61, v55;
	_ =	sdelay $0x1  }
0x2e7: {  	v60 =	vadd.f32 v63, v57;
	v61 =	vmul.f32 v53, v53;
	v55 =	vadd.f32 v62, v55  }
0x2e8: {  	v51 =	vsub.f32 v51, v54  }
0x2e9: {  	v43 =	vsub.f32 v43, v44;
	v56 =	vadd.f32 v61, v60;
	v55 =	vmax.f32 v55, $1.000000020e-16  }
0x2ea: {  	v60 =	vmul.f32 v51, v51;
	v62 =	vshrl.u32 v55, $0x1;
	v54 =	vmul.f32 $5.000000000e-01, v55  }
0x2eb: {  	v61 =	vmul.f32 v43, v43;
	v63 =	vmax.f32 v56, $1.000000020e-16;
	v44 =	vsub.s32 $0x5F3759DF, v62  }
0x2ec: {  	v59 =	vshrl.u32 v63, $0x1;
	v55 =	vmul.f32 $5.000000000e-01, v63;
	v62 =	vmul.f32 v44, v54  }
0x2ed: {  	v56 =	vadd.f32 v61, v60;
	v59 =	vsub.s32 $0x5F3759DF, v59  }
0x2ee: {  	v60 =	vmul.f32 v59, v55;
	v63 =	vmul.f32 v44, v62  }
0x2ef: {  	v56 =	vadd.f32 $9.999999960e-13, v56  }
0x2f0: {  	v58 =	vmul.f32 v59, v60;
	v57 =	vsub.f32 $1.500000000e+00, v63  }
0x2f1: {  	v60 =	vshrl.u32 v56, $0x1;
	v56 =	vmul.f32 $5.000000000e-01, v56  }
0x2f2: {  	v44 =	vmul.f32 v44, v57;
	v57 =	vsub.f32 $1.500000000e+00, v58;
	v58 =	vsub.s32 $0x5F3759DF, v60  }
0x2f3: {  	v60 =	vmul.f32 v58, v56  }
0x2f4: {  	v61 =	vmul.f32 v44, v54;
	v57 =	vmul.f32 v59, v57  }
0x2f5: {  	v59 =	vmul.f32 v58, v60  }
0x2f6: {  	v60 =	vmul.f32 v61, v44;
	v61 =	vmul.f32 v57, v55  }
0x2f7: {  	v59 =	vsub.f32 $1.500000000e+00, v59  }
0x2f8: {  	v60 =	vsub.f32 $1.500000000e+00, v60;
	v61 =	vmul.f32 v61, v57  }
0x2f9: {  	v58 =	vmul.f32 v58, v59  }
0x2fa: {  	v48 =	vmul.f32 v52, v48;
	v44 =	vmul.f32 v60, v44;
	v61 =	vsub.f32 $1.500000000e+00, v61  }
0x2fb: {  	v45 =	vmul.f32 v47, v45;
	v62 =	vmul.f32 v58, v56  }
0x2fc: {  	v54 =	vmul.f32 v44, v54;
	v52 =	vmul.f32 v61, v57  }
0x2fd: {  	v46 =	vmul.f32 v50, v46;
	v45 =	vadd.f32 v45, v48;
	v47 =	vmul.f32 v62, v58  }
0x2fe: {  	v63 =	vmul.f32 v54, v44;
	v54 =	vmul.f32 v52, v55  }
0x2ff: {  	v45 =	vadd.f32 v46, v45;
	v55 =	vsub.f32 $1.500000000e+00, v47  }
0x300: {  	v57 =	vmul.f32 v53, v49;
	v48 =	vsub.f32 $1.500000000e+00, v63;
	v59 =	vmul.f32 v54, v52  }
0x301: {  	v60 =	vld [tilespmem:$0x280];
	v46 =	vmul.f32 v55, v58  }
0x302: {  	v45 =	vadd.f32 v57, v45;
	v44 =	vmul.f32 v48, v44;
	v61 =	vsub.f32 $1.500000000e+00, v59  }
0x303: {  	v62 =	vmul.f32 v46, v56  }
0x304: {  	v44 =	vmul.f32 v44, v45;
	v63 =	vmul.f32 v61, v52  }
0x305: {  	v49 =	vmul.f32 v62, v46  }
0x306: {  	v52 =	vand.u32 $0x7FFFFFFF, v60;
	v44 =	vmul.f32 v63, v44  }
0x307: {  	[tilespmem:v3+s5+$0x0] =	vst.idx.msk $0xffff, v52;
	v47 =	vsub.f32 $1.500000000e+00, v49  }
0x308: {  	[tilespmem:v4+s5+$0x0] =	vst.idx.msk $0xffff, v44  }
0x309: {  	v53 =	vmul.f32 v47, v46;
	[tilespmem:v5+s5+$0x0] =	vst.idx.msk $0xffff, v51  }
0x30a: {  	v54 =	vand.u32 $0x7FFFFFFF, v51;
	[tilespmem:v6+s5+$0x0] =	vst.idx.msk $0xffff, v43  }
0x30b: {  	v55 =	vand.u32 $0x7FFFFFFF, v43;
	v47 =	vmul.f32 v53, v51;
	[tilespmem:v7+s5+$0x0] =	vst.idx.msk $0xffff, v54  }
0x30c: {  	v43 =	vmul.f32 v53, v43;
	[tilespmem:v8+s5+$0x0] =	vst.idx.msk $0xffff, v55  }
0x30d: {  	[tilespmem:v9+s5+$0x0] =	vst.idx.msk $0xffff, v47  }
0x30e: {  	[tilespmem:v10+s5+$0x0] =	vst.idx.msk $0xffff, v43  }
0x30f: {  	v43 =	vld [tilespmem:$0x90]  }
0x310: {  	v56 =	vld [tilespmem:$0x190];
	_ =	sdelay $0x3  }
0x311: {  	v43 =	vmul.u32 $0x6, v43  }
0x312: {  	v44 =	vmul.u32 $0x6, v56;
	_ =	sdelay $0x1  }
0x313: {  	v57 =	vor.u32 $0x1, v43  }
0x314: {  	v58 =	vadd.s32 $0x2, v43  }
0x315: {  	v59 =	vor.u32 $0x1, v44  }
0x316: {  	v61 =	vadd.s32 $0x3, v43;
	v48 =	vld.idx.msk [tilespmem:v43+s22+$0x0], $0xffff  }
0x317: {  	v62 =	vadd.s32 $0x2, v44;
	v52 =	vld.idx.msk [tilespmem:v44+s22+$0x0], $0xffff  }
0x318: {  	v63 =	vadd.s32 $0x4, v43;
	v45 =	vld.idx.msk [tilespmem:v57+s22+$0x0], $0xffff  }
0x319: {  	v60 =	vadd.s32 $0x3, v44;
	v46 =	vld.idx.msk [tilespmem:v58+s22+$0x0], $0xffff  }
0x31a: {  	v54 =	vadd.s32 $0x4, v44;
	v47 =	vld.idx.msk [tilespmem:v59+s22+$0x0], $0xffff  }
0x31b: {  	v43 =	vadd.s32 $0x5, v43;
	v49 =	vld.idx.msk [tilespmem:v61+s22+$0x0], $0xffff  }
0x31c: {  	v44 =	vadd.s32 $0x5, v44;
	v50 =	vld.idx.msk [tilespmem:v62+s22+$0x0], $0xffff  }
0x31d: {  	v51 =	vld.idx.msk [tilespmem:v63+s22+$0x0], $0xffff  }
0x31e: {  	v53 =	vld.idx.msk [tilespmem:v60+s22+$0x0], $0xffff;
	v61 =	vmul.f32 v48, v48;
	v62 =	vmul.f32 v45, v45  }
0x31f: {  	v54 =	vld.idx.msk [tilespmem:v54+s22+$0x0], $0xffff;
	v60 =	vmul.f32 v52, v52  }
0x320: {  	v43 =	vld.idx.msk [tilespmem:v43+s22+$0x0], $0xffff;
	v63 =	vmul.f32 v46, v46;
	v55 =	vadd.f32 v62, v61;
	v61 =	vmul.f32 v47, v47  }
0x321: {  	v44 =	vld.idx.msk [tilespmem:v44+s22+$0x0], $0xffff;
	v62 =	vmul.f32 v49, v49  }
0x322: {  	v55 =	vadd.f32 v63, v55;
	v57 =	vadd.f32 v61, v60;
	v63 =	vmul.f32 v50, v50;
	_ =	sdelay $0x1  }
0x323: {  	v61 =	vmul.f32 v53, v53;
	v55 =	vadd.f32 v62, v55;
	v60 =	vadd.f32 v63, v57  }
0x324: {  	v51 =	vsub.f32 v51, v54  }
0x325: {  	v43 =	vsub.f32 v43, v44;
	v56 =	vadd.f32 v61, v60;
	v55 =	vmax.f32 v55, $1.000000020e-16  }
0x326: {  	v63 =	vmul.f32 v51, v51;
	v62 =	vshrl.u32 v55, $0x1;
	v54 =	vmul.f32 $5.000000000e-01, v55  }
0x327: {  	v60 =	vmul.f32 v43, v43;
	v44 =	vsub.s32 $0x5F3759DF, v62;
	v55 =	vmax.f32 v56, $1.000000020e-16  }
0x328: {  	v61 =	vmul.f32 v44, v54;
	v62 =	vshrl.u32 v55, $0x1;
	v55 =	vmul.f32 $5.000000000e-01, v55  }
0x329: {  	v56 =	vadd.f32 v60, v63;
	v59 =	vsub.s32 $0x5F3759DF, v62  }
0x32a: {  	v63 =	vmul.f32 v44, v61;
	v60 =	vmul.f32 v59, v55  }
0x32b: {  	v56 =	vadd.f32 $9.999999960e-13, v56  }
0x32c: {  	v57 =	vsub.f32 $1.500000000e+00, v63;
	v58 =	vmul.f32 v59, v60  }
0x32d: {  	v60 =	vshrl.u32 v56, $0x1;
	v56 =	vmul.f32 $5.000000000e-01, v56  }
0x32e: {  	v44 =	vmul.f32 v44, v57;
	v57 =	vsub.f32 $1.500000000e+00, v58;
	v58 =	vsub.s32 $0x5F3759DF, v60  }
0x32f: {  	v60 =	vmul.f32 v58, v56  }
0x330: {  	v61 =	vmul.f32 v44, v54;
	v57 =	vmul.f32 v59, v57  }
0x331: {  	v59 =	vmul.f32 v58, v60  }
0x332: {  	v60 =	vmul.f32 v61, v44;
	v61 =	vmul.f32 v57, v55  }
0x333: {  	v59 =	vsub.f32 $1.500000000e+00, v59  }
0x334: {  	v60 =	vsub.f32 $1.500000000e+00, v60;
	v61 =	vmul.f32 v61, v57  }
0x335: {  	v58 =	vmul.f32 v58, v59  }
0x336: {  	v48 =	vmul.f32 v52, v48;
	v44 =	vmul.f32 v60, v44;
	v61 =	vsub.f32 $1.500000000e+00, v61  }
0x337: {  	v45 =	vmul.f32 v47, v45;
	v62 =	vmul.f32 v58, v56  }
0x338: {  	v54 =	vmul.f32 v44, v54;
	v52 =	vmul.f32 v61, v57  }
0x339: {  	v46 =	vmul.f32 v50, v46;
	v45 =	vadd.f32 v45, v48;
	v47 =	vmul.f32 v62, v58  }
0x33a: {  	v63 =	vmul.f32 v54, v44;
	v54 =	vmul.f32 v52, v55  }
0x33b: {  	v45 =	vadd.f32 v46, v45;
	v55 =	vsub.f32 $1.500000000e+00, v47  }
0x33c: {  	v57 =	vmul.f32 v53, v49;
	v48 =	vsub.f32 $1.500000000e+00, v63;
	v59 =	vmul.f32 v54, v52  }
0x33d: {  	v60 =	vld [tilespmem:$0x290];
	v46 =	vmul.f32 v55, v58  }
0x33e: {  	v45 =	vadd.f32 v57, v45;
	v44 =	vmul.f32 v48, v44;
	v61 =	vsub.f32 $1.500000000e+00, v59  }
0x33f: {  	v62 =	vmul.f32 v46, v56  }
0x340: {  	v44 =	vmul.f32 v44, v45;
	v63 =	vmul.f32 v61, v52  }
0x341: {  	v49 =	vmul.f32 v62, v46  }
0x342: {  	v52 =	vand.u32 $0x7FFFFFFF, v60;
	v44 =	vmul.f32 v63, v44  }
0x343: {  	[tilespmem:v11+s5+$0x0] =	vst.idx.msk $0xffff, v52;
	v47 =	vsub.f32 $1.500000000e+00, v49  }
0x344: {  	[tilespmem:v12+s5+$0x0] =	vst.idx.msk $0xffff, v44  }
0x345: {  	v53 =	vmul.f32 v47, v46;
	[tilespmem:v13+s5+$0x0] =	vst.idx.msk $0xffff, v51  }
0x346: {  	v54 =	vand.u32 $0x7FFFFFFF, v51;
	[tilespmem:v14+s5+$0x0] =	vst.idx.msk $0xffff, v43  }
0x347: {  	v55 =	vand.u32 $0x7FFFFFFF, v43;
	v47 =	vmul.f32 v53, v51;
	[tilespmem:v15+s5+$0x0] =	vst.idx.msk $0xffff, v54  }
0x348: {  	v43 =	vmul.f32 v53, v43;
	[tilespmem:v16+s5+$0x0] =	vst.idx.msk $0xffff, v55  }
0x349: {  	[tilespmem:v17+s5+$0x0] =	vst.idx.msk $0xffff, v47  }
0x34a: {  	[tilespmem:v18+s5+$0x0] =	vst.idx.msk $0xffff, v43  }
0x34b: {  	v43 =	vld [tilespmem:$0xA0]  }
0x34c: {  	v56 =	vld [tilespmem:$0x1A0];
	_ =	sdelay $0x3  }
0x34d: {  	v43 =	vmul.u32 $0x6, v43  }
0x34e: {  	v44 =	vmul.u32 $0x6, v56;
	_ =	sdelay $0x1  }
0x34f: {  	v57 =	vor.u32 $0x1, v43  }
0x350: {  	v58 =	vadd.s32 $0x2, v43  }
0x351: {  	v59 =	vor.u32 $0x1, v44  }
0x352: {  	v61 =	vadd.s32 $0x3, v43;
	v48 =	vld.idx.msk [tilespmem:v43+s22+$0x0], $0xffff  }
0x353: {  	v62 =	vadd.s32 $0x2, v44;
	v52 =	vld.idx.msk [tilespmem:v44+s22+$0x0], $0xffff  }
0x354: {  	v63 =	vadd.s32 $0x4, v43;
	v45 =	vld.idx.msk [tilespmem:v57+s22+$0x0], $0xffff  }
0x355: {  	v60 =	vadd.s32 $0x3, v44;
	v46 =	vld.idx.msk [tilespmem:v58+s22+$0x0], $0xffff  }
0x356: {  	v54 =	vadd.s32 $0x4, v44;
	v47 =	vld.idx.msk [tilespmem:v59+s22+$0x0], $0xffff  }
0x357: {  	v43 =	vadd.s32 $0x5, v43;
	v49 =	vld.idx.msk [tilespmem:v61+s22+$0x0], $0xffff  }
0x358: {  	v44 =	vadd.s32 $0x5, v44;
	v50 =	vld.idx.msk [tilespmem:v62+s22+$0x0], $0xffff  }
0x359: {  	v51 =	vld.idx.msk [tilespmem:v63+s22+$0x0], $0xffff  }
0x35a: {  	v53 =	vld.idx.msk [tilespmem:v60+s22+$0x0], $0xffff;
	v61 =	vmul.f32 v48, v48;
	v62 =	vmul.f32 v45, v45  }
0x35b: {  	v54 =	vld.idx.msk [tilespmem:v54+s22+$0x0], $0xffff;
	v60 =	vmul.f32 v52, v52  }
0x35c: {  	v43 =	vld.idx.msk [tilespmem:v43+s22+$0x0], $0xffff;
	v63 =	vmul.f32 v46, v46;
	v55 =	vadd.f32 v62, v61;
	v61 =	vmul.f32 v47, v47  }
0x35d: {  	v44 =	vld.idx.msk [tilespmem:v44+s22+$0x0], $0xffff;
	v62 =	vmul.f32 v49, v49  }
0x35e: {  	v55 =	vadd.f32 v63, v55;
	v57 =	vadd.f32 v61, v60;
	v63 =	vmul.f32 v50, v50;
	_ =	sdelay $0x1  }
0x35f: {  	v61 =	vmul.f32 v53, v53;
	v55 =	vadd.f32 v62, v55;
	v60 =	vadd.f32 v63, v57  }
0x360: {  	v51 =	vsub.f32 v51, v54  }
0x361: {  	v43 =	vsub.f32 v43, v44;
	v56 =	vadd.f32 v61, v60;
	v55 =	vmax.f32 v55, $1.000000020e-16  }
0x362: {  	v63 =	vmul.f32 v51, v51;
	v62 =	vshrl.u32 v55, $0x1;
	v54 =	vmul.f32 $5.000000000e-01, v55  }
0x363: {  	v60 =	vmul.f32 v43, v43;
	v44 =	vsub.s32 $0x5F3759DF, v62;
	v55 =	vmax.f32 v56, $1.000000020e-16  }
0x364: {  	v61 =	vmul.f32 v44, v54;
	v62 =	vshrl.u32 v55, $0x1;
	v55 =	vmul.f32 $5.000000000e-01, v55  }
0x365: {  	v56 =	vadd.f32 v60, v63;
	v59 =	vsub.s32 $0x5F3759DF, v62  }
0x366: {  	v63 =	vmul.f32 v44, v61;
	v60 =	vmul.f32 v59, v55  }
0x367: {  	v56 =	vadd.f32 $9.999999960e-13, v56  }
0x368: {  	v57 =	vsub.f32 $1.500000000e+00, v63;
	v58 =	vmul.f32 v59, v60  }
0x369: {  	v60 =	vshrl.u32 v56, $0x1;
	v56 =	vmul.f32 $5.000000000e-01, v56  }
0x36a: {  	v44 =	vmul.f32 v44, v57;
	v57 =	vsub.f32 $1.500000000e+00, v58;
	v58 =	vsub.s32 $0x5F3759DF, v60  }
0x36b: {  	v60 =	vmul.f32 v58, v56  }
0x36c: {  	v61 =	vmul.f32 v44, v54;
	v57 =	vmul.f32 v59, v57  }
0x36d: {  	v59 =	vmul.f32 v58, v60  }
0x36e: {  	v60 =	vmul.f32 v61, v44;
	v61 =	vmul.f32 v57, v55  }
0x36f: {  	v59 =	vsub.f32 $1.500000000e+00, v59  }
0x370: {  	v60 =	vsub.f32 $1.500000000e+00, v60;
	v61 =	vmul.f32 v61, v57  }
0x371: {  	v58 =	vmul.f32 v58, v59  }
0x372: {  	v48 =	vmul.f32 v52, v48;
	v44 =	vmul.f32 v60, v44;
	v61 =	vsub.f32 $1.500000000e+00, v61  }
0x373: {  	v45 =	vmul.f32 v47, v45;
	v62 =	vmul.f32 v58, v56  }
0x374: {  	v54 =	vmul.f32 v44, v54;
	v52 =	vmul.f32 v61, v57  }
0x375: {  	v46 =	vmul.f32 v50, v46;
	v45 =	vadd.f32 v45, v48;
	v47 =	vmul.f32 v62, v58  }
0x376: {  	v63 =	vmul.f32 v54, v44;
	v54 =	vmul.f32 v52, v55  }
0x377: {  	v45 =	vadd.f32 v46, v45;
	v55 =	vsub.f32 $1.500000000e+00, v47  }
0x378: {  	v57 =	vmul.f32 v53, v49;
	v48 =	vsub.f32 $1.500000000e+00, v63;
	v59 =	vmul.f32 v54, v52  }
0x379: {  	v60 =	vld [tilespmem:$0x2A0];
	v46 =	vmul.f32 v55, v58  }
0x37a: {  	v45 =	vadd.f32 v57, v45;
	v44 =	vmul.f32 v48, v44;
	v61 =	vsub.f32 $1.500000000e+00, v59  }
0x37b: {  	v62 =	vmul.f32 v46, v56  }
0x37c: {  	v44 =	vmul.f32 v44, v45;
	v63 =	vmul.f32 v61, v52  }
0x37d: {  	v49 =	vmul.f32 v62, v46  }
0x37e: {  	v52 =	vand.u32 $0x7FFFFFFF, v60;
	v44 =	vmul.f32 v63, v44  }
0x37f: {  	[tilespmem:v19+s5+$0x0] =	vst.idx.msk $0xffff, v52;
	v47 =	vsub.f32 $1.500000000e+00, v49  }
0x380: {  	[tilespmem:v20+s5+$0x0] =	vst.idx.msk $0xffff, v44  }
0x381: {  	v53 =	vmul.f32 v47, v46;
	[tilespmem:v21+s5+$0x0] =	vst.idx.msk $0xffff, v51  }
0x382: {  	v54 =	vand.u32 $0x7FFFFFFF, v51;
	[tilespmem:v22+s5+$0x0] =	vst.idx.msk $0xffff, v43  }
0x383: {  	v55 =	vand.u32 $0x7FFFFFFF, v43;
	v47 =	vmul.f32 v53, v51;
	[tilespmem:v23+s5+$0x0] =	vst.idx.msk $0xffff, v54  }
0x384: {  	v43 =	vmul.f32 v53, v43;
	[tilespmem:v24+s5+$0x0] =	vst.idx.msk $0xffff, v55  }
0x385: {  	[tilespmem:v25+s5+$0x0] =	vst.idx.msk $0xffff, v47  }
0x386: {  	[tilespmem:v26+s5+$0x0] =	vst.idx.msk $0xffff, v43  }
0x387: {  	v43 =	vld [tilespmem:$0xB0]  }
0x388: {  	v56 =	vld [tilespmem:$0x1B0];
	_ =	sdelay $0x3  }
0x389: {  	v43 =	vmul.u32 $0x6, v43  }
0x38a: {  	v44 =	vmul.u32 $0x6, v56;
	_ =	sdelay $0x1  }
0x38b: {  	v57 =	vor.u32 $0x1, v43  }
0x38c: {  	v58 =	vadd.s32 $0x2, v43  }
0x38d: {  	v59 =	vor.u32 $0x1, v44  }
0x38e: {  	v61 =	vadd.s32 $0x3, v43;
	v48 =	vld.idx.msk [tilespmem:v43+s22+$0x0], $0xffff  }
0x38f: {  	v62 =	vadd.s32 $0x2, v44;
	v52 =	vld.idx.msk [tilespmem:v44+s22+$0x0], $0xffff  }
0x390: {  	v63 =	vadd.s32 $0x4, v43;
	v45 =	vld.idx.msk [tilespmem:v57+s22+$0x0], $0xffff  }
0x391: {  	v60 =	vadd.s32 $0x3, v44;
	v46 =	vld.idx.msk [tilespmem:v58+s22+$0x0], $0xffff  }
0x392: {  	v54 =	vadd.s32 $0x4, v44;
	v47 =	vld.idx.msk [tilespmem:v59+s22+$0x0], $0xffff  }
0x393: {  	v43 =	vadd.s32 $0x5, v43;
	v49 =	vld.idx.msk [tilespmem:v61+s22+$0x0], $0xffff  }
0x394: {  	v44 =	vadd.s32 $0x5, v44;
	v50 =	vld.idx.msk [tilespmem:v62+s22+$0x0], $0xffff  }
0x395: {  	v51 =	vld.idx.msk [tilespmem:v63+s22+$0x0], $0xffff  }
0x396: {  	v53 =	vld.idx.msk [tilespmem:v60+s22+$0x0], $0xffff;
	v61 =	vmul.f32 v48, v48;
	v62 =	vmul.f32 v45, v45  }
0x397: {  	v54 =	vld.idx.msk [tilespmem:v54+s22+$0x0], $0xffff;
	v60 =	vmul.f32 v52, v52  }
0x398: {  	v43 =	vld.idx.msk [tilespmem:v43+s22+$0x0], $0xffff;
	v63 =	vmul.f32 v46, v46;
	v55 =	vadd.f32 v62, v61;
	v61 =	vmul.f32 v47, v47  }
0x399: {  	v44 =	vld.idx.msk [tilespmem:v44+s22+$0x0], $0xffff;
	v62 =	vmul.f32 v49, v49  }
0x39a: {  	v55 =	vadd.f32 v63, v55;
	v57 =	vadd.f32 v61, v60;
	v63 =	vmul.f32 v50, v50;
	_ =	sdelay $0x1  }
0x39b: {  	v61 =	vmul.f32 v53, v53;
	v55 =	vadd.f32 v62, v55;
	v60 =	vadd.f32 v63, v57  }
0x39c: {  	v51 =	vsub.f32 v51, v54  }
0x39d: {  	v43 =	vsub.f32 v43, v44;
	v56 =	vadd.f32 v61, v60;
	v55 =	vmax.f32 v55, $1.000000020e-16  }
0x39e: {  	v63 =	vmul.f32 v51, v51;
	v62 =	vshrl.u32 v55, $0x1;
	v54 =	vmul.f32 $5.000000000e-01, v55  }
0x39f: {  	v60 =	vmul.f32 v43, v43;
	v44 =	vsub.s32 $0x5F3759DF, v62;
	v55 =	vmax.f32 v56, $1.000000020e-16  }
0x3a0: {  	v61 =	vmul.f32 v44, v54;
	v62 =	vshrl.u32 v55, $0x1;
	v55 =	vmul.f32 $5.000000000e-01, v55  }
0x3a1: {  	v56 =	vadd.f32 v60, v63;
	v59 =	vsub.s32 $0x5F3759DF, v62  }
0x3a2: {  	v63 =	vmul.f32 v44, v61;
	v60 =	vmul.f32 v59, v55  }
0x3a3: {  	v56 =	vadd.f32 $9.999999960e-13, v56  }
0x3a4: {  	v57 =	vsub.f32 $1.500000000e+00, v63;
	v58 =	vmul.f32 v59, v60  }
0x3a5: {  	v60 =	vshrl.u32 v56, $0x1;
	v56 =	vmul.f32 $5.000000000e-01, v56  }
0x3a6: {  	v44 =	vmul.f32 v44, v57;
	v57 =	vsub.f32 $1.500000000e+00, v58;
	v58 =	vsub.s32 $0x5F3759DF, v60  }
0x3a7: {  	v60 =	vmul.f32 v58, v56  }
0x3a8: {  	v61 =	vmul.f32 v44, v54;
	v57 =	vmul.f32 v59, v57  }
0x3a9: {  	v59 =	vmul.f32 v58, v60  }
0x3aa: {  	v60 =	vmul.f32 v61, v44;
	v61 =	vmul.f32 v57, v55  }
0x3ab: {  	v59 =	vsub.f32 $1.500000000e+00, v59  }
0x3ac: {  	v60 =	vsub.f32 $1.500000000e+00, v60;
	v61 =	vmul.f32 v61, v57  }
0x3ad: {  	v58 =	vmul.f32 v58, v59  }
0x3ae: {  	v48 =	vmul.f32 v52, v48;
	v44 =	vmul.f32 v60, v44;
	v61 =	vsub.f32 $1.500000000e+00, v61  }
0x3af: {  	v45 =	vmul.f32 v47, v45;
	v62 =	vmul.f32 v58, v56  }
0x3b0: {  	v54 =	vmul.f32 v44, v54;
	v52 =	vmul.f32 v61, v57  }
0x3b1: {  	v46 =	vmul.f32 v50, v46;
	v45 =	vadd.f32 v45, v48;
	v47 =	vmul.f32 v62, v58  }
0x3b2: {  	v63 =	vmul.f32 v54, v44;
	v54 =	vmul.f32 v52, v55  }
0x3b3: {  	v45 =	vadd.f32 v46, v45;
	v55 =	vsub.f32 $1.500000000e+00, v47  }
0x3b4: {  	v57 =	vmul.f32 v53, v49;
	v48 =	vsub.f32 $1.500000000e+00, v63;
	v59 =	vmul.f32 v54, v52  }
0x3b5: {  	v60 =	vld [tilespmem:$0x2B0];
	v46 =	vmul.f32 v55, v58  }
0x3b6: {  	v45 =	vadd.f32 v57, v45;
	v44 =	vmul.f32 v48, v44;
	v61 =	vsub.f32 $1.500000000e+00, v59  }
0x3b7: {  	v62 =	vmul.f32 v46, v56  }
0x3b8: {  	v44 =	vmul.f32 v44, v45;
	v63 =	vmul.f32 v61, v52  }
0x3b9: {  	v48 =	vmul.f32 v62, v46  }
0x3ba: {  	v49 =	vand.u32 $0x7FFFFFFF, v60;
	v44 =	vmul.f32 v63, v44  }
0x3bb: {  	[tilespmem:v27+s5+$0x0] =	vst.idx.msk $0xffff, v49;
	v47 =	vsub.f32 $1.500000000e+00, v48  }
0x3bc: {  	[tilespmem:v28+s5+$0x0] =	vst.idx.msk $0xffff, v44  }
0x3bd: {  	v50 =	vmul.f32 v47, v46;
	[tilespmem:v29+s5+$0x0] =	vst.idx.msk $0xffff, v51  }
0x3be: {  	v52 =	vand.u32 $0x7FFFFFFF, v51;
	[tilespmem:v30+s5+$0x0] =	vst.idx.msk $0xffff, v43  }
0x3bf: {  	v53 =	vand.u32 $0x7FFFFFFF, v43;
	v47 =	vmul.f32 v50, v51;
	[tilespmem:v31+s5+$0x0] =	vst.idx.msk $0xffff, v52  }
0x3c0: {  	v43 =	vmul.f32 v50, v43;
	[tilespmem:v32+s5+$0x0] =	vst.idx.msk $0xffff, v53  }
0x3c1: {  	[tilespmem:v33+s5+$0x0] =	vst.idx.msk $0xffff, v47  }
0x3c2: {  	[tilespmem:v34+s5+$0x0] =	vst.idx.msk $0xffff, v43  }
0x3c3: {  	v43 =	vld [tilespmem:$0xC0]  }
0x3c4: {  	v54 =	vld [tilespmem:$0x1C0];
	_ =	sdelay $0x3  }
0x3c5: {  	v43 =	vmul.u32 $0x6, v43  }
0x3c6: {  	v44 =	vmul.u32 $0x6, v54;
	_ =	sdelay $0x1  }
0x3c7: {  	v55 =	vor.u32 $0x1, v43  }
0x3c8: {  	v56 =	vadd.s32 $0x2, v43  }
0x3c9: {  	v57 =	vor.u32 $0x1, v44  }
0x3ca: {  	v58 =	vadd.s32 $0x3, v43;
	v48 =	vld.idx.msk [tilespmem:v43+s22+$0x0], $0xffff  }
0x3cb: {  	v59 =	vadd.s32 $0x2, v44;
	v52 =	vld.idx.msk [tilespmem:v44+s22+$0x0], $0xffff  }
0x3cc: {  	v60 =	vadd.s32 $0x4, v43;
	v45 =	vld.idx.msk [tilespmem:v55+s22+$0x0], $0xffff  }
0x3cd: {  	v61 =	vadd.s32 $0x3, v44;
	v46 =	vld.idx.msk [tilespmem:v56+s22+$0x0], $0xffff  }
0x3ce: {  	v54 =	vadd.s32 $0x4, v44;
	v47 =	vld.idx.msk [tilespmem:v57+s22+$0x0], $0xffff  }
0x3cf: {  	v43 =	vadd.s32 $0x5, v43;
	v49 =	vld.idx.msk [tilespmem:v58+s22+$0x0], $0xffff  }
0x3d0: {  	v44 =	vadd.s32 $0x5, v44;
	v50 =	vld.idx.msk [tilespmem:v59+s22+$0x0], $0xffff  }
0x3d1: {  	v51 =	vld.idx.msk [tilespmem:v60+s22+$0x0], $0xffff  }
0x3d2: {  	v53 =	vld.idx.msk [tilespmem:v61+s22+$0x0], $0xffff;
	v62 =	vmul.f32 v48, v48;
	v63 =	vmul.f32 v45, v45  }
0x3d3: {  	v54 =	vld.idx.msk [tilespmem:v54+s22+$0x0], $0xffff;
	v61 =	vmul.f32 v52, v52  }
0x3d4: {  	v43 =	vld.idx.msk [tilespmem:v43+s22+$0x0], $0xffff;
	v60 =	vmul.f32 v46, v46;
	v55 =	vadd.f32 v63, v62;
	v62 =	vmul.f32 v47, v47  }
0x3d5: {  	v44 =	vld.idx.msk [tilespmem:v44+s22+$0x0], $0xffff;
	v63 =	vmul.f32 v49, v49  }
0x3d6: {  	v55 =	vadd.f32 v60, v55;
	v57 =	vadd.f32 v62, v61;
	v60 =	vmul.f32 v50, v50;
	_ =	sdelay $0x1  }
0x3d7: {  	v62 =	vmul.f32 v53, v53;
	v55 =	vadd.f32 v63, v55;
	v61 =	vadd.f32 v60, v57  }
0x3d8: {  	v51 =	vsub.f32 v51, v54  }
0x3d9: {  	v43 =	vsub.f32 v43, v44;
	v56 =	vadd.f32 v62, v61;
	v55 =	vmax.f32 v55, $1.000000020e-16  }
0x3da: {  	v60 =	vmul.f32 v51, v51;
	v63 =	vshrl.u32 v55, $0x1;
	v54 =	vmul.f32 $5.000000000e-01, v55  }
0x3db: {  	v61 =	vmul.f32 v43, v43;
	v44 =	vsub.s32 $0x5F3759DF, v63;
	v55 =	vmax.f32 v56, $1.000000020e-16  }
0x3dc: {  	v62 =	vmul.f32 v44, v54;
	v63 =	vshrl.u32 v55, $0x1;
	v55 =	vmul.f32 $5.000000000e-01, v55  }
0x3dd: {  	v56 =	vadd.f32 v61, v60;
	v59 =	vsub.s32 $0x5F3759DF, v63  }
0x3de: {  	v60 =	vmul.f32 v44, v62;
	v61 =	vmul.f32 v59, v55  }
0x3df: {  	v56 =	vadd.f32 $9.999999960e-13, v56  }
0x3e0: {  	v57 =	vsub.f32 $1.500000000e+00, v60;
	v58 =	vmul.f32 v59, v61  }
0x3e1: {  	v60 =	vshrl.u32 v56, $0x1;
	v56 =	vmul.f32 $5.000000000e-01, v56  }
0x3e2: {  	v44 =	vmul.f32 v44, v57;
	v57 =	vsub.f32 $1.500000000e+00, v58;
	v58 =	vsub.s32 $0x5F3759DF, v60  }
0x3e3: {  	v60 =	vmul.f32 v58, v56  }
0x3e4: {  	v61 =	vmul.f32 v44, v54;
	v57 =	vmul.f32 v59, v57  }
0x3e5: {  	v59 =	vmul.f32 v58, v60  }
0x3e6: {  	v60 =	vmul.f32 v61, v44;
	v61 =	vmul.f32 v57, v55  }
0x3e7: {  	v59 =	vsub.f32 $1.500000000e+00, v59  }
0x3e8: {  	v60 =	vsub.f32 $1.500000000e+00, v60;
	v61 =	vmul.f32 v61, v57  }
0x3e9: {  	v58 =	vmul.f32 v58, v59  }
0x3ea: {  	v48 =	vmul.f32 v52, v48;
	v44 =	vmul.f32 v60, v44;
	v62 =	vsub.f32 $1.500000000e+00, v61  }
0x3eb: {  	v45 =	vmul.f32 v47, v45;
	v63 =	vmul.f32 v58, v56  }
0x3ec: {  	v54 =	vmul.f32 v44, v54;
	v52 =	vmul.f32 v62, v57  }
0x3ed: {  	v46 =	vmul.f32 v50, v46;
	v45 =	vadd.f32 v45, v48;
	v47 =	vmul.f32 v63, v58  }
0x3ee: {  	v54 =	vmul.f32 v54, v44;
	v57 =	vmul.f32 v52, v55  }
0x3ef: {  	v45 =	vadd.f32 v46, v45;
	v59 =	vsub.f32 $1.500000000e+00, v47  }
0x3f0: {  	v60 =	vmul.f32 v53, v49;
	v48 =	vsub.f32 $1.500000000e+00, v54;
	v61 =	vmul.f32 v57, v52  }
0x3f1: {  	v62 =	vld [tilespmem:$0x2C0];
	v46 =	vmul.f32 v59, v58  }
0x3f2: {  	v45 =	vadd.f32 v60, v45;
	v44 =	vmul.f32 v48, v44;
	v63 =	vsub.f32 $1.500000000e+00, v61  }
0x3f3: {  	v53 =	vmul.f32 v46, v56  }
0x3f4: {  	v44 =	vmul.f32 v44, v45;
	v54 =	vmul.f32 v63, v52  }
0x3f5: {  	v55 =	vmul.f32 v53, v46  }
0x3f6: {  	v56 =	vand.u32 $0x7FFFFFFF, v62;
	v44 =	vmul.f32 v54, v44  }
0x3f7: {  	[tilespmem:v35+s5+$0x0] =	vst.idx.msk $0xffff, v56;
	v47 =	vsub.f32 $1.500000000e+00, v55  }
0x3f8: {  	[tilespmem:v36+s5+$0x0] =	vst.idx.msk $0xffff, v44  }
0x3f9: {  	v57 =	vmul.f32 v47, v46;
	[tilespmem:v37+s5+$0x0] =	vst.idx.msk $0xffff, v51  }
0x3fa: {  	v58 =	vand.u32 $0x7FFFFFFF, v51;
	[tilespmem:v38+s5+$0x0] =	vst.idx.msk $0xffff, v43  }
0x3fb: {  	v59 =	vand.u32 $0x7FFFFFFF, v43;
	v47 =	vmul.f32 v57, v51;
	[tilespmem:v39+s5+$0x0] =	vst.idx.msk $0xffff, v58  }
0x3fc: {  	v43 =	vmul.f32 v57, v43;
	[tilespmem:v40+s5+$0x0] =	vst.idx.msk $0xffff, v59  }
0x3fd: {  	[tilespmem:v41+s5+$0x0] =	vst.idx.msk $0xffff, v47  }
0x3fe: {  	[tilespmem:v42+s5+$0x0] =	vst.idx.msk $0xffff, v43  }
0x3ff: {  	_ =	swait.ge [sflag:s12], $0x7800  }
0x400: {  	[sflag:s12] =	ssyncset.done $0x0  }
0x401: {  	[sflag:s12] =	ssyncadd.s32 $0xFFFF8800  }
0x402: {  	_ =	swait.ge [sflag:s26], $0x50  }
0x403: {  	[sflag:s26] =	ssyncset.done $0x0  }
0x404: {  	[sflag:s26] =	ssyncadd.s32 $0xFFFFFFB0  }
0x405: {  	_ =	swait.ge [sflag:s26], $0x50  }
0x406: {  	[sflag:s26] =	ssyncset.done $0x0  }
0x407: {  	[sflag:s26] =	ssyncadd.s32 $0xFFFFFFB0  }
0x408: {  	_ =	swait.ge [sflag:s26], $0x50  }
0x409: {  	[sflag:s26] =	ssyncset.done $0x0  }
0x40a: {  	[sflag:s26] =	ssyncadd.s32 $0xFFFFFFB0  }
0x40b: {  	v60 =	vld [tilespmem:$0x0];
	_ =	sdelay $0x4  }
0x40c: {  	v61 =	vperm.xlane v60, v0;
	_ =	sdelay $0x1  }
0x40d: {  	v43 =	vperm.xlane v60, v2;
	v44 =	vadd.s32 v1, v61;
	_ =	sdelay $0x1  }
0x40e: {  	v43 =	vadd.s32 v1, v43;
	_ =	sdelay $0x2  }
0x40f: {  	[tilespmem:s28], [sflag:$0x1] =	stream.indirect_vreg.gather [hbm4b:s3+s7], $0x80, v44, vm0, $0xb8;
	[tilespmem:$0x1DD80] =	vst v63  }
0x410: {  	s9 =	simm.s32 $0xF980  }
0x411: {  	[tilespmem:s9], [sflag:$0x1] =	stream.indirect_vreg.gather [hbm4b:s3+s7], $0x80, v43, vm0, $0xb8;
	[tilespmem:$0x1DD80] =	vst v63  }
0x412: {  	v43 =	vld [tilespmem:$0x10];
	_ =	sdelay $0x4  }
0x413: {  	v62 =	vperm.xlane v43, v0;
	_ =	sdelay $0x1  }
0x414: {  	v43 =	vperm.xlane v43, v2;
	v44 =	vadd.s32 v1, v62;
	_ =	sdelay $0x1  }
0x415: {  	v43 =	vadd.s32 v1, v43;
	_ =	sdelay $0x1  }
0x416: {  	s21 =	simm.s32 $0x10580  }
0x417: {  	[tilespmem:s21], [sflag:$0x1] =	stream.indirect_vreg.gather [hbm4b:s3+s7], $0x80, v44, vm0, $0xb8;
	[tilespmem:$0x1DD80] =	vst v63  }
0x418: {  	s15 =	simm.s32 $0x11180  }
0x419: {  	[tilespmem:s15], [sflag:$0x1] =	stream.indirect_vreg.gather [hbm4b:s3+s7], $0x80, v43, vm0, $0xb8;
	[tilespmem:$0x1DD80] =	vst v63  }
0x41a: {  	v43 =	vld [tilespmem:$0x20];
	_ =	sdelay $0x4  }
0x41b: {  	v63 =	vperm.xlane v43, v0;
	_ =	sdelay $0x1  }
0x41c: {  	v43 =	vperm.xlane v43, v2;
	v44 =	vadd.s32 v1, v63;
	_ =	sdelay $0x1  }
0x41d: {  	v43 =	vadd.s32 v1, v43;
	_ =	sdelay $0x1  }
0x41e: {  	s21 =	simm.s32 $0x11D80  }
0x41f: {  	[tilespmem:s21], [sflag:$0x1] =	stream.indirect_vreg.gather [hbm4b:s3+s7], $0x80, v44, vm0, $0xb8;
	[tilespmem:$0x1DD80] =	vst v63  }
0x420: {  	s15 =	simm.s32 $0x12980  }
0x421: {  	[tilespmem:s15], [sflag:$0x1] =	stream.indirect_vreg.gather [hbm4b:s3+s7], $0x80, v43, vm0, $0xb8;
	[tilespmem:$0x1DD80] =	vst v63  }
0x422: {  	v43 =	vld [tilespmem:$0x30];
	_ =	sdelay $0x4  }
0x423: {  	v48 =	vperm.xlane v43, v0;
	_ =	sdelay $0x1  }
0x424: {  	v43 =	vperm.xlane v43, v2;
	v44 =	vadd.s32 v1, v48;
	_ =	sdelay $0x1  }
0x425: {  	v43 =	vadd.s32 v1, v43;
	_ =	sdelay $0x1  }
0x426: {  	s21 =	simm.s32 $0x13580  }
0x427: {  	[tilespmem:s21], [sflag:$0x1] =	stream.indirect_vreg.gather [hbm4b:s3+s7], $0x80, v44, vm0, $0xb8;
	[tilespmem:$0x1DD80] =	vst v63  }
0x428: {  	s15 =	simm.s32 $0x14180  }
0x429: {  	[tilespmem:s15], [sflag:$0x1] =	stream.indirect_vreg.gather [hbm4b:s3+s7], $0x80, v43, vm0, $0xb8;
	[tilespmem:$0x1DD80] =	vst v63  }
0x42a: {  	v43 =	vld [tilespmem:$0x40];
	_ =	sdelay $0x4  }
0x42b: {  	v49 =	vperm.xlane v43, v0;
	_ =	sdelay $0x1  }
0x42c: {  	v43 =	vperm.xlane v43, v2;
	v44 =	vadd.s32 v1, v49;
	_ =	sdelay $0x1  }
0x42d: {  	v43 =	vadd.s32 v1, v43;
	_ =	sdelay $0x1  }
0x42e: {  	s21 =	simm.s32 $0x14D80  }
0x42f: {  	[tilespmem:s21], [sflag:$0x1] =	stream.indirect_vreg.gather [hbm4b:s3+s7], $0x80, v44, vm0, $0xb8;
	[tilespmem:$0x1DD80] =	vst v63  }
0x430: {  	s15 =	simm.s32 $0x15980  }
0x431: {  	[tilespmem:s15], [sflag:$0x1] =	stream.indirect_vreg.gather [hbm4b:s3+s7], $0x80, v43, vm0, $0xb8;
	[tilespmem:$0x1DD80] =	vst v63  }
0x432: {  	v43 =	vld [tilespmem:$0x100];
	_ =	sdelay $0x4  }
0x433: {  	v50 =	vperm.xlane v43, v0;
	_ =	sdelay $0x1  }
0x434: {  	v43 =	vperm.xlane v43, v2;
	v44 =	vadd.s32 v1, v50;
	_ =	sdelay $0x1  }
0x435: {  	v43 =	vadd.s32 v1, v43;
	_ =	sdelay $0x1  }
0x436: {  	s21 =	simm.s32 $0xF180  }
0x437: {  	[tilespmem:s21], [sflag:$0x1] =	stream.indirect_vreg.gather [hbm4b:s3+s7], $0x80, v44, vm0, $0xb8;
	[tilespmem:$0x1DD80] =	vst v63  }
0x438: {  	_ = 	snop  }
0x439: {  	[tilespmem:s29], [sflag:$0x1] =	stream.indirect_vreg.gather [hbm4b:s3+s7], $0x80, v43, vm0, $0xb8;
	[tilespmem:$0x1DD80] =	vst v63  }
0x43a: {  	v43 =	vld [tilespmem:$0x110];
	_ =	sdelay $0x4  }
0x43b: {  	v51 =	vperm.xlane v43, v0;
	_ =	sdelay $0x1  }
0x43c: {  	v43 =	vperm.xlane v43, v2;
	v44 =	vadd.s32 v1, v51;
	_ =	sdelay $0x1  }
0x43d: {  	v43 =	vadd.s32 v1, v43;
	_ =	sdelay $0x2  }
0x43e: {  	[tilespmem:s4], [sflag:$0x1] =	stream.indirect_vreg.gather [hbm4b:s3+s7], $0x80, v44, vm0, $0xb8;
	[tilespmem:$0x1DD80] =	vst v63  }
0x43f: {  	s15 =	simm.s32 $0x11580  }
0x440: {  	[tilespmem:s15], [sflag:$0x1] =	stream.indirect_vreg.gather [hbm4b:s3+s7], $0x80, v43, vm0, $0xb8;
	[tilespmem:$0x1DD80] =	vst v63  }
0x441: {  	v43 =	vld [tilespmem:$0x120];
	_ =	sdelay $0x4  }
0x442: {  	v52 =	vperm.xlane v43, v0;
	_ =	sdelay $0x1  }
0x443: {  	v43 =	vperm.xlane v43, v2;
	v44 =	vadd.s32 v1, v52;
	_ =	sdelay $0x1  }
0x444: {  	v43 =	vadd.s32 v1, v43;
	_ =	sdelay $0x1  }
0x445: {  	s21 =	simm.s32 $0x12180  }
0x446: {  	[tilespmem:s21], [sflag:$0x1] =	stream.indirect_vreg.gather [hbm4b:s3+s7], $0x80, v44, vm0, $0xb8;
	[tilespmem:$0x1DD80] =	vst v63  }
0x447: {  	s15 =	simm.s32 $0x12D80  }
0x448: {  	[tilespmem:s15], [sflag:$0x1] =	stream.indirect_vreg.gather [hbm4b:s3+s7], $0x80, v43, vm0, $0xb8;
	[tilespmem:$0x1DD80] =	vst v63  }
0x449: {  	v43 =	vld [tilespmem:$0x130];
	_ =	sdelay $0x4  }
0x44a: {  	v53 =	vperm.xlane v43, v0;
	_ =	sdelay $0x1  }
0x44b: {  	v43 =	vperm.xlane v43, v2;
	v44 =	vadd.s32 v1, v53;
	_ =	sdelay $0x1  }
0x44c: {  	v43 =	vadd.s32 v1, v43;
	_ =	sdelay $0x1  }
0x44d: {  	s21 =	simm.s32 $0x13980  }
0x44e: {  	[tilespmem:s21], [sflag:$0x1] =	stream.indirect_vreg.gather [hbm4b:s3+s7], $0x80, v44, vm0, $0xb8;
	[tilespmem:$0x1DD80] =	vst v63  }
0x44f: {  	s15 =	simm.s32 $0x14580  }
0x450: {  	[tilespmem:s15], [sflag:$0x1] =	stream.indirect_vreg.gather [hbm4b:s3+s7], $0x80, v43, vm0, $0xb8;
	[tilespmem:$0x1DD80] =	vst v63  }
0x451: {  	v43 =	vld [tilespmem:$0x140];
	_ =	sdelay $0x4  }
0x452: {  	v54 =	vperm.xlane v43, v0;
	_ =	sdelay $0x1  }
0x453: {  	v43 =	vperm.xlane v43, v2;
	v44 =	vadd.s32 v1, v54;
	_ =	sdelay $0x1  }
0x454: {  	v43 =	vadd.s32 v1, v43;
	_ =	sdelay $0x1  }
0x455: {  	s21 =	simm.s32 $0x15180  }
0x456: {  	[tilespmem:s21], [sflag:$0x1] =	stream.indirect_vreg.gather [hbm4b:s3+s7], $0x80, v44, vm0, $0xb8;
	[tilespmem:$0x1DD80] =	vst v63  }
0x457: {  	s15 =	simm.s32 $0x15D80  }
0x458: {  	[tilespmem:s15], [sflag:$0x1] =	stream.indirect_vreg.gather [hbm4b:s3+s7], $0x80, v43, vm0, $0xb8;
	[tilespmem:$0x1DD80] =	vst v63  }
0x459: {  	_ =	swait.ge [sflag:s24], $0x2800  }
0x45a: {  	s15 =	sadd.s32 $0xFFFFFFB0, s14;
	[sflag:s24] =	ssyncset.done $0x0  }
0x45b: {  	s9 =	smov.u32 s16;
	p0 =	slt.s32 s15, s16;
	[sflag:s24] =	ssyncadd.s32 $0xFFFFD800  }
0x45c: {  	s9 =	smov.u32 @p0 s15;
	_ =	swait.ge [sflag:s24], $0x2800  }
0x45d: {  	s9 =	sshrl.u32 s9, $0x3;
	[sflag:s24] =	ssyncset.done $0x0  }
0x45e: {  	s21 =	simm.s32 $0x80;
	s15 =	sadd.s32 s0, s9;
	[sflag:s24] =	ssyncadd.s32 $0xFFFFD800  }
0x45f: {  	[tilespmem:s21], [sflag:$0x6] =	stream.linear.gather [hbm4b:s15+s7], $0x50, $0x38;
	[tilespmem:$0x1DD80] =	vst v63  }
0x460: {  	s15 =	sadd.s32 s1, s9;
	s21 =	simm.s32 $0x180  }
0x461: {  	[tilespmem:s21], [sflag:$0x6] =	stream.linear.gather [hbm4b:s15+s7], $0x50, $0x38;
	[tilespmem:$0x1DD80] =	vst v63  }
0x462: {  	s9 =	sadd.s32 s2, s9;
	s15 =	rddreg [dreg:$0x7];
	s21 =	simm.s32 $0x280  }
0x463: {  	[tilespmem:s21], [sflag:$0x6] =	stream.linear.gather [hbm4b:s9+s7], $0x50, $0x38;
	[tilespmem:$0x1DD80] =	vst v63  }
0x464: {  	s21 =	sadd.s32 s25, s15  }
0x465: {  	[hbm4b:s21+s7] =	stream.linear.scatter [tilespmem:s5], [sflag:$0x4], $0x7800, $0x38;
	[tilespmem:$0x1DD80] =	vst v63  }
0x466: {  	v55 =	vld [tilespmem:$0x0]  }
0x467: {  	v56 =	vld [tilespmem:$0x100];
	_ =	sdelay $0x3  }
0x468: {  	v43 =	vmul.u32 $0x6, v55  }
0x469: {  	v44 =	vmul.u32 $0x6, v56;
	_ =	sdelay $0x1  }
0x46a: {  	v57 =	vor.u32 $0x1, v43  }
0x46b: {  	v58 =	vadd.s32 $0x2, v43  }
0x46c: {  	v59 =	vor.u32 $0x1, v44  }
0x46d: {  	v61 =	vadd.s32 $0x3, v43;
	v48 =	vld.idx.msk [tilespmem:v43+s22+$0x0], $0xffff  }
0x46e: {  	v62 =	vadd.s32 $0x2, v44;
	v52 =	vld.idx.msk [tilespmem:v44+s22+$0x0], $0xffff  }
0x46f: {  	v63 =	vadd.s32 $0x4, v43;
	v45 =	vld.idx.msk [tilespmem:v57+s22+$0x0], $0xffff  }
0x470: {  	v60 =	vadd.s32 $0x3, v44;
	v46 =	vld.idx.msk [tilespmem:v58+s22+$0x0], $0xffff  }
0x471: {  	v54 =	vadd.s32 $0x4, v44;
	v47 =	vld.idx.msk [tilespmem:v59+s22+$0x0], $0xffff  }
0x472: {  	v43 =	vadd.s32 $0x5, v43;
	v49 =	vld.idx.msk [tilespmem:v61+s22+$0x0], $0xffff  }
0x473: {  	v44 =	vadd.s32 $0x5, v44;
	v50 =	vld.idx.msk [tilespmem:v62+s22+$0x0], $0xffff  }
0x474: {  	v51 =	vld.idx.msk [tilespmem:v63+s22+$0x0], $0xffff  }
0x475: {  	v53 =	vld.idx.msk [tilespmem:v60+s22+$0x0], $0xffff;
	v61 =	vmul.f32 v48, v48;
	v62 =	vmul.f32 v45, v45  }
0x476: {  	v54 =	vld.idx.msk [tilespmem:v54+s22+$0x0], $0xffff;
	v60 =	vmul.f32 v52, v52  }
0x477: {  	v43 =	vld.idx.msk [tilespmem:v43+s22+$0x0], $0xffff;
	v63 =	vmul.f32 v46, v46;
	v55 =	vadd.f32 v62, v61;
	v61 =	vmul.f32 v47, v47  }
0x478: {  	v44 =	vld.idx.msk [tilespmem:v44+s22+$0x0], $0xffff;
	v62 =	vmul.f32 v49, v49  }
0x479: {  	v55 =	vadd.f32 v63, v55;
	v57 =	vadd.f32 v61, v60;
	v63 =	vmul.f32 v50, v50;
	_ =	sdelay $0x1  }
0x47a: {  	v61 =	vmul.f32 v53, v53;
	v55 =	vadd.f32 v62, v55;
	v60 =	vadd.f32 v63, v57  }
0x47b: {  	v51 =	vsub.f32 v51, v54  }
0x47c: {  	v43 =	vsub.f32 v43, v44;
	v56 =	vadd.f32 v61, v60;
	v55 =	vmax.f32 v55, $1.000000020e-16  }
0x47d: {  	v63 =	vmul.f32 v51, v51;
	v62 =	vshrl.u32 v55, $0x1;
	v54 =	vmul.f32 $5.000000000e-01, v55  }
0x47e: {  	v60 =	vmul.f32 v43, v43;
	v44 =	vsub.s32 $0x5F3759DF, v62;
	v55 =	vmax.f32 v56, $1.000000020e-16  }
0x47f: {  	v61 =	vmul.f32 v44, v54;
	v62 =	vshrl.u32 v55, $0x1;
	v55 =	vmul.f32 $5.000000000e-01, v55  }
0x480: {  	v56 =	vadd.f32 v60, v63;
	v59 =	vsub.s32 $0x5F3759DF, v62  }
0x481: {  	v63 =	vmul.f32 v44, v61;
	v60 =	vmul.f32 v59, v55  }
0x482: {  	v56 =	vadd.f32 $9.999999960e-13, v56  }
0x483: {  	v57 =	vsub.f32 $1.500000000e+00, v63;
	v58 =	vmul.f32 v59, v60  }
0x484: {  	v60 =	vshrl.u32 v56, $0x1;
	v56 =	vmul.f32 $5.000000000e-01, v56  }
0x485: {  	v44 =	vmul.f32 v44, v57;
	v57 =	vsub.f32 $1.500000000e+00, v58;
	v58 =	vsub.s32 $0x5F3759DF, v60  }
0x486: {  	v60 =	vmul.f32 v58, v56  }
0x487: {  	v61 =	vmul.f32 v44, v54;
	v57 =	vmul.f32 v59, v57  }
0x488: {  	v59 =	vmul.f32 v58, v60  }
0x489: {  	v60 =	vmul.f32 v61, v44;
	v61 =	vmul.f32 v57, v55  }
0x48a: {  	v59 =	vsub.f32 $1.500000000e+00, v59  }
0x48b: {  	v60 =	vsub.f32 $1.500000000e+00, v60;
	v61 =	vmul.f32 v61, v57  }
0x48c: {  	v58 =	vmul.f32 v58, v59  }
0x48d: {  	v48 =	vmul.f32 v52, v48;
	v44 =	vmul.f32 v60, v44;
	v61 =	vsub.f32 $1.500000000e+00, v61  }
0x48e: {  	v45 =	vmul.f32 v47, v45;
	v62 =	vmul.f32 v58, v56  }
0x48f: {  	v54 =	vmul.f32 v44, v54;
	v52 =	vmul.f32 v61, v57  }
0x490: {  	v46 =	vmul.f32 v50, v46;
	v45 =	vadd.f32 v45, v48;
	v47 =	vmul.f32 v62, v58  }
0x491: {  	v63 =	vmul.f32 v54, v44;
	v54 =	vmul.f32 v52, v55  }
0x492: {  	v45 =	vadd.f32 v46, v45;
	v55 =	vsub.f32 $1.500000000e+00, v47  }
0x493: {  	v57 =	vmul.f32 v53, v49;
	v48 =	vsub.f32 $1.500000000e+00, v63;
	v59 =	vmul.f32 v54, v52  }
0x494: {  	v60 =	vld [tilespmem:$0x200];
	v46 =	vmul.f32 v55, v58  }
0x495: {  	v45 =	vadd.f32 v57, v45;
	v44 =	vmul.f32 v48, v44;
	v61 =	vsub.f32 $1.500000000e+00, v59  }
0x496: {  	v62 =	vmul.f32 v46, v56  }
0x497: {  	v44 =	vmul.f32 v44, v45;
	v63 =	vmul.f32 v61, v52  }
0x498: {  	v49 =	vmul.f32 v62, v46  }
0x499: {  	v52 =	vand.u32 $0x7FFFFFFF, v60;
	v44 =	vmul.f32 v63, v44  }
0x49a: {  	[tilespmem:v3+s28+$0x0] =	vst.idx.msk $0xffff, v52;
	v47 =	vsub.f32 $1.500000000e+00, v49  }
0x49b: {  	[tilespmem:v4+s28+$0x0] =	vst.idx.msk $0xffff, v44  }
0x49c: {  	v53 =	vmul.f32 v47, v46;
	[tilespmem:v5+s28+$0x0] =	vst.idx.msk $0xffff, v51  }
0x49d: {  	v54 =	vand.u32 $0x7FFFFFFF, v51;
	[tilespmem:v6+s28+$0x0] =	vst.idx.msk $0xffff, v43  }
0x49e: {  	v55 =	vand.u32 $0x7FFFFFFF, v43;
	v47 =	vmul.f32 v53, v51;
	[tilespmem:v7+s28+$0x0] =	vst.idx.msk $0xffff, v54  }
0x49f: {  	v43 =	vmul.f32 v53, v43;
	[tilespmem:v8+s28+$0x0] =	vst.idx.msk $0xffff, v55  }
0x4a0: {  	[tilespmem:v9+s28+$0x0] =	vst.idx.msk $0xffff, v47  }
0x4a1: {  	[tilespmem:v10+s28+$0x0] =	vst.idx.msk $0xffff, v43  }
0x4a2: {  	v43 =	vld [tilespmem:$0x10]  }
0x4a3: {  	v56 =	vld [tilespmem:$0x110];
	_ =	sdelay $0x3  }
0x4a4: {  	v43 =	vmul.u32 $0x6, v43  }
0x4a5: {  	v44 =	vmul.u32 $0x6, v56;
	_ =	sdelay $0x1  }
0x4a6: {  	v57 =	vor.u32 $0x1, v43  }
0x4a7: {  	v58 =	vadd.s32 $0x2, v43  }
0x4a8: {  	v59 =	vor.u32 $0x1, v44  }
0x4a9: {  	v61 =	vadd.s32 $0x3, v43;
	v48 =	vld.idx.msk [tilespmem:v43+s22+$0x0], $0xffff  }
0x4aa: {  	v62 =	vadd.s32 $0x2, v44;
	v52 =	vld.idx.msk [tilespmem:v44+s22+$0x0], $0xffff  }
0x4ab: {  	v63 =	vadd.s32 $0x4, v43;
	v45 =	vld.idx.msk [tilespmem:v57+s22+$0x0], $0xffff  }
0x4ac: {  	v60 =	vadd.s32 $0x3, v44;
	v46 =	vld.idx.msk [tilespmem:v58+s22+$0x0], $0xffff  }
0x4ad: {  	v54 =	vadd.s32 $0x4, v44;
	v47 =	vld.idx.msk [tilespmem:v59+s22+$0x0], $0xffff  }
0x4ae: {  	v43 =	vadd.s32 $0x5, v43;
	v49 =	vld.idx.msk [tilespmem:v61+s22+$0x0], $0xffff  }
0x4af: {  	v44 =	vadd.s32 $0x5, v44;
	v50 =	vld.idx.msk [tilespmem:v62+s22+$0x0], $0xffff  }
0x4b0: {  	v51 =	vld.idx.msk [tilespmem:v63+s22+$0x0], $0xffff  }
0x4b1: {  	v53 =	vld.idx.msk [tilespmem:v60+s22+$0x0], $0xffff;
	v61 =	vmul.f32 v48, v48;
	v62 =	vmul.f32 v45, v45  }
0x4b2: {  	v54 =	vld.idx.msk [tilespmem:v54+s22+$0x0], $0xffff;
	v60 =	vmul.f32 v52, v52  }
0x4b3: {  	v43 =	vld.idx.msk [tilespmem:v43+s22+$0x0], $0xffff;
	v63 =	vmul.f32 v46, v46;
	v55 =	vadd.f32 v62, v61;
	v61 =	vmul.f32 v47, v47  }
0x4b4: {  	v44 =	vld.idx.msk [tilespmem:v44+s22+$0x0], $0xffff;
	v62 =	vmul.f32 v49, v49  }
0x4b5: {  	v55 =	vadd.f32 v63, v55;
	v57 =	vadd.f32 v61, v60;
	v63 =	vmul.f32 v50, v50;
	_ =	sdelay $0x1  }
0x4b6: {  	v61 =	vmul.f32 v53, v53;
	v55 =	vadd.f32 v62, v55;
	v60 =	vadd.f32 v63, v57  }
0x4b7: {  	v51 =	vsub.f32 v51, v54  }
0x4b8: {  	v43 =	vsub.f32 v43, v44;
	v56 =	vadd.f32 v61, v60;
	v55 =	vmax.f32 v55, $1.000000020e-16  }
0x4b9: {  	v63 =	vmul.f32 v51, v51;
	v62 =	vshrl.u32 v55, $0x1;
	v54 =	vmul.f32 $5.000000000e-01, v55  }
0x4ba: {  	v60 =	vmul.f32 v43, v43;
	v44 =	vsub.s32 $0x5F3759DF, v62;
	v55 =	vmax.f32 v56, $1.000000020e-16  }
0x4bb: {  	v61 =	vmul.f32 v44, v54;
	v62 =	vshrl.u32 v55, $0x1;
	v55 =	vmul.f32 $5.000000000e-01, v55  }
0x4bc: {  	v56 =	vadd.f32 v60, v63;
	v59 =	vsub.s32 $0x5F3759DF, v62  }
0x4bd: {  	v63 =	vmul.f32 v44, v61;
	v60 =	vmul.f32 v59, v55  }
0x4be: {  	v56 =	vadd.f32 $9.999999960e-13, v56  }
0x4bf: {  	v57 =	vsub.f32 $1.500000000e+00, v63;
	v58 =	vmul.f32 v59, v60  }
0x4c0: {  	v60 =	vshrl.u32 v56, $0x1;
	v56 =	vmul.f32 $5.000000000e-01, v56  }
0x4c1: {  	v44 =	vmul.f32 v44, v57;
	v57 =	vsub.f32 $1.500000000e+00, v58;
	v58 =	vsub.s32 $0x5F3759DF, v60  }
0x4c2: {  	v60 =	vmul.f32 v58, v56  }
0x4c3: {  	v61 =	vmul.f32 v44, v54;
	v57 =	vmul.f32 v59, v57  }
0x4c4: {  	v59 =	vmul.f32 v58, v60  }
0x4c5: {  	v60 =	vmul.f32 v61, v44;
	v61 =	vmul.f32 v57, v55  }
0x4c6: {  	v59 =	vsub.f32 $1.500000000e+00, v59  }
0x4c7: {  	v60 =	vsub.f32 $1.500000000e+00, v60;
	v61 =	vmul.f32 v61, v57  }
0x4c8: {  	v58 =	vmul.f32 v58, v59  }
0x4c9: {  	v48 =	vmul.f32 v52, v48;
	v44 =	vmul.f32 v60, v44;
	v61 =	vsub.f32 $1.500000000e+00, v61  }
0x4ca: {  	v45 =	vmul.f32 v47, v45;
	v62 =	vmul.f32 v58, v56  }
0x4cb: {  	v54 =	vmul.f32 v44, v54;
	v52 =	vmul.f32 v61, v57  }
0x4cc: {  	v46 =	vmul.f32 v50, v46;
	v45 =	vadd.f32 v45, v48;
	v47 =	vmul.f32 v62, v58  }
0x4cd: {  	v63 =	vmul.f32 v54, v44;
	v54 =	vmul.f32 v52, v55  }
0x4ce: {  	v45 =	vadd.f32 v46, v45;
	v55 =	vsub.f32 $1.500000000e+00, v47  }
0x4cf: {  	v57 =	vmul.f32 v53, v49;
	v48 =	vsub.f32 $1.500000000e+00, v63;
	v59 =	vmul.f32 v54, v52  }
0x4d0: {  	v60 =	vld [tilespmem:$0x210];
	v46 =	vmul.f32 v55, v58  }
0x4d1: {  	v45 =	vadd.f32 v57, v45;
	v44 =	vmul.f32 v48, v44;
	v61 =	vsub.f32 $1.500000000e+00, v59  }
0x4d2: {  	v62 =	vmul.f32 v46, v56  }
0x4d3: {  	v44 =	vmul.f32 v44, v45;
	v63 =	vmul.f32 v61, v52  }
0x4d4: {  	v49 =	vmul.f32 v62, v46  }
0x4d5: {  	v52 =	vand.u32 $0x7FFFFFFF, v60;
	v44 =	vmul.f32 v63, v44  }
0x4d6: {  	[tilespmem:v11+s28+$0x0] =	vst.idx.msk $0xffff, v52;
	v47 =	vsub.f32 $1.500000000e+00, v49  }
0x4d7: {  	[tilespmem:v12+s28+$0x0] =	vst.idx.msk $0xffff, v44  }
0x4d8: {  	v53 =	vmul.f32 v47, v46;
	[tilespmem:v13+s28+$0x0] =	vst.idx.msk $0xffff, v51  }
0x4d9: {  	v54 =	vand.u32 $0x7FFFFFFF, v51;
	[tilespmem:v14+s28+$0x0] =	vst.idx.msk $0xffff, v43  }
0x4da: {  	v55 =	vand.u32 $0x7FFFFFFF, v43;
	v47 =	vmul.f32 v53, v51;
	[tilespmem:v15+s28+$0x0] =	vst.idx.msk $0xffff, v54  }
0x4db: {  	v43 =	vmul.f32 v53, v43;
	[tilespmem:v16+s28+$0x0] =	vst.idx.msk $0xffff, v55  }
0x4dc: {  	[tilespmem:v17+s28+$0x0] =	vst.idx.msk $0xffff, v47  }
0x4dd: {  	[tilespmem:v18+s28+$0x0] =	vst.idx.msk $0xffff, v43  }
0x4de: {  	v43 =	vld [tilespmem:$0x20]  }
0x4df: {  	v56 =	vld [tilespmem:$0x120];
	_ =	sdelay $0x3  }
0x4e0: {  	v43 =	vmul.u32 $0x6, v43  }
0x4e1: {  	v44 =	vmul.u32 $0x6, v56;
	_ =	sdelay $0x1  }
0x4e2: {  	v57 =	vor.u32 $0x1, v43  }
0x4e3: {  	v58 =	vadd.s32 $0x2, v43  }
0x4e4: {  	v59 =	vor.u32 $0x1, v44  }
0x4e5: {  	v61 =	vadd.s32 $0x3, v43;
	v48 =	vld.idx.msk [tilespmem:v43+s22+$0x0], $0xffff  }
0x4e6: {  	v62 =	vadd.s32 $0x2, v44;
	v52 =	vld.idx.msk [tilespmem:v44+s22+$0x0], $0xffff  }
0x4e7: {  	v63 =	vadd.s32 $0x4, v43;
	v45 =	vld.idx.msk [tilespmem:v57+s22+$0x0], $0xffff  }
0x4e8: {  	v60 =	vadd.s32 $0x3, v44;
	v46 =	vld.idx.msk [tilespmem:v58+s22+$0x0], $0xffff  }
0x4e9: {  	v54 =	vadd.s32 $0x4, v44;
	v47 =	vld.idx.msk [tilespmem:v59+s22+$0x0], $0xffff  }
0x4ea: {  	v43 =	vadd.s32 $0x5, v43;
	v49 =	vld.idx.msk [tilespmem:v61+s22+$0x0], $0xffff  }
0x4eb: {  	v44 =	vadd.s32 $0x5, v44;
	v50 =	vld.idx.msk [tilespmem:v62+s22+$0x0], $0xffff  }
0x4ec: {  	v51 =	vld.idx.msk [tilespmem:v63+s22+$0x0], $0xffff  }
0x4ed: {  	v53 =	vld.idx.msk [tilespmem:v60+s22+$0x0], $0xffff;
	v61 =	vmul.f32 v48, v48;
	v62 =	vmul.f32 v45, v45  }
0x4ee: {  	v54 =	vld.idx.msk [tilespmem:v54+s22+$0x0], $0xffff;
	v60 =	vmul.f32 v52, v52  }
0x4ef: {  	v43 =	vld.idx.msk [tilespmem:v43+s22+$0x0], $0xffff;
	v63 =	vmul.f32 v46, v46;
	v55 =	vadd.f32 v62, v61;
	v61 =	vmul.f32 v47, v47  }
0x4f0: {  	v44 =	vld.idx.msk [tilespmem:v44+s22+$0x0], $0xffff;
	v62 =	vmul.f32 v49, v49  }
0x4f1: {  	v55 =	vadd.f32 v63, v55;
	v57 =	vadd.f32 v61, v60;
	v63 =	vmul.f32 v50, v50;
	_ =	sdelay $0x1  }
0x4f2: {  	v61 =	vmul.f32 v53, v53;
	v55 =	vadd.f32 v62, v55;
	v60 =	vadd.f32 v63, v57  }
0x4f3: {  	v51 =	vsub.f32 v51, v54  }
0x4f4: {  	v43 =	vsub.f32 v43, v44;
	v56 =	vadd.f32 v61, v60;
	v55 =	vmax.f32 v55, $1.000000020e-16  }
0x4f5: {  	v63 =	vmul.f32 v51, v51;
	v62 =	vshrl.u32 v55, $0x1;
	v54 =	vmul.f32 $5.000000000e-01, v55  }
0x4f6: {  	v60 =	vmul.f32 v43, v43;
	v44 =	vsub.s32 $0x5F3759DF, v62;
	v55 =	vmax.f32 v56, $1.000000020e-16  }
0x4f7: {  	v61 =	vmul.f32 v44, v54;
	v62 =	vshrl.u32 v55, $0x1;
	v55 =	vmul.f32 $5.000000000e-01, v55  }
0x4f8: {  	v56 =	vadd.f32 v60, v63;
	v59 =	vsub.s32 $0x5F3759DF, v62  }
0x4f9: {  	v63 =	vmul.f32 v44, v61;
	v60 =	vmul.f32 v59, v55  }
0x4fa: {  	v56 =	vadd.f32 $9.999999960e-13, v56  }
0x4fb: {  	v57 =	vsub.f32 $1.500000000e+00, v63;
	v58 =	vmul.f32 v59, v60  }
0x4fc: {  	v60 =	vshrl.u32 v56, $0x1;
	v56 =	vmul.f32 $5.000000000e-01, v56  }
0x4fd: {  	v44 =	vmul.f32 v44, v57;
	v57 =	vsub.f32 $1.500000000e+00, v58;
	v58 =	vsub.s32 $0x5F3759DF, v60  }
0x4fe: {  	v60 =	vmul.f32 v58, v56  }
0x4ff: {  	v61 =	vmul.f32 v44, v54;
	v57 =	vmul.f32 v59, v57  }
0x500: {  	v59 =	vmul.f32 v58, v60  }
0x501: {  	v60 =	vmul.f32 v61, v44;
	v61 =	vmul.f32 v57, v55  }
0x502: {  	v59 =	vsub.f32 $1.500000000e+00, v59  }
0x503: {  	v60 =	vsub.f32 $1.500000000e+00, v60;
	v61 =	vmul.f32 v61, v57  }
0x504: {  	v58 =	vmul.f32 v58, v59  }
0x505: {  	v48 =	vmul.f32 v52, v48;
	v44 =	vmul.f32 v60, v44;
	v61 =	vsub.f32 $1.500000000e+00, v61  }
0x506: {  	v45 =	vmul.f32 v47, v45;
	v62 =	vmul.f32 v58, v56  }
0x507: {  	v54 =	vmul.f32 v44, v54;
	v52 =	vmul.f32 v61, v57  }
0x508: {  	v46 =	vmul.f32 v50, v46;
	v45 =	vadd.f32 v45, v48;
	v47 =	vmul.f32 v62, v58  }
0x509: {  	v63 =	vmul.f32 v54, v44;
	v54 =	vmul.f32 v52, v55  }
0x50a: {  	v45 =	vadd.f32 v46, v45;
	v55 =	vsub.f32 $1.500000000e+00, v47  }
0x50b: {  	v57 =	vmul.f32 v53, v49;
	v48 =	vsub.f32 $1.500000000e+00, v63;
	v59 =	vmul.f32 v54, v52  }
0x50c: {  	v60 =	vld [tilespmem:$0x220];
	v46 =	vmul.f32 v55, v58  }
0x50d: {  	v45 =	vadd.f32 v57, v45;
	v44 =	vmul.f32 v48, v44;
	v61 =	vsub.f32 $1.500000000e+00, v59  }
0x50e: {  	v62 =	vmul.f32 v46, v56  }
0x50f: {  	v44 =	vmul.f32 v44, v45;
	v63 =	vmul.f32 v61, v52  }
0x510: {  	v49 =	vmul.f32 v62, v46  }
0x511: {  	v52 =	vand.u32 $0x7FFFFFFF, v60;
	v44 =	vmul.f32 v63, v44  }
0x512: {  	[tilespmem:v19+s28+$0x0] =	vst.idx.msk $0xffff, v52;
	v47 =	vsub.f32 $1.500000000e+00, v49  }
0x513: {  	[tilespmem:v20+s28+$0x0] =	vst.idx.msk $0xffff, v44  }
0x514: {  	v53 =	vmul.f32 v47, v46;
	[tilespmem:v21+s28+$0x0] =	vst.idx.msk $0xffff, v51  }
0x515: {  	v54 =	vand.u32 $0x7FFFFFFF, v51;
	[tilespmem:v22+s28+$0x0] =	vst.idx.msk $0xffff, v43  }
0x516: {  	v55 =	vand.u32 $0x7FFFFFFF, v43;
	v47 =	vmul.f32 v53, v51;
	[tilespmem:v23+s28+$0x0] =	vst.idx.msk $0xffff, v54  }
0x517: {  	v43 =	vmul.f32 v53, v43;
	[tilespmem:v24+s28+$0x0] =	vst.idx.msk $0xffff, v55  }
0x518: {  	[tilespmem:v25+s28+$0x0] =	vst.idx.msk $0xffff, v47  }
0x519: {  	[tilespmem:v26+s28+$0x0] =	vst.idx.msk $0xffff, v43  }
0x51a: {  	v43 =	vld [tilespmem:$0x30]  }
0x51b: {  	v56 =	vld [tilespmem:$0x130];
	_ =	sdelay $0x3  }
0x51c: {  	v43 =	vmul.u32 $0x6, v43  }
0x51d: {  	v44 =	vmul.u32 $0x6, v56;
	_ =	sdelay $0x1  }
0x51e: {  	v57 =	vor.u32 $0x1, v43  }
0x51f: {  	v58 =	vadd.s32 $0x2, v43  }
0x520: {  	v59 =	vor.u32 $0x1, v44  }
0x521: {  	v61 =	vadd.s32 $0x3, v43;
	v48 =	vld.idx.msk [tilespmem:v43+s22+$0x0], $0xffff  }
0x522: {  	v62 =	vadd.s32 $0x2, v44;
	v52 =	vld.idx.msk [tilespmem:v44+s22+$0x0], $0xffff  }
0x523: {  	v63 =	vadd.s32 $0x4, v43;
	v45 =	vld.idx.msk [tilespmem:v57+s22+$0x0], $0xffff  }
0x524: {  	v60 =	vadd.s32 $0x3, v44;
	v46 =	vld.idx.msk [tilespmem:v58+s22+$0x0], $0xffff  }
0x525: {  	v54 =	vadd.s32 $0x4, v44;
	v47 =	vld.idx.msk [tilespmem:v59+s22+$0x0], $0xffff  }
0x526: {  	v43 =	vadd.s32 $0x5, v43;
	v49 =	vld.idx.msk [tilespmem:v61+s22+$0x0], $0xffff  }
0x527: {  	v44 =	vadd.s32 $0x5, v44;
	v50 =	vld.idx.msk [tilespmem:v62+s22+$0x0], $0xffff  }
0x528: {  	v51 =	vld.idx.msk [tilespmem:v63+s22+$0x0], $0xffff  }
0x529: {  	v53 =	vld.idx.msk [tilespmem:v60+s22+$0x0], $0xffff;
	v61 =	vmul.f32 v48, v48;
	v62 =	vmul.f32 v45, v45  }
0x52a: {  	v54 =	vld.idx.msk [tilespmem:v54+s22+$0x0], $0xffff;
	v60 =	vmul.f32 v52, v52  }
0x52b: {  	v43 =	vld.idx.msk [tilespmem:v43+s22+$0x0], $0xffff;
	v63 =	vmul.f32 v46, v46;
	v55 =	vadd.f32 v62, v61;
	v61 =	vmul.f32 v47, v47  }
0x52c: {  	v44 =	vld.idx.msk [tilespmem:v44+s22+$0x0], $0xffff;
	v62 =	vmul.f32 v49, v49  }
0x52d: {  	v55 =	vadd.f32 v63, v55;
	v57 =	vadd.f32 v61, v60;
	v63 =	vmul.f32 v50, v50;
	_ =	sdelay $0x1  }
0x52e: {  	v61 =	vmul.f32 v53, v53;
	v55 =	vadd.f32 v62, v55;
	v60 =	vadd.f32 v63, v57  }
0x52f: {  	v51 =	vsub.f32 v51, v54  }
0x530: {  	v43 =	vsub.f32 v43, v44;
	v56 =	vadd.f32 v61, v60;
	v55 =	vmax.f32 v55, $1.000000020e-16  }
0x531: {  	v63 =	vmul.f32 v51, v51;
	v62 =	vshrl.u32 v55, $0x1;
	v54 =	vmul.f32 $5.000000000e-01, v55  }
0x532: {  	v60 =	vmul.f32 v43, v43;
	v44 =	vsub.s32 $0x5F3759DF, v62;
	v55 =	vmax.f32 v56, $1.000000020e-16  }
0x533: {  	v61 =	vmul.f32 v44, v54;
	v62 =	vshrl.u32 v55, $0x1;
	v55 =	vmul.f32 $5.000000000e-01, v55  }
0x534: {  	v56 =	vadd.f32 v60, v63;
	v59 =	vsub.s32 $0x5F3759DF, v62  }
0x535: {  	v63 =	vmul.f32 v44, v61;
	v60 =	vmul.f32 v59, v55  }
0x536: {  	v56 =	vadd.f32 $9.999999960e-13, v56  }
0x537: {  	v57 =	vsub.f32 $1.500000000e+00, v63;
	v58 =	vmul.f32 v59, v60  }
0x538: {  	v60 =	vshrl.u32 v56, $0x1;
	v56 =	vmul.f32 $5.000000000e-01, v56  }
0x539: {  	v44 =	vmul.f32 v44, v57;
	v57 =	vsub.f32 $1.500000000e+00, v58;
	v58 =	vsub.s32 $0x5F3759DF, v60  }
0x53a: {  	v60 =	vmul.f32 v58, v56  }
0x53b: {  	v61 =	vmul.f32 v44, v54;
	v57 =	vmul.f32 v59, v57  }
0x53c: {  	v59 =	vmul.f32 v58, v60  }
0x53d: {  	v60 =	vmul.f32 v61, v44;
	v61 =	vmul.f32 v57, v55  }
0x53e: {  	v59 =	vsub.f32 $1.500000000e+00, v59  }
0x53f: {  	v60 =	vsub.f32 $1.500000000e+00, v60;
	v61 =	vmul.f32 v61, v57  }
0x540: {  	v58 =	vmul.f32 v58, v59  }
0x541: {  	v48 =	vmul.f32 v52, v48;
	v44 =	vmul.f32 v60, v44;
	v61 =	vsub.f32 $1.500000000e+00, v61  }
0x542: {  	v45 =	vmul.f32 v47, v45;
	v62 =	vmul.f32 v58, v56  }
0x543: {  	v54 =	vmul.f32 v44, v54;
	v52 =	vmul.f32 v61, v57  }
0x544: {  	v46 =	vmul.f32 v50, v46;
	v45 =	vadd.f32 v45, v48;
	v47 =	vmul.f32 v62, v58  }
0x545: {  	v63 =	vmul.f32 v54, v44;
	v54 =	vmul.f32 v52, v55  }
0x546: {  	v45 =	vadd.f32 v46, v45;
	v55 =	vsub.f32 $1.500000000e+00, v47  }
0x547: {  	v57 =	vmul.f32 v53, v49;
	v48 =	vsub.f32 $1.500000000e+00, v63;
	v59 =	vmul.f32 v54, v52  }
0x548: {  	v60 =	vld [tilespmem:$0x230];
	v46 =	vmul.f32 v55, v58  }
0x549: {  	v45 =	vadd.f32 v57, v45;
	v44 =	vmul.f32 v48, v44;
	v61 =	vsub.f32 $1.500000000e+00, v59  }
0x54a: {  	v62 =	vmul.f32 v46, v56  }
0x54b: {  	v44 =	vmul.f32 v44, v45;
	v63 =	vmul.f32 v61, v52  }
0x54c: {  	v49 =	vmul.f32 v62, v46  }
0x54d: {  	v52 =	vand.u32 $0x7FFFFFFF, v60;
	v44 =	vmul.f32 v63, v44  }
0x54e: {  	[tilespmem:v27+s28+$0x0] =	vst.idx.msk $0xffff, v52;
	v47 =	vsub.f32 $1.500000000e+00, v49  }
0x54f: {  	[tilespmem:v28+s28+$0x0] =	vst.idx.msk $0xffff, v44  }
0x550: {  	v53 =	vmul.f32 v47, v46;
	[tilespmem:v29+s28+$0x0] =	vst.idx.msk $0xffff, v51  }
0x551: {  	v54 =	vand.u32 $0x7FFFFFFF, v51;
	[tilespmem:v30+s28+$0x0] =	vst.idx.msk $0xffff, v43  }
0x552: {  	v55 =	vand.u32 $0x7FFFFFFF, v43;
	v47 =	vmul.f32 v53, v51;
	[tilespmem:v31+s28+$0x0] =	vst.idx.msk $0xffff, v54  }
0x553: {  	v43 =	vmul.f32 v53, v43;
	[tilespmem:v32+s28+$0x0] =	vst.idx.msk $0xffff, v55  }
0x554: {  	[tilespmem:v33+s28+$0x0] =	vst.idx.msk $0xffff, v47  }
0x555: {  	[tilespmem:v34+s28+$0x0] =	vst.idx.msk $0xffff, v43  }
0x556: {  	v43 =	vld [tilespmem:$0x40]  }
0x557: {  	v56 =	vld [tilespmem:$0x140];
	_ =	sdelay $0x3  }
0x558: {  	v43 =	vmul.u32 $0x6, v43  }
0x559: {  	v44 =	vmul.u32 $0x6, v56;
	_ =	sdelay $0x1  }
0x55a: {  	v57 =	vor.u32 $0x1, v43  }
0x55b: {  	v58 =	vadd.s32 $0x2, v43  }
0x55c: {  	v59 =	vor.u32 $0x1, v44  }
0x55d: {  	v60 =	vadd.s32 $0x3, v43;
	v48 =	vld.idx.msk [tilespmem:v43+s22+$0x0], $0xffff  }
0x55e: {  	v61 =	vadd.s32 $0x2, v44;
	v52 =	vld.idx.msk [tilespmem:v44+s22+$0x0], $0xffff  }
0x55f: {  	v62 =	vadd.s32 $0x4, v43;
	v45 =	vld.idx.msk [tilespmem:v57+s22+$0x0], $0xffff  }
0x560: {  	v63 =	vadd.s32 $0x3, v44;
	v46 =	vld.idx.msk [tilespmem:v58+s22+$0x0], $0xffff  }
0x561: {  	v54 =	vadd.s32 $0x4, v44;
	v47 =	vld.idx.msk [tilespmem:v59+s22+$0x0], $0xffff  }
0x562: {  	v43 =	vadd.s32 $0x5, v43;
	v49 =	vld.idx.msk [tilespmem:v60+s22+$0x0], $0xffff  }
0x563: {  	v44 =	vadd.s32 $0x5, v44;
	v50 =	vld.idx.msk [tilespmem:v61+s22+$0x0], $0xffff  }
0x564: {  	v51 =	vld.idx.msk [tilespmem:v62+s22+$0x0], $0xffff  }
0x565: {  	v53 =	vld.idx.msk [tilespmem:v63+s22+$0x0], $0xffff;
	v60 =	vmul.f32 v48, v48;
	v61 =	vmul.f32 v45, v45  }
0x566: {  	v54 =	vld.idx.msk [tilespmem:v54+s22+$0x0], $0xffff;
	v63 =	vmul.f32 v52, v52  }
0x567: {  	v43 =	vld.idx.msk [tilespmem:v43+s22+$0x0], $0xffff;
	v62 =	vmul.f32 v46, v46;
	v55 =	vadd.f32 v61, v60;
	v60 =	vmul.f32 v47, v47  }
0x568: {  	v44 =	vld.idx.msk [tilespmem:v44+s22+$0x0], $0xffff;
	v61 =	vmul.f32 v49, v49  }
0x569: {  	v55 =	vadd.f32 v62, v55;
	v57 =	vadd.f32 v60, v63;
	v62 =	vmul.f32 v50, v50;
	_ =	sdelay $0x1  }
0x56a: {  	v60 =	vmul.f32 v53, v53;
	v55 =	vadd.f32 v61, v55;
	v63 =	vadd.f32 v62, v57  }
0x56b: {  	v51 =	vsub.f32 v51, v54  }
0x56c: {  	v43 =	vsub.f32 v43, v44;
	v56 =	vadd.f32 v60, v63;
	v55 =	vmax.f32 v55, $1.000000020e-16  }
0x56d: {  	v62 =	vmul.f32 v51, v51;
	v61 =	vshrl.u32 v55, $0x1;
	v54 =	vmul.f32 $5.000000000e-01, v55  }
0x56e: {  	v63 =	vmul.f32 v43, v43;
	v44 =	vsub.s32 $0x5F3759DF, v61;
	v55 =	vmax.f32 v56, $1.000000020e-16  }
0x56f: {  	v60 =	vmul.f32 v44, v54;
	v61 =	vshrl.u32 v55, $0x1;
	v55 =	vmul.f32 $5.000000000e-01, v55  }
0x570: {  	v56 =	vadd.f32 v63, v62;
	v59 =	vsub.s32 $0x5F3759DF, v61  }
0x571: {  	v62 =	vmul.f32 v44, v60;
	v63 =	vmul.f32 v59, v55  }
0x572: {  	v56 =	vadd.f32 $9.999999960e-13, v56  }
0x573: {  	v57 =	vsub.f32 $1.500000000e+00, v62;
	v58 =	vmul.f32 v59, v63  }
0x574: {  	v60 =	vshrl.u32 v56, $0x1;
	v56 =	vmul.f32 $5.000000000e-01, v56  }
0x575: {  	v44 =	vmul.f32 v44, v57;
	v57 =	vsub.f32 $1.500000000e+00, v58;
	v58 =	vsub.s32 $0x5F3759DF, v60  }
0x576: {  	v60 =	vmul.f32 v58, v56  }
0x577: {  	v61 =	vmul.f32 v44, v54;
	v57 =	vmul.f32 v59, v57  }
0x578: {  	v59 =	vmul.f32 v58, v60  }
0x579: {  	v60 =	vmul.f32 v61, v44;
	v61 =	vmul.f32 v57, v55  }
0x57a: {  	v59 =	vsub.f32 $1.500000000e+00, v59  }
0x57b: {  	v60 =	vsub.f32 $1.500000000e+00, v60;
	v61 =	vmul.f32 v61, v57  }
0x57c: {  	v58 =	vmul.f32 v58, v59  }
0x57d: {  	v48 =	vmul.f32 v52, v48;
	v44 =	vmul.f32 v60, v44;
	v60 =	vsub.f32 $1.500000000e+00, v61  }
0x57e: {  	v45 =	vmul.f32 v47, v45;
	v61 =	vmul.f32 v58, v56  }
0x57f: {  	v52 =	vmul.f32 v60, v57;
	v54 =	vmul.f32 v44, v54  }
0x580: {  	v46 =	vmul.f32 v50, v46;
	v45 =	vadd.f32 v45, v48;
	v47 =	vmul.f32 v61, v58  }
0x581: {  	v62 =	vmul.f32 v54, v44;
	v63 =	vmul.f32 v52, v55  }
0x582: {  	v45 =	vadd.f32 v46, v45;
	v54 =	vsub.f32 $1.500000000e+00, v47  }
0x583: {  	v55 =	vmul.f32 v53, v49;
	v48 =	vsub.f32 $1.500000000e+00, v62;
	v57 =	vmul.f32 v63, v52  }
0x584: {  	v59 =	vld [tilespmem:$0x240];
	v46 =	vmul.f32 v54, v58  }
0x585: {  	v45 =	vadd.f32 v55, v45;
	v44 =	vmul.f32 v48, v44;
	v60 =	vsub.f32 $1.500000000e+00, v57  }
0x586: {  	v61 =	vmul.f32 v46, v56  }
0x587: {  	v44 =	vmul.f32 v44, v45;
	v62 =	vmul.f32 v60, v52  }
0x588: {  	v63 =	vmul.f32 v61, v46  }
0x589: {  	v48 =	vand.u32 $0x7FFFFFFF, v59;
	v44 =	vmul.f32 v62, v44  }
0x58a: {  	[tilespmem:v35+s28+$0x0] =	vst.idx.msk $0xffff, v48;
	v47 =	vsub.f32 $1.500000000e+00, v63  }
0x58b: {  	[tilespmem:v36+s28+$0x0] =	vst.idx.msk $0xffff, v44  }
0x58c: {  	v49 =	vmul.f32 v47, v46;
	[tilespmem:v37+s28+$0x0] =	vst.idx.msk $0xffff, v51  }
0x58d: {  	v50 =	vand.u32 $0x7FFFFFFF, v51;
	[tilespmem:v38+s28+$0x0] =	vst.idx.msk $0xffff, v43  }
0x58e: {  	v52 =	vand.u32 $0x7FFFFFFF, v43;
	v47 =	vmul.f32 v49, v51;
	[tilespmem:v39+s28+$0x0] =	vst.idx.msk $0xffff, v50  }
0x58f: {  	v43 =	vmul.f32 v49, v43;
	[tilespmem:v40+s28+$0x0] =	vst.idx.msk $0xffff, v52  }
0x590: {  	[tilespmem:v41+s28+$0x0] =	vst.idx.msk $0xffff, v47  }
0x591: {  	[tilespmem:v42+s28+$0x0] =	vst.idx.msk $0xffff, v43  }
0x592: {  	_ =	swait.ge [sflag:s13], $0x7800  }
0x593: {  	[sflag:s13] =	ssyncset.done $0x0  }
0x594: {  	[sflag:s13] =	ssyncadd.s32 $0xFFFF8800  }
0x595: {  	_ =	swait.ge [sflag:s6], $0x50  }
0x596: {  	[sflag:s6] =	ssyncset.done $0x0  }
0x597: {  	[sflag:s6] =	ssyncadd.s32 $0xFFFFFFB0  }
0x598: {  	_ =	swait.ge [sflag:s6], $0x50  }
0x599: {  	[sflag:s6] =	ssyncset.done $0x0  }
0x59a: {  	[sflag:s6] =	ssyncadd.s32 $0xFFFFFFB0  }
0x59b: {  	_ =	swait.ge [sflag:s6], $0x50  }
0x59c: {  	[sflag:s6] =	ssyncset.done $0x0  }
0x59d: {  	[sflag:s6] =	ssyncadd.s32 $0xFFFFFFB0  }
0x59e: {  	v53 =	vld [tilespmem:$0x80];
	_ =	sdelay $0x4  }
0x59f: {  	v54 =	vperm.xlane v53, v0;
	_ =	sdelay $0x1  }
0x5a0: {  	v43 =	vperm.xlane v53, v2;
	v44 =	vadd.s32 v1, v54;
	_ =	sdelay $0x1  }
0x5a1: {  	v43 =	vadd.s32 v1, v43;
	_ =	sdelay $0x2  }
0x5a2: {  	[tilespmem:s5], [sflag:$0x2] =	stream.indirect_vreg.gather [hbm4b:s3+s7], $0x80, v44, vm0, $0xb8;
	[tilespmem:$0x1DD80] =	vst v63  }
0x5a3: {  	s15 =	simm.s32 $0x17180  }
0x5a4: {  	[tilespmem:s15], [sflag:$0x2] =	stream.indirect_vreg.gather [hbm4b:s3+s7], $0x80, v43, vm0, $0xb8;
	[tilespmem:$0x1DD80] =	vst v63  }
0x5a5: {  	v43 =	vld [tilespmem:$0x90];
	_ =	sdelay $0x4  }
0x5a6: {  	v55 =	vperm.xlane v43, v0;
	_ =	sdelay $0x1  }
0x5a7: {  	v43 =	vperm.xlane v43, v2;
	v44 =	vadd.s32 v1, v55;
	_ =	sdelay $0x1  }
0x5a8: {  	v43 =	vadd.s32 v1, v43;
	_ =	sdelay $0x1  }
0x5a9: {  	s21 =	simm.s32 $0x17D80  }
0x5aa: {  	[tilespmem:s21], [sflag:$0x2] =	stream.indirect_vreg.gather [hbm4b:s3+s7], $0x80, v44, vm0, $0xb8;
	[tilespmem:$0x1DD80] =	vst v63  }
0x5ab: {  	s15 =	simm.s32 $0x18980  }
0x5ac: {  	[tilespmem:s15], [sflag:$0x2] =	stream.indirect_vreg.gather [hbm4b:s3+s7], $0x80, v43, vm0, $0xb8;
	[tilespmem:$0x1DD80] =	vst v63  }
0x5ad: {  	v43 =	vld [tilespmem:$0xA0];
	_ =	sdelay $0x4  }
0x5ae: {  	v56 =	vperm.xlane v43, v0;
	_ =	sdelay $0x1  }
0x5af: {  	v43 =	vperm.xlane v43, v2;
	v44 =	vadd.s32 v1, v56;
	_ =	sdelay $0x1  }
0x5b0: {  	v43 =	vadd.s32 v1, v43;
	_ =	sdelay $0x1  }
0x5b1: {  	s21 =	simm.s32 $0x19580  }
0x5b2: {  	[tilespmem:s21], [sflag:$0x2] =	stream.indirect_vreg.gather [hbm4b:s3+s7], $0x80, v44, vm0, $0xb8;
	[tilespmem:$0x1DD80] =	vst v63  }
0x5b3: {  	s15 =	simm.s32 $0x1A180  }
0x5b4: {  	[tilespmem:s15], [sflag:$0x2] =	stream.indirect_vreg.gather [hbm4b:s3+s7], $0x80, v43, vm0, $0xb8;
	[tilespmem:$0x1DD80] =	vst v63  }
0x5b5: {  	v43 =	vld [tilespmem:$0xB0];
	_ =	sdelay $0x4  }
0x5b6: {  	v57 =	vperm.xlane v43, v0;
	_ =	sdelay $0x1  }
0x5b7: {  	v43 =	vperm.xlane v43, v2;
	v44 =	vadd.s32 v1, v57;
	_ =	sdelay $0x1  }
0x5b8: {  	v43 =	vadd.s32 v1, v43;
	_ =	sdelay $0x1  }
0x5b9: {  	s21 =	simm.s32 $0x1AD80  }
0x5ba: {  	[tilespmem:s21], [sflag:$0x2] =	stream.indirect_vreg.gather [hbm4b:s3+s7], $0x80, v44, vm0, $0xb8;
	[tilespmem:$0x1DD80] =	vst v63  }
0x5bb: {  	s15 =	simm.s32 $0x1B980  }
0x5bc: {  	[tilespmem:s15], [sflag:$0x2] =	stream.indirect_vreg.gather [hbm4b:s3+s7], $0x80, v43, vm0, $0xb8;
	[tilespmem:$0x1DD80] =	vst v63  }
0x5bd: {  	v43 =	vld [tilespmem:$0xC0];
	_ =	sdelay $0x4  }
0x5be: {  	v58 =	vperm.xlane v43, v0;
	_ =	sdelay $0x1  }
0x5bf: {  	v43 =	vperm.xlane v43, v2;
	v44 =	vadd.s32 v1, v58;
	_ =	sdelay $0x1  }
0x5c0: {  	v43 =	vadd.s32 v1, v43;
	_ =	sdelay $0x1  }
0x5c1: {  	s21 =	simm.s32 $0x1C580  }
0x5c2: {  	[tilespmem:s21], [sflag:$0x2] =	stream.indirect_vreg.gather [hbm4b:s3+s7], $0x80, v44, vm0, $0xb8;
	[tilespmem:$0x1DD80] =	vst v63  }
0x5c3: {  	s15 =	simm.s32 $0x1D180  }
0x5c4: {  	[tilespmem:s15], [sflag:$0x2] =	stream.indirect_vreg.gather [hbm4b:s3+s7], $0x80, v43, vm0, $0xb8;
	[tilespmem:$0x1DD80] =	vst v63  }
0x5c5: {  	v43 =	vld [tilespmem:$0x180];
	_ =	sdelay $0x4  }
0x5c6: {  	v59 =	vperm.xlane v43, v0;
	_ =	sdelay $0x1  }
0x5c7: {  	v43 =	vperm.xlane v43, v2;
	v44 =	vadd.s32 v1, v59;
	_ =	sdelay $0x1  }
0x5c8: {  	v43 =	vadd.s32 v1, v43;
	_ =	sdelay $0x1  }
0x5c9: {  	s21 =	simm.s32 $0x16980  }
0x5ca: {  	[tilespmem:s21], [sflag:$0x2] =	stream.indirect_vreg.gather [hbm4b:s3+s7], $0x80, v44, vm0, $0xb8;
	[tilespmem:$0x1DD80] =	vst v63  }
0x5cb: {  	s15 =	simm.s32 $0x17580  }
0x5cc: {  	[tilespmem:s15], [sflag:$0x2] =	stream.indirect_vreg.gather [hbm4b:s3+s7], $0x80, v43, vm0, $0xb8;
	[tilespmem:$0x1DD80] =	vst v63  }
0x5cd: {  	v43 =	vld [tilespmem:$0x190];
	_ =	sdelay $0x4  }
0x5ce: {  	v60 =	vperm.xlane v43, v0;
	_ =	sdelay $0x1  }
0x5cf: {  	v43 =	vperm.xlane v43, v2;
	v44 =	vadd.s32 v1, v60;
	_ =	sdelay $0x1  }
0x5d0: {  	v43 =	vadd.s32 v1, v43;
	_ =	sdelay $0x2  }
0x5d1: {  	[tilespmem:s10], [sflag:$0x2] =	stream.indirect_vreg.gather [hbm4b:s3+s7], $0x80, v44, vm0, $0xb8;
	[tilespmem:$0x1DD80] =	vst v63  }
0x5d2: {  	_ = 	snop  }
0x5d3: {  	[tilespmem:s19], [sflag:$0x2] =	stream.indirect_vreg.gather [hbm4b:s3+s7], $0x80, v43, vm0, $0xb8;
	[tilespmem:$0x1DD80] =	vst v63  }
0x5d4: {  	v43 =	vld [tilespmem:$0x1A0];
	_ =	sdelay $0x4  }
0x5d5: {  	v61 =	vperm.xlane v43, v0;
	_ =	sdelay $0x1  }
0x5d6: {  	v43 =	vperm.xlane v43, v2;
	v44 =	vadd.s32 v1, v61;
	_ =	sdelay $0x1  }
0x5d7: {  	v43 =	vadd.s32 v1, v43;
	_ =	sdelay $0x2  }
0x5d8: {  	[tilespmem:s20], [sflag:$0x2] =	stream.indirect_vreg.gather [hbm4b:s3+s7], $0x80, v44, vm0, $0xb8;
	[tilespmem:$0x1DD80] =	vst v63  }
0x5d9: {  	_ = 	snop  }
0x5da: {  	[tilespmem:s31], [sflag:$0x2] =	stream.indirect_vreg.gather [hbm4b:s3+s7], $0x80, v43, vm0, $0xb8;
	[tilespmem:$0x1DD80] =	vst v63  }
0x5db: {  	v43 =	vld [tilespmem:$0x1B0];
	_ =	sdelay $0x4  }
0x5dc: {  	v62 =	vperm.xlane v43, v0;
	_ =	sdelay $0x1  }
0x5dd: {  	v43 =	vperm.xlane v43, v2;
	v44 =	vadd.s32 v1, v62;
	_ =	sdelay $0x1  }
0x5de: {  	v43 =	vadd.s32 v1, v43;
	_ =	sdelay $0x2  }
0x5df: {  	[tilespmem:s18], [sflag:$0x2] =	stream.indirect_vreg.gather [hbm4b:s3+s7], $0x80, v44, vm0, $0xb8;
	[tilespmem:$0x1DD80] =	vst v63  }
0x5e0: {  	_ = 	snop  }
0x5e1: {  	[tilespmem:s23], [sflag:$0x2] =	stream.indirect_vreg.gather [hbm4b:s3+s7], $0x80, v43, vm0, $0xb8;
	[tilespmem:$0x1DD80] =	vst v63  }
0x5e2: {  	v43 =	vld [tilespmem:$0x1C0];
	_ =	sdelay $0x4  }
0x5e3: {  	v63 =	vperm.xlane v43, v0;
	_ =	sdelay $0x1  }
0x5e4: {  	v43 =	vperm.xlane v43, v2;
	v44 =	vadd.s32 v1, v63;
	_ =	sdelay $0x1  }
0x5e5: {  	v43 =	vadd.s32 v1, v43;
	_ =	sdelay $0x2  }
0x5e6: {  	[tilespmem:s17], [sflag:$0x2] =	stream.indirect_vreg.gather [hbm4b:s3+s7], $0x80, v44, vm0, $0xb8;
	[tilespmem:$0x1DD80] =	vst v63  }
0x5e7: {  	_ = 	snop  }
0x5e8: {  	[tilespmem:s30], [sflag:$0x2] =	stream.indirect_vreg.gather [hbm4b:s3+s7], $0x80, v43, vm0, $0xb8;
	[tilespmem:$0x1DD80] =	vst v63  }
0x5e9: {  	_ =	swait.ge [sflag:s11], $0x2800  }
0x5ea: {  	[sflag:s11] =	ssyncset.done $0x0  }
0x5eb: {  	p0 =	slt.s32 s14, s16;
	s9 =	smov.u32 s16;
	[sflag:s11] =	ssyncadd.s32 $0xFFFFD800  }
0x5ec: {  	s9 =	smov.u32 @p0 s14;
	_ =	swait.ge [sflag:s11], $0x2800  }
0x5ed: {  	s9 =	sshrl.u32 s9, $0x3;
	[sflag:s11] =	ssyncset.done $0x0  }
0x5ee: {  	s21 =	sadd.s32 s0, s9;
	[sflag:s11] =	ssyncadd.s32 $0xFFFFD800  }
0x5ef: {  	[tilespmem:s7], [sflag:$0x5] =	stream.linear.gather [hbm4b:s21+s7], $0x50, $0x38;
	[tilespmem:$0x1DD80] =	vst v63  }
0x5f0: {  	s15 =	sadd.s32 s1, s9;
	s21 =	simm.s32 $0x100  }
0x5f1: {  	[tilespmem:s21], [sflag:$0x5] =	stream.linear.gather [hbm4b:s15+s7], $0x50, $0x38;
	[tilespmem:$0x1DD80] =	vst v63  }
0x5f2: {  	p0 =	sne.s32 s25, $0x72600;
	s21 =	sadd.s32 $0xFFFFFF60, s14  }
.Ltmp0:
0x5f3: {  	s15 =	sshrl.u32 s21, $0x3;
	(pc) =	sbr.rel @p0 .LBB2_2-.Ltmp0, $4  }
0x5f4: {  	s9 =	sadd.s32 s2, s9;
	s21 =	simm.s32 $0x200;
	s15 =	smul.u32 $0x180, s15  }
0x5f5: {  	[tilespmem:s21], [sflag:$0x5] =	stream.linear.gather [hbm4b:s9+s7], $0x50, $0x38;
	[tilespmem:$0x1DD80] =	vst v63  }
0x5f6: {  	s25 =	sadd.s32 $0x1E00, s25;
	s14 =	sadd.s32 $0xA0, s14;
	s21 =	sadd.s32 s8, s15  }
0x5f7: {  	[hbm4b:s21+s7] =	stream.linear.scatter [tilespmem:s28], [sflag:$0x3], $0x7800, $0x38;
	[tilespmem:$0x1DD80] =	vst v63  }
0x5f8: {  	_ =	swait.ge [sflag:s12], $0x7800  }
0x5f9: {  	[sflag:s12] =	ssyncset.done $0x0  }
0x5fa: {  	[sflag:s12] =	ssyncadd.s32 $0xFFFF8800  }
0x5fb: {  	_ =	swait.ge [sflag:s24], $0x2800  }
0x5fc: {  	[sflag:s24] =	ssyncset.done $0x0  }
0x5fd: {  	[sflag:s24] =	ssyncadd.s32 $0xFFFFD800  }
0x5fe: {  	_ =	swait.ge [sflag:s24], $0x2800  }
0x5ff: {  	[sflag:s24] =	ssyncset.done $0x0  }
0x600: {  	[sflag:s24] =	ssyncadd.s32 $0xFFFFD800  }
0x601: {  	_ =	swait.ge [sflag:s26], $0x50  }
0x602: {  	[sflag:s26] =	ssyncset.done $0x0  }
0x603: {  	[sflag:s26] =	ssyncadd.s32 $0xFFFFFFB0  }
0x604: {  	_ =	swait.ge [sflag:s26], $0x50  }
0x605: {  	[sflag:s26] =	ssyncset.done $0x0  }
0x606: {  	[sflag:s26] =	ssyncadd.s32 $0xFFFFFFB0  }
0x607: {  	_ =	swait.ge [sflag:s26], $0x50  }
0x608: {  	s4 =	rddreg [dreg:$0x14]  }
0x609: {  	s14 =	simm.s32 $0x100;
	s9 =	rddreg [dreg:$0x12];
	s4 =	sadd.s32 $0x1, s4  }
0x60a: {  	s15 =	simm.s32 $0x200;
	s17 =	simm.s32 $0xF980;
	p0 =	sne.s32 s4, s9  }
.Ltmp1:
0x60b: {  	s18 =	simm.s32 $0x10580;
	s19 =	simm.s32 $0x11180;
	(pc) =	sbr.rel @p0 .LBB2_1-.Ltmp1, $4  }
0x60c: {  	s20 =	simm.s32 $0x11D80;
	s21 =	simm.s32 $0x12980;
	s23 =	simm.s32 $0x13580  }
0x60d: {  	s25 =	simm.s32 $0x14180;
	s10 =	simm.s32 $0x15980;
	s29 =	simm.s32 $0xF180  }
0x60e: {  	s30 =	simm.s32 $0xFD80;
	s31 =	simm.s32 $0x10980;
	[sflag:s26] =	ssyncset.done $0x0  }
0x60f: {  	[sflag:s26] =	ssyncadd.s32 $0xFFFFFFB0;
	[dreg:$0x14] =	wrdreg s4;
	s4 =	simm.s32 $0x14D80  }
0x610: {  	_ =	sfence.sel $0x180000  }
0x611: {  	[bflag:$0x0] =	sbarrier.arrive $0xFFFF  }
0x612: {  	_ =	strace $0x90000047  }
0x613: {  	s0 =	stileid.u32;
	[bflag:$0x2] =	sbarrier.arrive $0xFFFF  }
0x614: {  	p0 =	sne.s32 s0, $0x0;
	s0 =	rddreg [dreg:$0x6]  }
0x615: {  	s0 =	sadd.s32 @!p0 $0x100000, s0  }
0x616: {  	[sflag:s0] =	ssyncadd.tile.s32 @!p0 $0x1;
	_ =	shalt  }
.Lfunc_end2:
_tile_overlayer_lowered:
.L_overlay_start_2:
0x617: {  	(tag) =	ssettag $0x2  }
0x618: {  	s0 =	rddreg [dreg:$0x0];
	s2 =	stileid.u32  }
0x619: {  	s1 =	rddreg [dreg:$0x1];
	p0 =	sne.s32 s2, $0x0  }
0x61a: {  	s3 =	rddreg [dreg:$0x2];
	[bflag:$0x3] =	sbarrier.arrive $0xFFFF;
	s2 =	simm.s32 @!p0 $0x1C07  }
0x61b: {  	[timem:s3], [sflag:s2] =	dma.local @!p0 [hbm:s0], s1  }
0x61c: {  	s0 =	simm.s32 @!p0 $0x7  }
0x61d: {  	_ =	swait.ge @!p0 [sflag:s0], s1  }
0x61e: {  	s1 =	ssub.s32 @!p0 $0x0, s1;
	[sflag:s0] =	ssyncset.done @!p0 $0x0  }
0x61f: {  	[sflag:s0] =	ssyncadd.s32 @!p0 s1  }
0x620: {  	[bflag:$0x3] =	sbarrier.arrive $0xFFFF  }
0x621: {  	_ =	shalt  }

</sc_bundles>
